<compile_context>
chip_gen: v7x
topology: tpu7x:2x2x1
jax: 0.10.2.dev20260603
libtpu: 0.0.44.dev20260713+nightly
codegen_flags: <defaults>
</compile_context>

<pallas_src>
import functools

import jax
import jax.numpy as jnp
from jax import lax
from jax.experimental import pallas as pl
from jax.experimental.pallas import tpu as pltpu
from jax.experimental.pallas import tpu_sc as plsc

N = 10000
E = 160000
NT = 3
NMAX = 12
LMAX = 3
Q = 9
CUTOFF = 3.6
CUT_W = 0.3
INV_2SIG2 = 12.5

ROWW = 112
N_PAD = 10016
EB = 64
E_TILE = 10240
E_PAD = 16 * E_TILE
NB = E_TILE // EB
NR = N // 2 * NT
NR_PAD = 15104
STRIPE = NR_PAD // 16
TRASH = NR

SQ3 = 1.7320508075688772
SQ5 = 2.23606797749979
PI = 3.141592653589793


def _vsqrt(x):
    i = lax.bitcast_convert_type(x, jnp.int32)
    i = jnp.int32(0x1FBD1DF5) + lax.shift_right_logical(i, 1)
    y = lax.bitcast_convert_type(i, jnp.float32)
    y = 0.5 * (y + x / y)
    y = 0.5 * (y + x / y)
    y = 0.5 * (y + x / y)
    return y


def _cutoff(r):
    theta = (PI / CUT_W) * (r - (CUTOFF - CUT_W))
    phi = jnp.minimum(theta, PI - theta)
    t = phi * phi
    c = -1.0 / 3628800.0
    c = 1.0 / 40320.0 + t * c
    c = -1.0 / 720.0 + t * c
    c = 1.0 / 24.0 + t * c
    c = -0.5 + t * c
    c = 1.0 + t * c
    cosv = jnp.where(theta > PI * 0.5, -c, c)
    smooth = 0.5 * (1.0 + cosv)
    return jnp.where(r < CUTOFF - CUT_W, 1.0,
                     jnp.where(r < CUTOFF, smooth, 0.0))


_CENTERS = [CUTOFF * n / (NMAX - 1) for n in range(NMAX)]


def _sc_kernel_body(tab_h, src_h, dst_h, out_h,
                    src0, dst0, gs0, gd0, st0, ix0,
                    src1, dst1, gs1, gd1, st1, ix1,
                    sg0, sg1, ss0, ss1, cacc):
    core = lax.axis_index("c")
    sub = lax.axis_index("s")
    sc_lo = core * NR
    sets = ((src0, dst0, gs0, gd0, st0, ix0, sg0, ss0),
            (src1, dst1, gs1, gd1, st1, ix1, sg1, ss1))

    for stag in (st0, st1):
        def _zrow(i, carry, stag=stag):
            for k in range(ROWW // 16):
                stag[i, pl.ds(k * 16, 16)] = jnp.zeros((16,), jnp.float32)
            return carry
        lax.fori_loop(0, EB, _zrow, 0)
    r0 = sub * STRIPE
    for cchunk in range(14):
        pltpu.sync_copy(st0, cacc.at[pl.ds(r0 + cchunk * EB, EB)])
    pltpu.sync_copy(st0.at[pl.ds(0, STRIPE - 896)],
                    cacc.at[pl.ds(r0 + 896, STRIPE - 896)])
    plsc.subcore_barrier()

    tile_base = sub * E_TILE

    def _compute(dst_v, gsrc, gdst, stag, idx_v):
        def _group(g, carry):
            sl = pl.ds(g * 16, 16)
            evec = g * 16 + lax.iota(jnp.int32, 16)
            dv = dst_v[sl]
            c0 = jnp.full((16,), 0, jnp.int32)
            c1 = jnp.full((16,), 1, jnp.int32)
            c2 = jnp.full((16,), 2, jnp.int32)
            c3 = jnp.full((16,), 3, jnp.int32)
            txf = plsc.load_gather(gsrc, [evec, c3])
            tx = txf.astype(jnp.int32)
            dx = (plsc.load_gather(gdst, [evec, c0])
                  - plsc.load_gather(gsrc, [evec, c0]))
            dy = (plsc.load_gather(gdst, [evec, c1])
                  - plsc.load_gather(gsrc, [evec, c1]))
            dz = (plsc.load_gather(gdst, [evec, c2])
                  - plsc.load_gather(gsrc, [evec, c2]))
            r2 = dx * dx + dy * dy + dz * dz + 1e-12
            r = _vsqrt(r2)
            inv = 1.0 / r
            ux = dx * inv
            uy = dy * inv
            uz = dz * inv
            fc = _cutoff(r)
            y1 = SQ3 * ux
            y2 = SQ3 * uy
            y3 = SQ3 * uz
            y4 = SQ5 * (ux * uy)
            y5 = SQ5 * (uy * uz)
            y6 = SQ5 * (0.5 * (3.0 * (uz * uz) - 1.0))
            y7 = SQ5 * (ux * uz)
            y8 = SQ5 * (0.5 * (ux * ux - uy * uy))

            grow = dv * NT + tx
            lrow = grow - sc_lo
            valid = (lrow >= 0) & (lrow < NR)
            lrow = jnp.where(valid, lrow, TRASH)
            idx_v[sl] = lrow

            for n in range(NMAX):
                d = r - _CENTERS[n]
                a = fc * jnp.exp(-INV_2SIG2 * (d * d))
                vals = (a, a * y1, a * y2, a * y3, a * y4,
                        a * y5, a * y6, a * y7, a * y8)
                for q in range(Q):
                    col = jnp.full((16,), n * Q + q, jnp.int32)
                    plsc.store_scatter(stag, [evec, col], vals[q])
            return carry

        lax.fori_loop(0, EB // 16, _group, 0)

    def _ids_load(i, s):
        base = tile_base + i * EB
        pltpu.sync_copy(src_h.at[pl.ds(base, EB)], s[0])
        pltpu.sync_copy(dst_h.at[pl.ds(base, EB)], s[1])

    def _gathers_start(s):
        pltpu.async_copy(tab_h.at[s[0]], s[2], s[6])
        pltpu.async_copy(tab_h.at[s[1]], s[3], s[6])

    def _gathers_wait(s):
        pltpu.make_async_copy(tab_h.at[s[0]], s[2], s[6]).wait()
        pltpu.make_async_copy(tab_h.at[s[1]], s[3], s[6]).wait()

    def _scatter_start(s):
        pltpu.async_copy(s[4], cacc.at[s[5]], s[7], add=True)

    def _scatter_wait(s):
        pltpu.make_async_copy(s[4], cacc.at[s[5]], s[7]).wait()

    _ids_load(0, sets[0])
    _gathers_start(sets[0])

    def _pair(pi, carry):
        for k in (0, 1):
            i = 2 * pi + k
            s = sets[k]
            ns = sets[1 - k]

            @pl.when(i >= 2)
            def _():
                _scatter_wait(s)

            _gathers_wait(s)
            _compute(s[1], s[2], s[3], s[4], s[5])

            @pl.when(i + 1 < NB)
            def _():
                _ids_load(i + 1, ns)
                _gathers_start(ns)

            _scatter_start(s)
        return carry

    lax.fori_loop(0, NB // 2, _pair, 0)
    _scatter_wait(sets[0])
    _scatter_wait(sets[1])
    plsc.subcore_barrier()

    out_r0 = core * NR + sub * STRIPE

    @pl.when(sub < 15)
    def _():
        pltpu.sync_copy(cacc.at[pl.ds(sub * STRIPE, STRIPE)],
                        out_h.at[pl.ds(out_r0, STRIPE)])

    @pl.when(sub == 15)
    def _():
        pltpu.sync_copy(cacc.at[pl.ds(sub * STRIPE, NR - 15 * STRIPE)],
                        out_h.at[pl.ds(out_r0, NR - 15 * STRIPE)])


def _make_sc_kernel():
    return functools.partial(
        pl.kernel,
        mesh=plsc.VectorSubcoreMesh(core_axis_name="c", subcore_axis_name="s"),
        out_type=jax.ShapeDtypeStruct((2 * NR, ROWW), jnp.float32),
        compiler_params=pltpu.CompilerParams(
            needs_layout_passes=False, use_tc_tiling_on_sc=False),
        scratch_types=(
            [
                pltpu.VMEM((EB,), jnp.int32),
                pltpu.VMEM((EB,), jnp.int32),
                pltpu.VMEM((EB, 16), jnp.float32),
                pltpu.VMEM((EB, 16), jnp.float32),
                pltpu.VMEM((EB, ROWW), jnp.float32),
                pltpu.VMEM((EB,), jnp.int32),
            ] * 2
            + [
                pltpu.SemaphoreType.DMA,
                pltpu.SemaphoreType.DMA,
                pltpu.SemaphoreType.DMA,
                pltpu.SemaphoreType.DMA,
                pltpu.VMEM_SHARED((NR_PAD, ROWW), jnp.float32),
            ]
        ),
    )(_sc_kernel_body)


def _tc_body(x_ref, b_ref, o_ref):
    x = x_ref[...]
    t = jnp.dot(x, b_ref[...], preferred_element_type=jnp.float32)
    o_ref[...] = jnp.sum(t * x, axis=1, keepdims=True)


def _build_B(W):
    W5 = W.reshape(NT, NMAX, NT, NMAX, LMAX)
    lq = jnp.array([0, 1, 1, 1, 2, 2, 2, 2, 2], dtype=jnp.int32)
    T6 = W5[:, :, :, :, lq]
    B6 = jnp.einsum('anbkq,qr->anqbkr', T6,
                    jnp.eye(Q, dtype=jnp.float32))
    B4 = B6.reshape(NT, NMAX * Q, NT, NMAX * Q)
    B4 = jnp.pad(B4, ((0, 0), (0, 4), (0, 0), (0, 4)))
    return B4.reshape(NT * ROWW, NT * ROWW)


def kernel(positions, edge_index, atom_types, W, b):
    src = edge_index[0]
    dst = edge_index[1]
    pad_e = E_PAD - E
    src_p = jnp.concatenate([src, jnp.zeros((pad_e,), jnp.int32)])
    dst_p = jnp.concatenate([dst, jnp.full((pad_e,), N, jnp.int32)])
    tab = jnp.zeros((N_PAD, 16), jnp.float32)
    tab = tab.at[:N, 0:3].set(positions)
    tab = tab.at[:N, 3].set(atom_types.astype(jnp.float32))

    c = _make_sc_kernel()(tab, src_p, dst_p)

    x = c.reshape(N, NT * ROWW)
    Bm = _build_B(W)

    energy = pl.pallas_call(
        _tc_body,
        grid=(50,),
        in_specs=[
            pl.BlockSpec((200, NT * ROWW), lambda i: (i, 0)),
            pl.BlockSpec((NT * ROWW, NT * ROWW), lambda i: (0, 0)),
        ],
        out_specs=pl.BlockSpec((200, 1), lambda i: (i, 0)),
        out_shape=jax.ShapeDtypeStruct((N, 1), jnp.float32),
    )(x, Bm)
    return energy + b

# --- scband reference (transcript-rebuilt; emitter-appended) ---
"""Pipeline reference for scband-model-22454089023489 (READ-ONLY COPY).

The authoritative reference and input builder live on the scoring server;
editing this copy changes nothing except your own understanding.
"""

import jax, jax.numpy as jnp
import numpy as np

N = 10000
E = 160000
NT = 3          # len(types) = len([1, 6, 8])
NMAX = 12       # max_radial
LMAX = 3        # max_angular -> l in {0, 1, 2}
MMAX = 5        # padded m dimension (2*l_max_index + 1 = 5)
CUTOFF = 3.6
CUT_WIDTH = 0.3
SIGMA = 0.2     # atomic_gaussian_width
IN_FEATURES = (NMAX * NT) ** 2 * LMAX  # 3888


def _cutoff_fn(r):
    # ShiftedCosine cutoff with width 0.3
    smooth = 0.5 * (1.0 + jnp.cos(jnp.pi * (r - CUTOFF + CUT_WIDTH) / CUT_WIDTH))
    f = jnp.where(r < (CUTOFF - CUT_WIDTH), 1.0, jnp.where(r < CUTOFF, smooth, 0.0))
    return f


def _radial_basis(r):
    # Gto-like radial basis: Gaussians centered on linspace(0, cutoff, n_max)
    centers = jnp.linspace(0.0, CUTOFF, NMAX)
    return jnp.exp(-0.5 * ((r[:, None] - centers[None, :]) / SIGMA) ** 2)  # [E, NMAX]


def _angular_basis(u):
    # real-spherical-harmonic-like angular functions up to l=2, padded to MMAX=5
    x, y, z = u[:, 0], u[:, 1], u[:, 2]
    ones = jnp.ones_like(x)
    zeros = jnp.zeros_like(x)
    l0 = jnp.stack([ones, zeros, zeros, zeros, zeros], axis=-1)
    l1 = jnp.sqrt(3.0) * jnp.stack([x, y, z, zeros, zeros], axis=-1)
    l2 = jnp.sqrt(5.0) * jnp.stack(
        [x * y, y * z, 0.5 * (3.0 * z * z - 1.0), x * z, 0.5 * (x * x - y * y)], axis=-1
    )
    return jnp.stack([l0, l1, l2], axis=1)  # [E, LMAX, MMAX]


def setup_inputs(seed: int = 0) -> dict:
    key = jax.random.key(seed)
    ks = jax.random.split(key, 5)
    positions = jax.random.uniform(ks[0], (N, 3), dtype=jnp.float32) * 10.0
    edge_index = jax.random.randint(ks[1], (2, E), 0, N, dtype=jnp.int32)
    atom_types = jax.random.randint(ks[2], (N,), 0, NT, dtype=jnp.int32)
    W = jax.random.normal(ks[3], (1, IN_FEATURES), dtype=jnp.float32) * 0.02
    b = jnp.zeros((1,), dtype=jnp.float32)
    return {"positions": positions, "edge_index": edge_index, "atom_types": atom_types, "W": W, "b": b}


def reference(positions, edge_index, atom_types, W, b):
    src = edge_index[0]
    dst = edge_index[1]
    rij = positions[dst] - positions[src]                      # gather [E, 3]
    r = jnp.sqrt(jnp.sum(rij * rij, axis=-1) + 1e-12)          # [E]
    u = rij / r[:, None]
    g = _radial_basis(r)                                       # [E, NMAX]
    Y = _angular_basis(u)                                      # [E, LMAX, MMAX]
    fc = _cutoff_fn(r)                                         # [E]
    # per-edge density expansion coefficients
    coef = fc[:, None, None, None] * g[:, :, None, None] * Y[:, None, :, :]  # [E, NMAX, LMAX, MMAX]
    # scatter-add into per-center, per-neighbor-type density coefficients
    c = jnp.zeros((N, NT, NMAX, LMAX, MMAX), dtype=jnp.float32)
    c = c.at[dst, atom_types[src]].add(coef)                   # [N, NT, NMAX, LMAX, MMAX]
    # SOAP power spectrum: contract over m for each l
    p = jnp.einsum('ianlm,ibklm->ianbkl', c, c)                # [N, NT, NMAX, NT, NMAX, LMAX]
    features = p.reshape(N, IN_FEATURES)                       # [N, 3888]
    energy = features @ W.T + b                                # [N, 1] per-atom energies
    return energy

if __name__ == "__main__":
    import jax
    _d = setup_inputs()
    print(jax.jit(kernel)(*tuple(_d.values())))

</pallas_src>

<mosaic_0001>
#map = affine_map<(d0, d1) -> (0, 0)>
#map1 = affine_map<(d0, d1) -> (0)>
module attributes {stable_mosaic.version = 14 : i64} {
  func.func @_sc_kernel_body(%arg0: i32, %arg1: i32, %arg2: memref<10016x16xf32, #tpu.memory_space<hbm>>, %arg3: memref<163840xi32, #tpu.memory_space<hbm>>, %arg4: memref<163840xi32, #tpu.memory_space<hbm>>, %arg5: memref<30000x112xf32, #tpu.memory_space<hbm>>, %arg6: memref<64xi32, #tpu.memory_space<vmem>>, %arg7: memref<64xi32, #tpu.memory_space<vmem>>, %arg8: memref<64x16xf32, #tpu.memory_space<vmem>>, %arg9: memref<64x16xf32, #tpu.memory_space<vmem>>, %arg10: memref<64x112xf32, #tpu.memory_space<vmem>>, %arg11: memref<64xi32, #tpu.memory_space<vmem>>, %arg12: memref<64xi32, #tpu.memory_space<vmem>>, %arg13: memref<64xi32, #tpu.memory_space<vmem>>, %arg14: memref<64x16xf32, #tpu.memory_space<vmem>>, %arg15: memref<64x16xf32, #tpu.memory_space<vmem>>, %arg16: memref<64x112xf32, #tpu.memory_space<vmem>>, %arg17: memref<64xi32, #tpu.memory_space<vmem>>, %arg18: memref<!tpu.dma_semaphore, #tpu.memory_space<semaphore_mem>>, %arg19: memref<!tpu.dma_semaphore, #tpu.memory_space<semaphore_mem>>, %arg20: memref<!tpu.dma_semaphore, #tpu.memory_space<semaphore_mem>>, %arg21: memref<!tpu.dma_semaphore, #tpu.memory_space<semaphore_mem>>, %arg22: memref<15104x112xf32, #tpu.memory_space<vmem_shared>>) attributes {dimension_semantics = [#tpu.dimension_semantics<core_parallel>, #tpu.dimension_semantics<subcore_parallel>], iteration_bounds = array<i64: 2, 16>, scalar_prefetch = 0 : i64, scratch_operands = 17 : i64, tpu.core_type = #tpu.core_type<sc_vector_subcore>, window_params = [{transform_indices = #map}, {transform_indices = #map1}, {transform_indices = #map1}, {transform_indices = #map}]} {
    %mul3A = arith.constant 15000 : i32
    %mul3A_0 = arith.muli %arg0, %mul3A : i32
    %scan3A = arith.constant 0 : i32
    %scan3A_1 = arith.constant 0 : i32
    %scan3A_2 = arith.constant 64 : i32
    %scan3A_3 = arith.addi %scan3A_1, %scan3A_2 : i32
    %scan3A_4 = arith.constant 1 : i32
    scf.for %scan3A_75 = %scan3A_1 to %scan3A_3 step %scan3A_4  : i32 {
      %broadcast_in_dim3A = arith.constant 0.000000e+00 : f32
      %broadcast_in_dim3A_76 = vector.broadcast %broadcast_in_dim3A : f32 to vector<16xf32>
      %swap3A = arith.index_cast %scan3A_75 : i32 to index
      %swap3A_77 = arith.constant 0 : index
      %swap3A_78 = tpu.vector_load %arg10[%swap3A, %swap3A_77] {strides = array<i32>} : memref<64x112xf32, #tpu.memory_space<vmem>>, vector<16xf32>,
      tpu.vector_store %arg10[%swap3A, %swap3A_77], %broadcast_in_dim3A_76 {strides = array<i32>} : memref<64x112xf32, #tpu.memory_space<vmem>>, vector<16xf32>,
      %broadcast_in_dim3A_79 = arith.constant 0.000000e+00 : f32
      %broadcast_in_dim3A_80 = vector.broadcast %broadcast_in_dim3A_79 : f32 to vector<16xf32>
      %swap3A_81 = arith.index_cast %scan3A_75 : i32 to index
      %swap3A_82 = arith.constant 16 : index
      %swap3A_83 = tpu.vector_load %arg10[%swap3A_81, %swap3A_82] {strides = array<i32>} : memref<64x112xf32, #tpu.memory_space<vmem>>, vector<16xf32>,
      tpu.vector_store %arg10[%swap3A_81, %swap3A_82], %broadcast_in_dim3A_80 {strides = array<i32>} : memref<64x112xf32, #tpu.memory_space<vmem>>, vector<16xf32>,
      %broadcast_in_dim3A_84 = arith.constant 0.000000e+00 : f32
      %broadcast_in_dim3A_85 = vector.broadcast %broadcast_in_dim3A_84 : f32 to vector<16xf32>
      %swap3A_86 = arith.index_cast %scan3A_75 : i32 to index
      %swap3A_87 = arith.constant 32 : index
      %swap3A_88 = tpu.vector_load %arg10[%swap3A_86, %swap3A_87] {strides = array<i32>} : memref<64x112xf32, #tpu.memory_space<vmem>>, vector<16xf32>,
      tpu.vector_store %arg10[%swap3A_86, %swap3A_87], %broadcast_in_dim3A_85 {strides = array<i32>} : memref<64x112xf32, #tpu.memory_space<vmem>>, vector<16xf32>,
      %broadcast_in_dim3A_89 = arith.constant 0.000000e+00 : f32
      %broadcast_in_dim3A_90 = vector.broadcast %broadcast_in_dim3A_89 : f32 to vector<16xf32>
      %swap3A_91 = arith.index_cast %scan3A_75 : i32 to index
      %swap3A_92 = arith.constant 48 : index
      %swap3A_93 = tpu.vector_load %arg10[%swap3A_91, %swap3A_92] {strides = array<i32>} : memref<64x112xf32, #tpu.memory_space<vmem>>, vector<16xf32>,
      tpu.vector_store %arg10[%swap3A_91, %swap3A_92], %broadcast_in_dim3A_90 {strides = array<i32>} : memref<64x112xf32, #tpu.memory_space<vmem>>, vector<16xf32>,
      %broadcast_in_dim3A_94 = arith.constant 0.000000e+00 : f32
      %broadcast_in_dim3A_95 = vector.broadcast %broadcast_in_dim3A_94 : f32 to vector<16xf32>
      %swap3A_96 = arith.index_cast %scan3A_75 : i32 to index
      %swap3A_97 = arith.constant 64 : index
      %swap3A_98 = tpu.vector_load %arg10[%swap3A_96, %swap3A_97] {strides = array<i32>} : memref<64x112xf32, #tpu.memory_space<vmem>>, vector<16xf32>,
      tpu.vector_store %arg10[%swap3A_96, %swap3A_97], %broadcast_in_dim3A_95 {strides = array<i32>} : memref<64x112xf32, #tpu.memory_space<vmem>>, vector<16xf32>,
      %broadcast_in_dim3A_99 = arith.constant 0.000000e+00 : f32
      %broadcast_in_dim3A_100 = vector.broadcast %broadcast_in_dim3A_99 : f32 to vector<16xf32>
      %swap3A_101 = arith.index_cast %scan3A_75 : i32 to index
      %swap3A_102 = arith.constant 80 : index
      %swap3A_103 = tpu.vector_load %arg10[%swap3A_101, %swap3A_102] {strides = array<i32>} : memref<64x112xf32, #tpu.memory_space<vmem>>, vector<16xf32>,
      tpu.vector_store %arg10[%swap3A_101, %swap3A_102], %broadcast_in_dim3A_100 {strides = array<i32>} : memref<64x112xf32, #tpu.memory_space<vmem>>, vector<16xf32>,
      %broadcast_in_dim3A_104 = arith.constant 0.000000e+00 : f32
      %broadcast_in_dim3A_105 = vector.broadcast %broadcast_in_dim3A_104 : f32 to vector<16xf32>
      %swap3A_106 = arith.index_cast %scan3A_75 : i32 to index
      %swap3A_107 = arith.constant 96 : index
      %swap3A_108 = tpu.vector_load %arg10[%swap3A_106, %swap3A_107] {strides = array<i32>} : memref<64x112xf32, #tpu.memory_space<vmem>>, vector<16xf32>,
      tpu.vector_store %arg10[%swap3A_106, %swap3A_107], %broadcast_in_dim3A_105 {strides = array<i32>} : memref<64x112xf32, #tpu.memory_space<vmem>>, vector<16xf32>,
    }
    %scan3A_5 = arith.constant 64 : i32
    %scan3A_6 = arith.constant 0 : i32
    %scan3A_7 = arith.constant 0 : i32
    %scan3A_8 = arith.constant 64 : i32
    %scan3A_9 = arith.addi %scan3A_7, %scan3A_8 : i32
    %scan3A_10 = arith.constant 1 : i32
    scf.for %scan3A_75 = %scan3A_7 to %scan3A_9 step %scan3A_10  : i32 {
      %broadcast_in_dim3A = arith.constant 0.000000e+00 : f32
      %broadcast_in_dim3A_76 = vector.broadcast %broadcast_in_dim3A : f32 to vector<16xf32>
      %swap3A = arith.index_cast %scan3A_75 : i32 to index
      %swap3A_77 = arith.constant 0 : index
      %swap3A_78 = tpu.vector_load %arg16[%swap3A, %swap3A_77] {strides = array<i32>} : memref<64x112xf32, #tpu.memory_space<vmem>>, vector<16xf32>,
      tpu.vector_store %arg16[%swap3A, %swap3A_77], %broadcast_in_dim3A_76 {strides = array<i32>} : memref<64x112xf32, #tpu.memory_space<vmem>>, vector<16xf32>,
      %broadcast_in_dim3A_79 = arith.constant 0.000000e+00 : f32
      %broadcast_in_dim3A_80 = vector.broadcast %broadcast_in_dim3A_79 : f32 to vector<16xf32>
      %swap3A_81 = arith.index_cast %scan3A_75 : i32 to index
      %swap3A_82 = arith.constant 16 : index
      %swap3A_83 = tpu.vector_load %arg16[%swap3A_81, %swap3A_82] {strides = array<i32>} : memref<64x112xf32, #tpu.memory_space<vmem>>, vector<16xf32>,
      tpu.vector_store %arg16[%swap3A_81, %swap3A_82], %broadcast_in_dim3A_80 {strides = array<i32>} : memref<64x112xf32, #tpu.memory_space<vmem>>, vector<16xf32>,
      %broadcast_in_dim3A_84 = arith.constant 0.000000e+00 : f32
      %broadcast_in_dim3A_85 = vector.broadcast %broadcast_in_dim3A_84 : f32 to vector<16xf32>
      %swap3A_86 = arith.index_cast %scan3A_75 : i32 to index
      %swap3A_87 = arith.constant 32 : index
      %swap3A_88 = tpu.vector_load %arg16[%swap3A_86, %swap3A_87] {strides = array<i32>} : memref<64x112xf32, #tpu.memory_space<vmem>>, vector<16xf32>,
      tpu.vector_store %arg16[%swap3A_86, %swap3A_87], %broadcast_in_dim3A_85 {strides = array<i32>} : memref<64x112xf32, #tpu.memory_space<vmem>>, vector<16xf32>,
      %broadcast_in_dim3A_89 = arith.constant 0.000000e+00 : f32
      %broadcast_in_dim3A_90 = vector.broadcast %broadcast_in_dim3A_89 : f32 to vector<16xf32>
      %swap3A_91 = arith.index_cast %scan3A_75 : i32 to index
      %swap3A_92 = arith.constant 48 : index
      %swap3A_93 = tpu.vector_load %arg16[%swap3A_91, %swap3A_92] {strides = array<i32>} : memref<64x112xf32, #tpu.memory_space<vmem>>, vector<16xf32>,
      tpu.vector_store %arg16[%swap3A_91, %swap3A_92], %broadcast_in_dim3A_90 {strides = array<i32>} : memref<64x112xf32, #tpu.memory_space<vmem>>, vector<16xf32>,
      %broadcast_in_dim3A_94 = arith.constant 0.000000e+00 : f32
      %broadcast_in_dim3A_95 = vector.broadcast %broadcast_in_dim3A_94 : f32 to vector<16xf32>
      %swap3A_96 = arith.index_cast %scan3A_75 : i32 to index
      %swap3A_97 = arith.constant 64 : index
      %swap3A_98 = tpu.vector_load %arg16[%swap3A_96, %swap3A_97] {strides = array<i32>} : memref<64x112xf32, #tpu.memory_space<vmem>>, vector<16xf32>,
      tpu.vector_store %arg16[%swap3A_96, %swap3A_97], %broadcast_in_dim3A_95 {strides = array<i32>} : memref<64x112xf32, #tpu.memory_space<vmem>>, vector<16xf32>,
      %broadcast_in_dim3A_99 = arith.constant 0.000000e+00 : f32
      %broadcast_in_dim3A_100 = vector.broadcast %broadcast_in_dim3A_99 : f32 to vector<16xf32>
      %swap3A_101 = arith.index_cast %scan3A_75 : i32 to index
      %swap3A_102 = arith.constant 80 : index
      %swap3A_103 = tpu.vector_load %arg16[%swap3A_101, %swap3A_102] {strides = array<i32>} : memref<64x112xf32, #tpu.memory_space<vmem>>, vector<16xf32>,
      tpu.vector_store %arg16[%swap3A_101, %swap3A_102], %broadcast_in_dim3A_100 {strides = array<i32>} : memref<64x112xf32, #tpu.memory_space<vmem>>, vector<16xf32>,
      %broadcast_in_dim3A_104 = arith.constant 0.000000e+00 : f32
      %broadcast_in_dim3A_105 = vector.broadcast %broadcast_in_dim3A_104 : f32 to vector<16xf32>
      %swap3A_106 = arith.index_cast %scan3A_75 : i32 to index
      %swap3A_107 = arith.constant 96 : index
      %swap3A_108 = tpu.vector_load %arg16[%swap3A_106, %swap3A_107] {strides = array<i32>} : memref<64x112xf32, #tpu.memory_space<vmem>>, vector<16xf32>,
      tpu.vector_store %arg16[%swap3A_106, %swap3A_107], %broadcast_in_dim3A_105 {strides = array<i32>} : memref<64x112xf32, #tpu.memory_space<vmem>>, vector<16xf32>,
    }
    %scan3A_11 = arith.constant 64 : i32
    %mul3A_12 = arith.constant 944 : i32
    %mul3A_13 = arith.muli %arg1, %mul3A_12 : i32
    %add3A = arith.constant 0 : i32
    %add3A_14 = arith.addi %mul3A_13, %add3A : i32
    "tpu.region"() ({
      %run_scoped3A = tpu.sem_alloc : memref<!tpu.dma_semaphore, #tpu.memory_space<semaphore_mem>>
      %dma_start3A_75 = arith.constant 0 : i32
      %dma_start3A_76 = tpu.memref_slice %arg22[%add3A_14, %dma_start3A_75] : memref<15104x112xf32, #tpu.memory_space<vmem_shared>> -> memref<64x112xf32, #tpu.memory_space<vmem_shared>>
      %dma_start3A_77 = arith.constant 0 : i32
      %dma_start3A_78 = tpu.memref_slice %arg22[%add3A_14, %dma_start3A_77] : memref<15104x112xf32, #tpu.memory_space<vmem_shared>> -> memref<64x112xf32, #tpu.memory_space<vmem_shared>>
      tpu.enqueue_dma source(%arg10 : memref<64x112xf32, #tpu.memory_space<vmem>>) target(%dma_start3A_78 : memref<64x112xf32, #tpu.memory_space<vmem_shared>>) target_semaphore(%run_scoped3A : memref<!tpu.dma_semaphore, #tpu.memory_space<semaphore_mem>>)
      %dma_wait3A_79 = arith.constant 0 : i32
      %dma_wait3A_80 = tpu.memref_slice %arg22[%add3A_14, %dma_wait3A_79] : memref<15104x112xf32, #tpu.memory_space<vmem_shared>> -> memref<64x112xf32, #tpu.memory_space<vmem_shared>>
      %dma_wait3A_81 = arith.constant 0 : i32
      %dma_wait3A_82 = tpu.memref_slice %arg22[%add3A_14, %dma_wait3A_81] : memref<15104x112xf32, #tpu.memory_space<vmem_shared>> -> memref<64x112xf32, #tpu.memory_space<vmem_shared>>
      tpu.wait_dma2 semaphore(%run_scoped3A : memref<!tpu.dma_semaphore, #tpu.memory_space<semaphore_mem>>) src(%arg10 : memref<64x112xf32, #tpu.memory_space<vmem>>) dst(%dma_wait3A_82 : memref<64x112xf32, #tpu.memory_space<vmem_shared>>)
      tpu.yield
    }) : () -> ()
    %add3A_15 = arith.constant 64 : i32
    %add3A_16 = arith.addi %mul3A_13, %add3A_15 : i32
    "tpu.region"() ({
      %run_scoped3A = tpu.sem_alloc : memref<!tpu.dma_semaphore, #tpu.memory_space<semaphore_mem>>
      %dma_start3A_75 = arith.constant 0 : i32
      %dma_start3A_76 = tpu.memref_slice %arg22[%add3A_16, %dma_start3A_75] : memref<15104x112xf32, #tpu.memory_space<vmem_shared>> -> memref<64x112xf32, #tpu.memory_space<vmem_shared>>
      %dma_start3A_77 = arith.constant 0 : i32
      %dma_start3A_78 = tpu.memref_slice %arg22[%add3A_16, %dma_start3A_77] : memref<15104x112xf32, #tpu.memory_space<vmem_shared>> -> memref<64x112xf32, #tpu.memory_space<vmem_shared>>
      tpu.enqueue_dma source(%arg10 : memref<64x112xf32, #tpu.memory_space<vmem>>) target(%dma_start3A_78 : memref<64x112xf32, #tpu.memory_space<vmem_shared>>) target_semaphore(%run_scoped3A : memref<!tpu.dma_semaphore, #tpu.memory_space<semaphore_mem>>)
      %dma_wait3A_79 = arith.constant 0 : i32
      %dma_wait3A_80 = tpu.memref_slice %arg22[%add3A_16, %dma_wait3A_79] : memref<15104x112xf32, #tpu.memory_space<vmem_shared>> -> memref<64x112xf32, #tpu.memory_space<vmem_shared>>
      %dma_wait3A_81 = arith.constant 0 : i32
      %dma_wait3A_82 = tpu.memref_slice %arg22[%add3A_16, %dma_wait3A_81] : memref<15104x112xf32, #tpu.memory_space<vmem_shared>> -> memref<64x112xf32, #tpu.memory_space<vmem_shared>>
      tpu.wait_dma2 semaphore(%run_scoped3A : memref<!tpu.dma_semaphore, #tpu.memory_space<semaphore_mem>>) src(%arg10 : memref<64x112xf32, #tpu.memory_space<vmem>>) dst(%dma_wait3A_82 : memref<64x112xf32, #tpu.memory_space<vmem_shared>>)
      tpu.yield
    }) : () -> ()
    %add3A_17 = arith.constant 128 : i32
    %add3A_18 = arith.addi %mul3A_13, %add3A_17 : i32
    "tpu.region"() ({
      %run_scoped3A = tpu.sem_alloc : memref<!tpu.dma_semaphore, #tpu.memory_space<semaphore_mem>>
      %dma_start3A_75 = arith.constant 0 : i32
      %dma_start3A_76 = tpu.memref_slice %arg22[%add3A_18, %dma_start3A_75] : memref<15104x112xf32, #tpu.memory_space<vmem_shared>> -> memref<64x112xf32, #tpu.memory_space<vmem_shared>>
      %dma_start3A_77 = arith.constant 0 : i32
      %dma_start3A_78 = tpu.memref_slice %arg22[%add3A_18, %dma_start3A_77] : memref<15104x112xf32, #tpu.memory_space<vmem_shared>> -> memref<64x112xf32, #tpu.memory_space<vmem_shared>>
      tpu.enqueue_dma source(%arg10 : memref<64x112xf32, #tpu.memory_space<vmem>>) target(%dma_start3A_78 : memref<64x112xf32, #tpu.memory_space<vmem_shared>>) target_semaphore(%run_scoped3A : memref<!tpu.dma_semaphore, #tpu.memory_space<semaphore_mem>>)
      %dma_wait3A_79 = arith.constant 0 : i32
      %dma_wait3A_80 = tpu.memref_slice %arg22[%add3A_18, %dma_wait3A_79] : memref<15104x112xf32, #tpu.memory_space<vmem_shared>> -> memref<64x112xf32, #tpu.memory_space<vmem_shared>>
      %dma_wait3A_81 = arith.constant 0 : i32
      %dma_wait3A_82 = tpu.memref_slice %arg22[%add3A_18, %dma_wait3A_81] : memref<15104x112xf32, #tpu.memory_space<vmem_shared>> -> memref<64x112xf32, #tpu.memory_space<vmem_shared>>
      tpu.wait_dma2 semaphore(%run_scoped3A : memref<!tpu.dma_semaphore, #tpu.memory_space<semaphore_mem>>) src(%arg10 : memref<64x112xf32, #tpu.memory_space<vmem>>) dst(%dma_wait3A_82 : memref<64x112xf32, #tpu.memory_space<vmem_shared>>)
      tpu.yield
    }) : () -> ()
    %add3A_19 = arith.constant 192 : i32
    %add3A_20 = arith.addi %mul3A_13, %add3A_19 : i32
    "tpu.region"() ({
      %run_scoped3A = tpu.sem_alloc : memref<!tpu.dma_semaphore, #tpu.memory_space<semaphore_mem>>
      %dma_start3A_75 = arith.constant 0 : i32
      %dma_start3A_76 = tpu.memref_slice %arg22[%add3A_20, %dma_start3A_75] : memref<15104x112xf32, #tpu.memory_space<vmem_shared>> -> memref<64x112xf32, #tpu.memory_space<vmem_shared>>
      %dma_start3A_77 = arith.constant 0 : i32
      %dma_start3A_78 = tpu.memref_slice %arg22[%add3A_20, %dma_start3A_77] : memref<15104x112xf32, #tpu.memory_space<vmem_shared>> -> memref<64x112xf32, #tpu.memory_space<vmem_shared>>
      tpu.enqueue_dma source(%arg10 : memref<64x112xf32, #tpu.memory_space<vmem>>) target(%dma_start3A_78 : memref<64x112xf32, #tpu.memory_space<vmem_shared>>) target_semaphore(%run_scoped3A : memref<!tpu.dma_semaphore, #tpu.memory_space<semaphore_mem>>)
      %dma_wait3A_79 = arith.constant 0 : i32
      %dma_wait3A_80 = tpu.memref_slice %arg22[%add3A_20, %dma_wait3A_79] : memref<15104x112xf32, #tpu.memory_space<vmem_shared>> -> memref<64x112xf32, #tpu.memory_space<vmem_shared>>
      %dma_wait3A_81 = arith.constant 0 : i32
      %dma_wait3A_82 = tpu.memref_slice %arg22[%add3A_20, %dma_wait3A_81] : memref<15104x112xf32, #tpu.memory_space<vmem_shared>> -> memref<64x112xf32, #tpu.memory_space<vmem_shared>>
      tpu.wait_dma2 semaphore(%run_scoped3A : memref<!tpu.dma_semaphore, #tpu.memory_space<semaphore_mem>>) src(%arg10 : memref<64x112xf32, #tpu.memory_space<vmem>>) dst(%dma_wait3A_82 : memref<64x112xf32, #tpu.memory_space<vmem_shared>>)
      tpu.yield
    }) : () -> ()
    %add3A_21 = arith.constant 256 : i32
    %add3A_22 = arith.addi %mul3A_13, %add3A_21 : i32
    "tpu.region"() ({
      %run_scoped3A = tpu.sem_alloc : memref<!tpu.dma_semaphore, #tpu.memory_space<semaphore_mem>>
      %dma_start3A_75 = arith.constant 0 : i32
      %dma_start3A_76 = tpu.memref_slice %arg22[%add3A_22, %dma_start3A_75] : memref<15104x112xf32, #tpu.memory_space<vmem_shared>> -> memref<64x112xf32, #tpu.memory_space<vmem_shared>>
      %dma_start3A_77 = arith.constant 0 : i32
      %dma_start3A_78 = tpu.memref_slice %arg22[%add3A_22, %dma_start3A_77] : memref<15104x112xf32, #tpu.memory_space<vmem_shared>> -> memref<64x112xf32, #tpu.memory_space<vmem_shared>>
      tpu.enqueue_dma source(%arg10 : memref<64x112xf32, #tpu.memory_space<vmem>>) target(%dma_start3A_78 : memref<64x112xf32, #tpu.memory_space<vmem_shared>>) target_semaphore(%run_scoped3A : memref<!tpu.dma_semaphore, #tpu.memory_space<semaphore_mem>>)
      %dma_wait3A_79 = arith.constant 0 : i32
      %dma_wait3A_80 = tpu.memref_slice %arg22[%add3A_22, %dma_wait3A_79] : memref<15104x112xf32, #tpu.memory_space<vmem_shared>> -> memref<64x112xf32, #tpu.memory_space<vmem_shared>>
      %dma_wait3A_81 = arith.constant 0 : i32
      %dma_wait3A_82 = tpu.memref_slice %arg22[%add3A_22, %dma_wait3A_81] : memref<15104x112xf32, #tpu.memory_space<vmem_shared>> -> memref<64x112xf32, #tpu.memory_space<vmem_shared>>
      tpu.wait_dma2 semaphore(%run_scoped3A : memref<!tpu.dma_semaphore, #tpu.memory_space<semaphore_mem>>) src(%arg10 : memref<64x112xf32, #tpu.memory_space<vmem>>) dst(%dma_wait3A_82 : memref<64x112xf32, #tpu.memory_space<vmem_shared>>)
      tpu.yield
    }) : () -> ()
    %add3A_23 = arith.constant 320 : i32
    %add3A_24 = arith.addi %mul3A_13, %add3A_23 : i32
    "tpu.region"() ({
      %run_scoped3A = tpu.sem_alloc : memref<!tpu.dma_semaphore, #tpu.memory_space<semaphore_mem>>
      %dma_start3A_75 = arith.constant 0 : i32
      %dma_start3A_76 = tpu.memref_slice %arg22[%add3A_24, %dma_start3A_75] : memref<15104x112xf32, #tpu.memory_space<vmem_shared>> -> memref<64x112xf32, #tpu.memory_space<vmem_shared>>
      %dma_start3A_77 = arith.constant 0 : i32
      %dma_start3A_78 = tpu.memref_slice %arg22[%add3A_24, %dma_start3A_77] : memref<15104x112xf32, #tpu.memory_space<vmem_shared>> -> memref<64x112xf32, #tpu.memory_space<vmem_shared>>
      tpu.enqueue_dma source(%arg10 : memref<64x112xf32, #tpu.memory_space<vmem>>) target(%dma_start3A_78 : memref<64x112xf32, #tpu.memory_space<vmem_shared>>) target_semaphore(%run_scoped3A : memref<!tpu.dma_semaphore, #tpu.memory_space<semaphore_mem>>)
      %dma_wait3A_79 = arith.constant 0 : i32
      %dma_wait3A_80 = tpu.memref_slice %arg22[%add3A_24, %dma_wait3A_79] : memref<15104x112xf32, #tpu.memory_space<vmem_shared>> -> memref<64x112xf32, #tpu.memory_space<vmem_shared>>
      %dma_wait3A_81 = arith.constant 0 : i32
      %dma_wait3A_82 = tpu.memref_slice %arg22[%add3A_24, %dma_wait3A_81] : memref<15104x112xf32, #tpu.memory_space<vmem_shared>> -> memref<64x112xf32, #tpu.memory_space<vmem_shared>>
      tpu.wait_dma2 semaphore(%run_scoped3A : memref<!tpu.dma_semaphore, #tpu.memory_space<semaphore_mem>>) src(%arg10 : memref<64x112xf32, #tpu.memory_space<vmem>>) dst(%dma_wait3A_82 : memref<64x112xf32, #tpu.memory_space<vmem_shared>>)
      tpu.yield
    }) : () -> ()
    %add3A_25 = arith.constant 384 : i32
    %add3A_26 = arith.addi %mul3A_13, %add3A_25 : i32
    "tpu.region"() ({
      %run_scoped3A = tpu.sem_alloc : memref<!tpu.dma_semaphore, #tpu.memory_space<semaphore_mem>>
      %dma_start3A_75 = arith.constant 0 : i32
      %dma_start3A_76 = tpu.memref_slice %arg22[%add3A_26, %dma_start3A_75] : memref<15104x112xf32, #tpu.memory_space<vmem_shared>> -> memref<64x112xf32, #tpu.memory_space<vmem_shared>>
      %dma_start3A_77 = arith.constant 0 : i32
      %dma_start3A_78 = tpu.memref_slice %arg22[%add3A_26, %dma_start3A_77] : memref<15104x112xf32, #tpu.memory_space<vmem_shared>> -> memref<64x112xf32, #tpu.memory_space<vmem_shared>>
      tpu.enqueue_dma source(%arg10 : memref<64x112xf32, #tpu.memory_space<vmem>>) target(%dma_start3A_78 : memref<64x112xf32, #tpu.memory_space<vmem_shared>>) target_semaphore(%run_scoped3A : memref<!tpu.dma_semaphore, #tpu.memory_space<semaphore_mem>>)
      %dma_wait3A_79 = arith.constant 0 : i32
      %dma_wait3A_80 = tpu.memref_slice %arg22[%add3A_26, %dma_wait3A_79] : memref<15104x112xf32, #tpu.memory_space<vmem_shared>> -> memref<64x112xf32, #tpu.memory_space<vmem_shared>>
      %dma_wait3A_81 = arith.constant 0 : i32
      %dma_wait3A_82 = tpu.memref_slice %arg22[%add3A_26, %dma_wait3A_81] : memref<15104x112xf32, #tpu.memory_space<vmem_shared>> -> memref<64x112xf32, #tpu.memory_space<vmem_shared>>
      tpu.wait_dma2 semaphore(%run_scoped3A : memref<!tpu.dma_semaphore, #tpu.memory_space<semaphore_mem>>) src(%arg10 : memref<64x112xf32, #tpu.memory_space<vmem>>) dst(%dma_wait3A_82 : memref<64x112xf32, #tpu.memory_space<vmem_shared>>)
      tpu.yield
    }) : () -> ()
    %add3A_27 = arith.constant 448 : i32
    %add3A_28 = arith.addi %mul3A_13, %add3A_27 : i32
    "tpu.region"() ({
      %run_scoped3A = tpu.sem_alloc : memref<!tpu.dma_semaphore, #tpu.memory_space<semaphore_mem>>
      %dma_start3A_75 = arith.constant 0 : i32
      %dma_start3A_76 = tpu.memref_slice %arg22[%add3A_28, %dma_start3A_75] : memref<15104x112xf32, #tpu.memory_space<vmem_shared>> -> memref<64x112xf32, #tpu.memory_space<vmem_shared>>
      %dma_start3A_77 = arith.constant 0 : i32
      %dma_start3A_78 = tpu.memref_slice %arg22[%add3A_28, %dma_start3A_77] : memref<15104x112xf32, #tpu.memory_space<vmem_shared>> -> memref<64x112xf32, #tpu.memory_space<vmem_shared>>
      tpu.enqueue_dma source(%arg10 : memref<64x112xf32, #tpu.memory_space<vmem>>) target(%dma_start3A_78 : memref<64x112xf32, #tpu.memory_space<vmem_shared>>) target_semaphore(%run_scoped3A : memref<!tpu.dma_semaphore, #tpu.memory_space<semaphore_mem>>)
      %dma_wait3A_79 = arith.constant 0 : i32
      %dma_wait3A_80 = tpu.memref_slice %arg22[%add3A_28, %dma_wait3A_79] : memref<15104x112xf32, #tpu.memory_space<vmem_shared>> -> memref<64x112xf32, #tpu.memory_space<vmem_shared>>
      %dma_wait3A_81 = arith.constant 0 : i32
      %dma_wait3A_82 = tpu.memref_slice %arg22[%add3A_28, %dma_wait3A_81] : memref<15104x112xf32, #tpu.memory_space<vmem_shared>> -> memref<64x112xf32, #tpu.memory_space<vmem_shared>>
      tpu.wait_dma2 semaphore(%run_scoped3A : memref<!tpu.dma_semaphore, #tpu.memory_space<semaphore_mem>>) src(%arg10 : memref<64x112xf32, #tpu.memory_space<vmem>>) dst(%dma_wait3A_82 : memref<64x112xf32, #tpu.memory_space<vmem_shared>>)
      tpu.yield
    }) : () -> ()
    %add3A_29 = arith.constant 512 : i32
    %add3A_30 = arith.addi %mul3A_13, %add3A_29 : i32
    "tpu.region"() ({
      %run_scoped3A = tpu.sem_alloc : memref<!tpu.dma_semaphore, #tpu.memory_space<semaphore_mem>>
      %dma_start3A_75 = arith.constant 0 : i32
      %dma_start3A_76 = tpu.memref_slice %arg22[%add3A_30, %dma_start3A_75] : memref<15104x112xf32, #tpu.memory_space<vmem_shared>> -> memref<64x112xf32, #tpu.memory_space<vmem_shared>>
      %dma_start3A_77 = arith.constant 0 : i32
      %dma_start3A_78 = tpu.memref_slice %arg22[%add3A_30, %dma_start3A_77] : memref<15104x112xf32, #tpu.memory_space<vmem_shared>> -> memref<64x112xf32, #tpu.memory_space<vmem_shared>>
      tpu.enqueue_dma source(%arg10 : memref<64x112xf32, #tpu.memory_space<vmem>>) target(%dma_start3A_78 : memref<64x112xf32, #tpu.memory_space<vmem_shared>>) target_semaphore(%run_scoped3A : memref<!tpu.dma_semaphore, #tpu.memory_space<semaphore_mem>>)
      %dma_wait3A_79 = arith.constant 0 : i32
      %dma_wait3A_80 = tpu.memref_slice %arg22[%add3A_30, %dma_wait3A_79] : memref<15104x112xf32, #tpu.memory_space<vmem_shared>> -> memref<64x112xf32, #tpu.memory_space<vmem_shared>>
      %dma_wait3A_81 = arith.constant 0 : i32
      %dma_wait3A_82 = tpu.memref_slice %arg22[%add3A_30, %dma_wait3A_81] : memref<15104x112xf32, #tpu.memory_space<vmem_shared>> -> memref<64x112xf32, #tpu.memory_space<vmem_shared>>
      tpu.wait_dma2 semaphore(%run_scoped3A : memref<!tpu.dma_semaphore, #tpu.memory_space<semaphore_mem>>) src(%arg10 : memref<64x112xf32, #tpu.memory_space<vmem>>) dst(%dma_wait3A_82 : memref<64x112xf32, #tpu.memory_space<vmem_shared>>)
      tpu.yield
    }) : () -> ()
    %add3A_31 = arith.constant 576 : i32
    %add3A_32 = arith.addi %mul3A_13, %add3A_31 : i32
    "tpu.region"() ({
      %run_scoped3A = tpu.sem_alloc : memref<!tpu.dma_semaphore, #tpu.memory_space<semaphore_mem>>
      %dma_start3A_75 = arith.constant 0 : i32
      %dma_start3A_76 = tpu.memref_slice %arg22[%add3A_32, %dma_start3A_75] : memref<15104x112xf32, #tpu.memory_space<vmem_shared>> -> memref<64x112xf32, #tpu.memory_space<vmem_shared>>
      %dma_start3A_77 = arith.constant 0 : i32
      %dma_start3A_78 = tpu.memref_slice %arg22[%add3A_32, %dma_start3A_77] : memref<15104x112xf32, #tpu.memory_space<vmem_shared>> -> memref<64x112xf32, #tpu.memory_space<vmem_shared>>
      tpu.enqueue_dma source(%arg10 : memref<64x112xf32, #tpu.memory_space<vmem>>) target(%dma_start3A_78 : memref<64x112xf32, #tpu.memory_space<vmem_shared>>) target_semaphore(%run_scoped3A : memref<!tpu.dma_semaphore, #tpu.memory_space<semaphore_mem>>)
      %dma_wait3A_79 = arith.constant 0 : i32
      %dma_wait3A_80 = tpu.memref_slice %arg22[%add3A_32, %dma_wait3A_79] : memref<15104x112xf32, #tpu.memory_space<vmem_shared>> -> memref<64x112xf32, #tpu.memory_space<vmem_shared>>
      %dma_wait3A_81 = arith.constant 0 : i32
      %dma_wait3A_82 = tpu.memref_slice %arg22[%add3A_32, %dma_wait3A_81] : memref<15104x112xf32, #tpu.memory_space<vmem_shared>> -> memref<64x112xf32, #tpu.memory_space<vmem_shared>>
      tpu.wait_dma2 semaphore(%run_scoped3A : memref<!tpu.dma_semaphore, #tpu.memory_space<semaphore_mem>>) src(%arg10 : memref<64x112xf32, #tpu.memory_space<vmem>>) dst(%dma_wait3A_82 : memref<64x112xf32, #tpu.memory_space<vmem_shared>>)
      tpu.yield
    }) : () -> ()
    %add3A_33 = arith.constant 640 : i32
    %add3A_34 = arith.addi %mul3A_13, %add3A_33 : i32
    "tpu.region"() ({
      %run_scoped3A = tpu.sem_alloc : memref<!tpu.dma_semaphore, #tpu.memory_space<semaphore_mem>>
      %dma_start3A_75 = arith.constant 0 : i32
      %dma_start3A_76 = tpu.memref_slice %arg22[%add3A_34, %dma_start3A_75] : memref<15104x112xf32, #tpu.memory_space<vmem_shared>> -> memref<64x112xf32, #tpu.memory_space<vmem_shared>>
      %dma_start3A_77 = arith.constant 0 : i32
      %dma_start3A_78 = tpu.memref_slice %arg22[%add3A_34, %dma_start3A_77] : memref<15104x112xf32, #tpu.memory_space<vmem_shared>> -> memref<64x112xf32, #tpu.memory_space<vmem_shared>>
      tpu.enqueue_dma source(%arg10 : memref<64x112xf32, #tpu.memory_space<vmem>>) target(%dma_start3A_78 : memref<64x112xf32, #tpu.memory_space<vmem_shared>>) target_semaphore(%run_scoped3A : memref<!tpu.dma_semaphore, #tpu.memory_space<semaphore_mem>>)
      %dma_wait3A_79 = arith.constant 0 : i32
      %dma_wait3A_80 = tpu.memref_slice %arg22[%add3A_34, %dma_wait3A_79] : memref<15104x112xf32, #tpu.memory_space<vmem_shared>> -> memref<64x112xf32, #tpu.memory_space<vmem_shared>>
      %dma_wait3A_81 = arith.constant 0 : i32
      %dma_wait3A_82 = tpu.memref_slice %arg22[%add3A_34, %dma_wait3A_81] : memref<15104x112xf32, #tpu.memory_space<vmem_shared>> -> memref<64x112xf32, #tpu.memory_space<vmem_shared>>
      tpu.wait_dma2 semaphore(%run_scoped3A : memref<!tpu.dma_semaphore, #tpu.memory_space<semaphore_mem>>) src(%arg10 : memref<64x112xf32, #tpu.memory_space<vmem>>) dst(%dma_wait3A_82 : memref<64x112xf32, #tpu.memory_space<vmem_shared>>)
      tpu.yield
    }) : () -> ()
    %add3A_35 = arith.constant 704 : i32
    %add3A_36 = arith.addi %mul3A_13, %add3A_35 : i32
    "tpu.region"() ({
      %run_scoped3A = tpu.sem_alloc : memref<!tpu.dma_semaphore, #tpu.memory_space<semaphore_mem>>
      %dma_start3A_75 = arith.constant 0 : i32
      %dma_start3A_76 = tpu.memref_slice %arg22[%add3A_36, %dma_start3A_75] : memref<15104x112xf32, #tpu.memory_space<vmem_shared>> -> memref<64x112xf32, #tpu.memory_space<vmem_shared>>
      %dma_start3A_77 = arith.constant 0 : i32
      %dma_start3A_78 = tpu.memref_slice %arg22[%add3A_36, %dma_start3A_77] : memref<15104x112xf32, #tpu.memory_space<vmem_shared>> -> memref<64x112xf32, #tpu.memory_space<vmem_shared>>
      tpu.enqueue_dma source(%arg10 : memref<64x112xf32, #tpu.memory_space<vmem>>) target(%dma_start3A_78 : memref<64x112xf32, #tpu.memory_space<vmem_shared>>) target_semaphore(%run_scoped3A : memref<!tpu.dma_semaphore, #tpu.memory_space<semaphore_mem>>)
      %dma_wait3A_79 = arith.constant 0 : i32
      %dma_wait3A_80 = tpu.memref_slice %arg22[%add3A_36, %dma_wait3A_79] : memref<15104x112xf32, #tpu.memory_space<vmem_shared>> -> memref<64x112xf32, #tpu.memory_space<vmem_shared>>
      %dma_wait3A_81 = arith.constant 0 : i32
      %dma_wait3A_82 = tpu.memref_slice %arg22[%add3A_36, %dma_wait3A_81] : memref<15104x112xf32, #tpu.memory_space<vmem_shared>> -> memref<64x112xf32, #tpu.memory_space<vmem_shared>>
      tpu.wait_dma2 semaphore(%run_scoped3A : memref<!tpu.dma_semaphore, #tpu.memory_space<semaphore_mem>>) src(%arg10 : memref<64x112xf32, #tpu.memory_space<vmem>>) dst(%dma_wait3A_82 : memref<64x112xf32, #tpu.memory_space<vmem_shared>>)
      tpu.yield
    }) : () -> ()
    %add3A_37 = arith.constant 768 : i32
    %add3A_38 = arith.addi %mul3A_13, %add3A_37 : i32
    "tpu.region"() ({
      %run_scoped3A = tpu.sem_alloc : memref<!tpu.dma_semaphore, #tpu.memory_space<semaphore_mem>>
      %dma_start3A_75 = arith.constant 0 : i32
      %dma_start3A_76 = tpu.memref_slice %arg22[%add3A_38, %dma_start3A_75] : memref<15104x112xf32, #tpu.memory_space<vmem_shared>> -> memref<64x112xf32, #tpu.memory_space<vmem_shared>>
      %dma_start3A_77 = arith.constant 0 : i32
      %dma_start3A_78 = tpu.memref_slice %arg22[%add3A_38, %dma_start3A_77] : memref<15104x112xf32, #tpu.memory_space<vmem_shared>> -> memref<64x112xf32, #tpu.memory_space<vmem_shared>>
      tpu.enqueue_dma source(%arg10 : memref<64x112xf32, #tpu.memory_space<vmem>>) target(%dma_start3A_78 : memref<64x112xf32, #tpu.memory_space<vmem_shared>>) target_semaphore(%run_scoped3A : memref<!tpu.dma_semaphore, #tpu.memory_space<semaphore_mem>>)
      %dma_wait3A_79 = arith.constant 0 : i32
      %dma_wait3A_80 = tpu.memref_slice %arg22[%add3A_38, %dma_wait3A_79] : memref<15104x112xf32, #tpu.memory_space<vmem_shared>> -> memref<64x112xf32, #tpu.memory_space<vmem_shared>>
      %dma_wait3A_81 = arith.constant 0 : i32
      %dma_wait3A_82 = tpu.memref_slice %arg22[%add3A_38, %dma_wait3A_81] : memref<15104x112xf32, #tpu.memory_space<vmem_shared>> -> memref<64x112xf32, #tpu.memory_space<vmem_shared>>
      tpu.wait_dma2 semaphore(%run_scoped3A : memref<!tpu.dma_semaphore, #tpu.memory_space<semaphore_mem>>) src(%arg10 : memref<64x112xf32, #tpu.memory_space<vmem>>) dst(%dma_wait3A_82 : memref<64x112xf32, #tpu.memory_space<vmem_shared>>)
      tpu.yield
    }) : () -> ()
    %add3A_39 = arith.constant 832 : i32
    %add3A_40 = arith.addi %mul3A_13, %add3A_39 : i32
    "tpu.region"() ({
      %run_scoped3A = tpu.sem_alloc : memref<!tpu.dma_semaphore, #tpu.memory_space<semaphore_mem>>
      %dma_start3A_75 = arith.constant 0 : i32
      %dma_start3A_76 = tpu.memref_slice %arg22[%add3A_40, %dma_start3A_75] : memref<15104x112xf32, #tpu.memory_space<vmem_shared>> -> memref<64x112xf32, #tpu.memory_space<vmem_shared>>
      %dma_start3A_77 = arith.constant 0 : i32
      %dma_start3A_78 = tpu.memref_slice %arg22[%add3A_40, %dma_start3A_77] : memref<15104x112xf32, #tpu.memory_space<vmem_shared>> -> memref<64x112xf32, #tpu.memory_space<vmem_shared>>
      tpu.enqueue_dma source(%arg10 : memref<64x112xf32, #tpu.memory_space<vmem>>) target(%dma_start3A_78 : memref<64x112xf32, #tpu.memory_space<vmem_shared>>) target_semaphore(%run_scoped3A : memref<!tpu.dma_semaphore, #tpu.memory_space<semaphore_mem>>)
      %dma_wait3A_79 = arith.constant 0 : i32
      %dma_wait3A_80 = tpu.memref_slice %arg22[%add3A_40, %dma_wait3A_79] : memref<15104x112xf32, #tpu.memory_space<vmem_shared>> -> memref<64x112xf32, #tpu.memory_space<vmem_shared>>
      %dma_wait3A_81 = arith.constant 0 : i32
      %dma_wait3A_82 = tpu.memref_slice %arg22[%add3A_40, %dma_wait3A_81] : memref<15104x112xf32, #tpu.memory_space<vmem_shared>> -> memref<64x112xf32, #tpu.memory_space<vmem_shared>>
      tpu.wait_dma2 semaphore(%run_scoped3A : memref<!tpu.dma_semaphore, #tpu.memory_space<semaphore_mem>>) src(%arg10 : memref<64x112xf32, #tpu.memory_space<vmem>>) dst(%dma_wait3A_82 : memref<64x112xf32, #tpu.memory_space<vmem_shared>>)
      tpu.yield
    }) : () -> ()
    %add3A_41 = arith.constant 896 : i32
    %add3A_42 = arith.addi %mul3A_13, %add3A_41 : i32
    "tpu.region"() ({
      %run_scoped3A = tpu.sem_alloc : memref<!tpu.dma_semaphore, #tpu.memory_space<semaphore_mem>>
      %dma_start3A_75 = arith.constant 0 : i32
      %dma_start3A_76 = arith.constant 0 : i32
      %dma_start3A_77 = tpu.memref_slice %arg10[%dma_start3A_75, %dma_start3A_76] : memref<64x112xf32, #tpu.memory_space<vmem>> -> memref<48x112xf32, #tpu.memory_space<vmem>>
      %dma_start3A_78 = arith.constant 0 : i32
      %dma_start3A_79 = tpu.memref_slice %arg22[%add3A_42, %dma_start3A_78] : memref<15104x112xf32, #tpu.memory_space<vmem_shared>> -> memref<48x112xf32, #tpu.memory_space<vmem_shared>>
      %dma_start3A_80 = arith.constant 0 : i32
      %dma_start3A_81 = tpu.memref_slice %arg22[%add3A_42, %dma_start3A_80] : memref<15104x112xf32, #tpu.memory_space<vmem_shared>> -> memref<48x112xf32, #tpu.memory_space<vmem_shared>>
      %dma_start3A_82 = arith.constant 0 : i32
      %dma_start3A_83 = arith.constant 0 : i32
      %dma_start3A_84 = tpu.memref_slice %arg10[%dma_start3A_82, %dma_start3A_83] : memref<64x112xf32, #tpu.memory_space<vmem>> -> memref<48x112xf32, #tpu.memory_space<vmem>>
      tpu.enqueue_dma source(%dma_start3A_84 : memref<48x112xf32, #tpu.memory_space<vmem>>) target(%dma_start3A_81 : memref<48x112xf32, #tpu.memory_space<vmem_shared>>) target_semaphore(%run_scoped3A : memref<!tpu.dma_semaphore, #tpu.memory_space<semaphore_mem>>)
      %dma_wait3A_85 = arith.constant 0 : i32
      %dma_wait3A_86 = arith.constant 0 : i32
      %dma_wait3A_87 = tpu.memref_slice %arg10[%dma_wait3A_85, %dma_wait3A_86] : memref<64x112xf32, #tpu.memory_space<vmem>> -> memref<48x112xf32, #tpu.memory_space<vmem>>
      %dma_wait3A_88 = arith.constant 0 : i32
      %dma_wait3A_89 = tpu.memref_slice %arg22[%add3A_42, %dma_wait3A_88] : memref<15104x112xf32, #tpu.memory_space<vmem_shared>> -> memref<48x112xf32, #tpu.memory_space<vmem_shared>>
      %dma_wait3A_90 = arith.constant 0 : i32
      %dma_wait3A_91 = tpu.memref_slice %arg22[%add3A_42, %dma_wait3A_90] : memref<15104x112xf32, #tpu.memory_space<vmem_shared>> -> memref<48x112xf32, #tpu.memory_space<vmem_shared>>
      %dma_wait3A_92 = arith.constant 0 : i32
      %dma_wait3A_93 = arith.constant 0 : i32
      %dma_wait3A_94 = tpu.memref_slice %arg10[%dma_wait3A_92, %dma_wait3A_93] : memref<64x112xf32, #tpu.memory_space<vmem>> -> memref<48x112xf32, #tpu.memory_space<vmem>>
      tpu.wait_dma2 semaphore(%run_scoped3A : memref<!tpu.dma_semaphore, #tpu.memory_space<semaphore_mem>>) src(%dma_wait3A_94 : memref<48x112xf32, #tpu.memory_space<vmem>>) dst(%dma_wait3A_91 : memref<48x112xf32, #tpu.memory_space<vmem_shared>>)
      tpu.yield
    }) : () -> ()
    %barrier3A = arith.constant 0 : index
    tpu.barrier barrier_id(%barrier3A)
    %mul3A_43 = arith.constant 10240 : i32
    %mul3A_44 = arith.muli %arg1, %mul3A_43 : i32
    %add3A_45 = arith.constant 0 : i32
    %add3A_46 = arith.addi %mul3A_44, %add3A_45 : i32
    "tpu.region"() ({
      %run_scoped3A = tpu.sem_alloc : memref<!tpu.dma_semaphore, #tpu.memory_space<semaphore_mem>>
      %dma_start3A_75 = tpu.memref_slice %arg3[%add3A_46] : memref<163840xi32, #tpu.memory_space<hbm>> -> memref<64xi32, #tpu.memory_space<hbm>>
      %dma_start3A_76 = tpu.memref_slice %arg3[%add3A_46] : memref<163840xi32, #tpu.memory_space<hbm>> -> memref<64xi32, #tpu.memory_space<hbm>>
      tpu.enqueue_dma source(%dma_start3A_76 : memref<64xi32, #tpu.memory_space<hbm>>) target(%arg6 : memref<64xi32, #tpu.memory_space<vmem>>) target_semaphore(%run_scoped3A : memref<!tpu.dma_semaphore, #tpu.memory_space<semaphore_mem>>)
      %dma_wait3A_77 = tpu.memref_slice %arg3[%add3A_46] : memref<163840xi32, #tpu.memory_space<hbm>> -> memref<64xi32, #tpu.memory_space<hbm>>
      %dma_wait3A_78 = tpu.memref_slice %arg3[%add3A_46] : memref<163840xi32, #tpu.memory_space<hbm>> -> memref<64xi32, #tpu.memory_space<hbm>>
      tpu.wait_dma2 semaphore(%run_scoped3A : memref<!tpu.dma_semaphore, #tpu.memory_space<semaphore_mem>>) src(%dma_wait3A_78 : memref<64xi32, #tpu.memory_space<hbm>>) dst(%arg6 : memref<64xi32, #tpu.memory_space<vmem>>)
      tpu.yield
    }) : () -> ()
    "tpu.region"() ({
      %run_scoped3A = tpu.sem_alloc : memref<!tpu.dma_semaphore, #tpu.memory_space<semaphore_mem>>
      %dma_start3A_75 = tpu.memref_slice %arg4[%add3A_46] : memref<163840xi32, #tpu.memory_space<hbm>> -> memref<64xi32, #tpu.memory_space<hbm>>
      %dma_start3A_76 = tpu.memref_slice %arg4[%add3A_46] : memref<163840xi32, #tpu.memory_space<hbm>> -> memref<64xi32, #tpu.memory_space<hbm>>
      tpu.enqueue_dma source(%dma_start3A_76 : memref<64xi32, #tpu.memory_space<hbm>>) target(%arg7 : memref<64xi32, #tpu.memory_space<vmem>>) target_semaphore(%run_scoped3A : memref<!tpu.dma_semaphore, #tpu.memory_space<semaphore_mem>>)
      %dma_wait3A_77 = tpu.memref_slice %arg4[%add3A_46] : memref<163840xi32, #tpu.memory_space<hbm>> -> memref<64xi32, #tpu.memory_space<hbm>>
      %dma_wait3A_78 = tpu.memref_slice %arg4[%add3A_46] : memref<163840xi32, #tpu.memory_space<hbm>> -> memref<64xi32, #tpu.memory_space<hbm>>
      tpu.wait_dma2 semaphore(%run_scoped3A : memref<!tpu.dma_semaphore, #tpu.memory_space<semaphore_mem>>) src(%dma_wait3A_78 : memref<64xi32, #tpu.memory_space<hbm>>) dst(%arg7 : memref<64xi32, #tpu.memory_space<vmem>>)
      tpu.yield
    }) : () -> ()
    %dma_start3A = arith.constant 0 : i32
    %dma_start3A_47 = arith.constant 0 : i32
    %dma_start3A_48 = tpu.memref_slice %arg2[%dma_start3A, %dma_start3A_47] : memref<10016x16xf32, #tpu.memory_space<hbm>> -> memref<10016x16xf32, #tpu.memory_space<hbm>>
    tpu.enqueue_indirect_dma source(%dma_start3A_48 : memref<10016x16xf32, #tpu.memory_space<hbm>>) target(%arg8 : memref<64x16xf32, #tpu.memory_space<vmem>>) offsets(%arg6 : memref<64xi32, #tpu.memory_space<vmem>>) semaphore(%arg18 : memref<!tpu.dma_semaphore, #tpu.memory_space<semaphore_mem>>)
    %dma_start3A_49 = arith.constant 0 : i32
    %dma_start3A_50 = arith.constant 0 : i32
    %dma_start3A_51 = tpu.memref_slice %arg2[%dma_start3A_49, %dma_start3A_50] : memref<10016x16xf32, #tpu.memory_space<hbm>> -> memref<10016x16xf32, #tpu.memory_space<hbm>>
    tpu.enqueue_indirect_dma source(%dma_start3A_51 : memref<10016x16xf32, #tpu.memory_space<hbm>>) target(%arg9 : memref<64x16xf32, #tpu.memory_space<vmem>>) offsets(%arg7 : memref<64xi32, #tpu.memory_space<vmem>>) semaphore(%arg18 : memref<!tpu.dma_semaphore, #tpu.memory_space<semaphore_mem>>)
    %scan3A_52 = arith.constant 0 : i32
    %scan3A_53 = arith.constant 0 : i32
    %scan3A_54 = arith.constant 80 : i32
    %scan3A_55 = arith.addi %scan3A_53, %scan3A_54 : i32
    %scan3A_56 = arith.constant 1 : i32
    scf.for %scan3A_75 = %scan3A_53 to %scan3A_55 step %scan3A_56  : i32 {
      %mul3A_76 = arith.constant 2 : i32
      %mul3A_77 = arith.muli %mul3A_76, %scan3A_75 : i32
      %add3A_78 = arith.constant 0 : i32
      %add3A_79 = arith.addi %mul3A_77, %add3A_78 : i32
      %ge3A = arith.constant 2 : i32
      %ge3A_80 = arith.cmpi sge, %add3A_79, %ge3A : i32
      %convert_element_type3A_81 = arith.extui %ge3A_80 : i1 to i32
      %cond3A_82 = arith.constant 0 : i32
      %cond3A_83 = arith.cmpi ne, %convert_element_type3A_81, %cond3A_82 : i32
      scf.if %cond3A_83 {
        %dma_wait3A_137 = arith.constant 0 : i32
        %dma_wait3A_138 = arith.constant 0 : i32
        %dma_wait3A_139 = tpu.memref_slice %arg22[%dma_wait3A_137, %dma_wait3A_138] : memref<15104x112xf32, #tpu.memory_space<vmem_shared>> -> memref<15104x112xf32, #tpu.memory_space<vmem_shared>>
        tpu.wait_indirect_dma semaphore(%arg20 : memref<!tpu.dma_semaphore, #tpu.memory_space<semaphore_mem>>) src(%arg10 : memref<64x112xf32, #tpu.memory_space<vmem>>) dst(%dma_wait3A_139 : memref<15104x112xf32, #tpu.memory_space<vmem_shared>>)
      } else {
      }
      %dma_wait3A_84 = arith.constant 0 : i32
      %dma_wait3A_85 = arith.constant 0 : i32
      %dma_wait3A_86 = tpu.memref_slice %arg2[%dma_wait3A_84, %dma_wait3A_85] : memref<10016x16xf32, #tpu.memory_space<hbm>> -> memref<10016x16xf32, #tpu.memory_space<hbm>>
      tpu.wait_indirect_dma semaphore(%arg18 : memref<!tpu.dma_semaphore, #tpu.memory_space<semaphore_mem>>) src(%dma_wait3A_86 : memref<10016x16xf32, #tpu.memory_space<hbm>>) dst(%arg8 : memref<64x16xf32, #tpu.memory_space<vmem>>)
      %dma_wait3A_87 = arith.constant 0 : i32
      %dma_wait3A_88 = arith.constant 0 : i32
      %dma_wait3A_89 = tpu.memref_slice %arg2[%dma_wait3A_87, %dma_wait3A_88] : memref<10016x16xf32, #tpu.memory_space<hbm>> -> memref<10016x16xf32, #tpu.memory_space<hbm>>
      tpu.wait_indirect_dma semaphore(%arg18 : memref<!tpu.dma_semaphore, #tpu.memory_space<semaphore_mem>>) src(%dma_wait3A_89 : memref<10016x16xf32, #tpu.memory_space<hbm>>) dst(%arg9 : memref<64x16xf32, #tpu.memory_space<vmem>>)
      %scan3A_90 = arith.constant 0 : i32
      %scan3A_91 = arith.constant 0 : i32
      %scan3A_92 = arith.constant 4 : i32
      %scan3A_93 = arith.addi %scan3A_91, %scan3A_92 : i32
      %scan3A_94 = arith.constant 1 : i32
      scf.for %scan3A_137 = %scan3A_91 to %scan3A_93 step %scan3A_94  : i32 {
        %mul3A_138 = arith.constant 16 : i32
        %mul3A_139 = arith.muli %scan3A_137, %mul3A_138 : i32
        %mul3A_140 = arith.constant 16 : i32
        %mul3A_141 = arith.muli %scan3A_137, %mul3A_140 : i32
        %iota3A = tpu.iota {dimensions = array<i32: 0>} : vector<16xi32>
        %add3A_142 = vector.broadcast %mul3A_141 : i32 to vector<16xi32>
        %add3A_143 = arith.addi %add3A_142, %iota3A : vector<16xi32>
        %get3A = arith.index_cast %mul3A_139 : i32 to index
        %get3A_144 = tpu.vector_load %arg7[%get3A] {strides = array<i32>} : memref<64xi32, #tpu.memory_space<vmem>>, vector<16xi32>,
        %broadcast_in_dim3A = arith.constant 0 : i32
        %broadcast_in_dim3A_145 = vector.broadcast %broadcast_in_dim3A : i32 to vector<16xi32>
        %broadcast_in_dim3A_146 = arith.constant 1 : i32
        %broadcast_in_dim3A_147 = vector.broadcast %broadcast_in_dim3A_146 : i32 to vector<16xi32>
        %broadcast_in_dim3A_148 = arith.constant 2 : i32
        %broadcast_in_dim3A_149 = vector.broadcast %broadcast_in_dim3A_148 : i32 to vector<16xi32>
        %broadcast_in_dim3A_150 = arith.constant 3 : i32
        %broadcast_in_dim3A_151 = vector.broadcast %broadcast_in_dim3A_150 : i32 to vector<16xi32>
        %gather3A = tpu.vector_load_idx %arg8[%add3A_143, %broadcast_in_dim3A_151] : memref<64x16xf32, #tpu.memory_space<vmem>>[vector<16xi32>, vector<16xi32>], vector<16xf32>,
        %convert_element_type3A_152 = arith.fptosi %gather3A : vector<16xf32> to vector<16xi32>
        %gather3A_153 = tpu.vector_load_idx %arg9[%add3A_143, %broadcast_in_dim3A_145] : memref<64x16xf32, #tpu.memory_space<vmem>>[vector<16xi32>, vector<16xi32>], vector<16xf32>,
        %gather3A_154 = tpu.vector_load_idx %arg8[%add3A_143, %broadcast_in_dim3A_145] : memref<64x16xf32, #tpu.memory_space<vmem>>[vector<16xi32>, vector<16xi32>], vector<16xf32>,
        %sub3A = arith.subf %gather3A_153, %gather3A_154 : vector<16xf32>
        %gather3A_155 = tpu.vector_load_idx %arg9[%add3A_143, %broadcast_in_dim3A_147] : memref<64x16xf32, #tpu.memory_space<vmem>>[vector<16xi32>, vector<16xi32>], vector<16xf32>,
        %gather3A_156 = tpu.vector_load_idx %arg8[%add3A_143, %broadcast_in_dim3A_147] : memref<64x16xf32, #tpu.memory_space<vmem>>[vector<16xi32>, vector<16xi32>], vector<16xf32>,
        %sub3A_157 = arith.subf %gather3A_155, %gather3A_156 : vector<16xf32>
        %gather3A_158 = tpu.vector_load_idx %arg9[%add3A_143, %broadcast_in_dim3A_149] : memref<64x16xf32, #tpu.memory_space<vmem>>[vector<16xi32>, vector<16xi32>], vector<16xf32>,
        %gather3A_159 = tpu.vector_load_idx %arg8[%add3A_143, %broadcast_in_dim3A_149] : memref<64x16xf32, #tpu.memory_space<vmem>>[vector<16xi32>, vector<16xi32>], vector<16xf32>,
        %sub3A_160 = arith.subf %gather3A_158, %gather3A_159 : vector<16xf32>
        %mul3A_161 = arith.mulf %sub3A, %sub3A : vector<16xf32>
        %mul3A_162 = arith.mulf %sub3A_157, %sub3A_157 : vector<16xf32>
        %add3A_163 = arith.addf %mul3A_161, %mul3A_162 : vector<16xf32>
        %mul3A_164 = arith.mulf %sub3A_160, %sub3A_160 : vector<16xf32>
        %add3A_165 = arith.addf %add3A_163, %mul3A_164 : vector<16xf32>
        %add3A_166 = arith.constant 9.99999996E-13 : f32
        %add3A_167 = vector.broadcast %add3A_166 : f32 to vector<16xf32>
        %add3A_168 = arith.addf %add3A_165, %add3A_167 : vector<16xf32>
        %bitcast_convert_type3A = tpu.bitcast %add3A_168 : vector<16xf32> -> vector<16xi32>
        %shift_right_logical3A = arith.constant 1 : i32
        %shift_right_logical3A_169 = vector.broadcast %shift_right_logical3A : i32 to vector<16xi32>
        %shift_right_logical3A_170 = arith.shrui %bitcast_convert_type3A, %shift_right_logical3A_169 : vector<16xi32>
        %add3A_171 = arith.constant 532487669 : i32
        %add3A_172 = vector.broadcast %add3A_171 : i32 to vector<16xi32>
        %add3A_173 = arith.addi %add3A_172, %shift_right_logical3A_170 : vector<16xi32>
        %bitcast_convert_type3A_174 = tpu.bitcast %add3A_173 : vector<16xi32> -> vector<16xf32>
        %div3A = arith.divf %add3A_168, %bitcast_convert_type3A_174 : vector<16xf32>
        %add3A_175 = arith.addf %bitcast_convert_type3A_174, %div3A : vector<16xf32>
        %mul3A_176 = arith.constant 5.000000e-01 : f32
        %mul3A_177 = vector.broadcast %mul3A_176 : f32 to vector<16xf32>
        %mul3A_178 = arith.mulf %mul3A_177, %add3A_175 : vector<16xf32>
        %div3A_179 = arith.divf %add3A_168, %mul3A_178 : vector<16xf32>
        %add3A_180 = arith.addf %mul3A_178, %div3A_179 : vector<16xf32>
        %mul3A_181 = arith.constant 5.000000e-01 : f32
        %mul3A_182 = vector.broadcast %mul3A_181 : f32 to vector<16xf32>
        %mul3A_183 = arith.mulf %mul3A_182, %add3A_180 : vector<16xf32>
        %div3A_184 = arith.divf %add3A_168, %mul3A_183 : vector<16xf32>
        %add3A_185 = arith.addf %mul3A_183, %div3A_184 : vector<16xf32>
        %mul3A_186 = arith.constant 5.000000e-01 : f32
        %mul3A_187 = vector.broadcast %mul3A_186 : f32 to vector<16xf32>
        %mul3A_188 = arith.mulf %mul3A_187, %add3A_185 : vector<16xf32>
        %div3A_189 = arith.constant 1.000000e+00 : f32
        %div3A_190 = vector.broadcast %div3A_189 : f32 to vector<16xf32>
        %div3A_191 = arith.divf %div3A_190, %mul3A_188 : vector<16xf32>
        %mul3A_192 = arith.mulf %sub3A, %div3A_191 : vector<16xf32>
        %mul3A_193 = arith.mulf %sub3A_157, %div3A_191 : vector<16xf32>
        %mul3A_194 = arith.mulf %sub3A_160, %div3A_191 : vector<16xf32>
        %sub3A_195 = arith.constant 3.300000e+00 : f32
        %sub3A_196 = vector.broadcast %sub3A_195 : f32 to vector<16xf32>
        %sub3A_197 = arith.subf %mul3A_188, %sub3A_196 : vector<16xf32>
        %mul3A_198 = arith.constant 10.4719753 : f32
        %mul3A_199 = vector.broadcast %mul3A_198 : f32 to vector<16xf32>
        %mul3A_200 = arith.mulf %mul3A_199, %sub3A_197 : vector<16xf32>
        %sub3A_201 = arith.constant 3.14159274 : f32
        %sub3A_202 = vector.broadcast %sub3A_201 : f32 to vector<16xf32>
        %sub3A_203 = arith.subf %sub3A_202, %mul3A_200 : vector<16xf32>
        %min3A = arith.minimumf %mul3A_200, %sub3A_203 : vector<16xf32>
        %mul3A_204 = arith.mulf %min3A, %min3A : vector<16xf32>
        %mul3A_205 = arith.constant -2.755732E-7 : f32
        %mul3A_206 = vector.broadcast %mul3A_205 : f32 to vector<16xf32>
        %mul3A_207 = arith.mulf %mul3A_204, %mul3A_206 : vector<16xf32>
        %add3A_208 = arith.constant 2.48015876E-5 : f32
        %add3A_209 = vector.broadcast %add3A_208 : f32 to vector<16xf32>
        %add3A_210 = arith.addf %add3A_209, %mul3A_207 : vector<16xf32>
        %mul3A_211 = arith.mulf %mul3A_204, %add3A_210 : vector<16xf32>
        %add3A_212 = arith.constant -0.00138888892 : f32
        %add3A_213 = vector.broadcast %add3A_212 : f32 to vector<16xf32>
        %add3A_214 = arith.addf %add3A_213, %mul3A_211 : vector<16xf32>
        %mul3A_215 = arith.mulf %mul3A_204, %add3A_214 : vector<16xf32>
        %add3A_216 = arith.constant 0.0416666679 : f32
        %add3A_217 = vector.broadcast %add3A_216 : f32 to vector<16xf32>
        %add3A_218 = arith.addf %add3A_217, %mul3A_215 : vector<16xf32>
        %mul3A_219 = arith.mulf %mul3A_204, %add3A_218 : vector<16xf32>
        %add3A_220 = arith.constant -5.000000e-01 : f32
        %add3A_221 = vector.broadcast %add3A_220 : f32 to vector<16xf32>
        %add3A_222 = arith.addf %add3A_221, %mul3A_219 : vector<16xf32>
        %mul3A_223 = arith.mulf %mul3A_204, %add3A_222 : vector<16xf32>
        %add3A_224 = arith.constant 1.000000e+00 : f32
        %add3A_225 = vector.broadcast %add3A_224 : f32 to vector<16xf32>
        %add3A_226 = arith.addf %add3A_225, %mul3A_223 : vector<16xf32>
        %gt3A = arith.constant 1.57079637 : f32
        %gt3A_227 = vector.broadcast %gt3A : f32 to vector<16xf32>
        %gt3A_228 = arith.cmpf ogt, %mul3A_200, %gt3A_227 : vector<16xf32>
        %neg3A = arith.constant 0.000000e+00 : f32
        %neg3A_229 = vector.broadcast %neg3A : f32 to vector<16xf32>
        %neg3A_230 = arith.subf %neg3A_229, %add3A_226 : vector<16xf32>
        %select_n3A = arith.select %gt3A_228, %neg3A_230, %add3A_226 : vector<16xi1>, vector<16xf32>
        %add3A_231 = arith.constant 1.000000e+00 : f32
        %add3A_232 = vector.broadcast %add3A_231 : f32 to vector<16xf32>
        %add3A_233 = arith.addf %add3A_232, %select_n3A : vector<16xf32>
        %mul3A_234 = arith.constant 5.000000e-01 : f32
        %mul3A_235 = vector.broadcast %mul3A_234 : f32 to vector<16xf32>
        %mul3A_236 = arith.mulf %mul3A_235, %add3A_233 : vector<16xf32>
        %lt3A_237 = arith.constant 3.300000e+00 : f32
        %lt3A_238 = vector.broadcast %lt3A_237 : f32 to vector<16xf32>
        %lt3A_239 = arith.cmpf olt, %mul3A_188, %lt3A_238 : vector<16xf32>
        %lt3A_240 = arith.constant 3.600000e+00 : f32
        %lt3A_241 = vector.broadcast %lt3A_240 : f32 to vector<16xf32>
        %lt3A_242 = arith.cmpf olt, %mul3A_188, %lt3A_241 : vector<16xf32>
        %jit3A = arith.constant 0.000000e+00 : f32
        %broadcast_in_dim3A_243 = vector.broadcast %jit3A : f32 to vector<16xf32>
        %select_n3A_244 = arith.select %lt3A_242, %mul3A_236, %broadcast_in_dim3A_243 : vector<16xi1>, vector<16xf32>
        %jit3A_245 = arith.constant 1.000000e+00 : f32
        %broadcast_in_dim3A_246 = vector.broadcast %jit3A_245 : f32 to vector<16xf32>
        %select_n3A_247 = arith.select %lt3A_239, %broadcast_in_dim3A_246, %select_n3A_244 : vector<16xi1>, vector<16xf32>
        %mul3A_248 = arith.constant 1.73205078 : f32
        %mul3A_249 = vector.broadcast %mul3A_248 : f32 to vector<16xf32>
        %mul3A_250 = arith.mulf %mul3A_249, %mul3A_192 : vector<16xf32>
        %mul3A_251 = arith.constant 1.73205078 : f32
        %mul3A_252 = vector.broadcast %mul3A_251 : f32 to vector<16xf32>
        %mul3A_253 = arith.mulf %mul3A_252, %mul3A_193 : vector<16xf32>
        %mul3A_254 = arith.constant 1.73205078 : f32
        %mul3A_255 = vector.broadcast %mul3A_254 : f32 to vector<16xf32>
        %mul3A_256 = arith.mulf %mul3A_255, %mul3A_194 : vector<16xf32>
        %mul3A_257 = arith.mulf %mul3A_192, %mul3A_193 : vector<16xf32>
        %mul3A_258 = arith.constant 2.23606801 : f32
        %mul3A_259 = vector.broadcast %mul3A_258 : f32 to vector<16xf32>
        %mul3A_260 = arith.mulf %mul3A_259, %mul3A_257 : vector<16xf32>
        %mul3A_261 = arith.mulf %mul3A_193, %mul3A_194 : vector<16xf32>
        %mul3A_262 = arith.constant 2.23606801 : f32
        %mul3A_263 = vector.broadcast %mul3A_262 : f32 to vector<16xf32>
        %mul3A_264 = arith.mulf %mul3A_263, %mul3A_261 : vector<16xf32>
        %mul3A_265 = arith.mulf %mul3A_194, %mul3A_194 : vector<16xf32>
        %mul3A_266 = arith.constant 3.000000e+00 : f32
        %mul3A_267 = vector.broadcast %mul3A_266 : f32 to vector<16xf32>
        %mul3A_268 = arith.mulf %mul3A_267, %mul3A_265 : vector<16xf32>
        %sub3A_269 = arith.constant 1.000000e+00 : f32
        %sub3A_270 = vector.broadcast %sub3A_269 : f32 to vector<16xf32>
        %sub3A_271 = arith.subf %mul3A_268, %sub3A_270 : vector<16xf32>
        %mul3A_272 = arith.constant 5.000000e-01 : f32
        %mul3A_273 = vector.broadcast %mul3A_272 : f32 to vector<16xf32>
        %mul3A_274 = arith.mulf %mul3A_273, %sub3A_271 : vector<16xf32>
        %mul3A_275 = arith.constant 2.23606801 : f32
        %mul3A_276 = vector.broadcast %mul3A_275 : f32 to vector<16xf32>
        %mul3A_277 = arith.mulf %mul3A_276, %mul3A_274 : vector<16xf32>
        %mul3A_278 = arith.mulf %mul3A_192, %mul3A_194 : vector<16xf32>
        %mul3A_279 = arith.constant 2.23606801 : f32
        %mul3A_280 = vector.broadcast %mul3A_279 : f32 to vector<16xf32>
        %mul3A_281 = arith.mulf %mul3A_280, %mul3A_278 : vector<16xf32>
        %mul3A_282 = arith.mulf %mul3A_192, %mul3A_192 : vector<16xf32>
        %mul3A_283 = arith.mulf %mul3A_193, %mul3A_193 : vector<16xf32>
        %sub3A_284 = arith.subf %mul3A_282, %mul3A_283 : vector<16xf32>
        %mul3A_285 = arith.constant 5.000000e-01 : f32
        %mul3A_286 = vector.broadcast %mul3A_285 : f32 to vector<16xf32>
        %mul3A_287 = arith.mulf %mul3A_286, %sub3A_284 : vector<16xf32>
        %mul3A_288 = arith.constant 2.23606801 : f32
        %mul3A_289 = vector.broadcast %mul3A_288 : f32 to vector<16xf32>
        %mul3A_290 = arith.mulf %mul3A_289, %mul3A_287 : vector<16xf32>
        %mul3A_291 = arith.constant 3 : i32
        %mul3A_292 = vector.broadcast %mul3A_291 : i32 to vector<16xi32>
        %mul3A_293 = arith.muli %get3A_144, %mul3A_292 : vector<16xi32>
        %add3A_294 = arith.addi %mul3A_293, %convert_element_type3A_152 : vector<16xi32>
        %sub3A_295 = vector.broadcast %mul3A_0 : i32 to vector<16xi32>
        %sub3A_296 = arith.subi %add3A_294, %sub3A_295 : vector<16xi32>
        %ge3A_297 = arith.constant 0 : i32
        %ge3A_298 = vector.broadcast %ge3A_297 : i32 to vector<16xi32>
        %ge3A_299 = arith.cmpi sge, %sub3A_296, %ge3A_298 : vector<16xi32>
        %lt3A_300 = arith.constant 15000 : i32
        %lt3A_301 = vector.broadcast %lt3A_300 : i32 to vector<16xi32>
        %lt3A_302 = arith.cmpi slt, %sub3A_296, %lt3A_301 : vector<16xi32>
        %and3A = arith.andi %ge3A_299, %lt3A_302 : vector<16xi1>
        %jit3A_303 = arith.constant 15000 : i32
        %broadcast_in_dim3A_304 = vector.broadcast %jit3A_303 : i32 to vector<16xi32>
        %select_n3A_305 = arith.select %and3A, %sub3A_296, %broadcast_in_dim3A_304 : vector<16xi1>, vector<16xi32>
        %swap3A = arith.index_cast %mul3A_139 : i32 to index
        %swap3A_306 = tpu.vector_load %arg11[%swap3A] {strides = array<i32>} : memref<64xi32, #tpu.memory_space<vmem>>, vector<16xi32>,
        tpu.vector_store %arg11[%swap3A], %select_n3A_305 {strides = array<i32>} : memref<64xi32, #tpu.memory_space<vmem>>, vector<16xi32>,
        %sub3A_307 = arith.constant 0.000000e+00 : f32
        %sub3A_308 = vector.broadcast %sub3A_307 : f32 to vector<16xf32>
        %sub3A_309 = arith.subf %mul3A_188, %sub3A_308 : vector<16xf32>
        %mul3A_310 = arith.mulf %sub3A_309, %sub3A_309 : vector<16xf32>
        %mul3A_311 = arith.constant -1.250000e+01 : f32
        %mul3A_312 = vector.broadcast %mul3A_311 : f32 to vector<16xf32>
        %mul3A_313 = arith.mulf %mul3A_312, %mul3A_310 : vector<16xf32>
        %exp3A = math.exp %mul3A_313 : vector<16xf32>
        %mul3A_314 = arith.mulf %select_n3A_247, %exp3A : vector<16xf32>
        %mul3A_315 = arith.mulf %mul3A_314, %mul3A_250 : vector<16xf32>
        %mul3A_316 = arith.mulf %mul3A_314, %mul3A_253 : vector<16xf32>
        %mul3A_317 = arith.mulf %mul3A_314, %mul3A_256 : vector<16xf32>
        %mul3A_318 = arith.mulf %mul3A_314, %mul3A_260 : vector<16xf32>
        %mul3A_319 = arith.mulf %mul3A_314, %mul3A_264 : vector<16xf32>
        %mul3A_320 = arith.mulf %mul3A_314, %mul3A_277 : vector<16xf32>
        %mul3A_321 = arith.mulf %mul3A_314, %mul3A_281 : vector<16xf32>
        %mul3A_322 = arith.mulf %mul3A_314, %mul3A_290 : vector<16xf32>
        %broadcast_in_dim3A_323 = arith.constant 0 : i32
        %broadcast_in_dim3A_324 = vector.broadcast %broadcast_in_dim3A_323 : i32 to vector<16xi32>
        tpu.vector_store_idx %arg10[%add3A_143, %broadcast_in_dim3A_324], %mul3A_314 : memref<64x112xf32, #tpu.memory_space<vmem>>[vector<16xi32>, vector<16xi32>], vector<16xf32>,
        %broadcast_in_dim3A_325 = arith.constant 1 : i32
        %broadcast_in_dim3A_326 = vector.broadcast %broadcast_in_dim3A_325 : i32 to vector<16xi32>
        tpu.vector_store_idx %arg10[%add3A_143, %broadcast_in_dim3A_326], %mul3A_315 : memref<64x112xf32, #tpu.memory_space<vmem>>[vector<16xi32>, vector<16xi32>], vector<16xf32>,
        %broadcast_in_dim3A_327 = arith.constant 2 : i32
        %broadcast_in_dim3A_328 = vector.broadcast %broadcast_in_dim3A_327 : i32 to vector<16xi32>
        tpu.vector_store_idx %arg10[%add3A_143, %broadcast_in_dim3A_328], %mul3A_316 : memref<64x112xf32, #tpu.memory_space<vmem>>[vector<16xi32>, vector<16xi32>], vector<16xf32>,
        %broadcast_in_dim3A_329 = arith.constant 3 : i32
        %broadcast_in_dim3A_330 = vector.broadcast %broadcast_in_dim3A_329 : i32 to vector<16xi32>
        tpu.vector_store_idx %arg10[%add3A_143, %broadcast_in_dim3A_330], %mul3A_317 : memref<64x112xf32, #tpu.memory_space<vmem>>[vector<16xi32>, vector<16xi32>], vector<16xf32>,
        %broadcast_in_dim3A_331 = arith.constant 4 : i32
        %broadcast_in_dim3A_332 = vector.broadcast %broadcast_in_dim3A_331 : i32 to vector<16xi32>
        tpu.vector_store_idx %arg10[%add3A_143, %broadcast_in_dim3A_332], %mul3A_318 : memref<64x112xf32, #tpu.memory_space<vmem>>[vector<16xi32>, vector<16xi32>], vector<16xf32>,
        %broadcast_in_dim3A_333 = arith.constant 5 : i32
        %broadcast_in_dim3A_334 = vector.broadcast %broadcast_in_dim3A_333 : i32 to vector<16xi32>
        tpu.vector_store_idx %arg10[%add3A_143, %broadcast_in_dim3A_334], %mul3A_319 : memref<64x112xf32, #tpu.memory_space<vmem>>[vector<16xi32>, vector<16xi32>], vector<16xf32>,
        %broadcast_in_dim3A_335 = arith.constant 6 : i32
        %broadcast_in_dim3A_336 = vector.broadcast %broadcast_in_dim3A_335 : i32 to vector<16xi32>
        tpu.vector_store_idx %arg10[%add3A_143, %broadcast_in_dim3A_336], %mul3A_320 : memref<64x112xf32, #tpu.memory_space<vmem>>[vector<16xi32>, vector<16xi32>], vector<16xf32>,
        %broadcast_in_dim3A_337 = arith.constant 7 : i32
        %broadcast_in_dim3A_338 = vector.broadcast %broadcast_in_dim3A_337 : i32 to vector<16xi32>
        tpu.vector_store_idx %arg10[%add3A_143, %broadcast_in_dim3A_338], %mul3A_321 : memref<64x112xf32, #tpu.memory_space<vmem>>[vector<16xi32>, vector<16xi32>], vector<16xf32>,
        %broadcast_in_dim3A_339 = arith.constant 8 : i32
        %broadcast_in_dim3A_340 = vector.broadcast %broadcast_in_dim3A_339 : i32 to vector<16xi32>
        tpu.vector_store_idx %arg10[%add3A_143, %broadcast_in_dim3A_340], %mul3A_322 : memref<64x112xf32, #tpu.memory_space<vmem>>[vector<16xi32>, vector<16xi32>], vector<16xf32>,
        %sub3A_341 = arith.constant 0.327272713 : f32
        %sub3A_342 = vector.broadcast %sub3A_341 : f32 to vector<16xf32>
        %sub3A_343 = arith.subf %mul3A_188, %sub3A_342 : vector<16xf32>
        %mul3A_344 = arith.mulf %sub3A_343, %sub3A_343 : vector<16xf32>
        %mul3A_345 = arith.constant -1.250000e+01 : f32
        %mul3A_346 = vector.broadcast %mul3A_345 : f32 to vector<16xf32>
        %mul3A_347 = arith.mulf %mul3A_346, %mul3A_344 : vector<16xf32>
        %exp3A_348 = math.exp %mul3A_347 : vector<16xf32>
        %mul3A_349 = arith.mulf %select_n3A_247, %exp3A_348 : vector<16xf32>
        %mul3A_350 = arith.mulf %mul3A_349, %mul3A_250 : vector<16xf32>
        %mul3A_351 = arith.mulf %mul3A_349, %mul3A_253 : vector<16xf32>
        %mul3A_352 = arith.mulf %mul3A_349, %mul3A_256 : vector<16xf32>
        %mul3A_353 = arith.mulf %mul3A_349, %mul3A_260 : vector<16xf32>
        %mul3A_354 = arith.mulf %mul3A_349, %mul3A_264 : vector<16xf32>
        %mul3A_355 = arith.mulf %mul3A_349, %mul3A_277 : vector<16xf32>
        %mul3A_356 = arith.mulf %mul3A_349, %mul3A_281 : vector<16xf32>
        %mul3A_357 = arith.mulf %mul3A_349, %mul3A_290 : vector<16xf32>
        %broadcast_in_dim3A_358 = arith.constant 9 : i32
        %broadcast_in_dim3A_359 = vector.broadcast %broadcast_in_dim3A_358 : i32 to vector<16xi32>
        tpu.vector_store_idx %arg10[%add3A_143, %broadcast_in_dim3A_359], %mul3A_349 : memref<64x112xf32, #tpu.memory_space<vmem>>[vector<16xi32>, vector<16xi32>], vector<16xf32>,
        %broadcast_in_dim3A_360 = arith.constant 10 : i32
        %broadcast_in_dim3A_361 = vector.broadcast %broadcast_in_dim3A_360 : i32 to vector<16xi32>
        tpu.vector_store_idx %arg10[%add3A_143, %broadcast_in_dim3A_361], %mul3A_350 : memref<64x112xf32, #tpu.memory_space<vmem>>[vector<16xi32>, vector<16xi32>], vector<16xf32>,
        %broadcast_in_dim3A_362 = arith.constant 11 : i32
        %broadcast_in_dim3A_363 = vector.broadcast %broadcast_in_dim3A_362 : i32 to vector<16xi32>
        tpu.vector_store_idx %arg10[%add3A_143, %broadcast_in_dim3A_363], %mul3A_351 : memref<64x112xf32, #tpu.memory_space<vmem>>[vector<16xi32>, vector<16xi32>], vector<16xf32>,
        %broadcast_in_dim3A_364 = arith.constant 12 : i32
        %broadcast_in_dim3A_365 = vector.broadcast %broadcast_in_dim3A_364 : i32 to vector<16xi32>
        tpu.vector_store_idx %arg10[%add3A_143, %broadcast_in_dim3A_365], %mul3A_352 : memref<64x112xf32, #tpu.memory_space<vmem>>[vector<16xi32>, vector<16xi32>], vector<16xf32>,
        %broadcast_in_dim3A_366 = arith.constant 13 : i32
        %broadcast_in_dim3A_367 = vector.broadcast %broadcast_in_dim3A_366 : i32 to vector<16xi32>
        tpu.vector_store_idx %arg10[%add3A_143, %broadcast_in_dim3A_367], %mul3A_353 : memref<64x112xf32, #tpu.memory_space<vmem>>[vector<16xi32>, vector<16xi32>], vector<16xf32>,
        %broadcast_in_dim3A_368 = arith.constant 14 : i32
        %broadcast_in_dim3A_369 = vector.broadcast %broadcast_in_dim3A_368 : i32 to vector<16xi32>
        tpu.vector_store_idx %arg10[%add3A_143, %broadcast_in_dim3A_369], %mul3A_354 : memref<64x112xf32, #tpu.memory_space<vmem>>[vector<16xi32>, vector<16xi32>], vector<16xf32>,
        %broadcast_in_dim3A_370 = arith.constant 15 : i32
        %broadcast_in_dim3A_371 = vector.broadcast %broadcast_in_dim3A_370 : i32 to vector<16xi32>
        tpu.vector_store_idx %arg10[%add3A_143, %broadcast_in_dim3A_371], %mul3A_355 : memref<64x112xf32, #tpu.memory_space<vmem>>[vector<16xi32>, vector<16xi32>], vector<16xf32>,
        %broadcast_in_dim3A_372 = arith.constant 16 : i32
        %broadcast_in_dim3A_373 = vector.broadcast %broadcast_in_dim3A_372 : i32 to vector<16xi32>
        tpu.vector_store_idx %arg10[%add3A_143, %broadcast_in_dim3A_373], %mul3A_356 : memref<64x112xf32, #tpu.memory_space<vmem>>[vector<16xi32>, vector<16xi32>], vector<16xf32>,
        %broadcast_in_dim3A_374 = arith.constant 17 : i32
        %broadcast_in_dim3A_375 = vector.broadcast %broadcast_in_dim3A_374 : i32 to vector<16xi32>
        tpu.vector_store_idx %arg10[%add3A_143, %broadcast_in_dim3A_375], %mul3A_357 : memref<64x112xf32, #tpu.memory_space<vmem>>[vector<16xi32>, vector<16xi32>], vector<16xf32>,
        %sub3A_376 = arith.constant 0.654545426 : f32
        %sub3A_377 = vector.broadcast %sub3A_376 : f32 to vector<16xf32>
        %sub3A_378 = arith.subf %mul3A_188, %sub3A_377 : vector<16xf32>
        %mul3A_379 = arith.mulf %sub3A_378, %sub3A_378 : vector<16xf32>
        %mul3A_380 = arith.constant -1.250000e+01 : f32
        %mul3A_381 = vector.broadcast %mul3A_380 : f32 to vector<16xf32>
        %mul3A_382 = arith.mulf %mul3A_381, %mul3A_379 : vector<16xf32>
        %exp3A_383 = math.exp %mul3A_382 : vector<16xf32>
        %mul3A_384 = arith.mulf %select_n3A_247, %exp3A_383 : vector<16xf32>
        %mul3A_385 = arith.mulf %mul3A_384, %mul3A_250 : vector<16xf32>
        %mul3A_386 = arith.mulf %mul3A_384, %mul3A_253 : vector<16xf32>
        %mul3A_387 = arith.mulf %mul3A_384, %mul3A_256 : vector<16xf32>
        %mul3A_388 = arith.mulf %mul3A_384, %mul3A_260 : vector<16xf32>
        %mul3A_389 = arith.mulf %mul3A_384, %mul3A_264 : vector<16xf32>
        %mul3A_390 = arith.mulf %mul3A_384, %mul3A_277 : vector<16xf32>
        %mul3A_391 = arith.mulf %mul3A_384, %mul3A_281 : vector<16xf32>
        %mul3A_392 = arith.mulf %mul3A_384, %mul3A_290 : vector<16xf32>
        %broadcast_in_dim3A_393 = arith.constant 18 : i32
        %broadcast_in_dim3A_394 = vector.broadcast %broadcast_in_dim3A_393 : i32 to vector<16xi32>
        tpu.vector_store_idx %arg10[%add3A_143, %broadcast_in_dim3A_394], %mul3A_384 : memref<64x112xf32, #tpu.memory_space<vmem>>[vector<16xi32>, vector<16xi32>], vector<16xf32>,
        %broadcast_in_dim3A_395 = arith.constant 19 : i32
        %broadcast_in_dim3A_396 = vector.broadcast %broadcast_in_dim3A_395 : i32 to vector<16xi32>
        tpu.vector_store_idx %arg10[%add3A_143, %broadcast_in_dim3A_396], %mul3A_385 : memref<64x112xf32, #tpu.memory_space<vmem>>[vector<16xi32>, vector<16xi32>], vector<16xf32>,
        %broadcast_in_dim3A_397 = arith.constant 20 : i32
        %broadcast_in_dim3A_398 = vector.broadcast %broadcast_in_dim3A_397 : i32 to vector<16xi32>
        tpu.vector_store_idx %arg10[%add3A_143, %broadcast_in_dim3A_398], %mul3A_386 : memref<64x112xf32, #tpu.memory_space<vmem>>[vector<16xi32>, vector<16xi32>], vector<16xf32>,
        %broadcast_in_dim3A_399 = arith.constant 21 : i32
        %broadcast_in_dim3A_400 = vector.broadcast %broadcast_in_dim3A_399 : i32 to vector<16xi32>
        tpu.vector_store_idx %arg10[%add3A_143, %broadcast_in_dim3A_400], %mul3A_387 : memref<64x112xf32, #tpu.memory_space<vmem>>[vector<16xi32>, vector<16xi32>], vector<16xf32>,
        %broadcast_in_dim3A_401 = arith.constant 22 : i32
        %broadcast_in_dim3A_402 = vector.broadcast %broadcast_in_dim3A_401 : i32 to vector<16xi32>
        tpu.vector_store_idx %arg10[%add3A_143, %broadcast_in_dim3A_402], %mul3A_388 : memref<64x112xf32, #tpu.memory_space<vmem>>[vector<16xi32>, vector<16xi32>], vector<16xf32>,
        %broadcast_in_dim3A_403 = arith.constant 23 : i32
        %broadcast_in_dim3A_404 = vector.broadcast %broadcast_in_dim3A_403 : i32 to vector<16xi32>
        tpu.vector_store_idx %arg10[%add3A_143, %broadcast_in_dim3A_404], %mul3A_389 : memref<64x112xf32, #tpu.memory_space<vmem>>[vector<16xi32>, vector<16xi32>], vector<16xf32>,
        %broadcast_in_dim3A_405 = arith.constant 24 : i32
        %broadcast_in_dim3A_406 = vector.broadcast %broadcast_in_dim3A_405 : i32 to vector<16xi32>
        tpu.vector_store_idx %arg10[%add3A_143, %broadcast_in_dim3A_406], %mul3A_390 : memref<64x112xf32, #tpu.memory_space<vmem>>[vector<16xi32>, vector<16xi32>], vector<16xf32>,
        %broadcast_in_dim3A_407 = arith.constant 25 : i32
        %broadcast_in_dim3A_408 = vector.broadcast %broadcast_in_dim3A_407 : i32 to vector<16xi32>
        tpu.vector_store_idx %arg10[%add3A_143, %broadcast_in_dim3A_408], %mul3A_391 : memref<64x112xf32, #tpu.memory_space<vmem>>[vector<16xi32>, vector<16xi32>], vector<16xf32>,
        %broadcast_in_dim3A_409 = arith.constant 26 : i32
        %broadcast_in_dim3A_410 = vector.broadcast %broadcast_in_dim3A_409 : i32 to vector<16xi32>
        tpu.vector_store_idx %arg10[%add3A_143, %broadcast_in_dim3A_410], %mul3A_392 : memref<64x112xf32, #tpu.memory_space<vmem>>[vector<16xi32>, vector<16xi32>], vector<16xf32>,
        %sub3A_411 = arith.constant 0.981818199 : f32
        %sub3A_412 = vector.broadcast %sub3A_411 : f32 to vector<16xf32>
        %sub3A_413 = arith.subf %mul3A_188, %sub3A_412 : vector<16xf32>
        %mul3A_414 = arith.mulf %sub3A_413, %sub3A_413 : vector<16xf32>
        %mul3A_415 = arith.constant -1.250000e+01 : f32
        %mul3A_416 = vector.broadcast %mul3A_415 : f32 to vector<16xf32>
        %mul3A_417 = arith.mulf %mul3A_416, %mul3A_414 : vector<16xf32>
        %exp3A_418 = math.exp %mul3A_417 : vector<16xf32>
        %mul3A_419 = arith.mulf %select_n3A_247, %exp3A_418 : vector<16xf32>
        %mul3A_420 = arith.mulf %mul3A_419, %mul3A_250 : vector<16xf32>
        %mul3A_421 = arith.mulf %mul3A_419, %mul3A_253 : vector<16xf32>
        %mul3A_422 = arith.mulf %mul3A_419, %mul3A_256 : vector<16xf32>
        %mul3A_423 = arith.mulf %mul3A_419, %mul3A_260 : vector<16xf32>
        %mul3A_424 = arith.mulf %mul3A_419, %mul3A_264 : vector<16xf32>
        %mul3A_425 = arith.mulf %mul3A_419, %mul3A_277 : vector<16xf32>
        %mul3A_426 = arith.mulf %mul3A_419, %mul3A_281 : vector<16xf32>
        %mul3A_427 = arith.mulf %mul3A_419, %mul3A_290 : vector<16xf32>
        %broadcast_in_dim3A_428 = arith.constant 27 : i32
        %broadcast_in_dim3A_429 = vector.broadcast %broadcast_in_dim3A_428 : i32 to vector<16xi32>
        tpu.vector_store_idx %arg10[%add3A_143, %broadcast_in_dim3A_429], %mul3A_419 : memref<64x112xf32, #tpu.memory_space<vmem>>[vector<16xi32>, vector<16xi32>], vector<16xf32>,
        %broadcast_in_dim3A_430 = arith.constant 28 : i32
        %broadcast_in_dim3A_431 = vector.broadcast %broadcast_in_dim3A_430 : i32 to vector<16xi32>
        tpu.vector_store_idx %arg10[%add3A_143, %broadcast_in_dim3A_431], %mul3A_420 : memref<64x112xf32, #tpu.memory_space<vmem>>[vector<16xi32>, vector<16xi32>], vector<16xf32>,
        %broadcast_in_dim3A_432 = arith.constant 29 : i32
        %broadcast_in_dim3A_433 = vector.broadcast %broadcast_in_dim3A_432 : i32 to vector<16xi32>
        tpu.vector_store_idx %arg10[%add3A_143, %broadcast_in_dim3A_433], %mul3A_421 : memref<64x112xf32, #tpu.memory_space<vmem>>[vector<16xi32>, vector<16xi32>], vector<16xf32>,
        %broadcast_in_dim3A_434 = arith.constant 30 : i32
        %broadcast_in_dim3A_435 = vector.broadcast %broadcast_in_dim3A_434 : i32 to vector<16xi32>
        tpu.vector_store_idx %arg10[%add3A_143, %broadcast_in_dim3A_435], %mul3A_422 : memref<64x112xf32, #tpu.memory_space<vmem>>[vector<16xi32>, vector<16xi32>], vector<16xf32>,
        %broadcast_in_dim3A_436 = arith.constant 31 : i32
        %broadcast_in_dim3A_437 = vector.broadcast %broadcast_in_dim3A_436 : i32 to vector<16xi32>
        tpu.vector_store_idx %arg10[%add3A_143, %broadcast_in_dim3A_437], %mul3A_423 : memref<64x112xf32, #tpu.memory_space<vmem>>[vector<16xi32>, vector<16xi32>], vector<16xf32>,
        %broadcast_in_dim3A_438 = arith.constant 32 : i32
        %broadcast_in_dim3A_439 = vector.broadcast %broadcast_in_dim3A_438 : i32 to vector<16xi32>
        tpu.vector_store_idx %arg10[%add3A_143, %broadcast_in_dim3A_439], %mul3A_424 : memref<64x112xf32, #tpu.memory_space<vmem>>[vector<16xi32>, vector<16xi32>], vector<16xf32>,
        %broadcast_in_dim3A_440 = arith.constant 33 : i32
        %broadcast_in_dim3A_441 = vector.broadcast %broadcast_in_dim3A_440 : i32 to vector<16xi32>
        tpu.vector_store_idx %arg10[%add3A_143, %broadcast_in_dim3A_441], %mul3A_425 : memref<64x112xf32, #tpu.memory_space<vmem>>[vector<16xi32>, vector<16xi32>], vector<16xf32>,
        %broadcast_in_dim3A_442 = arith.constant 34 : i32
        %broadcast_in_dim3A_443 = vector.broadcast %broadcast_in_dim3A_442 : i32 to vector<16xi32>
        tpu.vector_store_idx %arg10[%add3A_143, %broadcast_in_dim3A_443], %mul3A_426 : memref<64x112xf32, #tpu.memory_space<vmem>>[vector<16xi32>, vector<16xi32>], vector<16xf32>,
        %broadcast_in_dim3A_444 = arith.constant 35 : i32
        %broadcast_in_dim3A_445 = vector.broadcast %broadcast_in_dim3A_444 : i32 to vector<16xi32>
        tpu.vector_store_idx %arg10[%add3A_143, %broadcast_in_dim3A_445], %mul3A_427 : memref<64x112xf32, #tpu.memory_space<vmem>>[vector<16xi32>, vector<16xi32>], vector<16xf32>,
        %sub3A_446 = arith.constant 1.30909085 : f32
        %sub3A_447 = vector.broadcast %sub3A_446 : f32 to vector<16xf32>
        %sub3A_448 = arith.subf %mul3A_188, %sub3A_447 : vector<16xf32>
        %mul3A_449 = arith.mulf %sub3A_448, %sub3A_448 : vector<16xf32>
        %mul3A_450 = arith.constant -1.250000e+01 : f32
        %mul3A_451 = vector.broadcast %mul3A_450 : f32 to vector<16xf32>
        %mul3A_452 = arith.mulf %mul3A_451, %mul3A_449 : vector<16xf32>
        %exp3A_453 = math.exp %mul3A_452 : vector<16xf32>
        %mul3A_454 = arith.mulf %select_n3A_247, %exp3A_453 : vector<16xf32>
        %mul3A_455 = arith.mulf %mul3A_454, %mul3A_250 : vector<16xf32>
        %mul3A_456 = arith.mulf %mul3A_454, %mul3A_253 : vector<16xf32>
        %mul3A_457 = arith.mulf %mul3A_454, %mul3A_256 : vector<16xf32>
        %mul3A_458 = arith.mulf %mul3A_454, %mul3A_260 : vector<16xf32>
        %mul3A_459 = arith.mulf %mul3A_454, %mul3A_264 : vector<16xf32>
        %mul3A_460 = arith.mulf %mul3A_454, %mul3A_277 : vector<16xf32>
        %mul3A_461 = arith.mulf %mul3A_454, %mul3A_281 : vector<16xf32>
        %mul3A_462 = arith.mulf %mul3A_454, %mul3A_290 : vector<16xf32>
        %broadcast_in_dim3A_463 = arith.constant 36 : i32
        %broadcast_in_dim3A_464 = vector.broadcast %broadcast_in_dim3A_463 : i32 to vector<16xi32>
        tpu.vector_store_idx %arg10[%add3A_143, %broadcast_in_dim3A_464], %mul3A_454 : memref<64x112xf32, #tpu.memory_space<vmem>>[vector<16xi32>, vector<16xi32>], vector<16xf32>,
        %broadcast_in_dim3A_465 = arith.constant 37 : i32
        %broadcast_in_dim3A_466 = vector.broadcast %broadcast_in_dim3A_465 : i32 to vector<16xi32>
        tpu.vector_store_idx %arg10[%add3A_143, %broadcast_in_dim3A_466], %mul3A_455 : memref<64x112xf32, #tpu.memory_space<vmem>>[vector<16xi32>, vector<16xi32>], vector<16xf32>,
        %broadcast_in_dim3A_467 = arith.constant 38 : i32
        %broadcast_in_dim3A_468 = vector.broadcast %broadcast_in_dim3A_467 : i32 to vector<16xi32>
        tpu.vector_store_idx %arg10[%add3A_143, %broadcast_in_dim3A_468], %mul3A_456 : memref<64x112xf32, #tpu.memory_space<vmem>>[vector<16xi32>, vector<16xi32>], vector<16xf32>,
        %broadcast_in_dim3A_469 = arith.constant 39 : i32
        %broadcast_in_dim3A_470 = vector.broadcast %broadcast_in_dim3A_469 : i32 to vector<16xi32>
        tpu.vector_store_idx %arg10[%add3A_143, %broadcast_in_dim3A_470], %mul3A_457 : memref<64x112xf32, #tpu.memory_space<vmem>>[vector<16xi32>, vector<16xi32>], vector<16xf32>,
        %broadcast_in_dim3A_471 = arith.constant 40 : i32
        %broadcast_in_dim3A_472 = vector.broadcast %broadcast_in_dim3A_471 : i32 to vector<16xi32>
        tpu.vector_store_idx %arg10[%add3A_143, %broadcast_in_dim3A_472], %mul3A_458 : memref<64x112xf32, #tpu.memory_space<vmem>>[vector<16xi32>, vector<16xi32>], vector<16xf32>,
        %broadcast_in_dim3A_473 = arith.constant 41 : i32
        %broadcast_in_dim3A_474 = vector.broadcast %broadcast_in_dim3A_473 : i32 to vector<16xi32>
        tpu.vector_store_idx %arg10[%add3A_143, %broadcast_in_dim3A_474], %mul3A_459 : memref<64x112xf32, #tpu.memory_space<vmem>>[vector<16xi32>, vector<16xi32>], vector<16xf32>,
        %broadcast_in_dim3A_475 = arith.constant 42 : i32
        %broadcast_in_dim3A_476 = vector.broadcast %broadcast_in_dim3A_475 : i32 to vector<16xi32>
        tpu.vector_store_idx %arg10[%add3A_143, %broadcast_in_dim3A_476], %mul3A_460 : memref<64x112xf32, #tpu.memory_space<vmem>>[vector<16xi32>, vector<16xi32>], vector<16xf32>,
        %broadcast_in_dim3A_477 = arith.constant 43 : i32
        %broadcast_in_dim3A_478 = vector.broadcast %broadcast_in_dim3A_477 : i32 to vector<16xi32>
        tpu.vector_store_idx %arg10[%add3A_143, %broadcast_in_dim3A_478], %mul3A_461 : memref<64x112xf32, #tpu.memory_space<vmem>>[vector<16xi32>, vector<16xi32>], vector<16xf32>,
        %broadcast_in_dim3A_479 = arith.constant 44 : i32
        %broadcast_in_dim3A_480 = vector.broadcast %broadcast_in_dim3A_479 : i32 to vector<16xi32>
        tpu.vector_store_idx %arg10[%add3A_143, %broadcast_in_dim3A_480], %mul3A_462 : memref<64x112xf32, #tpu.memory_space<vmem>>[vector<16xi32>, vector<16xi32>], vector<16xf32>,
        %sub3A_481 = arith.constant 1.63636363 : f32
        %sub3A_482 = vector.broadcast %sub3A_481 : f32 to vector<16xf32>
        %sub3A_483 = arith.subf %mul3A_188, %sub3A_482 : vector<16xf32>
        %mul3A_484 = arith.mulf %sub3A_483, %sub3A_483 : vector<16xf32>
        %mul3A_485 = arith.constant -1.250000e+01 : f32
        %mul3A_486 = vector.broadcast %mul3A_485 : f32 to vector<16xf32>
        %mul3A_487 = arith.mulf %mul3A_486, %mul3A_484 : vector<16xf32>
        %exp3A_488 = math.exp %mul3A_487 : vector<16xf32>
        %mul3A_489 = arith.mulf %select_n3A_247, %exp3A_488 : vector<16xf32>
        %mul3A_490 = arith.mulf %mul3A_489, %mul3A_250 : vector<16xf32>
        %mul3A_491 = arith.mulf %mul3A_489, %mul3A_253 : vector<16xf32>
        %mul3A_492 = arith.mulf %mul3A_489, %mul3A_256 : vector<16xf32>
        %mul3A_493 = arith.mulf %mul3A_489, %mul3A_260 : vector<16xf32>
        %mul3A_494 = arith.mulf %mul3A_489, %mul3A_264 : vector<16xf32>
        %mul3A_495 = arith.mulf %mul3A_489, %mul3A_277 : vector<16xf32>
        %mul3A_496 = arith.mulf %mul3A_489, %mul3A_281 : vector<16xf32>
        %mul3A_497 = arith.mulf %mul3A_489, %mul3A_290 : vector<16xf32>
        %broadcast_in_dim3A_498 = arith.constant 45 : i32
        %broadcast_in_dim3A_499 = vector.broadcast %broadcast_in_dim3A_498 : i32 to vector<16xi32>
        tpu.vector_store_idx %arg10[%add3A_143, %broadcast_in_dim3A_499], %mul3A_489 : memref<64x112xf32, #tpu.memory_space<vmem>>[vector<16xi32>, vector<16xi32>], vector<16xf32>,
        %broadcast_in_dim3A_500 = arith.constant 46 : i32
        %broadcast_in_dim3A_501 = vector.broadcast %broadcast_in_dim3A_500 : i32 to vector<16xi32>
        tpu.vector_store_idx %arg10[%add3A_143, %broadcast_in_dim3A_501], %mul3A_490 : memref<64x112xf32, #tpu.memory_space<vmem>>[vector<16xi32>, vector<16xi32>], vector<16xf32>,
        %broadcast_in_dim3A_502 = arith.constant 47 : i32
        %broadcast_in_dim3A_503 = vector.broadcast %broadcast_in_dim3A_502 : i32 to vector<16xi32>
        tpu.vector_store_idx %arg10[%add3A_143, %broadcast_in_dim3A_503], %mul3A_491 : memref<64x112xf32, #tpu.memory_space<vmem>>[vector<16xi32>, vector<16xi32>], vector<16xf32>,
        %broadcast_in_dim3A_504 = arith.constant 48 : i32
        %broadcast_in_dim3A_505 = vector.broadcast %broadcast_in_dim3A_504 : i32 to vector<16xi32>
        tpu.vector_store_idx %arg10[%add3A_143, %broadcast_in_dim3A_505], %mul3A_492 : memref<64x112xf32, #tpu.memory_space<vmem>>[vector<16xi32>, vector<16xi32>], vector<16xf32>,
        %broadcast_in_dim3A_506 = arith.constant 49 : i32
        %broadcast_in_dim3A_507 = vector.broadcast %broadcast_in_dim3A_506 : i32 to vector<16xi32>
        tpu.vector_store_idx %arg10[%add3A_143, %broadcast_in_dim3A_507], %mul3A_493 : memref<64x112xf32, #tpu.memory_space<vmem>>[vector<16xi32>, vector<16xi32>], vector<16xf32>,
        %broadcast_in_dim3A_508 = arith.constant 50 : i32
        %broadcast_in_dim3A_509 = vector.broadcast %broadcast_in_dim3A_508 : i32 to vector<16xi32>
        tpu.vector_store_idx %arg10[%add3A_143, %broadcast_in_dim3A_509], %mul3A_494 : memref<64x112xf32, #tpu.memory_space<vmem>>[vector<16xi32>, vector<16xi32>], vector<16xf32>,
        %broadcast_in_dim3A_510 = arith.constant 51 : i32
        %broadcast_in_dim3A_511 = vector.broadcast %broadcast_in_dim3A_510 : i32 to vector<16xi32>
        tpu.vector_store_idx %arg10[%add3A_143, %broadcast_in_dim3A_511], %mul3A_495 : memref<64x112xf32, #tpu.memory_space<vmem>>[vector<16xi32>, vector<16xi32>], vector<16xf32>,
        %broadcast_in_dim3A_512 = arith.constant 52 : i32
        %broadcast_in_dim3A_513 = vector.broadcast %broadcast_in_dim3A_512 : i32 to vector<16xi32>
        tpu.vector_store_idx %arg10[%add3A_143, %broadcast_in_dim3A_513], %mul3A_496 : memref<64x112xf32, #tpu.memory_space<vmem>>[vector<16xi32>, vector<16xi32>], vector<16xf32>,
        %broadcast_in_dim3A_514 = arith.constant 53 : i32
        %broadcast_in_dim3A_515 = vector.broadcast %broadcast_in_dim3A_514 : i32 to vector<16xi32>
        tpu.vector_store_idx %arg10[%add3A_143, %broadcast_in_dim3A_515], %mul3A_497 : memref<64x112xf32, #tpu.memory_space<vmem>>[vector<16xi32>, vector<16xi32>], vector<16xf32>,
        %sub3A_516 = arith.constant 1.9636364 : f32
        %sub3A_517 = vector.broadcast %sub3A_516 : f32 to vector<16xf32>
        %sub3A_518 = arith.subf %mul3A_188, %sub3A_517 : vector<16xf32>
        %mul3A_519 = arith.mulf %sub3A_518, %sub3A_518 : vector<16xf32>
        %mul3A_520 = arith.constant -1.250000e+01 : f32
        %mul3A_521 = vector.broadcast %mul3A_520 : f32 to vector<16xf32>
        %mul3A_522 = arith.mulf %mul3A_521, %mul3A_519 : vector<16xf32>
        %exp3A_523 = math.exp %mul3A_522 : vector<16xf32>
        %mul3A_524 = arith.mulf %select_n3A_247, %exp3A_523 : vector<16xf32>
        %mul3A_525 = arith.mulf %mul3A_524, %mul3A_250 : vector<16xf32>
        %mul3A_526 = arith.mulf %mul3A_524, %mul3A_253 : vector<16xf32>
        %mul3A_527 = arith.mulf %mul3A_524, %mul3A_256 : vector<16xf32>
        %mul3A_528 = arith.mulf %mul3A_524, %mul3A_260 : vector<16xf32>
        %mul3A_529 = arith.mulf %mul3A_524, %mul3A_264 : vector<16xf32>
        %mul3A_530 = arith.mulf %mul3A_524, %mul3A_277 : vector<16xf32>
        %mul3A_531 = arith.mulf %mul3A_524, %mul3A_281 : vector<16xf32>
        %mul3A_532 = arith.mulf %mul3A_524, %mul3A_290 : vector<16xf32>
        %broadcast_in_dim3A_533 = arith.constant 54 : i32
        %broadcast_in_dim3A_534 = vector.broadcast %broadcast_in_dim3A_533 : i32 to vector<16xi32>
        tpu.vector_store_idx %arg10[%add3A_143, %broadcast_in_dim3A_534], %mul3A_524 : memref<64x112xf32, #tpu.memory_space<vmem>>[vector<16xi32>, vector<16xi32>], vector<16xf32>,
        %broadcast_in_dim3A_535 = arith.constant 55 : i32
        %broadcast_in_dim3A_536 = vector.broadcast %broadcast_in_dim3A_535 : i32 to vector<16xi32>
        tpu.vector_store_idx %arg10[%add3A_143, %broadcast_in_dim3A_536], %mul3A_525 : memref<64x112xf32, #tpu.memory_space<vmem>>[vector<16xi32>, vector<16xi32>], vector<16xf32>,
        %broadcast_in_dim3A_537 = arith.constant 56 : i32
        %broadcast_in_dim3A_538 = vector.broadcast %broadcast_in_dim3A_537 : i32 to vector<16xi32>
        tpu.vector_store_idx %arg10[%add3A_143, %broadcast_in_dim3A_538], %mul3A_526 : memref<64x112xf32, #tpu.memory_space<vmem>>[vector<16xi32>, vector<16xi32>], vector<16xf32>,
        %broadcast_in_dim3A_539 = arith.constant 57 : i32
        %broadcast_in_dim3A_540 = vector.broadcast %broadcast_in_dim3A_539 : i32 to vector<16xi32>
        tpu.vector_store_idx %arg10[%add3A_143, %broadcast_in_dim3A_540], %mul3A_527 : memref<64x112xf32, #tpu.memory_space<vmem>>[vector<16xi32>, vector<16xi32>], vector<16xf32>,
        %broadcast_in_dim3A_541 = arith.constant 58 : i32
        %broadcast_in_dim3A_542 = vector.broadcast %broadcast_in_dim3A_541 : i32 to vector<16xi32>
        tpu.vector_store_idx %arg10[%add3A_143, %broadcast_in_dim3A_542], %mul3A_528 : memref<64x112xf32, #tpu.memory_space<vmem>>[vector<16xi32>, vector<16xi32>], vector<16xf32>,
        %broadcast_in_dim3A_543 = arith.constant 59 : i32
        %broadcast_in_dim3A_544 = vector.broadcast %broadcast_in_dim3A_543 : i32 to vector<16xi32>
        tpu.vector_store_idx %arg10[%add3A_143, %broadcast_in_dim3A_544], %mul3A_529 : memref<64x112xf32, #tpu.memory_space<vmem>>[vector<16xi32>, vector<16xi32>], vector<16xf32>,
        %broadcast_in_dim3A_545 = arith.constant 60 : i32
        %broadcast_in_dim3A_546 = vector.broadcast %broadcast_in_dim3A_545 : i32 to vector<16xi32>
        tpu.vector_store_idx %arg10[%add3A_143, %broadcast_in_dim3A_546], %mul3A_530 : memref<64x112xf32, #tpu.memory_space<vmem>>[vector<16xi32>, vector<16xi32>], vector<16xf32>,
        %broadcast_in_dim3A_547 = arith.constant 61 : i32
        %broadcast_in_dim3A_548 = vector.broadcast %broadcast_in_dim3A_547 : i32 to vector<16xi32>
        tpu.vector_store_idx %arg10[%add3A_143, %broadcast_in_dim3A_548], %mul3A_531 : memref<64x112xf32, #tpu.memory_space<vmem>>[vector<16xi32>, vector<16xi32>], vector<16xf32>,
        %broadcast_in_dim3A_549 = arith.constant 62 : i32
        %broadcast_in_dim3A_550 = vector.broadcast %broadcast_in_dim3A_549 : i32 to vector<16xi32>
        tpu.vector_store_idx %arg10[%add3A_143, %broadcast_in_dim3A_550], %mul3A_532 : memref<64x112xf32, #tpu.memory_space<vmem>>[vector<16xi32>, vector<16xi32>], vector<16xf32>,
        %sub3A_551 = arith.constant 2.29090905 : f32
        %sub3A_552 = vector.broadcast %sub3A_551 : f32 to vector<16xf32>
        %sub3A_553 = arith.subf %mul3A_188, %sub3A_552 : vector<16xf32>
        %mul3A_554 = arith.mulf %sub3A_553, %sub3A_553 : vector<16xf32>
        %mul3A_555 = arith.constant -1.250000e+01 : f32
        %mul3A_556 = vector.broadcast %mul3A_555 : f32 to vector<16xf32>
        %mul3A_557 = arith.mulf %mul3A_556, %mul3A_554 : vector<16xf32>
        %exp3A_558 = math.exp %mul3A_557 : vector<16xf32>
        %mul3A_559 = arith.mulf %select_n3A_247, %exp3A_558 : vector<16xf32>
        %mul3A_560 = arith.mulf %mul3A_559, %mul3A_250 : vector<16xf32>
        %mul3A_561 = arith.mulf %mul3A_559, %mul3A_253 : vector<16xf32>
        %mul3A_562 = arith.mulf %mul3A_559, %mul3A_256 : vector<16xf32>
        %mul3A_563 = arith.mulf %mul3A_559, %mul3A_260 : vector<16xf32>
        %mul3A_564 = arith.mulf %mul3A_559, %mul3A_264 : vector<16xf32>
        %mul3A_565 = arith.mulf %mul3A_559, %mul3A_277 : vector<16xf32>
        %mul3A_566 = arith.mulf %mul3A_559, %mul3A_281 : vector<16xf32>
        %mul3A_567 = arith.mulf %mul3A_559, %mul3A_290 : vector<16xf32>
        %broadcast_in_dim3A_568 = arith.constant 63 : i32
        %broadcast_in_dim3A_569 = vector.broadcast %broadcast_in_dim3A_568 : i32 to vector<16xi32>
        tpu.vector_store_idx %arg10[%add3A_143, %broadcast_in_dim3A_569], %mul3A_559 : memref<64x112xf32, #tpu.memory_space<vmem>>[vector<16xi32>, vector<16xi32>], vector<16xf32>,
        %broadcast_in_dim3A_570 = arith.constant 64 : i32
        %broadcast_in_dim3A_571 = vector.broadcast %broadcast_in_dim3A_570 : i32 to vector<16xi32>
        tpu.vector_store_idx %arg10[%add3A_143, %broadcast_in_dim3A_571], %mul3A_560 : memref<64x112xf32, #tpu.memory_space<vmem>>[vector<16xi32>, vector<16xi32>], vector<16xf32>,
        %broadcast_in_dim3A_572 = arith.constant 65 : i32
        %broadcast_in_dim3A_573 = vector.broadcast %broadcast_in_dim3A_572 : i32 to vector<16xi32>
        tpu.vector_store_idx %arg10[%add3A_143, %broadcast_in_dim3A_573], %mul3A_561 : memref<64x112xf32, #tpu.memory_space<vmem>>[vector<16xi32>, vector<16xi32>], vector<16xf32>,
        %broadcast_in_dim3A_574 = arith.constant 66 : i32
        %broadcast_in_dim3A_575 = vector.broadcast %broadcast_in_dim3A_574 : i32 to vector<16xi32>
        tpu.vector_store_idx %arg10[%add3A_143, %broadcast_in_dim3A_575], %mul3A_562 : memref<64x112xf32, #tpu.memory_space<vmem>>[vector<16xi32>, vector<16xi32>], vector<16xf32>,
        %broadcast_in_dim3A_576 = arith.constant 67 : i32
        %broadcast_in_dim3A_577 = vector.broadcast %broadcast_in_dim3A_576 : i32 to vector<16xi32>
        tpu.vector_store_idx %arg10[%add3A_143, %broadcast_in_dim3A_577], %mul3A_563 : memref<64x112xf32, #tpu.memory_space<vmem>>[vector<16xi32>, vector<16xi32>], vector<16xf32>,
        %broadcast_in_dim3A_578 = arith.constant 68 : i32
        %broadcast_in_dim3A_579 = vector.broadcast %broadcast_in_dim3A_578 : i32 to vector<16xi32>
        tpu.vector_store_idx %arg10[%add3A_143, %broadcast_in_dim3A_579], %mul3A_564 : memref<64x112xf32, #tpu.memory_space<vmem>>[vector<16xi32>, vector<16xi32>], vector<16xf32>,
        %broadcast_in_dim3A_580 = arith.constant 69 : i32
        %broadcast_in_dim3A_581 = vector.broadcast %broadcast_in_dim3A_580 : i32 to vector<16xi32>
        tpu.vector_store_idx %arg10[%add3A_143, %broadcast_in_dim3A_581], %mul3A_565 : memref<64x112xf32, #tpu.memory_space<vmem>>[vector<16xi32>, vector<16xi32>], vector<16xf32>,
        %broadcast_in_dim3A_582 = arith.constant 70 : i32
        %broadcast_in_dim3A_583 = vector.broadcast %broadcast_in_dim3A_582 : i32 to vector<16xi32>
        tpu.vector_store_idx %arg10[%add3A_143, %broadcast_in_dim3A_583], %mul3A_566 : memref<64x112xf32, #tpu.memory_space<vmem>>[vector<16xi32>, vector<16xi32>], vector<16xf32>,
        %broadcast_in_dim3A_584 = arith.constant 71 : i32
        %broadcast_in_dim3A_585 = vector.broadcast %broadcast_in_dim3A_584 : i32 to vector<16xi32>
        tpu.vector_store_idx %arg10[%add3A_143, %broadcast_in_dim3A_585], %mul3A_567 : memref<64x112xf32, #tpu.memory_space<vmem>>[vector<16xi32>, vector<16xi32>], vector<16xf32>,
        %sub3A_586 = arith.constant 2.61818171 : f32
        %sub3A_587 = vector.broadcast %sub3A_586 : f32 to vector<16xf32>
        %sub3A_588 = arith.subf %mul3A_188, %sub3A_587 : vector<16xf32>
        %mul3A_589 = arith.mulf %sub3A_588, %sub3A_588 : vector<16xf32>
        %mul3A_590 = arith.constant -1.250000e+01 : f32
        %mul3A_591 = vector.broadcast %mul3A_590 : f32 to vector<16xf32>
        %mul3A_592 = arith.mulf %mul3A_591, %mul3A_589 : vector<16xf32>
        %exp3A_593 = math.exp %mul3A_592 : vector<16xf32>
        %mul3A_594 = arith.mulf %select_n3A_247, %exp3A_593 : vector<16xf32>
        %mul3A_595 = arith.mulf %mul3A_594, %mul3A_250 : vector<16xf32>
        %mul3A_596 = arith.mulf %mul3A_594, %mul3A_253 : vector<16xf32>
        %mul3A_597 = arith.mulf %mul3A_594, %mul3A_256 : vector<16xf32>
        %mul3A_598 = arith.mulf %mul3A_594, %mul3A_260 : vector<16xf32>
        %mul3A_599 = arith.mulf %mul3A_594, %mul3A_264 : vector<16xf32>
        %mul3A_600 = arith.mulf %mul3A_594, %mul3A_277 : vector<16xf32>
        %mul3A_601 = arith.mulf %mul3A_594, %mul3A_281 : vector<16xf32>
        %mul3A_602 = arith.mulf %mul3A_594, %mul3A_290 : vector<16xf32>
        %broadcast_in_dim3A_603 = arith.constant 72 : i32
        %broadcast_in_dim3A_604 = vector.broadcast %broadcast_in_dim3A_603 : i32 to vector<16xi32>
        tpu.vector_store_idx %arg10[%add3A_143, %broadcast_in_dim3A_604], %mul3A_594 : memref<64x112xf32, #tpu.memory_space<vmem>>[vector<16xi32>, vector<16xi32>], vector<16xf32>,
        %broadcast_in_dim3A_605 = arith.constant 73 : i32
        %broadcast_in_dim3A_606 = vector.broadcast %broadcast_in_dim3A_605 : i32 to vector<16xi32>
        tpu.vector_store_idx %arg10[%add3A_143, %broadcast_in_dim3A_606], %mul3A_595 : memref<64x112xf32, #tpu.memory_space<vmem>>[vector<16xi32>, vector<16xi32>], vector<16xf32>,
        %broadcast_in_dim3A_607 = arith.constant 74 : i32
        %broadcast_in_dim3A_608 = vector.broadcast %broadcast_in_dim3A_607 : i32 to vector<16xi32>
        tpu.vector_store_idx %arg10[%add3A_143, %broadcast_in_dim3A_608], %mul3A_596 : memref<64x112xf32, #tpu.memory_space<vmem>>[vector<16xi32>, vector<16xi32>], vector<16xf32>,
        %broadcast_in_dim3A_609 = arith.constant 75 : i32
        %broadcast_in_dim3A_610 = vector.broadcast %broadcast_in_dim3A_609 : i32 to vector<16xi32>
        tpu.vector_store_idx %arg10[%add3A_143, %broadcast_in_dim3A_610], %mul3A_597 : memref<64x112xf32, #tpu.memory_space<vmem>>[vector<16xi32>, vector<16xi32>], vector<16xf32>,
        %broadcast_in_dim3A_611 = arith.constant 76 : i32
        %broadcast_in_dim3A_612 = vector.broadcast %broadcast_in_dim3A_611 : i32 to vector<16xi32>
        tpu.vector_store_idx %arg10[%add3A_143, %broadcast_in_dim3A_612], %mul3A_598 : memref<64x112xf32, #tpu.memory_space<vmem>>[vector<16xi32>, vector<16xi32>], vector<16xf32>,
        %broadcast_in_dim3A_613 = arith.constant 77 : i32
        %broadcast_in_dim3A_614 = vector.broadcast %broadcast_in_dim3A_613 : i32 to vector<16xi32>
        tpu.vector_store_idx %arg10[%add3A_143, %broadcast_in_dim3A_614], %mul3A_599 : memref<64x112xf32, #tpu.memory_space<vmem>>[vector<16xi32>, vector<16xi32>], vector<16xf32>,
        %broadcast_in_dim3A_615 = arith.constant 78 : i32
        %broadcast_in_dim3A_616 = vector.broadcast %broadcast_in_dim3A_615 : i32 to vector<16xi32>
        tpu.vector_store_idx %arg10[%add3A_143, %broadcast_in_dim3A_616], %mul3A_600 : memref<64x112xf32, #tpu.memory_space<vmem>>[vector<16xi32>, vector<16xi32>], vector<16xf32>,
        %broadcast_in_dim3A_617 = arith.constant 79 : i32
        %broadcast_in_dim3A_618 = vector.broadcast %broadcast_in_dim3A_617 : i32 to vector<16xi32>
        tpu.vector_store_idx %arg10[%add3A_143, %broadcast_in_dim3A_618], %mul3A_601 : memref<64x112xf32, #tpu.memory_space<vmem>>[vector<16xi32>, vector<16xi32>], vector<16xf32>,
        %broadcast_in_dim3A_619 = arith.constant 80 : i32
        %broadcast_in_dim3A_620 = vector.broadcast %broadcast_in_dim3A_619 : i32 to vector<16xi32>
        tpu.vector_store_idx %arg10[%add3A_143, %broadcast_in_dim3A_620], %mul3A_602 : memref<64x112xf32, #tpu.memory_space<vmem>>[vector<16xi32>, vector<16xi32>], vector<16xf32>,
        %sub3A_621 = arith.constant 2.9454546 : f32
        %sub3A_622 = vector.broadcast %sub3A_621 : f32 to vector<16xf32>
        %sub3A_623 = arith.subf %mul3A_188, %sub3A_622 : vector<16xf32>
        %mul3A_624 = arith.mulf %sub3A_623, %sub3A_623 : vector<16xf32>
        %mul3A_625 = arith.constant -1.250000e+01 : f32
        %mul3A_626 = vector.broadcast %mul3A_625 : f32 to vector<16xf32>
        %mul3A_627 = arith.mulf %mul3A_626, %mul3A_624 : vector<16xf32>
        %exp3A_628 = math.exp %mul3A_627 : vector<16xf32>
        %mul3A_629 = arith.mulf %select_n3A_247, %exp3A_628 : vector<16xf32>
        %mul3A_630 = arith.mulf %mul3A_629, %mul3A_250 : vector<16xf32>
        %mul3A_631 = arith.mulf %mul3A_629, %mul3A_253 : vector<16xf32>
        %mul3A_632 = arith.mulf %mul3A_629, %mul3A_256 : vector<16xf32>
        %mul3A_633 = arith.mulf %mul3A_629, %mul3A_260 : vector<16xf32>
        %mul3A_634 = arith.mulf %mul3A_629, %mul3A_264 : vector<16xf32>
        %mul3A_635 = arith.mulf %mul3A_629, %mul3A_277 : vector<16xf32>
        %mul3A_636 = arith.mulf %mul3A_629, %mul3A_281 : vector<16xf32>
        %mul3A_637 = arith.mulf %mul3A_629, %mul3A_290 : vector<16xf32>
        %broadcast_in_dim3A_638 = arith.constant 81 : i32
        %broadcast_in_dim3A_639 = vector.broadcast %broadcast_in_dim3A_638 : i32 to vector<16xi32>
        tpu.vector_store_idx %arg10[%add3A_143, %broadcast_in_dim3A_639], %mul3A_629 : memref<64x112xf32, #tpu.memory_space<vmem>>[vector<16xi32>, vector<16xi32>], vector<16xf32>,
        %broadcast_in_dim3A_640 = arith.constant 82 : i32
        %broadcast_in_dim3A_641 = vector.broadcast %broadcast_in_dim3A_640 : i32 to vector<16xi32>
        tpu.vector_store_idx %arg10[%add3A_143, %broadcast_in_dim3A_641], %mul3A_630 : memref<64x112xf32, #tpu.memory_space<vmem>>[vector<16xi32>, vector<16xi32>], vector<16xf32>,
        %broadcast_in_dim3A_642 = arith.constant 83 : i32
        %broadcast_in_dim3A_643 = vector.broadcast %broadcast_in_dim3A_642 : i32 to vector<16xi32>
        tpu.vector_store_idx %arg10[%add3A_143, %broadcast_in_dim3A_643], %mul3A_631 : memref<64x112xf32, #tpu.memory_space<vmem>>[vector<16xi32>, vector<16xi32>], vector<16xf32>,
        %broadcast_in_dim3A_644 = arith.constant 84 : i32
        %broadcast_in_dim3A_645 = vector.broadcast %broadcast_in_dim3A_644 : i32 to vector<16xi32>
        tpu.vector_store_idx %arg10[%add3A_143, %broadcast_in_dim3A_645], %mul3A_632 : memref<64x112xf32, #tpu.memory_space<vmem>>[vector<16xi32>, vector<16xi32>], vector<16xf32>,
        %broadcast_in_dim3A_646 = arith.constant 85 : i32
        %broadcast_in_dim3A_647 = vector.broadcast %broadcast_in_dim3A_646 : i32 to vector<16xi32>
        tpu.vector_store_idx %arg10[%add3A_143, %broadcast_in_dim3A_647], %mul3A_633 : memref<64x112xf32, #tpu.memory_space<vmem>>[vector<16xi32>, vector<16xi32>], vector<16xf32>,
        %broadcast_in_dim3A_648 = arith.constant 86 : i32
        %broadcast_in_dim3A_649 = vector.broadcast %broadcast_in_dim3A_648 : i32 to vector<16xi32>
        tpu.vector_store_idx %arg10[%add3A_143, %broadcast_in_dim3A_649], %mul3A_634 : memref<64x112xf32, #tpu.memory_space<vmem>>[vector<16xi32>, vector<16xi32>], vector<16xf32>,
        %broadcast_in_dim3A_650 = arith.constant 87 : i32
        %broadcast_in_dim3A_651 = vector.broadcast %broadcast_in_dim3A_650 : i32 to vector<16xi32>
        tpu.vector_store_idx %arg10[%add3A_143, %broadcast_in_dim3A_651], %mul3A_635 : memref<64x112xf32, #tpu.memory_space<vmem>>[vector<16xi32>, vector<16xi32>], vector<16xf32>,
        %broadcast_in_dim3A_652 = arith.constant 88 : i32
        %broadcast_in_dim3A_653 = vector.broadcast %broadcast_in_dim3A_652 : i32 to vector<16xi32>
        tpu.vector_store_idx %arg10[%add3A_143, %broadcast_in_dim3A_653], %mul3A_636 : memref<64x112xf32, #tpu.memory_space<vmem>>[vector<16xi32>, vector<16xi32>], vector<16xf32>,
        %broadcast_in_dim3A_654 = arith.constant 89 : i32
        %broadcast_in_dim3A_655 = vector.broadcast %broadcast_in_dim3A_654 : i32 to vector<16xi32>
        tpu.vector_store_idx %arg10[%add3A_143, %broadcast_in_dim3A_655], %mul3A_637 : memref<64x112xf32, #tpu.memory_space<vmem>>[vector<16xi32>, vector<16xi32>], vector<16xf32>,
        %sub3A_656 = arith.constant 3.27272725 : f32
        %sub3A_657 = vector.broadcast %sub3A_656 : f32 to vector<16xf32>
        %sub3A_658 = arith.subf %mul3A_188, %sub3A_657 : vector<16xf32>
        %mul3A_659 = arith.mulf %sub3A_658, %sub3A_658 : vector<16xf32>
        %mul3A_660 = arith.constant -1.250000e+01 : f32
        %mul3A_661 = vector.broadcast %mul3A_660 : f32 to vector<16xf32>
        %mul3A_662 = arith.mulf %mul3A_661, %mul3A_659 : vector<16xf32>
        %exp3A_663 = math.exp %mul3A_662 : vector<16xf32>
        %mul3A_664 = arith.mulf %select_n3A_247, %exp3A_663 : vector<16xf32>
        %mul3A_665 = arith.mulf %mul3A_664, %mul3A_250 : vector<16xf32>
        %mul3A_666 = arith.mulf %mul3A_664, %mul3A_253 : vector<16xf32>
        %mul3A_667 = arith.mulf %mul3A_664, %mul3A_256 : vector<16xf32>
        %mul3A_668 = arith.mulf %mul3A_664, %mul3A_260 : vector<16xf32>
        %mul3A_669 = arith.mulf %mul3A_664, %mul3A_264 : vector<16xf32>
        %mul3A_670 = arith.mulf %mul3A_664, %mul3A_277 : vector<16xf32>
        %mul3A_671 = arith.mulf %mul3A_664, %mul3A_281 : vector<16xf32>
        %mul3A_672 = arith.mulf %mul3A_664, %mul3A_290 : vector<16xf32>
        %broadcast_in_dim3A_673 = arith.constant 90 : i32
        %broadcast_in_dim3A_674 = vector.broadcast %broadcast_in_dim3A_673 : i32 to vector<16xi32>
        tpu.vector_store_idx %arg10[%add3A_143, %broadcast_in_dim3A_674], %mul3A_664 : memref<64x112xf32, #tpu.memory_space<vmem>>[vector<16xi32>, vector<16xi32>], vector<16xf32>,
        %broadcast_in_dim3A_675 = arith.constant 91 : i32
        %broadcast_in_dim3A_676 = vector.broadcast %broadcast_in_dim3A_675 : i32 to vector<16xi32>
        tpu.vector_store_idx %arg10[%add3A_143, %broadcast_in_dim3A_676], %mul3A_665 : memref<64x112xf32, #tpu.memory_space<vmem>>[vector<16xi32>, vector<16xi32>], vector<16xf32>,
        %broadcast_in_dim3A_677 = arith.constant 92 : i32
        %broadcast_in_dim3A_678 = vector.broadcast %broadcast_in_dim3A_677 : i32 to vector<16xi32>
        tpu.vector_store_idx %arg10[%add3A_143, %broadcast_in_dim3A_678], %mul3A_666 : memref<64x112xf32, #tpu.memory_space<vmem>>[vector<16xi32>, vector<16xi32>], vector<16xf32>,
        %broadcast_in_dim3A_679 = arith.constant 93 : i32
        %broadcast_in_dim3A_680 = vector.broadcast %broadcast_in_dim3A_679 : i32 to vector<16xi32>
        tpu.vector_store_idx %arg10[%add3A_143, %broadcast_in_dim3A_680], %mul3A_667 : memref<64x112xf32, #tpu.memory_space<vmem>>[vector<16xi32>, vector<16xi32>], vector<16xf32>,
        %broadcast_in_dim3A_681 = arith.constant 94 : i32
        %broadcast_in_dim3A_682 = vector.broadcast %broadcast_in_dim3A_681 : i32 to vector<16xi32>
        tpu.vector_store_idx %arg10[%add3A_143, %broadcast_in_dim3A_682], %mul3A_668 : memref<64x112xf32, #tpu.memory_space<vmem>>[vector<16xi32>, vector<16xi32>], vector<16xf32>,
        %broadcast_in_dim3A_683 = arith.constant 95 : i32
        %broadcast_in_dim3A_684 = vector.broadcast %broadcast_in_dim3A_683 : i32 to vector<16xi32>
        tpu.vector_store_idx %arg10[%add3A_143, %broadcast_in_dim3A_684], %mul3A_669 : memref<64x112xf32, #tpu.memory_space<vmem>>[vector<16xi32>, vector<16xi32>], vector<16xf32>,
        %broadcast_in_dim3A_685 = arith.constant 96 : i32
        %broadcast_in_dim3A_686 = vector.broadcast %broadcast_in_dim3A_685 : i32 to vector<16xi32>
        tpu.vector_store_idx %arg10[%add3A_143, %broadcast_in_dim3A_686], %mul3A_670 : memref<64x112xf32, #tpu.memory_space<vmem>>[vector<16xi32>, vector<16xi32>], vector<16xf32>,
        %broadcast_in_dim3A_687 = arith.constant 97 : i32
        %broadcast_in_dim3A_688 = vector.broadcast %broadcast_in_dim3A_687 : i32 to vector<16xi32>
        tpu.vector_store_idx %arg10[%add3A_143, %broadcast_in_dim3A_688], %mul3A_671 : memref<64x112xf32, #tpu.memory_space<vmem>>[vector<16xi32>, vector<16xi32>], vector<16xf32>,
        %broadcast_in_dim3A_689 = arith.constant 98 : i32
        %broadcast_in_dim3A_690 = vector.broadcast %broadcast_in_dim3A_689 : i32 to vector<16xi32>
        tpu.vector_store_idx %arg10[%add3A_143, %broadcast_in_dim3A_690], %mul3A_672 : memref<64x112xf32, #tpu.memory_space<vmem>>[vector<16xi32>, vector<16xi32>], vector<16xf32>,
        %sub3A_691 = arith.constant 3.600000e+00 : f32
        %sub3A_692 = vector.broadcast %sub3A_691 : f32 to vector<16xf32>
        %sub3A_693 = arith.subf %mul3A_188, %sub3A_692 : vector<16xf32>
        %mul3A_694 = arith.mulf %sub3A_693, %sub3A_693 : vector<16xf32>
        %mul3A_695 = arith.constant -1.250000e+01 : f32
        %mul3A_696 = vector.broadcast %mul3A_695 : f32 to vector<16xf32>
        %mul3A_697 = arith.mulf %mul3A_696, %mul3A_694 : vector<16xf32>
        %exp3A_698 = math.exp %mul3A_697 : vector<16xf32>
        %mul3A_699 = arith.mulf %select_n3A_247, %exp3A_698 : vector<16xf32>
        %mul3A_700 = arith.mulf %mul3A_699, %mul3A_250 : vector<16xf32>
        %mul3A_701 = arith.mulf %mul3A_699, %mul3A_253 : vector<16xf32>
        %mul3A_702 = arith.mulf %mul3A_699, %mul3A_256 : vector<16xf32>
        %mul3A_703 = arith.mulf %mul3A_699, %mul3A_260 : vector<16xf32>
        %mul3A_704 = arith.mulf %mul3A_699, %mul3A_264 : vector<16xf32>
        %mul3A_705 = arith.mulf %mul3A_699, %mul3A_277 : vector<16xf32>
        %mul3A_706 = arith.mulf %mul3A_699, %mul3A_281 : vector<16xf32>
        %mul3A_707 = arith.mulf %mul3A_699, %mul3A_290 : vector<16xf32>
        %broadcast_in_dim3A_708 = arith.constant 99 : i32
        %broadcast_in_dim3A_709 = vector.broadcast %broadcast_in_dim3A_708 : i32 to vector<16xi32>
        tpu.vector_store_idx %arg10[%add3A_143, %broadcast_in_dim3A_709], %mul3A_699 : memref<64x112xf32, #tpu.memory_space<vmem>>[vector<16xi32>, vector<16xi32>], vector<16xf32>,
        %broadcast_in_dim3A_710 = arith.constant 100 : i32
        %broadcast_in_dim3A_711 = vector.broadcast %broadcast_in_dim3A_710 : i32 to vector<16xi32>
        tpu.vector_store_idx %arg10[%add3A_143, %broadcast_in_dim3A_711], %mul3A_700 : memref<64x112xf32, #tpu.memory_space<vmem>>[vector<16xi32>, vector<16xi32>], vector<16xf32>,
        %broadcast_in_dim3A_712 = arith.constant 101 : i32
        %broadcast_in_dim3A_713 = vector.broadcast %broadcast_in_dim3A_712 : i32 to vector<16xi32>
        tpu.vector_store_idx %arg10[%add3A_143, %broadcast_in_dim3A_713], %mul3A_701 : memref<64x112xf32, #tpu.memory_space<vmem>>[vector<16xi32>, vector<16xi32>], vector<16xf32>,
        %broadcast_in_dim3A_714 = arith.constant 102 : i32
        %broadcast_in_dim3A_715 = vector.broadcast %broadcast_in_dim3A_714 : i32 to vector<16xi32>
        tpu.vector_store_idx %arg10[%add3A_143, %broadcast_in_dim3A_715], %mul3A_702 : memref<64x112xf32, #tpu.memory_space<vmem>>[vector<16xi32>, vector<16xi32>], vector<16xf32>,
        %broadcast_in_dim3A_716 = arith.constant 103 : i32
        %broadcast_in_dim3A_717 = vector.broadcast %broadcast_in_dim3A_716 : i32 to vector<16xi32>
        tpu.vector_store_idx %arg10[%add3A_143, %broadcast_in_dim3A_717], %mul3A_703 : memref<64x112xf32, #tpu.memory_space<vmem>>[vector<16xi32>, vector<16xi32>], vector<16xf32>,
        %broadcast_in_dim3A_718 = arith.constant 104 : i32
        %broadcast_in_dim3A_719 = vector.broadcast %broadcast_in_dim3A_718 : i32 to vector<16xi32>
        tpu.vector_store_idx %arg10[%add3A_143, %broadcast_in_dim3A_719], %mul3A_704 : memref<64x112xf32, #tpu.memory_space<vmem>>[vector<16xi32>, vector<16xi32>], vector<16xf32>,
        %broadcast_in_dim3A_720 = arith.constant 105 : i32
        %broadcast_in_dim3A_721 = vector.broadcast %broadcast_in_dim3A_720 : i32 to vector<16xi32>
        tpu.vector_store_idx %arg10[%add3A_143, %broadcast_in_dim3A_721], %mul3A_705 : memref<64x112xf32, #tpu.memory_space<vmem>>[vector<16xi32>, vector<16xi32>], vector<16xf32>,
        %broadcast_in_dim3A_722 = arith.constant 106 : i32
        %broadcast_in_dim3A_723 = vector.broadcast %broadcast_in_dim3A_722 : i32 to vector<16xi32>
        tpu.vector_store_idx %arg10[%add3A_143, %broadcast_in_dim3A_723], %mul3A_706 : memref<64x112xf32, #tpu.memory_space<vmem>>[vector<16xi32>, vector<16xi32>], vector<16xf32>,
        %broadcast_in_dim3A_724 = arith.constant 107 : i32
        %broadcast_in_dim3A_725 = vector.broadcast %broadcast_in_dim3A_724 : i32 to vector<16xi32>
        tpu.vector_store_idx %arg10[%add3A_143, %broadcast_in_dim3A_725], %mul3A_707 : memref<64x112xf32, #tpu.memory_space<vmem>>[vector<16xi32>, vector<16xi32>], vector<16xf32>,
      }
      %scan3A_95 = arith.constant 4 : i32
      %add3A_96 = arith.constant 1 : i32
      %add3A_97 = arith.addi %add3A_79, %add3A_96 : i32
      %lt3A_98 = arith.constant 160 : i32
      %lt3A_99 = arith.cmpi slt, %add3A_97, %lt3A_98 : i32
      %convert_element_type3A_100 = arith.extui %lt3A_99 : i1 to i32
      %cond3A_101 = arith.constant 0 : i32
      %cond3A_102 = arith.cmpi ne, %convert_element_type3A_100, %cond3A_101 : i32
      scf.if %cond3A_102 {
        %add3A_137 = arith.constant 1 : i32
        %add3A_138 = arith.addi %add3A_79, %add3A_137 : i32
        %mul3A_139 = arith.constant 64 : i32
        %mul3A_140 = arith.muli %add3A_138, %mul3A_139 : i32
        %add3A_141 = arith.addi %mul3A_44, %mul3A_140 : i32
        "tpu.region"() ({
          %run_scoped3A = tpu.sem_alloc : memref<!tpu.dma_semaphore, #tpu.memory_space<semaphore_mem>>
          %dma_start3A_148 = tpu.memref_slice %arg3[%add3A_141] : memref<163840xi32, #tpu.memory_space<hbm>> -> memref<64xi32, #tpu.memory_space<hbm>>
          %dma_start3A_149 = tpu.memref_slice %arg3[%add3A_141] : memref<163840xi32, #tpu.memory_space<hbm>> -> memref<64xi32, #tpu.memory_space<hbm>>
          tpu.enqueue_dma source(%dma_start3A_149 : memref<64xi32, #tpu.memory_space<hbm>>) target(%arg12 : memref<64xi32, #tpu.memory_space<vmem>>) target_semaphore(%run_scoped3A : memref<!tpu.dma_semaphore, #tpu.memory_space<semaphore_mem>>)
          %dma_wait3A_150 = tpu.memref_slice %arg3[%add3A_141] : memref<163840xi32, #tpu.memory_space<hbm>> -> memref<64xi32, #tpu.memory_space<hbm>>
          %dma_wait3A_151 = tpu.memref_slice %arg3[%add3A_141] : memref<163840xi32, #tpu.memory_space<hbm>> -> memref<64xi32, #tpu.memory_space<hbm>>
          tpu.wait_dma2 semaphore(%run_scoped3A : memref<!tpu.dma_semaphore, #tpu.memory_space<semaphore_mem>>) src(%dma_wait3A_151 : memref<64xi32, #tpu.memory_space<hbm>>) dst(%arg12 : memref<64xi32, #tpu.memory_space<vmem>>)
          tpu.yield
        }) : () -> ()
        "tpu.region"() ({
          %run_scoped3A = tpu.sem_alloc : memref<!tpu.dma_semaphore, #tpu.memory_space<semaphore_mem>>
          %dma_start3A_148 = tpu.memref_slice %arg4[%add3A_141] : memref<163840xi32, #tpu.memory_space<hbm>> -> memref<64xi32, #tpu.memory_space<hbm>>
          %dma_start3A_149 = tpu.memref_slice %arg4[%add3A_141] : memref<163840xi32, #tpu.memory_space<hbm>> -> memref<64xi32, #tpu.memory_space<hbm>>
          tpu.enqueue_dma source(%dma_start3A_149 : memref<64xi32, #tpu.memory_space<hbm>>) target(%arg13 : memref<64xi32, #tpu.memory_space<vmem>>) target_semaphore(%run_scoped3A : memref<!tpu.dma_semaphore, #tpu.memory_space<semaphore_mem>>)
          %dma_wait3A_150 = tpu.memref_slice %arg4[%add3A_141] : memref<163840xi32, #tpu.memory_space<hbm>> -> memref<64xi32, #tpu.memory_space<hbm>>
          %dma_wait3A_151 = tpu.memref_slice %arg4[%add3A_141] : memref<163840xi32, #tpu.memory_space<hbm>> -> memref<64xi32, #tpu.memory_space<hbm>>
          tpu.wait_dma2 semaphore(%run_scoped3A : memref<!tpu.dma_semaphore, #tpu.memory_space<semaphore_mem>>) src(%dma_wait3A_151 : memref<64xi32, #tpu.memory_space<hbm>>) dst(%arg13 : memref<64xi32, #tpu.memory_space<vmem>>)
          tpu.yield
        }) : () -> ()
        %dma_start3A_142 = arith.constant 0 : i32
        %dma_start3A_143 = arith.constant 0 : i32
        %dma_start3A_144 = tpu.memref_slice %arg2[%dma_start3A_142, %dma_start3A_143] : memref<10016x16xf32, #tpu.memory_space<hbm>> -> memref<10016x16xf32, #tpu.memory_space<hbm>>
        tpu.enqueue_indirect_dma source(%dma_start3A_144 : memref<10016x16xf32, #tpu.memory_space<hbm>>) target(%arg14 : memref<64x16xf32, #tpu.memory_space<vmem>>) offsets(%arg12 : memref<64xi32, #tpu.memory_space<vmem>>) semaphore(%arg19 : memref<!tpu.dma_semaphore, #tpu.memory_space<semaphore_mem>>)
        %dma_start3A_145 = arith.constant 0 : i32
        %dma_start3A_146 = arith.constant 0 : i32
        %dma_start3A_147 = tpu.memref_slice %arg2[%dma_start3A_145, %dma_start3A_146] : memref<10016x16xf32, #tpu.memory_space<hbm>> -> memref<10016x16xf32, #tpu.memory_space<hbm>>
        tpu.enqueue_indirect_dma source(%dma_start3A_147 : memref<10016x16xf32, #tpu.memory_space<hbm>>) target(%arg15 : memref<64x16xf32, #tpu.memory_space<vmem>>) offsets(%arg13 : memref<64xi32, #tpu.memory_space<vmem>>) semaphore(%arg19 : memref<!tpu.dma_semaphore, #tpu.memory_space<semaphore_mem>>)
      } else {
      }
      %dma_start3A_103 = arith.constant 0 : i32
      %dma_start3A_104 = arith.constant 0 : i32
      %dma_start3A_105 = tpu.memref_slice %arg22[%dma_start3A_103, %dma_start3A_104] : memref<15104x112xf32, #tpu.memory_space<vmem_shared>> -> memref<15104x112xf32, #tpu.memory_space<vmem_shared>>
      tpu.enqueue_indirect_dma source(%arg10 : memref<64x112xf32, #tpu.memory_space<vmem>>) target(%dma_start3A_105 : memref<15104x112xf32, #tpu.memory_space<vmem_shared>>) offsets(%arg11 : memref<64xi32, #tpu.memory_space<vmem>>) semaphore(%arg20 : memref<!tpu.dma_semaphore, #tpu.memory_space<semaphore_mem>>) {add = true}
      %mul3A_106 = arith.constant 2 : i32
      %mul3A_107 = arith.muli %mul3A_106, %scan3A_75 : i32
      %add3A_108 = arith.constant 1 : i32
      %add3A_109 = arith.addi %mul3A_107, %add3A_108 : i32
      %ge3A_110 = arith.constant 2 : i32
      %ge3A_111 = arith.cmpi sge, %add3A_109, %ge3A_110 : i32
      %convert_element_type3A_112 = arith.extui %ge3A_111 : i1 to i32
      %cond3A_113 = arith.constant 0 : i32
      %cond3A_114 = arith.cmpi ne, %convert_element_type3A_112, %cond3A_113 : i32
      scf.if %cond3A_114 {
        %dma_wait3A_137 = arith.constant 0 : i32
        %dma_wait3A_138 = arith.constant 0 : i32
        %dma_wait3A_139 = tpu.memref_slice %arg22[%dma_wait3A_137, %dma_wait3A_138] : memref<15104x112xf32, #tpu.memory_space<vmem_shared>> -> memref<15104x112xf32, #tpu.memory_space<vmem_shared>>
        tpu.wait_indirect_dma semaphore(%arg21 : memref<!tpu.dma_semaphore, #tpu.memory_space<semaphore_mem>>) src(%arg16 : memref<64x112xf32, #tpu.memory_space<vmem>>) dst(%dma_wait3A_139 : memref<15104x112xf32, #tpu.memory_space<vmem_shared>>)
      } else {
      }
      %dma_wait3A_115 = arith.constant 0 : i32
      %dma_wait3A_116 = arith.constant 0 : i32
      %dma_wait3A_117 = tpu.memref_slice %arg2[%dma_wait3A_115, %dma_wait3A_116] : memref<10016x16xf32, #tpu.memory_space<hbm>> -> memref<10016x16xf32, #tpu.memory_space<hbm>>
      tpu.wait_indirect_dma semaphore(%arg19 : memref<!tpu.dma_semaphore, #tpu.memory_space<semaphore_mem>>) src(%dma_wait3A_117 : memref<10016x16xf32, #tpu.memory_space<hbm>>) dst(%arg14 : memref<64x16xf32, #tpu.memory_space<vmem>>)
      %dma_wait3A_118 = arith.constant 0 : i32
      %dma_wait3A_119 = arith.constant 0 : i32
      %dma_wait3A_120 = tpu.memref_slice %arg2[%dma_wait3A_118, %dma_wait3A_119] : memref<10016x16xf32, #tpu.memory_space<hbm>> -> memref<10016x16xf32, #tpu.memory_space<hbm>>
      tpu.wait_indirect_dma semaphore(%arg19 : memref<!tpu.dma_semaphore, #tpu.memory_space<semaphore_mem>>) src(%dma_wait3A_120 : memref<10016x16xf32, #tpu.memory_space<hbm>>) dst(%arg15 : memref<64x16xf32, #tpu.memory_space<vmem>>)
      %scan3A_121 = arith.constant 0 : i32
      %scan3A_122 = arith.constant 0 : i32
      %scan3A_123 = arith.constant 4 : i32
      %scan3A_124 = arith.addi %scan3A_122, %scan3A_123 : i32
      %scan3A_125 = arith.constant 1 : i32
      scf.for %scan3A_137 = %scan3A_122 to %scan3A_124 step %scan3A_125  : i32 {
        %mul3A_138 = arith.constant 16 : i32
        %mul3A_139 = arith.muli %scan3A_137, %mul3A_138 : i32
        %mul3A_140 = arith.constant 16 : i32
        %mul3A_141 = arith.muli %scan3A_137, %mul3A_140 : i32
        %iota3A = tpu.iota {dimensions = array<i32: 0>} : vector<16xi32>
        %add3A_142 = vector.broadcast %mul3A_141 : i32 to vector<16xi32>
        %add3A_143 = arith.addi %add3A_142, %iota3A : vector<16xi32>
        %get3A = arith.index_cast %mul3A_139 : i32 to index
        %get3A_144 = tpu.vector_load %arg13[%get3A] {strides = array<i32>} : memref<64xi32, #tpu.memory_space<vmem>>, vector<16xi32>,
        %broadcast_in_dim3A = arith.constant 0 : i32
        %broadcast_in_dim3A_145 = vector.broadcast %broadcast_in_dim3A : i32 to vector<16xi32>
        %broadcast_in_dim3A_146 = arith.constant 1 : i32
        %broadcast_in_dim3A_147 = vector.broadcast %broadcast_in_dim3A_146 : i32 to vector<16xi32>
        %broadcast_in_dim3A_148 = arith.constant 2 : i32
        %broadcast_in_dim3A_149 = vector.broadcast %broadcast_in_dim3A_148 : i32 to vector<16xi32>
        %broadcast_in_dim3A_150 = arith.constant 3 : i32
        %broadcast_in_dim3A_151 = vector.broadcast %broadcast_in_dim3A_150 : i32 to vector<16xi32>
        %gather3A = tpu.vector_load_idx %arg14[%add3A_143, %broadcast_in_dim3A_151] : memref<64x16xf32, #tpu.memory_space<vmem>>[vector<16xi32>, vector<16xi32>], vector<16xf32>,
        %convert_element_type3A_152 = arith.fptosi %gather3A : vector<16xf32> to vector<16xi32>
        %gather3A_153 = tpu.vector_load_idx %arg15[%add3A_143, %broadcast_in_dim3A_145] : memref<64x16xf32, #tpu.memory_space<vmem>>[vector<16xi32>, vector<16xi32>], vector<16xf32>,
        %gather3A_154 = tpu.vector_load_idx %arg14[%add3A_143, %broadcast_in_dim3A_145] : memref<64x16xf32, #tpu.memory_space<vmem>>[vector<16xi32>, vector<16xi32>], vector<16xf32>,
        %sub3A = arith.subf %gather3A_153, %gather3A_154 : vector<16xf32>
        %gather3A_155 = tpu.vector_load_idx %arg15[%add3A_143, %broadcast_in_dim3A_147] : memref<64x16xf32, #tpu.memory_space<vmem>>[vector<16xi32>, vector<16xi32>], vector<16xf32>,
        %gather3A_156 = tpu.vector_load_idx %arg14[%add3A_143, %broadcast_in_dim3A_147] : memref<64x16xf32, #tpu.memory_space<vmem>>[vector<16xi32>, vector<16xi32>], vector<16xf32>,
        %sub3A_157 = arith.subf %gather3A_155, %gather3A_156 : vector<16xf32>
        %gather3A_158 = tpu.vector_load_idx %arg15[%add3A_143, %broadcast_in_dim3A_149] : memref<64x16xf32, #tpu.memory_space<vmem>>[vector<16xi32>, vector<16xi32>], vector<16xf32>,
        %gather3A_159 = tpu.vector_load_idx %arg14[%add3A_143, %broadcast_in_dim3A_149] : memref<64x16xf32, #tpu.memory_space<vmem>>[vector<16xi32>, vector<16xi32>], vector<16xf32>,
        %sub3A_160 = arith.subf %gather3A_158, %gather3A_159 : vector<16xf32>
        %mul3A_161 = arith.mulf %sub3A, %sub3A : vector<16xf32>
        %mul3A_162 = arith.mulf %sub3A_157, %sub3A_157 : vector<16xf32>
        %add3A_163 = arith.addf %mul3A_161, %mul3A_162 : vector<16xf32>
        %mul3A_164 = arith.mulf %sub3A_160, %sub3A_160 : vector<16xf32>
        %add3A_165 = arith.addf %add3A_163, %mul3A_164 : vector<16xf32>
        %add3A_166 = arith.constant 9.99999996E-13 : f32
        %add3A_167 = vector.broadcast %add3A_166 : f32 to vector<16xf32>
        %add3A_168 = arith.addf %add3A_165, %add3A_167 : vector<16xf32>
        %bitcast_convert_type3A = tpu.bitcast %add3A_168 : vector<16xf32> -> vector<16xi32>
        %shift_right_logical3A = arith.constant 1 : i32
        %shift_right_logical3A_169 = vector.broadcast %shift_right_logical3A : i32 to vector<16xi32>
        %shift_right_logical3A_170 = arith.shrui %bitcast_convert_type3A, %shift_right_logical3A_169 : vector<16xi32>
        %add3A_171 = arith.constant 532487669 : i32
        %add3A_172 = vector.broadcast %add3A_171 : i32 to vector<16xi32>
        %add3A_173 = arith.addi %add3A_172, %shift_right_logical3A_170 : vector<16xi32>
        %bitcast_convert_type3A_174 = tpu.bitcast %add3A_173 : vector<16xi32> -> vector<16xf32>
        %div3A = arith.divf %add3A_168, %bitcast_convert_type3A_174 : vector<16xf32>
        %add3A_175 = arith.addf %bitcast_convert_type3A_174, %div3A : vector<16xf32>
        %mul3A_176 = arith.constant 5.000000e-01 : f32
        %mul3A_177 = vector.broadcast %mul3A_176 : f32 to vector<16xf32>
        %mul3A_178 = arith.mulf %mul3A_177, %add3A_175 : vector<16xf32>
        %div3A_179 = arith.divf %add3A_168, %mul3A_178 : vector<16xf32>
        %add3A_180 = arith.addf %mul3A_178, %div3A_179 : vector<16xf32>
        %mul3A_181 = arith.constant 5.000000e-01 : f32
        %mul3A_182 = vector.broadcast %mul3A_181 : f32 to vector<16xf32>
        %mul3A_183 = arith.mulf %mul3A_182, %add3A_180 : vector<16xf32>
        %div3A_184 = arith.divf %add3A_168, %mul3A_183 : vector<16xf32>
        %add3A_185 = arith.addf %mul3A_183, %div3A_184 : vector<16xf32>
        %mul3A_186 = arith.constant 5.000000e-01 : f32
        %mul3A_187 = vector.broadcast %mul3A_186 : f32 to vector<16xf32>
        %mul3A_188 = arith.mulf %mul3A_187, %add3A_185 : vector<16xf32>
        %div3A_189 = arith.constant 1.000000e+00 : f32
        %div3A_190 = vector.broadcast %div3A_189 : f32 to vector<16xf32>
        %div3A_191 = arith.divf %div3A_190, %mul3A_188 : vector<16xf32>
        %mul3A_192 = arith.mulf %sub3A, %div3A_191 : vector<16xf32>
        %mul3A_193 = arith.mulf %sub3A_157, %div3A_191 : vector<16xf32>
        %mul3A_194 = arith.mulf %sub3A_160, %div3A_191 : vector<16xf32>
        %sub3A_195 = arith.constant 3.300000e+00 : f32
        %sub3A_196 = vector.broadcast %sub3A_195 : f32 to vector<16xf32>
        %sub3A_197 = arith.subf %mul3A_188, %sub3A_196 : vector<16xf32>
        %mul3A_198 = arith.constant 10.4719753 : f32
        %mul3A_199 = vector.broadcast %mul3A_198 : f32 to vector<16xf32>
        %mul3A_200 = arith.mulf %mul3A_199, %sub3A_197 : vector<16xf32>
        %sub3A_201 = arith.constant 3.14159274 : f32
        %sub3A_202 = vector.broadcast %sub3A_201 : f32 to vector<16xf32>
        %sub3A_203 = arith.subf %sub3A_202, %mul3A_200 : vector<16xf32>
        %min3A = arith.minimumf %mul3A_200, %sub3A_203 : vector<16xf32>
        %mul3A_204 = arith.mulf %min3A, %min3A : vector<16xf32>
        %mul3A_205 = arith.constant -2.755732E-7 : f32
        %mul3A_206 = vector.broadcast %mul3A_205 : f32 to vector<16xf32>
        %mul3A_207 = arith.mulf %mul3A_204, %mul3A_206 : vector<16xf32>
        %add3A_208 = arith.constant 2.48015876E-5 : f32
        %add3A_209 = vector.broadcast %add3A_208 : f32 to vector<16xf32>
        %add3A_210 = arith.addf %add3A_209, %mul3A_207 : vector<16xf32>
        %mul3A_211 = arith.mulf %mul3A_204, %add3A_210 : vector<16xf32>
        %add3A_212 = arith.constant -0.00138888892 : f32
        %add3A_213 = vector.broadcast %add3A_212 : f32 to vector<16xf32>
        %add3A_214 = arith.addf %add3A_213, %mul3A_211 : vector<16xf32>
        %mul3A_215 = arith.mulf %mul3A_204, %add3A_214 : vector<16xf32>
        %add3A_216 = arith.constant 0.0416666679 : f32
        %add3A_217 = vector.broadcast %add3A_216 : f32 to vector<16xf32>
        %add3A_218 = arith.addf %add3A_217, %mul3A_215 : vector<16xf32>
        %mul3A_219 = arith.mulf %mul3A_204, %add3A_218 : vector<16xf32>
        %add3A_220 = arith.constant -5.000000e-01 : f32
        %add3A_221 = vector.broadcast %add3A_220 : f32 to vector<16xf32>
        %add3A_222 = arith.addf %add3A_221, %mul3A_219 : vector<16xf32>
        %mul3A_223 = arith.mulf %mul3A_204, %add3A_222 : vector<16xf32>
        %add3A_224 = arith.constant 1.000000e+00 : f32
        %add3A_225 = vector.broadcast %add3A_224 : f32 to vector<16xf32>
        %add3A_226 = arith.addf %add3A_225, %mul3A_223 : vector<16xf32>
        %gt3A = arith.constant 1.57079637 : f32
        %gt3A_227 = vector.broadcast %gt3A : f32 to vector<16xf32>
        %gt3A_228 = arith.cmpf ogt, %mul3A_200, %gt3A_227 : vector<16xf32>
        %neg3A = arith.constant 0.000000e+00 : f32
        %neg3A_229 = vector.broadcast %neg3A : f32 to vector<16xf32>
        %neg3A_230 = arith.subf %neg3A_229, %add3A_226 : vector<16xf32>
        %select_n3A = arith.select %gt3A_228, %neg3A_230, %add3A_226 : vector<16xi1>, vector<16xf32>
        %add3A_231 = arith.constant 1.000000e+00 : f32
        %add3A_232 = vector.broadcast %add3A_231 : f32 to vector<16xf32>
        %add3A_233 = arith.addf %add3A_232, %select_n3A : vector<16xf32>
        %mul3A_234 = arith.constant 5.000000e-01 : f32
        %mul3A_235 = vector.broadcast %mul3A_234 : f32 to vector<16xf32>
        %mul3A_236 = arith.mulf %mul3A_235, %add3A_233 : vector<16xf32>
        %lt3A_237 = arith.constant 3.300000e+00 : f32
        %lt3A_238 = vector.broadcast %lt3A_237 : f32 to vector<16xf32>
        %lt3A_239 = arith.cmpf olt, %mul3A_188, %lt3A_238 : vector<16xf32>
        %lt3A_240 = arith.constant 3.600000e+00 : f32
        %lt3A_241 = vector.broadcast %lt3A_240 : f32 to vector<16xf32>
        %lt3A_242 = arith.cmpf olt, %mul3A_188, %lt3A_241 : vector<16xf32>
        %jit3A = arith.constant 0.000000e+00 : f32
        %broadcast_in_dim3A_243 = vector.broadcast %jit3A : f32 to vector<16xf32>
        %select_n3A_244 = arith.select %lt3A_242, %mul3A_236, %broadcast_in_dim3A_243 : vector<16xi1>, vector<16xf32>
        %jit3A_245 = arith.constant 1.000000e+00 : f32
        %broadcast_in_dim3A_246 = vector.broadcast %jit3A_245 : f32 to vector<16xf32>
        %select_n3A_247 = arith.select %lt3A_239, %broadcast_in_dim3A_246, %select_n3A_244 : vector<16xi1>, vector<16xf32>
        %mul3A_248 = arith.constant 1.73205078 : f32
        %mul3A_249 = vector.broadcast %mul3A_248 : f32 to vector<16xf32>
        %mul3A_250 = arith.mulf %mul3A_249, %mul3A_192 : vector<16xf32>
        %mul3A_251 = arith.constant 1.73205078 : f32
        %mul3A_252 = vector.broadcast %mul3A_251 : f32 to vector<16xf32>
        %mul3A_253 = arith.mulf %mul3A_252, %mul3A_193 : vector<16xf32>
        %mul3A_254 = arith.constant 1.73205078 : f32
        %mul3A_255 = vector.broadcast %mul3A_254 : f32 to vector<16xf32>
        %mul3A_256 = arith.mulf %mul3A_255, %mul3A_194 : vector<16xf32>
        %mul3A_257 = arith.mulf %mul3A_192, %mul3A_193 : vector<16xf32>
        %mul3A_258 = arith.constant 2.23606801 : f32
        %mul3A_259 = vector.broadcast %mul3A_258 : f32 to vector<16xf32>
        %mul3A_260 = arith.mulf %mul3A_259, %mul3A_257 : vector<16xf32>
        %mul3A_261 = arith.mulf %mul3A_193, %mul3A_194 : vector<16xf32>
        %mul3A_262 = arith.constant 2.23606801 : f32
        %mul3A_263 = vector.broadcast %mul3A_262 : f32 to vector<16xf32>
        %mul3A_264 = arith.mulf %mul3A_263, %mul3A_261 : vector<16xf32>
        %mul3A_265 = arith.mulf %mul3A_194, %mul3A_194 : vector<16xf32>
        %mul3A_266 = arith.constant 3.000000e+00 : f32
        %mul3A_267 = vector.broadcast %mul3A_266 : f32 to vector<16xf32>
        %mul3A_268 = arith.mulf %mul3A_267, %mul3A_265 : vector<16xf32>
        %sub3A_269 = arith.constant 1.000000e+00 : f32
        %sub3A_270 = vector.broadcast %sub3A_269 : f32 to vector<16xf32>
        %sub3A_271 = arith.subf %mul3A_268, %sub3A_270 : vector<16xf32>
        %mul3A_272 = arith.constant 5.000000e-01 : f32
        %mul3A_273 = vector.broadcast %mul3A_272 : f32 to vector<16xf32>
        %mul3A_274 = arith.mulf %mul3A_273, %sub3A_271 : vector<16xf32>
        %mul3A_275 = arith.constant 2.23606801 : f32
        %mul3A_276 = vector.broadcast %mul3A_275 : f32 to vector<16xf32>
        %mul3A_277 = arith.mulf %mul3A_276, %mul3A_274 : vector<16xf32>
        %mul3A_278 = arith.mulf %mul3A_192, %mul3A_194 : vector<16xf32>
        %mul3A_279 = arith.constant 2.23606801 : f32
        %mul3A_280 = vector.broadcast %mul3A_279 : f32 to vector<16xf32>
        %mul3A_281 = arith.mulf %mul3A_280, %mul3A_278 : vector<16xf32>
        %mul3A_282 = arith.mulf %mul3A_192, %mul3A_192 : vector<16xf32>
        %mul3A_283 = arith.mulf %mul3A_193, %mul3A_193 : vector<16xf32>
        %sub3A_284 = arith.subf %mul3A_282, %mul3A_283 : vector<16xf32>
        %mul3A_285 = arith.constant 5.000000e-01 : f32
        %mul3A_286 = vector.broadcast %mul3A_285 : f32 to vector<16xf32>
        %mul3A_287 = arith.mulf %mul3A_286, %sub3A_284 : vector<16xf32>
        %mul3A_288 = arith.constant 2.23606801 : f32
        %mul3A_289 = vector.broadcast %mul3A_288 : f32 to vector<16xf32>
        %mul3A_290 = arith.mulf %mul3A_289, %mul3A_287 : vector<16xf32>
        %mul3A_291 = arith.constant 3 : i32
        %mul3A_292 = vector.broadcast %mul3A_291 : i32 to vector<16xi32>
        %mul3A_293 = arith.muli %get3A_144, %mul3A_292 : vector<16xi32>
        %add3A_294 = arith.addi %mul3A_293, %convert_element_type3A_152 : vector<16xi32>
        %sub3A_295 = vector.broadcast %mul3A_0 : i32 to vector<16xi32>
        %sub3A_296 = arith.subi %add3A_294, %sub3A_295 : vector<16xi32>
        %ge3A_297 = arith.constant 0 : i32
        %ge3A_298 = vector.broadcast %ge3A_297 : i32 to vector<16xi32>
        %ge3A_299 = arith.cmpi sge, %sub3A_296, %ge3A_298 : vector<16xi32>
        %lt3A_300 = arith.constant 15000 : i32
        %lt3A_301 = vector.broadcast %lt3A_300 : i32 to vector<16xi32>
        %lt3A_302 = arith.cmpi slt, %sub3A_296, %lt3A_301 : vector<16xi32>
        %and3A = arith.andi %ge3A_299, %lt3A_302 : vector<16xi1>
        %jit3A_303 = arith.constant 15000 : i32
        %broadcast_in_dim3A_304 = vector.broadcast %jit3A_303 : i32 to vector<16xi32>
        %select_n3A_305 = arith.select %and3A, %sub3A_296, %broadcast_in_dim3A_304 : vector<16xi1>, vector<16xi32>
        %swap3A = arith.index_cast %mul3A_139 : i32 to index
        %swap3A_306 = tpu.vector_load %arg17[%swap3A] {strides = array<i32>} : memref<64xi32, #tpu.memory_space<vmem>>, vector<16xi32>,
        tpu.vector_store %arg17[%swap3A], %select_n3A_305 {strides = array<i32>} : memref<64xi32, #tpu.memory_space<vmem>>, vector<16xi32>,
        %sub3A_307 = arith.constant 0.000000e+00 : f32
        %sub3A_308 = vector.broadcast %sub3A_307 : f32 to vector<16xf32>
        %sub3A_309 = arith.subf %mul3A_188, %sub3A_308 : vector<16xf32>
        %mul3A_310 = arith.mulf %sub3A_309, %sub3A_309 : vector<16xf32>
        %mul3A_311 = arith.constant -1.250000e+01 : f32
        %mul3A_312 = vector.broadcast %mul3A_311 : f32 to vector<16xf32>
        %mul3A_313 = arith.mulf %mul3A_312, %mul3A_310 : vector<16xf32>
        %exp3A = math.exp %mul3A_313 : vector<16xf32>
        %mul3A_314 = arith.mulf %select_n3A_247, %exp3A : vector<16xf32>
        %mul3A_315 = arith.mulf %mul3A_314, %mul3A_250 : vector<16xf32>
        %mul3A_316 = arith.mulf %mul3A_314, %mul3A_253 : vector<16xf32>
        %mul3A_317 = arith.mulf %mul3A_314, %mul3A_256 : vector<16xf32>
        %mul3A_318 = arith.mulf %mul3A_314, %mul3A_260 : vector<16xf32>
        %mul3A_319 = arith.mulf %mul3A_314, %mul3A_264 : vector<16xf32>
        %mul3A_320 = arith.mulf %mul3A_314, %mul3A_277 : vector<16xf32>
        %mul3A_321 = arith.mulf %mul3A_314, %mul3A_281 : vector<16xf32>
        %mul3A_322 = arith.mulf %mul3A_314, %mul3A_290 : vector<16xf32>
        %broadcast_in_dim3A_323 = arith.constant 0 : i32
        %broadcast_in_dim3A_324 = vector.broadcast %broadcast_in_dim3A_323 : i32 to vector<16xi32>
        tpu.vector_store_idx %arg16[%add3A_143, %broadcast_in_dim3A_324], %mul3A_314 : memref<64x112xf32, #tpu.memory_space<vmem>>[vector<16xi32>, vector<16xi32>], vector<16xf32>,
        %broadcast_in_dim3A_325 = arith.constant 1 : i32
        %broadcast_in_dim3A_326 = vector.broadcast %broadcast_in_dim3A_325 : i32 to vector<16xi32>
        tpu.vector_store_idx %arg16[%add3A_143, %broadcast_in_dim3A_326], %mul3A_315 : memref<64x112xf32, #tpu.memory_space<vmem>>[vector<16xi32>, vector<16xi32>], vector<16xf32>,
        %broadcast_in_dim3A_327 = arith.constant 2 : i32
        %broadcast_in_dim3A_328 = vector.broadcast %broadcast_in_dim3A_327 : i32 to vector<16xi32>
        tpu.vector_store_idx %arg16[%add3A_143, %broadcast_in_dim3A_328], %mul3A_316 : memref<64x112xf32, #tpu.memory_space<vmem>>[vector<16xi32>, vector<16xi32>], vector<16xf32>,
        %broadcast_in_dim3A_329 = arith.constant 3 : i32
        %broadcast_in_dim3A_330 = vector.broadcast %broadcast_in_dim3A_329 : i32 to vector<16xi32>
        tpu.vector_store_idx %arg16[%add3A_143, %broadcast_in_dim3A_330], %mul3A_317 : memref<64x112xf32, #tpu.memory_space<vmem>>[vector<16xi32>, vector<16xi32>], vector<16xf32>,
        %broadcast_in_dim3A_331 = arith.constant 4 : i32
        %broadcast_in_dim3A_332 = vector.broadcast %broadcast_in_dim3A_331 : i32 to vector<16xi32>
        tpu.vector_store_idx %arg16[%add3A_143, %broadcast_in_dim3A_332], %mul3A_318 : memref<64x112xf32, #tpu.memory_space<vmem>>[vector<16xi32>, vector<16xi32>], vector<16xf32>,
        %broadcast_in_dim3A_333 = arith.constant 5 : i32
        %broadcast_in_dim3A_334 = vector.broadcast %broadcast_in_dim3A_333 : i32 to vector<16xi32>
        tpu.vector_store_idx %arg16[%add3A_143, %broadcast_in_dim3A_334], %mul3A_319 : memref<64x112xf32, #tpu.memory_space<vmem>>[vector<16xi32>, vector<16xi32>], vector<16xf32>,
        %broadcast_in_dim3A_335 = arith.constant 6 : i32
        %broadcast_in_dim3A_336 = vector.broadcast %broadcast_in_dim3A_335 : i32 to vector<16xi32>
        tpu.vector_store_idx %arg16[%add3A_143, %broadcast_in_dim3A_336], %mul3A_320 : memref<64x112xf32, #tpu.memory_space<vmem>>[vector<16xi32>, vector<16xi32>], vector<16xf32>,
        %broadcast_in_dim3A_337 = arith.constant 7 : i32
        %broadcast_in_dim3A_338 = vector.broadcast %broadcast_in_dim3A_337 : i32 to vector<16xi32>
        tpu.vector_store_idx %arg16[%add3A_143, %broadcast_in_dim3A_338], %mul3A_321 : memref<64x112xf32, #tpu.memory_space<vmem>>[vector<16xi32>, vector<16xi32>], vector<16xf32>,
        %broadcast_in_dim3A_339 = arith.constant 8 : i32
        %broadcast_in_dim3A_340 = vector.broadcast %broadcast_in_dim3A_339 : i32 to vector<16xi32>
        tpu.vector_store_idx %arg16[%add3A_143, %broadcast_in_dim3A_340], %mul3A_322 : memref<64x112xf32, #tpu.memory_space<vmem>>[vector<16xi32>, vector<16xi32>], vector<16xf32>,
        %sub3A_341 = arith.constant 0.327272713 : f32
        %sub3A_342 = vector.broadcast %sub3A_341 : f32 to vector<16xf32>
        %sub3A_343 = arith.subf %mul3A_188, %sub3A_342 : vector<16xf32>
        %mul3A_344 = arith.mulf %sub3A_343, %sub3A_343 : vector<16xf32>
        %mul3A_345 = arith.constant -1.250000e+01 : f32
        %mul3A_346 = vector.broadcast %mul3A_345 : f32 to vector<16xf32>
        %mul3A_347 = arith.mulf %mul3A_346, %mul3A_344 : vector<16xf32>
        %exp3A_348 = math.exp %mul3A_347 : vector<16xf32>
        %mul3A_349 = arith.mulf %select_n3A_247, %exp3A_348 : vector<16xf32>
        %mul3A_350 = arith.mulf %mul3A_349, %mul3A_250 : vector<16xf32>
        %mul3A_351 = arith.mulf %mul3A_349, %mul3A_253 : vector<16xf32>
        %mul3A_352 = arith.mulf %mul3A_349, %mul3A_256 : vector<16xf32>
        %mul3A_353 = arith.mulf %mul3A_349, %mul3A_260 : vector<16xf32>
        %mul3A_354 = arith.mulf %mul3A_349, %mul3A_264 : vector<16xf32>
        %mul3A_355 = arith.mulf %mul3A_349, %mul3A_277 : vector<16xf32>
        %mul3A_356 = arith.mulf %mul3A_349, %mul3A_281 : vector<16xf32>
        %mul3A_357 = arith.mulf %mul3A_349, %mul3A_290 : vector<16xf32>
        %broadcast_in_dim3A_358 = arith.constant 9 : i32
        %broadcast_in_dim3A_359 = vector.broadcast %broadcast_in_dim3A_358 : i32 to vector<16xi32>
        tpu.vector_store_idx %arg16[%add3A_143, %broadcast_in_dim3A_359], %mul3A_349 : memref<64x112xf32, #tpu.memory_space<vmem>>[vector<16xi32>, vector<16xi32>], vector<16xf32>,
        %broadcast_in_dim3A_360 = arith.constant 10 : i32
        %broadcast_in_dim3A_361 = vector.broadcast %broadcast_in_dim3A_360 : i32 to vector<16xi32>
        tpu.vector_store_idx %arg16[%add3A_143, %broadcast_in_dim3A_361], %mul3A_350 : memref<64x112xf32, #tpu.memory_space<vmem>>[vector<16xi32>, vector<16xi32>], vector<16xf32>,
        %broadcast_in_dim3A_362 = arith.constant 11 : i32
        %broadcast_in_dim3A_363 = vector.broadcast %broadcast_in_dim3A_362 : i32 to vector<16xi32>
        tpu.vector_store_idx %arg16[%add3A_143, %broadcast_in_dim3A_363], %mul3A_351 : memref<64x112xf32, #tpu.memory_space<vmem>>[vector<16xi32>, vector<16xi32>], vector<16xf32>,
        %broadcast_in_dim3A_364 = arith.constant 12 : i32
        %broadcast_in_dim3A_365 = vector.broadcast %broadcast_in_dim3A_364 : i32 to vector<16xi32>
        tpu.vector_store_idx %arg16[%add3A_143, %broadcast_in_dim3A_365], %mul3A_352 : memref<64x112xf32, #tpu.memory_space<vmem>>[vector<16xi32>, vector<16xi32>], vector<16xf32>,
        %broadcast_in_dim3A_366 = arith.constant 13 : i32
        %broadcast_in_dim3A_367 = vector.broadcast %broadcast_in_dim3A_366 : i32 to vector<16xi32>
        tpu.vector_store_idx %arg16[%add3A_143, %broadcast_in_dim3A_367], %mul3A_353 : memref<64x112xf32, #tpu.memory_space<vmem>>[vector<16xi32>, vector<16xi32>], vector<16xf32>,
        %broadcast_in_dim3A_368 = arith.constant 14 : i32
        %broadcast_in_dim3A_369 = vector.broadcast %broadcast_in_dim3A_368 : i32 to vector<16xi32>
        tpu.vector_store_idx %arg16[%add3A_143, %broadcast_in_dim3A_369], %mul3A_354 : memref<64x112xf32, #tpu.memory_space<vmem>>[vector<16xi32>, vector<16xi32>], vector<16xf32>,
        %broadcast_in_dim3A_370 = arith.constant 15 : i32
        %broadcast_in_dim3A_371 = vector.broadcast %broadcast_in_dim3A_370 : i32 to vector<16xi32>
        tpu.vector_store_idx %arg16[%add3A_143, %broadcast_in_dim3A_371], %mul3A_355 : memref<64x112xf32, #tpu.memory_space<vmem>>[vector<16xi32>, vector<16xi32>], vector<16xf32>,
        %broadcast_in_dim3A_372 = arith.constant 16 : i32
        %broadcast_in_dim3A_373 = vector.broadcast %broadcast_in_dim3A_372 : i32 to vector<16xi32>
        tpu.vector_store_idx %arg16[%add3A_143, %broadcast_in_dim3A_373], %mul3A_356 : memref<64x112xf32, #tpu.memory_space<vmem>>[vector<16xi32>, vector<16xi32>], vector<16xf32>,
        %broadcast_in_dim3A_374 = arith.constant 17 : i32
        %broadcast_in_dim3A_375 = vector.broadcast %broadcast_in_dim3A_374 : i32 to vector<16xi32>
        tpu.vector_store_idx %arg16[%add3A_143, %broadcast_in_dim3A_375], %mul3A_357 : memref<64x112xf32, #tpu.memory_space<vmem>>[vector<16xi32>, vector<16xi32>], vector<16xf32>,
        %sub3A_376 = arith.constant 0.654545426 : f32
        %sub3A_377 = vector.broadcast %sub3A_376 : f32 to vector<16xf32>
        %sub3A_378 = arith.subf %mul3A_188, %sub3A_377 : vector<16xf32>
        %mul3A_379 = arith.mulf %sub3A_378, %sub3A_378 : vector<16xf32>
        %mul3A_380 = arith.constant -1.250000e+01 : f32
        %mul3A_381 = vector.broadcast %mul3A_380 : f32 to vector<16xf32>
        %mul3A_382 = arith.mulf %mul3A_381, %mul3A_379 : vector<16xf32>
        %exp3A_383 = math.exp %mul3A_382 : vector<16xf32>
        %mul3A_384 = arith.mulf %select_n3A_247, %exp3A_383 : vector<16xf32>
        %mul3A_385 = arith.mulf %mul3A_384, %mul3A_250 : vector<16xf32>
        %mul3A_386 = arith.mulf %mul3A_384, %mul3A_253 : vector<16xf32>
        %mul3A_387 = arith.mulf %mul3A_384, %mul3A_256 : vector<16xf32>
        %mul3A_388 = arith.mulf %mul3A_384, %mul3A_260 : vector<16xf32>
        %mul3A_389 = arith.mulf %mul3A_384, %mul3A_264 : vector<16xf32>
        %mul3A_390 = arith.mulf %mul3A_384, %mul3A_277 : vector<16xf32>
        %mul3A_391 = arith.mulf %mul3A_384, %mul3A_281 : vector<16xf32>
        %mul3A_392 = arith.mulf %mul3A_384, %mul3A_290 : vector<16xf32>
        %broadcast_in_dim3A_393 = arith.constant 18 : i32
        %broadcast_in_dim3A_394 = vector.broadcast %broadcast_in_dim3A_393 : i32 to vector<16xi32>
        tpu.vector_store_idx %arg16[%add3A_143, %broadcast_in_dim3A_394], %mul3A_384 : memref<64x112xf32, #tpu.memory_space<vmem>>[vector<16xi32>, vector<16xi32>], vector<16xf32>,
        %broadcast_in_dim3A_395 = arith.constant 19 : i32
        %broadcast_in_dim3A_396 = vector.broadcast %broadcast_in_dim3A_395 : i32 to vector<16xi32>
        tpu.vector_store_idx %arg16[%add3A_143, %broadcast_in_dim3A_396], %mul3A_385 : memref<64x112xf32, #tpu.memory_space<vmem>>[vector<16xi32>, vector<16xi32>], vector<16xf32>,
        %broadcast_in_dim3A_397 = arith.constant 20 : i32
        %broadcast_in_dim3A_398 = vector.broadcast %broadcast_in_dim3A_397 : i32 to vector<16xi32>
        tpu.vector_store_idx %arg16[%add3A_143, %broadcast_in_dim3A_398], %mul3A_386 : memref<64x112xf32, #tpu.memory_space<vmem>>[vector<16xi32>, vector<16xi32>], vector<16xf32>,
        %broadcast_in_dim3A_399 = arith.constant 21 : i32
        %broadcast_in_dim3A_400 = vector.broadcast %broadcast_in_dim3A_399 : i32 to vector<16xi32>
        tpu.vector_store_idx %arg16[%add3A_143, %broadcast_in_dim3A_400], %mul3A_387 : memref<64x112xf32, #tpu.memory_space<vmem>>[vector<16xi32>, vector<16xi32>], vector<16xf32>,
        %broadcast_in_dim3A_401 = arith.constant 22 : i32
        %broadcast_in_dim3A_402 = vector.broadcast %broadcast_in_dim3A_401 : i32 to vector<16xi32>
        tpu.vector_store_idx %arg16[%add3A_143, %broadcast_in_dim3A_402], %mul3A_388 : memref<64x112xf32, #tpu.memory_space<vmem>>[vector<16xi32>, vector<16xi32>], vector<16xf32>,
        %broadcast_in_dim3A_403 = arith.constant 23 : i32
        %broadcast_in_dim3A_404 = vector.broadcast %broadcast_in_dim3A_403 : i32 to vector<16xi32>
        tpu.vector_store_idx %arg16[%add3A_143, %broadcast_in_dim3A_404], %mul3A_389 : memref<64x112xf32, #tpu.memory_space<vmem>>[vector<16xi32>, vector<16xi32>], vector<16xf32>,
        %broadcast_in_dim3A_405 = arith.constant 24 : i32
        %broadcast_in_dim3A_406 = vector.broadcast %broadcast_in_dim3A_405 : i32 to vector<16xi32>
        tpu.vector_store_idx %arg16[%add3A_143, %broadcast_in_dim3A_406], %mul3A_390 : memref<64x112xf32, #tpu.memory_space<vmem>>[vector<16xi32>, vector<16xi32>], vector<16xf32>,
        %broadcast_in_dim3A_407 = arith.constant 25 : i32
        %broadcast_in_dim3A_408 = vector.broadcast %broadcast_in_dim3A_407 : i32 to vector<16xi32>
        tpu.vector_store_idx %arg16[%add3A_143, %broadcast_in_dim3A_408], %mul3A_391 : memref<64x112xf32, #tpu.memory_space<vmem>>[vector<16xi32>, vector<16xi32>], vector<16xf32>,
        %broadcast_in_dim3A_409 = arith.constant 26 : i32
        %broadcast_in_dim3A_410 = vector.broadcast %broadcast_in_dim3A_409 : i32 to vector<16xi32>
        tpu.vector_store_idx %arg16[%add3A_143, %broadcast_in_dim3A_410], %mul3A_392 : memref<64x112xf32, #tpu.memory_space<vmem>>[vector<16xi32>, vector<16xi32>], vector<16xf32>,
        %sub3A_411 = arith.constant 0.981818199 : f32
        %sub3A_412 = vector.broadcast %sub3A_411 : f32 to vector<16xf32>
        %sub3A_413 = arith.subf %mul3A_188, %sub3A_412 : vector<16xf32>
        %mul3A_414 = arith.mulf %sub3A_413, %sub3A_413 : vector<16xf32>
        %mul3A_415 = arith.constant -1.250000e+01 : f32
        %mul3A_416 = vector.broadcast %mul3A_415 : f32 to vector<16xf32>
        %mul3A_417 = arith.mulf %mul3A_416, %mul3A_414 : vector<16xf32>
        %exp3A_418 = math.exp %mul3A_417 : vector<16xf32>
        %mul3A_419 = arith.mulf %select_n3A_247, %exp3A_418 : vector<16xf32>
        %mul3A_420 = arith.mulf %mul3A_419, %mul3A_250 : vector<16xf32>
        %mul3A_421 = arith.mulf %mul3A_419, %mul3A_253 : vector<16xf32>
        %mul3A_422 = arith.mulf %mul3A_419, %mul3A_256 : vector<16xf32>
        %mul3A_423 = arith.mulf %mul3A_419, %mul3A_260 : vector<16xf32>
        %mul3A_424 = arith.mulf %mul3A_419, %mul3A_264 : vector<16xf32>
        %mul3A_425 = arith.mulf %mul3A_419, %mul3A_277 : vector<16xf32>
        %mul3A_426 = arith.mulf %mul3A_419, %mul3A_281 : vector<16xf32>
        %mul3A_427 = arith.mulf %mul3A_419, %mul3A_290 : vector<16xf32>
        %broadcast_in_dim3A_428 = arith.constant 27 : i32
        %broadcast_in_dim3A_429 = vector.broadcast %broadcast_in_dim3A_428 : i32 to vector<16xi32>
        tpu.vector_store_idx %arg16[%add3A_143, %broadcast_in_dim3A_429], %mul3A_419 : memref<64x112xf32, #tpu.memory_space<vmem>>[vector<16xi32>, vector<16xi32>], vector<16xf32>,
        %broadcast_in_dim3A_430 = arith.constant 28 : i32
        %broadcast_in_dim3A_431 = vector.broadcast %broadcast_in_dim3A_430 : i32 to vector<16xi32>
        tpu.vector_store_idx %arg16[%add3A_143, %broadcast_in_dim3A_431], %mul3A_420 : memref<64x112xf32, #tpu.memory_space<vmem>>[vector<16xi32>, vector<16xi32>], vector<16xf32>,
        %broadcast_in_dim3A_432 = arith.constant 29 : i32
        %broadcast_in_dim3A_433 = vector.broadcast %broadcast_in_dim3A_432 : i32 to vector<16xi32>
        tpu.vector_store_idx %arg16[%add3A_143, %broadcast_in_dim3A_433], %mul3A_421 : memref<64x112xf32, #tpu.memory_space<vmem>>[vector<16xi32>, vector<16xi32>], vector<16xf32>,
        %broadcast_in_dim3A_434 = arith.constant 30 : i32
        %broadcast_in_dim3A_435 = vector.broadcast %broadcast_in_dim3A_434 : i32 to vector<16xi32>
        tpu.vector_store_idx %arg16[%add3A_143, %broadcast_in_dim3A_435], %mul3A_422 : memref<64x112xf32, #tpu.memory_space<vmem>>[vector<16xi32>, vector<16xi32>], vector<16xf32>,
        %broadcast_in_dim3A_436 = arith.constant 31 : i32
        %broadcast_in_dim3A_437 = vector.broadcast %broadcast_in_dim3A_436 : i32 to vector<16xi32>
        tpu.vector_store_idx %arg16[%add3A_143, %broadcast_in_dim3A_437], %mul3A_423 : memref<64x112xf32, #tpu.memory_space<vmem>>[vector<16xi32>, vector<16xi32>], vector<16xf32>,
        %broadcast_in_dim3A_438 = arith.constant 32 : i32
        %broadcast_in_dim3A_439 = vector.broadcast %broadcast_in_dim3A_438 : i32 to vector<16xi32>
        tpu.vector_store_idx %arg16[%add3A_143, %broadcast_in_dim3A_439], %mul3A_424 : memref<64x112xf32, #tpu.memory_space<vmem>>[vector<16xi32>, vector<16xi32>], vector<16xf32>,
        %broadcast_in_dim3A_440 = arith.constant 33 : i32
        %broadcast_in_dim3A_441 = vector.broadcast %broadcast_in_dim3A_440 : i32 to vector<16xi32>
        tpu.vector_store_idx %arg16[%add3A_143, %broadcast_in_dim3A_441], %mul3A_425 : memref<64x112xf32, #tpu.memory_space<vmem>>[vector<16xi32>, vector<16xi32>], vector<16xf32>,
        %broadcast_in_dim3A_442 = arith.constant 34 : i32
        %broadcast_in_dim3A_443 = vector.broadcast %broadcast_in_dim3A_442 : i32 to vector<16xi32>
        tpu.vector_store_idx %arg16[%add3A_143, %broadcast_in_dim3A_443], %mul3A_426 : memref<64x112xf32, #tpu.memory_space<vmem>>[vector<16xi32>, vector<16xi32>], vector<16xf32>,
        %broadcast_in_dim3A_444 = arith.constant 35 : i32
        %broadcast_in_dim3A_445 = vector.broadcast %broadcast_in_dim3A_444 : i32 to vector<16xi32>
        tpu.vector_store_idx %arg16[%add3A_143, %broadcast_in_dim3A_445], %mul3A_427 : memref<64x112xf32, #tpu.memory_space<vmem>>[vector<16xi32>, vector<16xi32>], vector<16xf32>,
        %sub3A_446 = arith.constant 1.30909085 : f32
        %sub3A_447 = vector.broadcast %sub3A_446 : f32 to vector<16xf32>
        %sub3A_448 = arith.subf %mul3A_188, %sub3A_447 : vector<16xf32>
        %mul3A_449 = arith.mulf %sub3A_448, %sub3A_448 : vector<16xf32>
        %mul3A_450 = arith.constant -1.250000e+01 : f32
        %mul3A_451 = vector.broadcast %mul3A_450 : f32 to vector<16xf32>
        %mul3A_452 = arith.mulf %mul3A_451, %mul3A_449 : vector<16xf32>
        %exp3A_453 = math.exp %mul3A_452 : vector<16xf32>
        %mul3A_454 = arith.mulf %select_n3A_247, %exp3A_453 : vector<16xf32>
        %mul3A_455 = arith.mulf %mul3A_454, %mul3A_250 : vector<16xf32>
        %mul3A_456 = arith.mulf %mul3A_454, %mul3A_253 : vector<16xf32>
        %mul3A_457 = arith.mulf %mul3A_454, %mul3A_256 : vector<16xf32>
        %mul3A_458 = arith.mulf %mul3A_454, %mul3A_260 : vector<16xf32>
        %mul3A_459 = arith.mulf %mul3A_454, %mul3A_264 : vector<16xf32>
        %mul3A_460 = arith.mulf %mul3A_454, %mul3A_277 : vector<16xf32>
        %mul3A_461 = arith.mulf %mul3A_454, %mul3A_281 : vector<16xf32>
        %mul3A_462 = arith.mulf %mul3A_454, %mul3A_290 : vector<16xf32>
        %broadcast_in_dim3A_463 = arith.constant 36 : i32
        %broadcast_in_dim3A_464 = vector.broadcast %broadcast_in_dim3A_463 : i32 to vector<16xi32>
        tpu.vector_store_idx %arg16[%add3A_143, %broadcast_in_dim3A_464], %mul3A_454 : memref<64x112xf32, #tpu.memory_space<vmem>>[vector<16xi32>, vector<16xi32>], vector<16xf32>,
        %broadcast_in_dim3A_465 = arith.constant 37 : i32
        %broadcast_in_dim3A_466 = vector.broadcast %broadcast_in_dim3A_465 : i32 to vector<16xi32>
        tpu.vector_store_idx %arg16[%add3A_143, %broadcast_in_dim3A_466], %mul3A_455 : memref<64x112xf32, #tpu.memory_space<vmem>>[vector<16xi32>, vector<16xi32>], vector<16xf32>,
        %broadcast_in_dim3A_467 = arith.constant 38 : i32
        %broadcast_in_dim3A_468 = vector.broadcast %broadcast_in_dim3A_467 : i32 to vector<16xi32>
        tpu.vector_store_idx %arg16[%add3A_143, %broadcast_in_dim3A_468], %mul3A_456 : memref<64x112xf32, #tpu.memory_space<vmem>>[vector<16xi32>, vector<16xi32>], vector<16xf32>,
        %broadcast_in_dim3A_469 = arith.constant 39 : i32
        %broadcast_in_dim3A_470 = vector.broadcast %broadcast_in_dim3A_469 : i32 to vector<16xi32>
        tpu.vector_store_idx %arg16[%add3A_143, %broadcast_in_dim3A_470], %mul3A_457 : memref<64x112xf32, #tpu.memory_space<vmem>>[vector<16xi32>, vector<16xi32>], vector<16xf32>,
        %broadcast_in_dim3A_471 = arith.constant 40 : i32
        %broadcast_in_dim3A_472 = vector.broadcast %broadcast_in_dim3A_471 : i32 to vector<16xi32>
        tpu.vector_store_idx %arg16[%add3A_143, %broadcast_in_dim3A_472], %mul3A_458 : memref<64x112xf32, #tpu.memory_space<vmem>>[vector<16xi32>, vector<16xi32>], vector<16xf32>,
        %broadcast_in_dim3A_473 = arith.constant 41 : i32
        %broadcast_in_dim3A_474 = vector.broadcast %broadcast_in_dim3A_473 : i32 to vector<16xi32>
        tpu.vector_store_idx %arg16[%add3A_143, %broadcast_in_dim3A_474], %mul3A_459 : memref<64x112xf32, #tpu.memory_space<vmem>>[vector<16xi32>, vector<16xi32>], vector<16xf32>,
        %broadcast_in_dim3A_475 = arith.constant 42 : i32
        %broadcast_in_dim3A_476 = vector.broadcast %broadcast_in_dim3A_475 : i32 to vector<16xi32>
        tpu.vector_store_idx %arg16[%add3A_143, %broadcast_in_dim3A_476], %mul3A_460 : memref<64x112xf32, #tpu.memory_space<vmem>>[vector<16xi32>, vector<16xi32>], vector<16xf32>,
        %broadcast_in_dim3A_477 = arith.constant 43 : i32
        %broadcast_in_dim3A_478 = vector.broadcast %broadcast_in_dim3A_477 : i32 to vector<16xi32>
        tpu.vector_store_idx %arg16[%add3A_143, %broadcast_in_dim3A_478], %mul3A_461 : memref<64x112xf32, #tpu.memory_space<vmem>>[vector<16xi32>, vector<16xi32>], vector<16xf32>,
        %broadcast_in_dim3A_479 = arith.constant 44 : i32
        %broadcast_in_dim3A_480 = vector.broadcast %broadcast_in_dim3A_479 : i32 to vector<16xi32>
        tpu.vector_store_idx %arg16[%add3A_143, %broadcast_in_dim3A_480], %mul3A_462 : memref<64x112xf32, #tpu.memory_space<vmem>>[vector<16xi32>, vector<16xi32>], vector<16xf32>,
        %sub3A_481 = arith.constant 1.63636363 : f32
        %sub3A_482 = vector.broadcast %sub3A_481 : f32 to vector<16xf32>
        %sub3A_483 = arith.subf %mul3A_188, %sub3A_482 : vector<16xf32>
        %mul3A_484 = arith.mulf %sub3A_483, %sub3A_483 : vector<16xf32>
        %mul3A_485 = arith.constant -1.250000e+01 : f32
        %mul3A_486 = vector.broadcast %mul3A_485 : f32 to vector<16xf32>
        %mul3A_487 = arith.mulf %mul3A_486, %mul3A_484 : vector<16xf32>
        %exp3A_488 = math.exp %mul3A_487 : vector<16xf32>
        %mul3A_489 = arith.mulf %select_n3A_247, %exp3A_488 : vector<16xf32>
        %mul3A_490 = arith.mulf %mul3A_489, %mul3A_250 : vector<16xf32>
        %mul3A_491 = arith.mulf %mul3A_489, %mul3A_253 : vector<16xf32>
        %mul3A_492 = arith.mulf %mul3A_489, %mul3A_256 : vector<16xf32>
        %mul3A_493 = arith.mulf %mul3A_489, %mul3A_260 : vector<16xf32>
        %mul3A_494 = arith.mulf %mul3A_489, %mul3A_264 : vector<16xf32>
        %mul3A_495 = arith.mulf %mul3A_489, %mul3A_277 : vector<16xf32>
        %mul3A_496 = arith.mulf %mul3A_489, %mul3A_281 : vector<16xf32>
        %mul3A_497 = arith.mulf %mul3A_489, %mul3A_290 : vector<16xf32>
        %broadcast_in_dim3A_498 = arith.constant 45 : i32
        %broadcast_in_dim3A_499 = vector.broadcast %broadcast_in_dim3A_498 : i32 to vector<16xi32>
        tpu.vector_store_idx %arg16[%add3A_143, %broadcast_in_dim3A_499], %mul3A_489 : memref<64x112xf32, #tpu.memory_space<vmem>>[vector<16xi32>, vector<16xi32>], vector<16xf32>,
        %broadcast_in_dim3A_500 = arith.constant 46 : i32
        %broadcast_in_dim3A_501 = vector.broadcast %broadcast_in_dim3A_500 : i32 to vector<16xi32>
        tpu.vector_store_idx %arg16[%add3A_143, %broadcast_in_dim3A_501], %mul3A_490 : memref<64x112xf32, #tpu.memory_space<vmem>>[vector<16xi32>, vector<16xi32>], vector<16xf32>,
        %broadcast_in_dim3A_502 = arith.constant 47 : i32
        %broadcast_in_dim3A_503 = vector.broadcast %broadcast_in_dim3A_502 : i32 to vector<16xi32>
        tpu.vector_store_idx %arg16[%add3A_143, %broadcast_in_dim3A_503], %mul3A_491 : memref<64x112xf32, #tpu.memory_space<vmem>>[vector<16xi32>, vector<16xi32>], vector<16xf32>,
        %broadcast_in_dim3A_504 = arith.constant 48 : i32
        %broadcast_in_dim3A_505 = vector.broadcast %broadcast_in_dim3A_504 : i32 to vector<16xi32>
        tpu.vector_store_idx %arg16[%add3A_143, %broadcast_in_dim3A_505], %mul3A_492 : memref<64x112xf32, #tpu.memory_space<vmem>>[vector<16xi32>, vector<16xi32>], vector<16xf32>,
        %broadcast_in_dim3A_506 = arith.constant 49 : i32
        %broadcast_in_dim3A_507 = vector.broadcast %broadcast_in_dim3A_506 : i32 to vector<16xi32>
        tpu.vector_store_idx %arg16[%add3A_143, %broadcast_in_dim3A_507], %mul3A_493 : memref<64x112xf32, #tpu.memory_space<vmem>>[vector<16xi32>, vector<16xi32>], vector<16xf32>,
        %broadcast_in_dim3A_508 = arith.constant 50 : i32
        %broadcast_in_dim3A_509 = vector.broadcast %broadcast_in_dim3A_508 : i32 to vector<16xi32>
        tpu.vector_store_idx %arg16[%add3A_143, %broadcast_in_dim3A_509], %mul3A_494 : memref<64x112xf32, #tpu.memory_space<vmem>>[vector<16xi32>, vector<16xi32>], vector<16xf32>,
        %broadcast_in_dim3A_510 = arith.constant 51 : i32
        %broadcast_in_dim3A_511 = vector.broadcast %broadcast_in_dim3A_510 : i32 to vector<16xi32>
        tpu.vector_store_idx %arg16[%add3A_143, %broadcast_in_dim3A_511], %mul3A_495 : memref<64x112xf32, #tpu.memory_space<vmem>>[vector<16xi32>, vector<16xi32>], vector<16xf32>,
        %broadcast_in_dim3A_512 = arith.constant 52 : i32
        %broadcast_in_dim3A_513 = vector.broadcast %broadcast_in_dim3A_512 : i32 to vector<16xi32>
        tpu.vector_store_idx %arg16[%add3A_143, %broadcast_in_dim3A_513], %mul3A_496 : memref<64x112xf32, #tpu.memory_space<vmem>>[vector<16xi32>, vector<16xi32>], vector<16xf32>,
        %broadcast_in_dim3A_514 = arith.constant 53 : i32
        %broadcast_in_dim3A_515 = vector.broadcast %broadcast_in_dim3A_514 : i32 to vector<16xi32>
        tpu.vector_store_idx %arg16[%add3A_143, %broadcast_in_dim3A_515], %mul3A_497 : memref<64x112xf32, #tpu.memory_space<vmem>>[vector<16xi32>, vector<16xi32>], vector<16xf32>,
        %sub3A_516 = arith.constant 1.9636364 : f32
        %sub3A_517 = vector.broadcast %sub3A_516 : f32 to vector<16xf32>
        %sub3A_518 = arith.subf %mul3A_188, %sub3A_517 : vector<16xf32>
        %mul3A_519 = arith.mulf %sub3A_518, %sub3A_518 : vector<16xf32>
        %mul3A_520 = arith.constant -1.250000e+01 : f32
        %mul3A_521 = vector.broadcast %mul3A_520 : f32 to vector<16xf32>
        %mul3A_522 = arith.mulf %mul3A_521, %mul3A_519 : vector<16xf32>
        %exp3A_523 = math.exp %mul3A_522 : vector<16xf32>
        %mul3A_524 = arith.mulf %select_n3A_247, %exp3A_523 : vector<16xf32>
        %mul3A_525 = arith.mulf %mul3A_524, %mul3A_250 : vector<16xf32>
        %mul3A_526 = arith.mulf %mul3A_524, %mul3A_253 : vector<16xf32>
        %mul3A_527 = arith.mulf %mul3A_524, %mul3A_256 : vector<16xf32>
        %mul3A_528 = arith.mulf %mul3A_524, %mul3A_260 : vector<16xf32>
        %mul3A_529 = arith.mulf %mul3A_524, %mul3A_264 : vector<16xf32>
        %mul3A_530 = arith.mulf %mul3A_524, %mul3A_277 : vector<16xf32>
        %mul3A_531 = arith.mulf %mul3A_524, %mul3A_281 : vector<16xf32>
        %mul3A_532 = arith.mulf %mul3A_524, %mul3A_290 : vector<16xf32>
        %broadcast_in_dim3A_533 = arith.constant 54 : i32
        %broadcast_in_dim3A_534 = vector.broadcast %broadcast_in_dim3A_533 : i32 to vector<16xi32>
        tpu.vector_store_idx %arg16[%add3A_143, %broadcast_in_dim3A_534], %mul3A_524 : memref<64x112xf32, #tpu.memory_space<vmem>>[vector<16xi32>, vector<16xi32>], vector<16xf32>,
        %broadcast_in_dim3A_535 = arith.constant 55 : i32
        %broadcast_in_dim3A_536 = vector.broadcast %broadcast_in_dim3A_535 : i32 to vector<16xi32>
        tpu.vector_store_idx %arg16[%add3A_143, %broadcast_in_dim3A_536], %mul3A_525 : memref<64x112xf32, #tpu.memory_space<vmem>>[vector<16xi32>, vector<16xi32>], vector<16xf32>,
        %broadcast_in_dim3A_537 = arith.constant 56 : i32
        %broadcast_in_dim3A_538 = vector.broadcast %broadcast_in_dim3A_537 : i32 to vector<16xi32>
        tpu.vector_store_idx %arg16[%add3A_143, %broadcast_in_dim3A_538], %mul3A_526 : memref<64x112xf32, #tpu.memory_space<vmem>>[vector<16xi32>, vector<16xi32>], vector<16xf32>,
        %broadcast_in_dim3A_539 = arith.constant 57 : i32
        %broadcast_in_dim3A_540 = vector.broadcast %broadcast_in_dim3A_539 : i32 to vector<16xi32>
        tpu.vector_store_idx %arg16[%add3A_143, %broadcast_in_dim3A_540], %mul3A_527 : memref<64x112xf32, #tpu.memory_space<vmem>>[vector<16xi32>, vector<16xi32>], vector<16xf32>,
        %broadcast_in_dim3A_541 = arith.constant 58 : i32
        %broadcast_in_dim3A_542 = vector.broadcast %broadcast_in_dim3A_541 : i32 to vector<16xi32>
        tpu.vector_store_idx %arg16[%add3A_143, %broadcast_in_dim3A_542], %mul3A_528 : memref<64x112xf32, #tpu.memory_space<vmem>>[vector<16xi32>, vector<16xi32>], vector<16xf32>,
        %broadcast_in_dim3A_543 = arith.constant 59 : i32
        %broadcast_in_dim3A_544 = vector.broadcast %broadcast_in_dim3A_543 : i32 to vector<16xi32>
        tpu.vector_store_idx %arg16[%add3A_143, %broadcast_in_dim3A_544], %mul3A_529 : memref<64x112xf32, #tpu.memory_space<vmem>>[vector<16xi32>, vector<16xi32>], vector<16xf32>,
        %broadcast_in_dim3A_545 = arith.constant 60 : i32
        %broadcast_in_dim3A_546 = vector.broadcast %broadcast_in_dim3A_545 : i32 to vector<16xi32>
        tpu.vector_store_idx %arg16[%add3A_143, %broadcast_in_dim3A_546], %mul3A_530 : memref<64x112xf32, #tpu.memory_space<vmem>>[vector<16xi32>, vector<16xi32>], vector<16xf32>,
        %broadcast_in_dim3A_547 = arith.constant 61 : i32
        %broadcast_in_dim3A_548 = vector.broadcast %broadcast_in_dim3A_547 : i32 to vector<16xi32>
        tpu.vector_store_idx %arg16[%add3A_143, %broadcast_in_dim3A_548], %mul3A_531 : memref<64x112xf32, #tpu.memory_space<vmem>>[vector<16xi32>, vector<16xi32>], vector<16xf32>,
        %broadcast_in_dim3A_549 = arith.constant 62 : i32
        %broadcast_in_dim3A_550 = vector.broadcast %broadcast_in_dim3A_549 : i32 to vector<16xi32>
        tpu.vector_store_idx %arg16[%add3A_143, %broadcast_in_dim3A_550], %mul3A_532 : memref<64x112xf32, #tpu.memory_space<vmem>>[vector<16xi32>, vector<16xi32>], vector<16xf32>,
        %sub3A_551 = arith.constant 2.29090905 : f32
        %sub3A_552 = vector.broadcast %sub3A_551 : f32 to vector<16xf32>
        %sub3A_553 = arith.subf %mul3A_188, %sub3A_552 : vector<16xf32>
        %mul3A_554 = arith.mulf %sub3A_553, %sub3A_553 : vector<16xf32>
        %mul3A_555 = arith.constant -1.250000e+01 : f32
        %mul3A_556 = vector.broadcast %mul3A_555 : f32 to vector<16xf32>
        %mul3A_557 = arith.mulf %mul3A_556, %mul3A_554 : vector<16xf32>
        %exp3A_558 = math.exp %mul3A_557 : vector<16xf32>
        %mul3A_559 = arith.mulf %select_n3A_247, %exp3A_558 : vector<16xf32>
        %mul3A_560 = arith.mulf %mul3A_559, %mul3A_250 : vector<16xf32>
        %mul3A_561 = arith.mulf %mul3A_559, %mul3A_253 : vector<16xf32>
        %mul3A_562 = arith.mulf %mul3A_559, %mul3A_256 : vector<16xf32>
        %mul3A_563 = arith.mulf %mul3A_559, %mul3A_260 : vector<16xf32>
        %mul3A_564 = arith.mulf %mul3A_559, %mul3A_264 : vector<16xf32>
        %mul3A_565 = arith.mulf %mul3A_559, %mul3A_277 : vector<16xf32>
        %mul3A_566 = arith.mulf %mul3A_559, %mul3A_281 : vector<16xf32>
        %mul3A_567 = arith.mulf %mul3A_559, %mul3A_290 : vector<16xf32>
        %broadcast_in_dim3A_568 = arith.constant 63 : i32
        %broadcast_in_dim3A_569 = vector.broadcast %broadcast_in_dim3A_568 : i32 to vector<16xi32>
        tpu.vector_store_idx %arg16[%add3A_143, %broadcast_in_dim3A_569], %mul3A_559 : memref<64x112xf32, #tpu.memory_space<vmem>>[vector<16xi32>, vector<16xi32>], vector<16xf32>,
        %broadcast_in_dim3A_570 = arith.constant 64 : i32
        %broadcast_in_dim3A_571 = vector.broadcast %broadcast_in_dim3A_570 : i32 to vector<16xi32>
        tpu.vector_store_idx %arg16[%add3A_143, %broadcast_in_dim3A_571], %mul3A_560 : memref<64x112xf32, #tpu.memory_space<vmem>>[vector<16xi32>, vector<16xi32>], vector<16xf32>,
        %broadcast_in_dim3A_572 = arith.constant 65 : i32
        %broadcast_in_dim3A_573 = vector.broadcast %broadcast_in_dim3A_572 : i32 to vector<16xi32>
        tpu.vector_store_idx %arg16[%add3A_143, %broadcast_in_dim3A_573], %mul3A_561 : memref<64x112xf32, #tpu.memory_space<vmem>>[vector<16xi32>, vector<16xi32>], vector<16xf32>,
        %broadcast_in_dim3A_574 = arith.constant 66 : i32
        %broadcast_in_dim3A_575 = vector.broadcast %broadcast_in_dim3A_574 : i32 to vector<16xi32>
        tpu.vector_store_idx %arg16[%add3A_143, %broadcast_in_dim3A_575], %mul3A_562 : memref<64x112xf32, #tpu.memory_space<vmem>>[vector<16xi32>, vector<16xi32>], vector<16xf32>,
        %broadcast_in_dim3A_576 = arith.constant 67 : i32
        %broadcast_in_dim3A_577 = vector.broadcast %broadcast_in_dim3A_576 : i32 to vector<16xi32>
        tpu.vector_store_idx %arg16[%add3A_143, %broadcast_in_dim3A_577], %mul3A_563 : memref<64x112xf32, #tpu.memory_space<vmem>>[vector<16xi32>, vector<16xi32>], vector<16xf32>,
        %broadcast_in_dim3A_578 = arith.constant 68 : i32
        %broadcast_in_dim3A_579 = vector.broadcast %broadcast_in_dim3A_578 : i32 to vector<16xi32>
        tpu.vector_store_idx %arg16[%add3A_143, %broadcast_in_dim3A_579], %mul3A_564 : memref<64x112xf32, #tpu.memory_space<vmem>>[vector<16xi32>, vector<16xi32>], vector<16xf32>,
        %broadcast_in_dim3A_580 = arith.constant 69 : i32
        %broadcast_in_dim3A_581 = vector.broadcast %broadcast_in_dim3A_580 : i32 to vector<16xi32>
        tpu.vector_store_idx %arg16[%add3A_143, %broadcast_in_dim3A_581], %mul3A_565 : memref<64x112xf32, #tpu.memory_space<vmem>>[vector<16xi32>, vector<16xi32>], vector<16xf32>,
        %broadcast_in_dim3A_582 = arith.constant 70 : i32
        %broadcast_in_dim3A_583 = vector.broadcast %broadcast_in_dim3A_582 : i32 to vector<16xi32>
        tpu.vector_store_idx %arg16[%add3A_143, %broadcast_in_dim3A_583], %mul3A_566 : memref<64x112xf32, #tpu.memory_space<vmem>>[vector<16xi32>, vector<16xi32>], vector<16xf32>,
        %broadcast_in_dim3A_584 = arith.constant 71 : i32
        %broadcast_in_dim3A_585 = vector.broadcast %broadcast_in_dim3A_584 : i32 to vector<16xi32>
        tpu.vector_store_idx %arg16[%add3A_143, %broadcast_in_dim3A_585], %mul3A_567 : memref<64x112xf32, #tpu.memory_space<vmem>>[vector<16xi32>, vector<16xi32>], vector<16xf32>,
        %sub3A_586 = arith.constant 2.61818171 : f32
        %sub3A_587 = vector.broadcast %sub3A_586 : f32 to vector<16xf32>
        %sub3A_588 = arith.subf %mul3A_188, %sub3A_587 : vector<16xf32>
        %mul3A_589 = arith.mulf %sub3A_588, %sub3A_588 : vector<16xf32>
        %mul3A_590 = arith.constant -1.250000e+01 : f32
        %mul3A_591 = vector.broadcast %mul3A_590 : f32 to vector<16xf32>
        %mul3A_592 = arith.mulf %mul3A_591, %mul3A_589 : vector<16xf32>
        %exp3A_593 = math.exp %mul3A_592 : vector<16xf32>
        %mul3A_594 = arith.mulf %select_n3A_247, %exp3A_593 : vector<16xf32>
        %mul3A_595 = arith.mulf %mul3A_594, %mul3A_250 : vector<16xf32>
        %mul3A_596 = arith.mulf %mul3A_594, %mul3A_253 : vector<16xf32>
        %mul3A_597 = arith.mulf %mul3A_594, %mul3A_256 : vector<16xf32>
        %mul3A_598 = arith.mulf %mul3A_594, %mul3A_260 : vector<16xf32>
        %mul3A_599 = arith.mulf %mul3A_594, %mul3A_264 : vector<16xf32>
        %mul3A_600 = arith.mulf %mul3A_594, %mul3A_277 : vector<16xf32>
        %mul3A_601 = arith.mulf %mul3A_594, %mul3A_281 : vector<16xf32>
        %mul3A_602 = arith.mulf %mul3A_594, %mul3A_290 : vector<16xf32>
        %broadcast_in_dim3A_603 = arith.constant 72 : i32
        %broadcast_in_dim3A_604 = vector.broadcast %broadcast_in_dim3A_603 : i32 to vector<16xi32>
        tpu.vector_store_idx %arg16[%add3A_143, %broadcast_in_dim3A_604], %mul3A_594 : memref<64x112xf32, #tpu.memory_space<vmem>>[vector<16xi32>, vector<16xi32>], vector<16xf32>,
        %broadcast_in_dim3A_605 = arith.constant 73 : i32
        %broadcast_in_dim3A_606 = vector.broadcast %broadcast_in_dim3A_605 : i32 to vector<16xi32>
        tpu.vector_store_idx %arg16[%add3A_143, %broadcast_in_dim3A_606], %mul3A_595 : memref<64x112xf32, #tpu.memory_space<vmem>>[vector<16xi32>, vector<16xi32>], vector<16xf32>,
        %broadcast_in_dim3A_607 = arith.constant 74 : i32
        %broadcast_in_dim3A_608 = vector.broadcast %broadcast_in_dim3A_607 : i32 to vector<16xi32>
        tpu.vector_store_idx %arg16[%add3A_143, %broadcast_in_dim3A_608], %mul3A_596 : memref<64x112xf32, #tpu.memory_space<vmem>>[vector<16xi32>, vector<16xi32>], vector<16xf32>,
        %broadcast_in_dim3A_609 = arith.constant 75 : i32
        %broadcast_in_dim3A_610 = vector.broadcast %broadcast_in_dim3A_609 : i32 to vector<16xi32>
        tpu.vector_store_idx %arg16[%add3A_143, %broadcast_in_dim3A_610], %mul3A_597 : memref<64x112xf32, #tpu.memory_space<vmem>>[vector<16xi32>, vector<16xi32>], vector<16xf32>,
        %broadcast_in_dim3A_611 = arith.constant 76 : i32
        %broadcast_in_dim3A_612 = vector.broadcast %broadcast_in_dim3A_611 : i32 to vector<16xi32>
        tpu.vector_store_idx %arg16[%add3A_143, %broadcast_in_dim3A_612], %mul3A_598 : memref<64x112xf32, #tpu.memory_space<vmem>>[vector<16xi32>, vector<16xi32>], vector<16xf32>,
        %broadcast_in_dim3A_613 = arith.constant 77 : i32
        %broadcast_in_dim3A_614 = vector.broadcast %broadcast_in_dim3A_613 : i32 to vector<16xi32>
        tpu.vector_store_idx %arg16[%add3A_143, %broadcast_in_dim3A_614], %mul3A_599 : memref<64x112xf32, #tpu.memory_space<vmem>>[vector<16xi32>, vector<16xi32>], vector<16xf32>,
        %broadcast_in_dim3A_615 = arith.constant 78 : i32
        %broadcast_in_dim3A_616 = vector.broadcast %broadcast_in_dim3A_615 : i32 to vector<16xi32>
        tpu.vector_store_idx %arg16[%add3A_143, %broadcast_in_dim3A_616], %mul3A_600 : memref<64x112xf32, #tpu.memory_space<vmem>>[vector<16xi32>, vector<16xi32>], vector<16xf32>,
        %broadcast_in_dim3A_617 = arith.constant 79 : i32
        %broadcast_in_dim3A_618 = vector.broadcast %broadcast_in_dim3A_617 : i32 to vector<16xi32>
        tpu.vector_store_idx %arg16[%add3A_143, %broadcast_in_dim3A_618], %mul3A_601 : memref<64x112xf32, #tpu.memory_space<vmem>>[vector<16xi32>, vector<16xi32>], vector<16xf32>,
        %broadcast_in_dim3A_619 = arith.constant 80 : i32
        %broadcast_in_dim3A_620 = vector.broadcast %broadcast_in_dim3A_619 : i32 to vector<16xi32>
        tpu.vector_store_idx %arg16[%add3A_143, %broadcast_in_dim3A_620], %mul3A_602 : memref<64x112xf32, #tpu.memory_space<vmem>>[vector<16xi32>, vector<16xi32>], vector<16xf32>,
        %sub3A_621 = arith.constant 2.9454546 : f32
        %sub3A_622 = vector.broadcast %sub3A_621 : f32 to vector<16xf32>
        %sub3A_623 = arith.subf %mul3A_188, %sub3A_622 : vector<16xf32>
        %mul3A_624 = arith.mulf %sub3A_623, %sub3A_623 : vector<16xf32>
        %mul3A_625 = arith.constant -1.250000e+01 : f32
        %mul3A_626 = vector.broadcast %mul3A_625 : f32 to vector<16xf32>
        %mul3A_627 = arith.mulf %mul3A_626, %mul3A_624 : vector<16xf32>
        %exp3A_628 = math.exp %mul3A_627 : vector<16xf32>
        %mul3A_629 = arith.mulf %select_n3A_247, %exp3A_628 : vector<16xf32>
        %mul3A_630 = arith.mulf %mul3A_629, %mul3A_250 : vector<16xf32>
        %mul3A_631 = arith.mulf %mul3A_629, %mul3A_253 : vector<16xf32>
        %mul3A_632 = arith.mulf %mul3A_629, %mul3A_256 : vector<16xf32>
        %mul3A_633 = arith.mulf %mul3A_629, %mul3A_260 : vector<16xf32>
        %mul3A_634 = arith.mulf %mul3A_629, %mul3A_264 : vector<16xf32>
        %mul3A_635 = arith.mulf %mul3A_629, %mul3A_277 : vector<16xf32>
        %mul3A_636 = arith.mulf %mul3A_629, %mul3A_281 : vector<16xf32>
        %mul3A_637 = arith.mulf %mul3A_629, %mul3A_290 : vector<16xf32>
        %broadcast_in_dim3A_638 = arith.constant 81 : i32
        %broadcast_in_dim3A_639 = vector.broadcast %broadcast_in_dim3A_638 : i32 to vector<16xi32>
        tpu.vector_store_idx %arg16[%add3A_143, %broadcast_in_dim3A_639], %mul3A_629 : memref<64x112xf32, #tpu.memory_space<vmem>>[vector<16xi32>, vector<16xi32>], vector<16xf32>,
        %broadcast_in_dim3A_640 = arith.constant 82 : i32
        %broadcast_in_dim3A_641 = vector.broadcast %broadcast_in_dim3A_640 : i32 to vector<16xi32>
        tpu.vector_store_idx %arg16[%add3A_143, %broadcast_in_dim3A_641], %mul3A_630 : memref<64x112xf32, #tpu.memory_space<vmem>>[vector<16xi32>, vector<16xi32>], vector<16xf32>,
        %broadcast_in_dim3A_642 = arith.constant 83 : i32
        %broadcast_in_dim3A_643 = vector.broadcast %broadcast_in_dim3A_642 : i32 to vector<16xi32>
        tpu.vector_store_idx %arg16[%add3A_143, %broadcast_in_dim3A_643], %mul3A_631 : memref<64x112xf32, #tpu.memory_space<vmem>>[vector<16xi32>, vector<16xi32>], vector<16xf32>,
        %broadcast_in_dim3A_644 = arith.constant 84 : i32
        %broadcast_in_dim3A_645 = vector.broadcast %broadcast_in_dim3A_644 : i32 to vector<16xi32>
        tpu.vector_store_idx %arg16[%add3A_143, %broadcast_in_dim3A_645], %mul3A_632 : memref<64x112xf32, #tpu.memory_space<vmem>>[vector<16xi32>, vector<16xi32>], vector<16xf32>,
        %broadcast_in_dim3A_646 = arith.constant 85 : i32
        %broadcast_in_dim3A_647 = vector.broadcast %broadcast_in_dim3A_646 : i32 to vector<16xi32>
        tpu.vector_store_idx %arg16[%add3A_143, %broadcast_in_dim3A_647], %mul3A_633 : memref<64x112xf32, #tpu.memory_space<vmem>>[vector<16xi32>, vector<16xi32>], vector<16xf32>,
        %broadcast_in_dim3A_648 = arith.constant 86 : i32
        %broadcast_in_dim3A_649 = vector.broadcast %broadcast_in_dim3A_648 : i32 to vector<16xi32>
        tpu.vector_store_idx %arg16[%add3A_143, %broadcast_in_dim3A_649], %mul3A_634 : memref<64x112xf32, #tpu.memory_space<vmem>>[vector<16xi32>, vector<16xi32>], vector<16xf32>,
        %broadcast_in_dim3A_650 = arith.constant 87 : i32
        %broadcast_in_dim3A_651 = vector.broadcast %broadcast_in_dim3A_650 : i32 to vector<16xi32>
        tpu.vector_store_idx %arg16[%add3A_143, %broadcast_in_dim3A_651], %mul3A_635 : memref<64x112xf32, #tpu.memory_space<vmem>>[vector<16xi32>, vector<16xi32>], vector<16xf32>,
        %broadcast_in_dim3A_652 = arith.constant 88 : i32
        %broadcast_in_dim3A_653 = vector.broadcast %broadcast_in_dim3A_652 : i32 to vector<16xi32>
        tpu.vector_store_idx %arg16[%add3A_143, %broadcast_in_dim3A_653], %mul3A_636 : memref<64x112xf32, #tpu.memory_space<vmem>>[vector<16xi32>, vector<16xi32>], vector<16xf32>,
        %broadcast_in_dim3A_654 = arith.constant 89 : i32
        %broadcast_in_dim3A_655 = vector.broadcast %broadcast_in_dim3A_654 : i32 to vector<16xi32>
        tpu.vector_store_idx %arg16[%add3A_143, %broadcast_in_dim3A_655], %mul3A_637 : memref<64x112xf32, #tpu.memory_space<vmem>>[vector<16xi32>, vector<16xi32>], vector<16xf32>,
        %sub3A_656 = arith.constant 3.27272725 : f32
        %sub3A_657 = vector.broadcast %sub3A_656 : f32 to vector<16xf32>
        %sub3A_658 = arith.subf %mul3A_188, %sub3A_657 : vector<16xf32>
        %mul3A_659 = arith.mulf %sub3A_658, %sub3A_658 : vector<16xf32>
        %mul3A_660 = arith.constant -1.250000e+01 : f32
        %mul3A_661 = vector.broadcast %mul3A_660 : f32 to vector<16xf32>
        %mul3A_662 = arith.mulf %mul3A_661, %mul3A_659 : vector<16xf32>
        %exp3A_663 = math.exp %mul3A_662 : vector<16xf32>
        %mul3A_664 = arith.mulf %select_n3A_247, %exp3A_663 : vector<16xf32>
        %mul3A_665 = arith.mulf %mul3A_664, %mul3A_250 : vector<16xf32>
        %mul3A_666 = arith.mulf %mul3A_664, %mul3A_253 : vector<16xf32>
        %mul3A_667 = arith.mulf %mul3A_664, %mul3A_256 : vector<16xf32>
        %mul3A_668 = arith.mulf %mul3A_664, %mul3A_260 : vector<16xf32>
        %mul3A_669 = arith.mulf %mul3A_664, %mul3A_264 : vector<16xf32>
        %mul3A_670 = arith.mulf %mul3A_664, %mul3A_277 : vector<16xf32>
        %mul3A_671 = arith.mulf %mul3A_664, %mul3A_281 : vector<16xf32>
        %mul3A_672 = arith.mulf %mul3A_664, %mul3A_290 : vector<16xf32>
        %broadcast_in_dim3A_673 = arith.constant 90 : i32
        %broadcast_in_dim3A_674 = vector.broadcast %broadcast_in_dim3A_673 : i32 to vector<16xi32>
        tpu.vector_store_idx %arg16[%add3A_143, %broadcast_in_dim3A_674], %mul3A_664 : memref<64x112xf32, #tpu.memory_space<vmem>>[vector<16xi32>, vector<16xi32>], vector<16xf32>,
        %broadcast_in_dim3A_675 = arith.constant 91 : i32
        %broadcast_in_dim3A_676 = vector.broadcast %broadcast_in_dim3A_675 : i32 to vector<16xi32>
        tpu.vector_store_idx %arg16[%add3A_143, %broadcast_in_dim3A_676], %mul3A_665 : memref<64x112xf32, #tpu.memory_space<vmem>>[vector<16xi32>, vector<16xi32>], vector<16xf32>,
        %broadcast_in_dim3A_677 = arith.constant 92 : i32
        %broadcast_in_dim3A_678 = vector.broadcast %broadcast_in_dim3A_677 : i32 to vector<16xi32>
        tpu.vector_store_idx %arg16[%add3A_143, %broadcast_in_dim3A_678], %mul3A_666 : memref<64x112xf32, #tpu.memory_space<vmem>>[vector<16xi32>, vector<16xi32>], vector<16xf32>,
        %broadcast_in_dim3A_679 = arith.constant 93 : i32
        %broadcast_in_dim3A_680 = vector.broadcast %broadcast_in_dim3A_679 : i32 to vector<16xi32>
        tpu.vector_store_idx %arg16[%add3A_143, %broadcast_in_dim3A_680], %mul3A_667 : memref<64x112xf32, #tpu.memory_space<vmem>>[vector<16xi32>, vector<16xi32>], vector<16xf32>,
        %broadcast_in_dim3A_681 = arith.constant 94 : i32
        %broadcast_in_dim3A_682 = vector.broadcast %broadcast_in_dim3A_681 : i32 to vector<16xi32>
        tpu.vector_store_idx %arg16[%add3A_143, %broadcast_in_dim3A_682], %mul3A_668 : memref<64x112xf32, #tpu.memory_space<vmem>>[vector<16xi32>, vector<16xi32>], vector<16xf32>,
        %broadcast_in_dim3A_683 = arith.constant 95 : i32
        %broadcast_in_dim3A_684 = vector.broadcast %broadcast_in_dim3A_683 : i32 to vector<16xi32>
        tpu.vector_store_idx %arg16[%add3A_143, %broadcast_in_dim3A_684], %mul3A_669 : memref<64x112xf32, #tpu.memory_space<vmem>>[vector<16xi32>, vector<16xi32>], vector<16xf32>,
        %broadcast_in_dim3A_685 = arith.constant 96 : i32
        %broadcast_in_dim3A_686 = vector.broadcast %broadcast_in_dim3A_685 : i32 to vector<16xi32>
        tpu.vector_store_idx %arg16[%add3A_143, %broadcast_in_dim3A_686], %mul3A_670 : memref<64x112xf32, #tpu.memory_space<vmem>>[vector<16xi32>, vector<16xi32>], vector<16xf32>,
        %broadcast_in_dim3A_687 = arith.constant 97 : i32
        %broadcast_in_dim3A_688 = vector.broadcast %broadcast_in_dim3A_687 : i32 to vector<16xi32>
        tpu.vector_store_idx %arg16[%add3A_143, %broadcast_in_dim3A_688], %mul3A_671 : memref<64x112xf32, #tpu.memory_space<vmem>>[vector<16xi32>, vector<16xi32>], vector<16xf32>,
        %broadcast_in_dim3A_689 = arith.constant 98 : i32
        %broadcast_in_dim3A_690 = vector.broadcast %broadcast_in_dim3A_689 : i32 to vector<16xi32>
        tpu.vector_store_idx %arg16[%add3A_143, %broadcast_in_dim3A_690], %mul3A_672 : memref<64x112xf32, #tpu.memory_space<vmem>>[vector<16xi32>, vector<16xi32>], vector<16xf32>,
        %sub3A_691 = arith.constant 3.600000e+00 : f32
        %sub3A_692 = vector.broadcast %sub3A_691 : f32 to vector<16xf32>
        %sub3A_693 = arith.subf %mul3A_188, %sub3A_692 : vector<16xf32>
        %mul3A_694 = arith.mulf %sub3A_693, %sub3A_693 : vector<16xf32>
        %mul3A_695 = arith.constant -1.250000e+01 : f32
        %mul3A_696 = vector.broadcast %mul3A_695 : f32 to vector<16xf32>
        %mul3A_697 = arith.mulf %mul3A_696, %mul3A_694 : vector<16xf32>
        %exp3A_698 = math.exp %mul3A_697 : vector<16xf32>
        %mul3A_699 = arith.mulf %select_n3A_247, %exp3A_698 : vector<16xf32>
        %mul3A_700 = arith.mulf %mul3A_699, %mul3A_250 : vector<16xf32>
        %mul3A_701 = arith.mulf %mul3A_699, %mul3A_253 : vector<16xf32>
        %mul3A_702 = arith.mulf %mul3A_699, %mul3A_256 : vector<16xf32>
        %mul3A_703 = arith.mulf %mul3A_699, %mul3A_260 : vector<16xf32>
        %mul3A_704 = arith.mulf %mul3A_699, %mul3A_264 : vector<16xf32>
        %mul3A_705 = arith.mulf %mul3A_699, %mul3A_277 : vector<16xf32>
        %mul3A_706 = arith.mulf %mul3A_699, %mul3A_281 : vector<16xf32>
        %mul3A_707 = arith.mulf %mul3A_699, %mul3A_290 : vector<16xf32>
        %broadcast_in_dim3A_708 = arith.constant 99 : i32
        %broadcast_in_dim3A_709 = vector.broadcast %broadcast_in_dim3A_708 : i32 to vector<16xi32>
        tpu.vector_store_idx %arg16[%add3A_143, %broadcast_in_dim3A_709], %mul3A_699 : memref<64x112xf32, #tpu.memory_space<vmem>>[vector<16xi32>, vector<16xi32>], vector<16xf32>,
        %broadcast_in_dim3A_710 = arith.constant 100 : i32
        %broadcast_in_dim3A_711 = vector.broadcast %broadcast_in_dim3A_710 : i32 to vector<16xi32>
        tpu.vector_store_idx %arg16[%add3A_143, %broadcast_in_dim3A_711], %mul3A_700 : memref<64x112xf32, #tpu.memory_space<vmem>>[vector<16xi32>, vector<16xi32>], vector<16xf32>,
        %broadcast_in_dim3A_712 = arith.constant 101 : i32
        %broadcast_in_dim3A_713 = vector.broadcast %broadcast_in_dim3A_712 : i32 to vector<16xi32>
        tpu.vector_store_idx %arg16[%add3A_143, %broadcast_in_dim3A_713], %mul3A_701 : memref<64x112xf32, #tpu.memory_space<vmem>>[vector<16xi32>, vector<16xi32>], vector<16xf32>,
        %broadcast_in_dim3A_714 = arith.constant 102 : i32
        %broadcast_in_dim3A_715 = vector.broadcast %broadcast_in_dim3A_714 : i32 to vector<16xi32>
        tpu.vector_store_idx %arg16[%add3A_143, %broadcast_in_dim3A_715], %mul3A_702 : memref<64x112xf32, #tpu.memory_space<vmem>>[vector<16xi32>, vector<16xi32>], vector<16xf32>,
        %broadcast_in_dim3A_716 = arith.constant 103 : i32
        %broadcast_in_dim3A_717 = vector.broadcast %broadcast_in_dim3A_716 : i32 to vector<16xi32>
        tpu.vector_store_idx %arg16[%add3A_143, %broadcast_in_dim3A_717], %mul3A_703 : memref<64x112xf32, #tpu.memory_space<vmem>>[vector<16xi32>, vector<16xi32>], vector<16xf32>,
        %broadcast_in_dim3A_718 = arith.constant 104 : i32
        %broadcast_in_dim3A_719 = vector.broadcast %broadcast_in_dim3A_718 : i32 to vector<16xi32>
        tpu.vector_store_idx %arg16[%add3A_143, %broadcast_in_dim3A_719], %mul3A_704 : memref<64x112xf32, #tpu.memory_space<vmem>>[vector<16xi32>, vector<16xi32>], vector<16xf32>,
        %broadcast_in_dim3A_720 = arith.constant 105 : i32
        %broadcast_in_dim3A_721 = vector.broadcast %broadcast_in_dim3A_720 : i32 to vector<16xi32>
        tpu.vector_store_idx %arg16[%add3A_143, %broadcast_in_dim3A_721], %mul3A_705 : memref<64x112xf32, #tpu.memory_space<vmem>>[vector<16xi32>, vector<16xi32>], vector<16xf32>,
        %broadcast_in_dim3A_722 = arith.constant 106 : i32
        %broadcast_in_dim3A_723 = vector.broadcast %broadcast_in_dim3A_722 : i32 to vector<16xi32>
        tpu.vector_store_idx %arg16[%add3A_143, %broadcast_in_dim3A_723], %mul3A_706 : memref<64x112xf32, #tpu.memory_space<vmem>>[vector<16xi32>, vector<16xi32>], vector<16xf32>,
        %broadcast_in_dim3A_724 = arith.constant 107 : i32
        %broadcast_in_dim3A_725 = vector.broadcast %broadcast_in_dim3A_724 : i32 to vector<16xi32>
        tpu.vector_store_idx %arg16[%add3A_143, %broadcast_in_dim3A_725], %mul3A_707 : memref<64x112xf32, #tpu.memory_space<vmem>>[vector<16xi32>, vector<16xi32>], vector<16xf32>,
      }
      %scan3A_126 = arith.constant 4 : i32
      %add3A_127 = arith.constant 1 : i32
      %add3A_128 = arith.addi %add3A_109, %add3A_127 : i32
      %lt3A_129 = arith.constant 160 : i32
      %lt3A_130 = arith.cmpi slt, %add3A_128, %lt3A_129 : i32
      %convert_element_type3A_131 = arith.extui %lt3A_130 : i1 to i32
      %cond3A_132 = arith.constant 0 : i32
      %cond3A_133 = arith.cmpi ne, %convert_element_type3A_131, %cond3A_132 : i32
      scf.if %cond3A_133 {
        %add3A_137 = arith.constant 1 : i32
        %add3A_138 = arith.addi %add3A_109, %add3A_137 : i32
        %mul3A_139 = arith.constant 64 : i32
        %mul3A_140 = arith.muli %add3A_138, %mul3A_139 : i32
        %add3A_141 = arith.addi %mul3A_44, %mul3A_140 : i32
        "tpu.region"() ({
          %run_scoped3A = tpu.sem_alloc : memref<!tpu.dma_semaphore, #tpu.memory_space<semaphore_mem>>
          %dma_start3A_148 = tpu.memref_slice %arg3[%add3A_141] : memref<163840xi32, #tpu.memory_space<hbm>> -> memref<64xi32, #tpu.memory_space<hbm>>
          %dma_start3A_149 = tpu.memref_slice %arg3[%add3A_141] : memref<163840xi32, #tpu.memory_space<hbm>> -> memref<64xi32, #tpu.memory_space<hbm>>
          tpu.enqueue_dma source(%dma_start3A_149 : memref<64xi32, #tpu.memory_space<hbm>>) target(%arg6 : memref<64xi32, #tpu.memory_space<vmem>>) target_semaphore(%run_scoped3A : memref<!tpu.dma_semaphore, #tpu.memory_space<semaphore_mem>>)
          %dma_wait3A_150 = tpu.memref_slice %arg3[%add3A_141] : memref<163840xi32, #tpu.memory_space<hbm>> -> memref<64xi32, #tpu.memory_space<hbm>>
          %dma_wait3A_151 = tpu.memref_slice %arg3[%add3A_141] : memref<163840xi32, #tpu.memory_space<hbm>> -> memref<64xi32, #tpu.memory_space<hbm>>
          tpu.wait_dma2 semaphore(%run_scoped3A : memref<!tpu.dma_semaphore, #tpu.memory_space<semaphore_mem>>) src(%dma_wait3A_151 : memref<64xi32, #tpu.memory_space<hbm>>) dst(%arg6 : memref<64xi32, #tpu.memory_space<vmem>>)
          tpu.yield
        }) : () -> ()
        "tpu.region"() ({
          %run_scoped3A = tpu.sem_alloc : memref<!tpu.dma_semaphore, #tpu.memory_space<semaphore_mem>>
          %dma_start3A_148 = tpu.memref_slice %arg4[%add3A_141] : memref<163840xi32, #tpu.memory_space<hbm>> -> memref<64xi32, #tpu.memory_space<hbm>>
          %dma_start3A_149 = tpu.memref_slice %arg4[%add3A_141] : memref<163840xi32, #tpu.memory_space<hbm>> -> memref<64xi32, #tpu.memory_space<hbm>>
          tpu.enqueue_dma source(%dma_start3A_149 : memref<64xi32, #tpu.memory_space<hbm>>) target(%arg7 : memref<64xi32, #tpu.memory_space<vmem>>) target_semaphore(%run_scoped3A : memref<!tpu.dma_semaphore, #tpu.memory_space<semaphore_mem>>)
          %dma_wait3A_150 = tpu.memref_slice %arg4[%add3A_141] : memref<163840xi32, #tpu.memory_space<hbm>> -> memref<64xi32, #tpu.memory_space<hbm>>
          %dma_wait3A_151 = tpu.memref_slice %arg4[%add3A_141] : memref<163840xi32, #tpu.memory_space<hbm>> -> memref<64xi32, #tpu.memory_space<hbm>>
          tpu.wait_dma2 semaphore(%run_scoped3A : memref<!tpu.dma_semaphore, #tpu.memory_space<semaphore_mem>>) src(%dma_wait3A_151 : memref<64xi32, #tpu.memory_space<hbm>>) dst(%arg7 : memref<64xi32, #tpu.memory_space<vmem>>)
          tpu.yield
        }) : () -> ()
        %dma_start3A_142 = arith.constant 0 : i32
        %dma_start3A_143 = arith.constant 0 : i32
        %dma_start3A_144 = tpu.memref_slice %arg2[%dma_start3A_142, %dma_start3A_143] : memref<10016x16xf32, #tpu.memory_space<hbm>> -> memref<10016x16xf32, #tpu.memory_space<hbm>>
        tpu.enqueue_indirect_dma source(%dma_start3A_144 : memref<10016x16xf32, #tpu.memory_space<hbm>>) target(%arg8 : memref<64x16xf32, #tpu.memory_space<vmem>>) offsets(%arg6 : memref<64xi32, #tpu.memory_space<vmem>>) semaphore(%arg18 : memref<!tpu.dma_semaphore, #tpu.memory_space<semaphore_mem>>)
        %dma_start3A_145 = arith.constant 0 : i32
        %dma_start3A_146 = arith.constant 0 : i32
        %dma_start3A_147 = tpu.memref_slice %arg2[%dma_start3A_145, %dma_start3A_146] : memref<10016x16xf32, #tpu.memory_space<hbm>> -> memref<10016x16xf32, #tpu.memory_space<hbm>>
        tpu.enqueue_indirect_dma source(%dma_start3A_147 : memref<10016x16xf32, #tpu.memory_space<hbm>>) target(%arg9 : memref<64x16xf32, #tpu.memory_space<vmem>>) offsets(%arg7 : memref<64xi32, #tpu.memory_space<vmem>>) semaphore(%arg18 : memref<!tpu.dma_semaphore, #tpu.memory_space<semaphore_mem>>)
      } else {
      }
      %dma_start3A_134 = arith.constant 0 : i32
      %dma_start3A_135 = arith.constant 0 : i32
      %dma_start3A_136 = tpu.memref_slice %arg22[%dma_start3A_134, %dma_start3A_135] : memref<15104x112xf32, #tpu.memory_space<vmem_shared>> -> memref<15104x112xf32, #tpu.memory_space<vmem_shared>>
      tpu.enqueue_indirect_dma source(%arg16 : memref<64x112xf32, #tpu.memory_space<vmem>>) target(%dma_start3A_136 : memref<15104x112xf32, #tpu.memory_space<vmem_shared>>) offsets(%arg17 : memref<64xi32, #tpu.memory_space<vmem>>) semaphore(%arg21 : memref<!tpu.dma_semaphore, #tpu.memory_space<semaphore_mem>>) {add = true}
    }
    %scan3A_57 = arith.constant 80 : i32
    %dma_wait3A = arith.constant 0 : i32
    %dma_wait3A_58 = arith.constant 0 : i32
    %dma_wait3A_59 = tpu.memref_slice %arg22[%dma_wait3A, %dma_wait3A_58] : memref<15104x112xf32, #tpu.memory_space<vmem_shared>> -> memref<15104x112xf32, #tpu.memory_space<vmem_shared>>
    tpu.wait_indirect_dma semaphore(%arg20 : memref<!tpu.dma_semaphore, #tpu.memory_space<semaphore_mem>>) src(%arg10 : memref<64x112xf32, #tpu.memory_space<vmem>>) dst(%dma_wait3A_59 : memref<15104x112xf32, #tpu.memory_space<vmem_shared>>)
    %dma_wait3A_60 = arith.constant 0 : i32
    %dma_wait3A_61 = arith.constant 0 : i32
    %dma_wait3A_62 = tpu.memref_slice %arg22[%dma_wait3A_60, %dma_wait3A_61] : memref<15104x112xf32, #tpu.memory_space<vmem_shared>> -> memref<15104x112xf32, #tpu.memory_space<vmem_shared>>
    tpu.wait_indirect_dma semaphore(%arg21 : memref<!tpu.dma_semaphore, #tpu.memory_space<semaphore_mem>>) src(%arg16 : memref<64x112xf32, #tpu.memory_space<vmem>>) dst(%dma_wait3A_62 : memref<15104x112xf32, #tpu.memory_space<vmem_shared>>)
    %barrier3A_63 = arith.constant 0 : index
    tpu.barrier barrier_id(%barrier3A_63)
    %mul3A_64 = arith.constant 15000 : i32
    %mul3A_65 = arith.muli %arg0, %mul3A_64 : i32
    %mul3A_66 = arith.constant 944 : i32
    %mul3A_67 = arith.muli %arg1, %mul3A_66 : i32
    %add3A_68 = arith.addi %mul3A_65, %mul3A_67 : i32
    %lt3A = arith.constant 15 : i32
    %lt3A_69 = arith.cmpi slt, %arg1, %lt3A : i32
    %convert_element_type3A = arith.extui %lt3A_69 : i1 to i32
    %cond3A = arith.constant 0 : i32
    %cond3A_70 = arith.cmpi ne, %convert_element_type3A, %cond3A : i32
    scf.if %cond3A_70 {
      %mul3A_75 = arith.constant 944 : i32
      %mul3A_76 = arith.muli %arg1, %mul3A_75 : i32
      "tpu.region"() ({
        %run_scoped3A = tpu.sem_alloc : memref<!tpu.dma_semaphore, #tpu.memory_space<semaphore_mem>>
        %dma_start3A_77 = arith.constant 0 : i32
        %dma_start3A_78 = tpu.memref_slice %arg5[%add3A_68, %dma_start3A_77] : memref<30000x112xf32, #tpu.memory_space<hbm>> -> memref<944x112xf32, #tpu.memory_space<hbm>>
        %dma_start3A_79 = arith.constant 0 : i32
        %dma_start3A_80 = tpu.memref_slice %arg22[%mul3A_76, %dma_start3A_79] : memref<15104x112xf32, #tpu.memory_space<vmem_shared>> -> memref<944x112xf32, #tpu.memory_space<vmem_shared>>
        tpu.enqueue_dma source(%dma_start3A_80 : memref<944x112xf32, #tpu.memory_space<vmem_shared>>) target(%dma_start3A_78 : memref<944x112xf32, #tpu.memory_space<hbm>>) target_semaphore(%run_scoped3A : memref<!tpu.dma_semaphore, #tpu.memory_space<semaphore_mem>>)
        %dma_wait3A_81 = arith.constant 0 : i32
        %dma_wait3A_82 = tpu.memref_slice %arg5[%add3A_68, %dma_wait3A_81] : memref<30000x112xf32, #tpu.memory_space<hbm>> -> memref<944x112xf32, #tpu.memory_space<hbm>>
        %dma_wait3A_83 = arith.constant 0 : i32
        %dma_wait3A_84 = tpu.memref_slice %arg22[%mul3A_76, %dma_wait3A_83] : memref<15104x112xf32, #tpu.memory_space<vmem_shared>> -> memref<944x112xf32, #tpu.memory_space<vmem_shared>>
        tpu.wait_dma2 semaphore(%run_scoped3A : memref<!tpu.dma_semaphore, #tpu.memory_space<semaphore_mem>>) src(%dma_wait3A_84 : memref<944x112xf32, #tpu.memory_space<vmem_shared>>) dst(%dma_wait3A_82 : memref<944x112xf32, #tpu.memory_space<hbm>>)
        tpu.yield
      }) : () -> ()
    } else {
    }
    %eq3A = arith.constant 15 : i32
    %eq3A_71 = arith.cmpi eq, %arg1, %eq3A : i32
    %convert_element_type3A_72 = arith.extui %eq3A_71 : i1 to i32
    %cond3A_73 = arith.constant 0 : i32
    %cond3A_74 = arith.cmpi ne, %convert_element_type3A_72, %cond3A_73 : i32
    scf.if %cond3A_74 {
      %mul3A_75 = arith.constant 944 : i32
      %mul3A_76 = arith.muli %arg1, %mul3A_75 : i32
      "tpu.region"() ({
        %run_scoped3A = tpu.sem_alloc : memref<!tpu.dma_semaphore, #tpu.memory_space<semaphore_mem>>
        %dma_start3A_77 = arith.constant 0 : i32
        %dma_start3A_78 = tpu.memref_slice %arg5[%add3A_68, %dma_start3A_77] : memref<30000x112xf32, #tpu.memory_space<hbm>> -> memref<840x112xf32, #tpu.memory_space<hbm>>
        %dma_start3A_79 = arith.constant 0 : i32
        %dma_start3A_80 = tpu.memref_slice %arg22[%mul3A_76, %dma_start3A_79] : memref<15104x112xf32, #tpu.memory_space<vmem_shared>> -> memref<840x112xf32, #tpu.memory_space<vmem_shared>>
        tpu.enqueue_dma source(%dma_start3A_80 : memref<840x112xf32, #tpu.memory_space<vmem_shared>>) target(%dma_start3A_78 : memref<840x112xf32, #tpu.memory_space<hbm>>) target_semaphore(%run_scoped3A : memref<!tpu.dma_semaphore, #tpu.memory_space<semaphore_mem>>)
        %dma_wait3A_81 = arith.constant 0 : i32
        %dma_wait3A_82 = tpu.memref_slice %arg5[%add3A_68, %dma_wait3A_81] : memref<30000x112xf32, #tpu.memory_space<hbm>> -> memref<840x112xf32, #tpu.memory_space<hbm>>
        %dma_wait3A_83 = arith.constant 0 : i32
        %dma_wait3A_84 = tpu.memref_slice %arg22[%mul3A_76, %dma_wait3A_83] : memref<15104x112xf32, #tpu.memory_space<vmem_shared>> -> memref<840x112xf32, #tpu.memory_space<vmem_shared>>
        tpu.wait_dma2 semaphore(%run_scoped3A : memref<!tpu.dma_semaphore, #tpu.memory_space<semaphore_mem>>) src(%dma_wait3A_84 : memref<840x112xf32, #tpu.memory_space<vmem_shared>>) dst(%dma_wait3A_82 : memref<840x112xf32, #tpu.memory_space<hbm>>)
        tpu.yield
      }) : () -> ()
    } else {
    }
    return
  }
}

module attributes {stable_mosaic.version = 14 : i64} {
  func.func @_tc_body(%arg0: i32, %arg1: memref<200x336xf32, #tpu.memory_space<vmem>>, %arg2: memref<336x336xf32, #tpu.memory_space<vmem>>, %arg3: memref<200x1xf32, #tpu.memory_space<vmem>>) attributes {dimension_semantics = [#tpu.dimension_semantics<arbitrary>], iteration_bounds = array<i64: 50>, scalar_prefetch = 0 : i64, scratch_operands = 0 : i64, tpu.core_type = #tpu.core_type<tc>, window_params = [{transform_indices = @transform_0, window_bounds = array<i64: 200, 336>}, {pipeline_mode = #tpu.pipeline_mode<synchronous>, transform_indices = @transform_1, window_bounds = array<i64: 336, 336>}, {transform_indices = @transform_2, window_bounds = array<i64: 200, 1>}]} {
    %get3A = arith.constant 0 : index
    %get3A_0 = arith.constant 0 : index
    %get3A_1 = vector.load %arg1[%get3A, %get3A_0] : memref<200x336xf32, #tpu.memory_space<vmem>>, vector<200x336xf32>
    %get3A_2 = arith.constant 0 : index
    %get3A_3 = arith.constant 0 : index
    %get3A_4 = vector.load %arg2[%get3A_2, %get3A_3] : memref<336x336xf32, #tpu.memory_space<vmem>>, vector<336x336xf32>
    %dot_general3A = arith.constant dense<0.000000e+00> : vector<200x336xf32>
    %dot_general3A_5 = tpu.matmul %get3A_1, %get3A_4, %dot_general3A {dimension_numbers = #tpu.dot_dimension_numbers<[1], [0], [0], [1], [0, 0, 1, 1], [], []>, transpose_lhs_hint = false} : vector<200x336xf32>, vector<336x336xf32>, vector<200x336xf32> -> vector<200x336xf32>
    %mul3A = arith.mulf %dot_general3A_5, %get3A_1 : vector<200x336xf32>
    %reduce_sum3A = arith.constant dense<0.000000e+00> : vector<200xf32>
    %reduce_sum3A_6 = vector.multi_reduction <add>, %mul3A, %reduce_sum3A [1] : vector<200x336xf32> to vector<200xf32>
    %broadcast_in_dim3A = vector.shape_cast %reduce_sum3A_6 : vector<200xf32> to vector<200x1xf32>
    %swap3A = arith.constant 0 : index
    %swap3A_7 = arith.constant 0 : index
    %swap3A_8 = vector.load %arg3[%swap3A, %swap3A_7] : memref<200x1xf32, #tpu.memory_space<vmem>>, vector<200x1xf32>
    tpu.vector_store %arg3[%swap3A, %swap3A_7], %broadcast_in_dim3A {strides = array<i32>} : memref<200x1xf32, #tpu.memory_space<vmem>>, vector<200x1xf32>,
    return
  }
  func.func @transform_0(%arg0: i32) -> (i32, i32) {
    %c0_i32 = arith.constant 0 : i32
    %c0_i32_0 = arith.constant 0 : i32
    return %arg0, %c0_i32 : i32, i32
  }
  func.func @transform_1(%arg0: i32) -> (i32, i32) {
    %c0_i32 = arith.constant 0 : i32
    %c0_i32_0 = arith.constant 0 : i32
    %c0_i32_1 = arith.constant 0 : i32
    return %c0_i32, %c0_i32_0 : i32, i32
  }
  func.func @transform_2(%arg0: i32) -> (i32, i32) {
    %c0_i32 = arith.constant 0 : i32
    %c0_i32_0 = arith.constant 0 : i32
    return %arg0, %c0_i32 : i32, i32
  }
}

</mosaic_0001>

<sc_bundles>
// kernel: kernel.4.cloned.1.call-start
scs
__scs_entry_jumppad:
0x0: {  	(pc) =	sbr.rel $0x88, $3  }
0x1: {  	(tag) =	ssettag $0x0;
	lr =	simm.s32 $0x1  }
0x2: {  	[smem:$0x3F9C] =	sst lr;
	_ =	strace $0xD0000000  }
0x3: {  	_ = 	snop  }
0x4: {  	_ = 	snop  }
0x5: {  	_ = 	snop  }
0x6: {  	_ = 	snop  }
0x7: {  	_ = 	snop  }
__scs_overlays_trampoline_lowered:
0x8: {  	[smem:$0x3FAB] =	sst s0  }
0x9: {  	[smem:$0x3FAC] =	sst s1  }
0xa: {  	[smem:$0x3FAD] =	sst s2  }
0xb: {  	[smem:$0x3FAE] =	sst s3  }
0xc: {  	[smem:$0x3FAF] =	sst s4  }
0xd: {  	[smem:$0x3FB0] =	sst s5  }
0xe: {  	[smem:$0x3FB1] =	sst s6  }
0xf: {  	[smem:$0x3FB2] =	sst s7  }
0x10: {  	[smem:$0x3FB3] =	sst s8  }
0x11: {  	[smem:$0x3FB4] =	sst s9;
	s0 =	simm.s32 @!p0 $0x0  }
0x12: {  	s1 =	sld [smem:$0x3F9A];
	s0 =	simm.s32 @p0 $0x1  }
0x13: {  	[smem:$0x3FB5] =	sst s0;
	s0 =	simm.s32 @!p1 $0x0  }
0x14: {  	s2 =	sld [smem:$0x3F99];
	s0 =	simm.s32 @p1 $0x1  }
0x15: {  	[smem:$0x3FB6] =	sst s0;
	s0 =	simm.s32 @!p2 $0x0  }
0x16: {  	s3 =	sld [smem:$0x3FDB];
	s0 =	simm.s32 @p2 $0x1  }
0x17: {  	s4 =	simm.s32 $0x1BF5;
	[smem:$0x3FB8] =	sst s0  }
0x18: {  	s0 =	sld [smem:$0x3F9B];
	_ =	swait.ge [sflag:s4], $0x0  }
0x19: {  	s7 =	sld [smem:$0x3F9C]  }
0x1a: {  	s8 =	sadd.s32 $0xFFFFE003, lr  }
0x1b: {  	s9 =	sadd.s32 $0xFFFFFEF7, lr;
	s5 =	simm.s32 $0xFFFFFFFF;
	p2 =	slt.u32 s8, $0xFFFFF086  }
0x1c: {  	p1 =	slt.u32 s9, $0xF7A;
	s5 =	simm.s32 @!p2 $0x0  }
0x1d: {  	s5 =	simm.s32 @p1 $0x1;
	p0 =	seq.s32 s7, s2  }
0x1e: {  	s7 =	smul.u32 @!p0 $0xF7A, s2;
	p2 =	seq.s32 @!p0 s5, $0x0  }
0x1f: {  	s9 =	smul.u32 $0xF7A, s1;
	s8 =	simm.s32 @!p0 $0x1BF5;
	p2 =	por !p2, p0  }
0x20: {  	[sflag:s8] =	ssyncset.s32 @!p0 $0xFFFFF086;
	s6 =	sadd.s32 @!p0 s3, s7;
	s7 =	simm.s32 @!p0 $0x108  }
0x21: {  	s3 =	sadd.s32 s3, s9;
	s6 =	sadd.s32 @!p0 $0x88, s6;
	s7 =	simm.s32 @p2 $0x1082  }
0x22: {  	[simem:s7], [sflag:s8] =	dma.local @!p0 [hbm:s6], $0xF7A  }
0x23: {  	s9 =	sor.u32 $0xD0000000, s2;
	s6 =	simm.s32 $0x108;
	_ =	swait.ge @!p0 [sflag:s8], $0x0  }
0x24: {  	s3 =	sadd.s32 $0x88, s3;
	s6 =	simm.s32 @!p1 $0x1082;
	[sflag:s4] =	ssyncset.s32 $0xFFFFF086  }
0x25: {  	[simem:s6], [sflag:s4] =	dma.local [hbm:s3], $0xF7A  }
0x26: {  	[smem:$0x3F9C] =	sst s1;
	(tag) =	ssettag s2;
	_ =	strace s9  }
0x27: {  	s1 =	sld [smem:$0x3FAC]  }
0x28: {  	s2 =	sld [smem:$0x3FAD]  }
0x29: {  	s4 =	sld [smem:$0x3FAF]  }
0x2a: {  	p0 =	seq.s32 s5, $0x0;
	s5 =	sld [smem:$0x3FB0]  }
0x2b: {  	s6 =	sld [smem:$0x3FB1]  }
0x2c: {  	s7 =	sld [smem:$0x3FB2]  }
0x2d: {  	s3 =	simm.s32 $0x108;
	s8 =	sld [smem:$0x3FB3]  }
0x2e: {  	s3 =	simm.s32 @!p0 $0x1082;
	s9 =	sld [smem:$0x3FB4]  }
0x2f: {  	lr =	sadd.s32 s0, s3;
	s0 =	sld [smem:$0x3FAB]  }
0x30: {  	s3 =	sld [smem:$0x3FAE]  }
0x31: {  	[smem:$0x3FB7] =	sst s10  }
0x32: {  	s10 =	sld [smem:$0x3FB5];
	_ =	sdelay $0x3  }
0x33: {  	p0 =	seq.s32 s10, $0x1;
	s10 =	sld [smem:$0x3FB7];
	_ =	sdelay $0x3  }
0x34: {  	[smem:$0x3FB7] =	sst s10  }
0x35: {  	s10 =	sld [smem:$0x3FB6];
	_ =	sdelay $0x3  }
0x36: {  	p1 =	seq.s32 s10, $0x1;
	s10 =	sld [smem:$0x3FB7];
	_ =	sdelay $0x3  }
0x37: {  	[smem:$0x3FB7] =	sst s10  }
0x38: {  	s10 =	sld [smem:$0x3FB8]  }
0x39: {  	_ = 	snop;
	(pc) =	sbr.ind lr, $3  }
0x3a: {  	_ = 	snop  }
0x3b: {  	_ = 	snop  }
0x3c: {  	p2 =	seq.s32 s10, $0x1;
	s10 =	sld [smem:$0x3FB7]  }
0x3d: {  	_ =	shalt  }
0x3e: {  	_ =	shalt  }
0x3f: {  	_ =	shalt  }
0x40: {  	_ =	shalt  }
0x41: {  	_ =	shalt  }
0x42: {  	_ =	shalt  }
0x43: {  	_ =	shalt  }
0x44: {  	_ =	shalt  }
0x45: {  	_ =	shalt  }
0x46: {  	_ =	shalt  }
0x47: {  	_ =	shalt  }
0x48: {  	_ =	shalt  }
0x49: {  	_ =	shalt  }
0x4a: {  	_ =	shalt  }
0x4b: {  	_ =	shalt  }
0x4c: {  	_ =	shalt  }
0x4d: {  	_ =	shalt  }
0x4e: {  	_ =	shalt  }
0x4f: {  	_ =	shalt  }
0x50: {  	_ =	shalt  }
0x51: {  	_ =	shalt  }
0x52: {  	_ =	shalt  }
0x53: {  	_ =	shalt  }
0x54: {  	_ =	shalt  }
0x55: {  	_ =	shalt  }
0x56: {  	_ =	shalt  }
0x57: {  	_ =	shalt  }
0x58: {  	_ =	shalt  }
0x59: {  	_ =	shalt  }
0x5a: {  	_ =	shalt  }
0x5b: {  	_ =	shalt  }
0x5c: {  	_ =	shalt  }
0x5d: {  	_ =	shalt  }
0x5e: {  	_ =	shalt  }
0x5f: {  	_ =	shalt  }
0x60: {  	_ =	shalt  }
0x61: {  	_ =	shalt  }
0x62: {  	_ =	shalt  }
0x63: {  	_ =	shalt  }
0x64: {  	_ =	shalt  }
0x65: {  	_ =	shalt  }
0x66: {  	_ =	shalt  }
0x67: {  	_ =	shalt  }
0x68: {  	_ =	shalt  }
0x69: {  	_ =	shalt  }
0x6a: {  	_ =	shalt  }
0x6b: {  	_ =	shalt  }
0x6c: {  	_ =	shalt  }
0x6d: {  	_ =	shalt  }
0x6e: {  	_ =	shalt  }
0x6f: {  	_ =	shalt  }
0x70: {  	_ =	shalt  }
0x71: {  	_ =	shalt  }
0x72: {  	_ =	shalt  }
0x73: {  	_ =	shalt  }
0x74: {  	_ =	shalt  }
0x75: {  	_ =	shalt  }
0x76: {  	_ =	shalt  }
0x77: {  	_ =	shalt  }
0x78: {  	_ =	shalt  }
0x79: {  	_ =	shalt  }
0x7a: {  	_ =	shalt  }
0x7b: {  	_ =	shalt  }
0x7c: {  	_ =	shalt  }
0x7d: {  	_ =	shalt  }
0x7e: {  	_ =	shalt  }
0x7f: {  	_ =	shalt  }
0x80: {  	_ =	shalt  }
0x81: {  	_ =	shalt  }
0x82: {  	_ =	shalt  }
0x83: {  	_ =	shalt  }
0x84: {  	_ =	shalt  }
0x85: {  	_ =	shalt  }
0x86: {  	_ =	shalt  }
0x87: {  	_ =	shalt  }
.Lfunc_end0:
.L_simem_size_0:
called_computation_lowered:
.L_overlay_start_0:
0x88: {  	s2 =	sld [smem:$0x3FD9]  }
0x89: {  	s3 =	sld [smem:$0x3FFE];
	_ =	sdelay $0x1  }
0x8a: {  	s1 =	srdreg.scid  }
0x8b: {  	s0 =	sand.u32 $0x1, s1  }
0x8c: {  	s16 =	sshll.u32 s0, $0xA;
	s2 =	sadd.s32 s3, s2  }
0x8d: {  	s2 =	sadd.s32 s2, s16  }
0x8e: {  	[smem:$0x3FC3] =	sst s2  }
0x8f: {  	_ = 	snop  }
0x90: {  	(tm) =	ssettm $0x1  }
0x91: {  	s17 =	sld [smem:$0x3FFB];
	_ =	sdelay $0x3  }
0x92: {  	_ =	strace s17  }
0x93: {  	s2 =	sld [smem:$0x3FFC];
	_ =	sdelay $0x3  }
0x94: {  	_ =	strace s2  }
0x95: {  	s2 =	sld [smem:$0x3FFD];
	_ =	sdelay $0x3  }
0x96: {  	_ =	strace s2  }
0x97: {  	_ =	strace $0x8FFFFFFF  }
0x98: {  	s18 =	sld [smem:$0x3FDB];
	_ =	sdelay $0x1  }
0x99: {  	s19 =	simm.s32 $_scs_section_size  }
0x9a: {  	s4 =	simm.s32 $_size__tile_overlayer_lowered;
	s5 =	simm.s32 $_tile_overlayer_lowered  }
0x9b: {  	s22 =	simm.s32 $0x1BFF;
	s21 =	sshll.u32 s5, $0x1;
	s2 =	sadd.s32 s19, s18  }
0x9c: {  	s6 =	simm.s32 $0x0;
	s20 =	sshll.u32 s4, $0x1;
	s4 =	sadd.s32 s21, s2  }
0x9d: {  	[timem:s6], [sflag:s22] =	dma.local [hbm:s4], s20  }
0x9e: {  	_ =	swait.ge [sflag:s22], s20  }
0x9f: {  	s3 =	ssub.s32 $0x0, s20;
	[sflag:s22] =	ssyncset.done $0x0  }
0xa0: {  	[sflag:s22] =	ssyncadd.s32 s3;
	_ =	sdelay $0x1  }
0xa1: {  	s23 =	simm.s32 $0x1B8B  }
0xa2: {  	_ =	swait.ge [sflag:s23], $0x1  }
0xa3: {  	[sflag:s23] =	ssyncset.done $0x0  }
0xa4: {  	s25 =	simm.s32 $0x1B8E;
	s24 =	sld [smem:$0x3FFE];
	[sflag:s23] =	ssyncadd.s32 $0xFFFFFFFF  }
0xa5: {  	s26 =	simm.s32 $execute0_lowered;
	[smem:$0x3FD2] =	sst s25  }
0xa6: {  	s4 =	sshll.u32 s26, $0x1;
	_ =	strace $0x80000046;
	[dreg:$0x1] =	wrdreg $0xFFFFFFFF  }
0xa7: {  	s28 =	simm.s32 $_size_execute0_lowered;
	s2 =	sadd.s32 s2, s4;
	[dreg:$0x0] =	wrdreg $0x0  }
0xa8: {  	s4 =	sshll.u32 s28, $0x1;
	[dreg:$0x2] =	wrdreg s2  }
0xa9: {  	[dreg:$0x3] =	wrdreg s4  }
0xaa: {  	[dreg:$0x4] =	wrdreg $0xC0  }
0xab: {  	_ =	task [dreg:s6], $0x5FFFF  }
0xac: {  	[dreg:$0x1] =	wrdreg $0xFFFFFFFF  }
0xad: {  	[dreg:$0x0] =	wrdreg $0x60  }
0xae: {  	[dreg:$0x2] =	wrdreg s24  }
0xaf: {  	[dreg:$0x3] =	wrdreg $0x49800  }
0xb0: {  	[dreg:$0x4] =	wrdreg $0x9  }
0xb1: {  	_ =	task.clear_ibuf [dreg:s6], $0x5FFFF;
	_ =	strace $0x90000046  }
0xb2: {  	s29 =	simm.s32 $0x9;
	_ =	strace $0x80000048  }
0xb3: {  	_ =	swait.ge [sflag:s29], $0x1  }
0xb4: {  	[sflag:s29] =	ssyncadd.s32 $0xFFFFFFFF  }
0xb5: {  	_ =	strace $0x90000048  }
0xb6: {  	_ =	sfence  }
0xb7: {  	s30 =	sld [smem:$0x0];
	_ =	sdelay $0x2  }
0xb8: {  	s31 =	sshll.u32 s1, $0xD;
	s1 =	sshrl.u32 s1, $0x2  }
0xb9: {  	s3 =	sand.u32 $0x4000, s31;
	s1 =	sadd.s32 s1, s30  }
0xba: {  	s0 =	sor.u32 s3, s0;
	s1 =	sshll.u32 s1, $0x11  }
0xbb: {  	s0 =	sor.u32 s1, s0  }
0xbc: {  	s0 =	sadd.s32 $0x8F2B, s0  }
0xbd: {  	[sflag:s0] =	ssyncadd.remote.s32 $0x1  }
0xbe: {  	_ =	sfence.sel $0xFFFF  }
0xbf: {  	[dreg:$0x0] =	wrdreg $0xFFFFFFFF;
	(pc) =	sbr.abs _section_cstart, $3  }
0xc0: {  	[dreg:$0x1] =	wrdreg $0xFFFFFFFF  }
0xc1: {  	_ =	task.clear_ibuf [dreg:s6], $0x2FFFF;
	_ =	strace $0x9FFFFFFF  }
0xc2: {  	(tm) =	ssettm $0x7FFFFFFF  }
0xc3: {  	_ =	shalt  }
tec
execute0_lowered:
.L_overlay_start_1:
0x0: {  	(tag) =	ssettag $0x1  }
0x1: {  	s2 =	rddreg [dreg:$0x0]  }
0x2: {  	s0 =	srdreg.scid;
	s10 =	stileid.u32  }
0x3: {  	s3 =	rddreg [dreg:$0x1];
	s4 =	simm.s32 $0x0;
	s6 =	smul.u32 $0x67400, s10  }
0x4: {  	s29 =	simm.s32 $0x880;
	s30 =	simm.s32 $0x5;
	s19 =	smul.u32 $0x2800, s10  }
0x5: {  	s31 =	simm.s32 $0x40;
	s0 =	sand.u32 $0x1, s0;
	s1 =	smul.u32 $0x3B0, s10  }
0x6: {  	s5 =	sadd.s32 $0xA000, s2;
	s7 =	sshrl.u32 s6, $0x2;
	s24 =	sshrl.u32 s19, $0x3  }
0x7: {  	[smem:$0x7FF] =	sst s4;
	s7 =	sadd.s32 s7, s3;
	s12 =	sadd.s32 s5, s24  }
0x8: {  	_ =	strace $0x80000047;
	s13 =	sadd.s32 $0x1C00, s7;
	[dreg:$0xe] =	wrdreg s12  }
0x9: {  	p0 =	seq.s32 s10, $0xF;
	s14 =	sadd.s32 $0x3800, s7;
	[dreg:$0x3] =	wrdreg s13  }
0xa: {  	s10 =	simm.s32 $0x2500;
	s15 =	sadd.s32 $0x5400, s7;
	[dreg:$0x4] =	wrdreg s14  }
0xb: {  	s11 =	smul.u32 $0x3A98, s0;
	s16 =	sadd.s32 $0x7000, s7;
	[dreg:$0x5] =	wrdreg s15  }
0xc: {  	s0 =	ssub.s32 $0x2, s0;
	s17 =	sadd.s32 $0x8C00, s7;
	[dreg:$0x6] =	wrdreg s16  }
0xd: {  	s6 =	sadd.s32 $0x5000, s2;
	s18 =	sadd.s32 $0xA800, s7;
	[dreg:$0x7] =	wrdreg s17  }
0xe: {  	s8 =	sshrl.u32 s0, $0x1;
	s9 =	sadd.s32 $0xC400, s7;
	[dreg:$0x8] =	wrdreg s18  }
0xf: {  	s1 =	sadd.s32 s1, s11;
	s20 =	sadd.s32 $0xE000, s7;
	[dreg:$0x9] =	wrdreg s9  }
0x10: {  	s0 =	ssub.s32 s0, s8;
	s21 =	sadd.s32 $0xFC00, s7;
	[dreg:$0xa] =	wrdreg s20  }
0x11: {  	s8 =	simm.s32 $0x1;
	s22 =	sadd.s32 $0x11800, s7;
	[dreg:$0xb] =	wrdreg s21  }
0x12: {  	v0 =	vmov s11;
	s11 =	simm.s32 $0x2540;
	s23 =	sadd.s32 $0x13400, s7;
	[dreg:$0xc] =	wrdreg s22  }
0x13: {  	s1 =	smul.u32 $0xE, s1;
	s0 =	smax.u32 s0, $0x1;
	[dreg:$0xd] =	wrdreg s23  }
0x14: {  	s25 =	sadd.s32 $0x15000, s7;
	s26 =	sadd.s32 $0x16C00, s7;
	[dreg:$0x11] =	wrdreg s0  }
0x15: {  	s28 =	sadd.s32 $0x18800, s7;
	s12 =	simm.s32 $0x2940;
	[dreg:$0x12] =	wrdreg s25  }
0x16: {  	s9 =	sadd.s32 s6, s24;
	s21 =	sor.u32 $0x40, s19;
	[dreg:$0x13] =	wrdreg s26  }
.Ltmp0:
0x17: {  	s22 =	sor.u32 $0x80, s19;
	[dreg:$0x14] =	wrdreg s28;
	(pc) =	sbr.rel .LBB2_1-.Ltmp0, $4  }
0x18: {  	s0 =	simm.s32 $0x80;
	s13 =	simm.s32 $0x2480;
	s14 =	simm.s32 $0x2  }
0x19: {  	s15 =	simm.s32 $0x2D40;
	s16 =	simm.s32 $0x4940;
	s1 =	sadd.s32 s1, s2  }
0x1a: {  	v0 =	vsub.s32 $0x0, v0;
	s19 =	simm.s32 $0x0;
	[dreg:$0xf] =	wrdreg s9;
	s1 =	sadd.s32 $0xF000, s1  }
0x1b: {  	v1 =	vimm.f32 $0.0e+00;
	v2 =	vlaneseq.u32;
	v0 =	vbroadcast v0, $0x0;
	s9 =	simm.s32 $0x24C0;
	[dreg:$0x10] =	wrdreg s1;
	s1 =	simm.s32 $0x480  }
.LBB2_12:
0x1c: {  	[spmem:s3] =	stream.indirect.scatter.add.f32 [tilespmem:s15], [sflag:$0x4], $0x70, s16, s31, $0xb8;
	[tilespmem:$0x1E680] =	vst v63  }
0x1d: {  	s17 =	simm.s32 $0x3  }
0x1e: {  	_ =	swait.ge [sflag:s17], $0x1C00  }
0x1f: {  	[sflag:s17] =	ssyncset.done $0x0  }
0x20: {  	s26 =	simm.s32 $0x4;
	[sflag:s17] =	ssyncadd.s32 $0xFFFFE400  }
0x21: {  	_ =	swait.ge [sflag:s26], $0x1C00  }
0x22: {  	[sflag:s26] =	ssyncset.done $0x0  }
0x23: {  	[sflag:s26] =	ssyncadd.s32 $0xFFFFE400  }
0x24: {  	[bflag:$0x0] =	sbarrier.arrive $0xFFFF  }
0x25: {  	s18 =	simm.s32 @p0 $0x1FC5;
	s17 =	sshrl.u32 @p0 s7, $0x3;
	s20 =	rddreg [dreg:$0x10]  }
0x26: {  	[hbm:s20], [sflag:s18] =	dma.local @p0 [spmem:s17], $0x2DF0  }
0x27: {  	s17 =	simm.s32 @p0 $0x5  }
0x28: {  	s18 =	stileid.u32;
	_ =	swait.ge @p0 [sflag:s17], $0x2DF0  }
0x29: {  	s18 =	sshll.u32 @!p0 s18, $0x6;
	[sflag:s17] =	ssyncset.done @p0 $0x0  }
0x2a: {  	[sflag:s17] =	ssyncadd.s32 @p0 $0xFFFFD210;
	s17 =	sor.u32 @!p0 $0x1C05, s18;
	s18 =	sshrl.u32 @!p0 s7, $0x3  }
0x2b: {  	[hbm:s20], [sflag:s17] =	dma.local @!p0 [spmem:s18], $0x33A0  }
0x2c: {  	s17 =	simm.s32 @!p0 $0x5  }
0x2d: {  	_ =	swait.ge @!p0 [sflag:s17], $0x33A0  }
0x2e: {  	s19 =	sadd.s32 $0x1, s19;
	s28 =	rddreg [dreg:$0x11]  }
0x2f: {  	p1 =	sne.s32 s19, s28  }
.Ltmp1:
0x30: {  	_ = 	snop;
	(pc) =	sbr.rel @!p1 .LBB2_13-.Ltmp1, $3  }
0x31: {  	_ =	sdelay $0x1  }
0x32: {  	[sflag:s17] =	ssyncset.done @!p0 $0x0  }
0x33: {  	[sflag:s17] =	ssyncadd.s32 @!p0 $0xFFFFCC60  }
.LBB2_1:
0x34: {  	s17 =	simm.s32 $0x0;
	s18 =	simm.s32 $0x1C0  }
.LBB2_2:
0x35: {  	p1 =	sne.s32 s18, $0x6E40;
	[tilespmem:s17+$0x8E0] =	vst v1  }
0x36: {  	[tilespmem:s17+$0x880] =	vst v1  }
.Ltmp2:
0x37: {  	[tilespmem:s17+$0x890] =	vst v1;
	(pc) =	sbr.rel @p1 .LBB2_2-.Ltmp2, $4  }
0x38: {  	[tilespmem:s17+$0x8A0] =	vst v1  }
0x39: {  	[tilespmem:s17+$0x8B0] =	vst v1  }
0x3a: {  	[tilespmem:s17+$0x8C0] =	vst v1  }
0x3b: {  	[tilespmem:s17+$0x8D0] =	vst v1;
	s17 =	sshra.s32 s18, $0x2;
	s18 =	sadd.s32 $0x1C0, s18  }
0x3c: {  	[tilespmem:s17+$0x8E0] =	vst v1  }
0x3d: {  	[tilespmem:s17+$0x880] =	vst v1  }
0x3e: {  	[tilespmem:s17+$0x890] =	vst v1  }
0x3f: {  	[tilespmem:s17+$0x8A0] =	vst v1  }
0x40: {  	[tilespmem:s17+$0x8B0] =	vst v1  }
0x41: {  	[tilespmem:s17+$0x8C0] =	vst v1  }
0x42: {  	[tilespmem:s17+$0x8D0] =	vst v1;
	s17 =	simm.s32 $0x0;
	s18 =	simm.s32 $0x1C0  }
.LBB2_4:
0x43: {  	p1 =	sne.s32 s18, $0x6E40;
	[tilespmem:s17+$0x2DA0] =	vst v1  }
0x44: {  	[tilespmem:s17+$0x2D40] =	vst v1  }
.Ltmp3:
0x45: {  	[tilespmem:s17+$0x2D50] =	vst v1;
	(pc) =	sbr.rel @p1 .LBB2_4-.Ltmp3, $4  }
0x46: {  	[tilespmem:s17+$0x2D60] =	vst v1  }
0x47: {  	[tilespmem:s17+$0x2D70] =	vst v1  }
0x48: {  	[tilespmem:s17+$0x2D80] =	vst v1  }
0x49: {  	[tilespmem:s17+$0x2D90] =	vst v1;
	s17 =	sshra.s32 s18, $0x2;
	s18 =	sadd.s32 $0x1C0, s18  }
0x4a: {  	[tilespmem:s17+$0x2DA0] =	vst v1  }
0x4b: {  	[tilespmem:s17+$0x2D40] =	vst v1  }
0x4c: {  	[tilespmem:s17+$0x2D50] =	vst v1  }
0x4d: {  	[tilespmem:s17+$0x2D60] =	vst v1  }
0x4e: {  	[tilespmem:s17+$0x2D70] =	vst v1  }
0x4f: {  	[tilespmem:s17+$0x2D80] =	vst v1  }
0x50: {  	[tilespmem:s17+$0x2D90] =	vst v1  }
0x51: {  	[spmem:s7] =	stream.linear.scatter [tilespmem:s29], [sflag:$0x5], $0x1C00, $0x38;
	[tilespmem:$0x1E680] =	vst v63  }
0x52: {  	_ =	swait.ge [sflag:s30], $0x1C00  }
0x53: {  	[sflag:s30] =	ssyncset.done $0x0  }
0x54: {  	s26 =	rddreg [dreg:$0x3];
	[sflag:s30] =	ssyncadd.s32 $0xFFFFE400  }
0x55: {  	[spmem:s26] =	stream.linear.scatter [tilespmem:s29], [sflag:$0x5], $0x1C00, $0x38;
	[tilespmem:$0x1E680] =	vst v63  }
0x56: {  	_ =	swait.ge [sflag:s30], $0x1C00  }
0x57: {  	[sflag:s30] =	ssyncset.done $0x0  }
0x58: {  	s28 =	rddreg [dreg:$0x4];
	[sflag:s30] =	ssyncadd.s32 $0xFFFFE400  }
0x59: {  	[spmem:s28] =	stream.linear.scatter [tilespmem:s29], [sflag:$0x5], $0x1C00, $0x38;
	[tilespmem:$0x1E680] =	vst v63  }
0x5a: {  	_ =	swait.ge [sflag:s30], $0x1C00  }
0x5b: {  	[sflag:s30] =	ssyncset.done $0x0  }
0x5c: {  	s18 =	rddreg [dreg:$0x5];
	[sflag:s30] =	ssyncadd.s32 $0xFFFFE400  }
0x5d: {  	[spmem:s18] =	stream.linear.scatter [tilespmem:s29], [sflag:$0x5], $0x1C00, $0x38;
	[tilespmem:$0x1E680] =	vst v63  }
0x5e: {  	_ =	swait.ge [sflag:s30], $0x1C00  }
0x5f: {  	[sflag:s30] =	ssyncset.done $0x0  }
0x60: {  	s20 =	rddreg [dreg:$0x6];
	[sflag:s30] =	ssyncadd.s32 $0xFFFFE400  }
0x61: {  	[spmem:s20] =	stream.linear.scatter [tilespmem:s29], [sflag:$0x5], $0x1C00, $0x38;
	[tilespmem:$0x1E680] =	vst v63  }
0x62: {  	_ =	swait.ge [sflag:s30], $0x1C00  }
0x63: {  	[sflag:s30] =	ssyncset.done $0x0  }
0x64: {  	s23 =	rddreg [dreg:$0x7];
	[sflag:s30] =	ssyncadd.s32 $0xFFFFE400  }
0x65: {  	[spmem:s23] =	stream.linear.scatter [tilespmem:s29], [sflag:$0x5], $0x1C00, $0x38;
	[tilespmem:$0x1E680] =	vst v63  }
0x66: {  	_ =	swait.ge [sflag:s30], $0x1C00  }
0x67: {  	[sflag:s30] =	ssyncset.done $0x0  }
0x68: {  	s24 =	rddreg [dreg:$0x8];
	[sflag:s30] =	ssyncadd.s32 $0xFFFFE400  }
0x69: {  	[spmem:s24] =	stream.linear.scatter [tilespmem:s29], [sflag:$0x5], $0x1C00, $0x38;
	[tilespmem:$0x1E680] =	vst v63  }
0x6a: {  	_ =	swait.ge [sflag:s30], $0x1C00  }
0x6b: {  	[sflag:s30] =	ssyncset.done $0x0  }
0x6c: {  	s25 =	rddreg [dreg:$0x9];
	[sflag:s30] =	ssyncadd.s32 $0xFFFFE400  }
0x6d: {  	[spmem:s25] =	stream.linear.scatter [tilespmem:s29], [sflag:$0x5], $0x1C00, $0x38;
	[tilespmem:$0x1E680] =	vst v63  }
0x6e: {  	_ =	swait.ge [sflag:s30], $0x1C00  }
0x6f: {  	[sflag:s30] =	ssyncset.done $0x0  }
0x70: {  	s26 =	rddreg [dreg:$0xa];
	[sflag:s30] =	ssyncadd.s32 $0xFFFFE400  }
0x71: {  	[spmem:s26] =	stream.linear.scatter [tilespmem:s29], [sflag:$0x5], $0x1C00, $0x38;
	[tilespmem:$0x1E680] =	vst v63  }
0x72: {  	_ =	swait.ge [sflag:s30], $0x1C00  }
0x73: {  	[sflag:s30] =	ssyncset.done $0x0  }
0x74: {  	s28 =	rddreg [dreg:$0xb];
	[sflag:s30] =	ssyncadd.s32 $0xFFFFE400  }
0x75: {  	[spmem:s28] =	stream.linear.scatter [tilespmem:s29], [sflag:$0x5], $0x1C00, $0x38;
	[tilespmem:$0x1E680] =	vst v63  }
0x76: {  	_ =	swait.ge [sflag:s30], $0x1C00  }
0x77: {  	[sflag:s30] =	ssyncset.done $0x0  }
0x78: {  	s18 =	rddreg [dreg:$0xc];
	[sflag:s30] =	ssyncadd.s32 $0xFFFFE400  }
0x79: {  	[spmem:s18] =	stream.linear.scatter [tilespmem:s29], [sflag:$0x5], $0x1C00, $0x38;
	[tilespmem:$0x1E680] =	vst v63  }
0x7a: {  	_ =	swait.ge [sflag:s30], $0x1C00  }
0x7b: {  	[sflag:s30] =	ssyncset.done $0x0  }
0x7c: {  	s20 =	rddreg [dreg:$0xd];
	[sflag:s30] =	ssyncadd.s32 $0xFFFFE400  }
0x7d: {  	[spmem:s20] =	stream.linear.scatter [tilespmem:s29], [sflag:$0x5], $0x1C00, $0x38;
	[tilespmem:$0x1E680] =	vst v63  }
0x7e: {  	_ =	swait.ge [sflag:s30], $0x1C00  }
0x7f: {  	[sflag:s30] =	ssyncset.done $0x0  }
0x80: {  	s23 =	rddreg [dreg:$0x12];
	[sflag:s30] =	ssyncadd.s32 $0xFFFFE400  }
0x81: {  	[spmem:s23] =	stream.linear.scatter [tilespmem:s29], [sflag:$0x5], $0x1C00, $0x38;
	[tilespmem:$0x1E680] =	vst v63  }
0x82: {  	_ =	swait.ge [sflag:s30], $0x1C00  }
0x83: {  	[sflag:s30] =	ssyncset.done $0x0  }
0x84: {  	s24 =	rddreg [dreg:$0x13];
	[sflag:s30] =	ssyncadd.s32 $0xFFFFE400  }
0x85: {  	[spmem:s24] =	stream.linear.scatter [tilespmem:s29], [sflag:$0x5], $0x1C00, $0x38;
	[tilespmem:$0x1E680] =	vst v63  }
0x86: {  	_ =	swait.ge [sflag:s30], $0x1C00  }
0x87: {  	[sflag:s30] =	ssyncset.done $0x0  }
0x88: {  	s25 =	rddreg [dreg:$0x14];
	[sflag:s30] =	ssyncadd.s32 $0xFFFFE400  }
0x89: {  	[spmem:s25] =	stream.linear.scatter [tilespmem:s29], [sflag:$0x5], $0x1500, $0x38;
	[tilespmem:$0x1E680] =	vst v63  }
0x8a: {  	_ =	swait.ge [sflag:s30], $0x1500  }
0x8b: {  	[sflag:s30] =	ssyncset.done $0x0  }
0x8c: {  	[sflag:s30] =	ssyncadd.s32 $0xFFFFEB00  }
0x8d: {  	[bflag:$0x0] =	sbarrier.arrive $0xFFFF  }
0x8e: {  	s20 =	simm.s32 $0x0;
	s26 =	rddreg [dreg:$0xe]  }
0x8f: {  	[tilespmem:s20], [sflag:$0x5] =	stream.linear.gather [hbm4b:s26+s20], $0x40, $0x38;
	[tilespmem:$0x1E680] =	vst v63  }
0x90: {  	_ =	swait.ge [sflag:s30], $0x40  }
0x91: {  	[sflag:s30] =	ssyncset.done $0x0  }
0x92: {  	s28 =	rddreg [dreg:$0xf];
	[sflag:s30] =	ssyncadd.s32 $0xFFFFFFC0  }
0x93: {  	[tilespmem:s31], [sflag:$0x5] =	stream.linear.gather [hbm4b:s28+s20], $0x40, $0x38;
	[tilespmem:$0x1E680] =	vst v63  }
0x94: {  	_ =	swait.ge [sflag:s30], $0x40  }
0x95: {  	[sflag:s30] =	ssyncset.done $0x0  }
0x96: {  	[sflag:s30] =	ssyncadd.s32 $0xFFFFFFC0  }
0x97: {  	[tilespmem:s0], [sflag:$0x1] =	stream.indirect.gather [hbm4b:s2+s31], $0x10, s20, s31, $0xb8;
	[tilespmem:$0x1E680] =	vst v63  }
0x98: {  	s24 =	simm.s32 $0x0  }
0x99: {  	[tilespmem:s1], [sflag:$0x1] =	stream.indirect.gather [hbm4b:s2+s31], $0x10, s31, s31, $0xb8;
	[tilespmem:$0x1E680] =	vst v63  }
.LBB2_6:
0x9a: {  	p1 =	seq.s32 s24, $0x0  }
0x9b: {  	s17 =	simm.s32 @!p1 $0x3  }
0x9c: {  	_ =	swait.ge @!p1 [sflag:s17], $0x1C00  }
0x9d: {  	[sflag:s17] =	ssyncset.done @!p1 $0x0  }
0x9e: {  	[sflag:s17] =	ssyncadd.s32 @!p1 $0xFFFFE400  }
0x9f: {  	v3 =	vor.u32 s20, v2;
	_ =	swait.ge [sflag:s8], $0x400  }
0xa0: {  	v4 =	vshll.u32 v3, $0x4;
	[sflag:s8] =	ssyncset.done $0x0  }
0xa1: {  	[sflag:s8] =	ssyncadd.s32 $0xFFFFFC00  }
0xa2: {  	v5 =	vor.u32 $0x1, v4;
	_ =	swait.ge [sflag:s8], $0x400  }
0xa3: {  	[sflag:s8] =	ssyncset.done $0x0  }
0xa4: {  	v6 =	vor.u32 $0x2, v4;
	[sflag:s8] =	ssyncadd.s32 $0xFFFFFC00  }
0xa5: {  	v7 =	vld.idx.msk [tilespmem:v4+s1+$0x0], $0xffff  }
0xa6: {  	v8 =	vld.idx.msk [tilespmem:v4+s0+$0x0], $0xffff  }
0xa7: {  	v9 =	vld.idx.msk [tilespmem:v5+s1+$0x0], $0xffff  }
0xa8: {  	v5 =	vld.idx.msk [tilespmem:v5+s0+$0x0], $0xffff  }
0xa9: {  	v10 =	vld.idx.msk [tilespmem:v6+s0+$0x0], $0xffff  }
0xaa: {  	v6 =	vld.idx.msk [tilespmem:v6+s1+$0x0], $0xffff;
	_ =	sdelay $0x2  }
0xab: {  	v7 =	vsub.f32 v7, v8;
	v5 =	vsub.f32 v9, v5;
	_ =	sdelay $0x1  }
0xac: {  	v6 =	vsub.f32 v6, v10;
	v8 =	vmul.f32 v7, v7;
	v9 =	vmul.f32 v5, v5;
	_ =	sdelay $0x1  }
0xad: {  	v8 =	vadd.f32 v9, v8;
	v9 =	vmul.f32 v6, v6;
	_ =	sdelay $0x1  }
0xae: {  	v8 =	vadd.f32 v9, v8;
	_ =	sdelay $0x1  }
0xaf: {  	v8 =	vadd.f32 $9.999999960e-13, v8;
	_ =	sdelay $0x1  }
0xb0: {  	v9 =	vshrl.u32 v8, $0x1  }
0xb1: {  	v9 =	vadd.s32 $0x1FBD1DF5, v9  }
0xb2: {  	(erf) = vrcp.f32 v9;
	_ =	sdelay $0x8  }
0xb3: {  	v10 =	vpop (erf)  }
0xb4: {  	v10 =	vmul.f32 v10, v8;
	_ =	sdelay $0x1  }
0xb5: {  	v9 =	vadd.f32 v9, v10;
	_ =	sdelay $0x1  }
0xb6: {  	v9 =	vmul.f32 $5.000000000e-01, v9;
	_ =	sdelay $0x1  }
0xb7: {  	(erf) = vrcp.f32 v9;
	_ =	sdelay $0x8  }
0xb8: {  	v10 =	vpop (erf)  }
0xb9: {  	v10 =	vmul.f32 v10, v8;
	_ =	sdelay $0x1  }
0xba: {  	v9 =	vadd.f32 v10, v9;
	_ =	sdelay $0x1  }
0xbb: {  	v9 =	vmul.f32 $5.000000000e-01, v9;
	_ =	sdelay $0x1  }
0xbc: {  	(erf) = vrcp.f32 v9;
	_ =	sdelay $0x8  }
0xbd: {  	v10 =	vpop (erf)  }
0xbe: {  	v8 =	vmul.f32 v10, v8;
	_ =	sdelay $0x1  }
0xbf: {  	v8 =	vadd.f32 v8, v9;
	_ =	sdelay $0x1  }
0xc0: {  	v13 =	vmul.f32 $5.000000000e-01, v8;
	_ =	sdelay $0x1  }
0xc1: {  	v8 =	vadd.f32 $-3.299999950e+00, v13;
	_ =	sdelay $0x1  }
0xc2: {  	v8 =	vmul.f32 $1.047197530e+01, v8;
	_ =	sdelay $0x1  }
0xc3: {  	v9 =	vsub.f32 $3.141592740e+00, v8;
	_ =	sdelay $0x1  }
0xc4: {  	v9 =	vmin.f32 v8, v9  }
0xc5: {  	v9 =	vmul.f32 v9, v9;
	_ =	sdelay $0x1  }
0xc6: {  	v10 =	vmul.f32 $-2.755732000e-07, v9;
	_ =	sdelay $0x1  }
0xc7: {  	v10 =	vadd.f32 $2.480158760e-05, v10  }
0xc8: {  	v4 =	vor.u32 $0x3, v4  }
0xc9: {  	v10 =	vmul.f32 v10, v9;
	_ =	sdelay $0x1  }
0xca: {  	(erf) = vrcp.f32 v13;
	v10 =	vadd.f32 $-1.388888920e-03, v10;
	_ =	sdelay $0x1  }
0xcb: {  	v4 =	vld.idx.msk [tilespmem:v4+s0+$0x0], $0xffff;
	v10 =	vmul.f32 v10, v9;
	_ =	sdelay $0x1  }
0xcc: {  	v10 =	vadd.f32 $4.166666790e-02, v10  }
0xcd: {  	v11 =	vmul.f32 v13, v13  }
0xce: {  	v12 =	vadd.f32 $-3.272727130e-01, v13;
	v10 =	vmul.f32 v10, v9  }
0xcf: {  	v4 =	vtrunc.f32 v4;
	v14 =	vadd.f32 $-6.545454260e-01, v13;
	v11 =	vmul.f32 $-1.250000000e+01, v11  }
0xd0: {  	v4 =	vcvt.f32.s32 v4;
	v12 =	vmul.f32 v12, v12;
	v10 =	vadd.f32 $-5.000000000e-01, v10  }
0xd1: {  	v14 =	vmul.f32 v14, v14;
	v11 =	vmul.f32 $1.442695020e+00, v11;
	v15 =	vpop (erf)  }
0xd2: {  	v21 =	vadd.f32 $-9.818181990e-01, v13;
	v16 =	vmul.f32 v15, v6;
	v6 =	vmul.f32 v10, v9  }
0xd3: {  	vm15 =	vlt.f32 v13, $3.599999900e+00;
	v12 =	vmul.f32 $-1.250000000e+01, v12;
	v14 =	vmul.f32 $-1.250000000e+01, v14  }
0xd4: {  	(erf) = vpow2.f32 v11;
	v7 =	vmul.f32 v15, v7;
	v6 =	vadd.f32 $1.000000000e+00, v6  }
0xd5: {  	vm1 =	vlt.f32 v13, $3.299999950e+00;
	v9 =	vmul.f32 v15, v5;
	v5 =	vmul.f32 v16, v16  }
0xd6: {  	s26 =	simm.s32 $0x40;
	v15 =	vmul.f32 $1.442695020e+00, v14;
	v14 =	vadd.f32 $-3.599999900e+00, v13;
	v11 =	vsub.f32 $0.0e+00, v6  }
0xd7: {  	v20 =	vld [tilespmem:s26+$0x0];
	vm0 =	vgt.f32 v8, $1.570796370e+00;
	v10 =	vmul.f32 v7, v7;
	v5 =	vmul.f32 $3.000000000e+00, v5  }
0xd8: {  	v18 =	vmul.f32 v9, v9;
	v14 =	vmul.f32 v14, v14;
	v6 =	vsel vm0, v11, v6  }
0xd9: {  	v12 =	vmul.f32 $1.442695020e+00, v12;
	v5 =	vadd.f32 $-1.000000000e+00, v5;
	v11 =	vadd.f32 $1.000000000e+00, v6  }
0xda: {  	v17 =	vmul.f32 v9, v7;
	v8 =	vsub.f32 v10, v18;
	v10 =	vmul.f32 $-1.250000000e+01, v14  }
0xdb: {  	v14 =	vmul.f32 $5.000000000e-01, v5;
	v6 =	vmul.u32 $0x70, v3;
	v3 =	vmul.f32 $5.000000000e-01, v11  }
0xdc: {  	v22 =	vmul.f32 $5.000000000e-01, v8;
	v5 =	vmul.f32 $1.442695020e+00, v10;
	v8 =	vmul.u32 $0x3, v20  }
0xdd: {  	v19 =	vmul.f32 v16, v9;
	v18 =	vmul.f32 v16, v7;
	v3 =	vnsel vm15, $0x0, v3  }
0xde: {  	(erf) = vpow2.f32 v5;
	v8 =	vadd.s32 v0, v8;
	v5 =	vsel vm1, $0x3F800000, v3  }
0xdf: {  	v3 =	vadd.s32 v4, v8;
	v4 =	vpop (erf);
	(erf) = vpow2.f32 v12;
	v12 =	vor.u32 $0x1, v6  }
0xe0: {  	v7 =	vmul.f32 $1.732050780e+00, v7;
	v44 =	vmul.f32 v5, v4;
	v4 =	vor.u32 $0x2, v6  }
0xe1: {  	s28 =	simm.s32 $0x2480;
	v11 =	vmul.f32 $1.732050780e+00, v9;
	v23 =	vor.u32 $0x3, v6;
	v3 =	vmin.u32 v3, $0x3A98  }
0xe2: {  	v9 =	vmul.f32 $1.732050780e+00, v16;
	v16 =	vor.u32 $0x4, v6;
	[tilespmem:s28+$0x0] =	vst v3;
	v3 =	vmul.f32 v44, v7  }
0xe3: {  	v10 =	vmul.f32 $2.236068010e+00, v17;
	v24 =	vor.u32 $0x5, v6;
	v17 =	vmul.f32 v44, v11;
	[tilespmem:v6+s29+$0x0] =	vst.idx.msk $0xffff, v44  }
0xe4: {  	v25 =	vor.u32 $0x6, v6;
	v8 =	vmul.f32 $2.236068010e+00, v19;
	v19 =	vmul.f32 v44, v9;
	[tilespmem:v12+s29+$0x0] =	vst.idx.msk $0xffff, v3  }
0xe5: {  	v26 =	vmul.f32 v44, v10;
	v12 =	vmul.f32 $2.236068010e+00, v14;
	[tilespmem:v4+s29+$0x0] =	vst.idx.msk $0xffff, v17;
	v17 =	vor.u32 $0x7, v6  }
0xe6: {  	v3 =	vmul.f32 $2.236068010e+00, v18;
	v18 =	vmul.f32 v44, v8;
	[tilespmem:v23+s29+$0x0] =	vst.idx.msk $0xffff, v19;
	v19 =	vor.u32 $0x8, v6  }
0xe7: {  	v14 =	vpop (erf);
	v4 =	vmul.f32 $2.236068010e+00, v22;
	v45 =	vmul.f32 v44, v12;
	[tilespmem:v16+s29+$0x0] =	vst.idx.msk $0xffff, v26;
	v16 =	vor.u32 $0x9, v6  }
0xe8: {  	v47 =	vmul.f32 v44, v3;
	v46 =	vpop (erf);
	[tilespmem:v24+s29+$0x0] =	vst.idx.msk $0xffff, v18;
	v18 =	vor.u32 $0xA, v6;
	(erf) = vpow2.f32 v15  }
0xe9: {  	v49 =	vor.u32 $0xB, v6;
	v15 =	vmul.f32 v44, v4;
	[tilespmem:v25+s29+$0x0] =	vst.idx.msk $0xffff, v45;
	v48 =	vmul.f32 v5, v46  }
0xea: {  	[tilespmem:v17+s29+$0x0] =	vst.idx.msk $0xffff, v47;
	v17 =	vor.u32 $0xC, v6  }
0xeb: {  	v21 =	vmul.f32 v21, v21;
	[tilespmem:v19+s29+$0x0] =	vst.idx.msk $0xffff, v15;
	v15 =	vmul.f32 v48, v7;
	v19 =	vor.u32 $0xD, v6  }
0xec: {  	v23 =	vmul.f32 v48, v11;
	[tilespmem:v16+s29+$0x0] =	vst.idx.msk $0xffff, v48;
	v16 =	vor.u32 $0xE, v6  }
0xed: {  	v21 =	vmul.f32 $-1.250000000e+01, v21;
	v50 =	vmul.f32 v48, v9;
	[tilespmem:v18+s29+$0x0] =	vst.idx.msk $0xffff, v15;
	v15 =	vor.u32 $0xF, v6  }
0xee: {  	v51 =	vadd.s32 $0x10, v6;
	v18 =	vmul.f32 v48, v10;
	[tilespmem:v49+s29+$0x0] =	vst.idx.msk $0xffff, v23  }
0xef: {  	v21 =	vmul.f32 $1.442695020e+00, v21;
	v52 =	vmul.f32 v48, v8;
	[tilespmem:v17+s29+$0x0] =	vst.idx.msk $0xffff, v50;
	v17 =	vadd.s32 $0x11, v6  }
0xf0: {  	v53 =	vadd.f32 $-1.309090850e+00, v13;
	v54 =	vmul.f32 v48, v12;
	[tilespmem:v19+s29+$0x0] =	vst.idx.msk $0xffff, v18;
	v18 =	vadd.s32 $0x12, v6  }
0xf1: {  	v19 =	vmul.f32 v48, v3;
	[tilespmem:v16+s29+$0x0] =	vst.idx.msk $0xffff, v52;
	v16 =	vadd.s32 $0x13, v6;
	v55 =	vpop (erf);
	(erf) = vpow2.f32 v21  }
0xf2: {  	v56 =	vadd.s32 $0x14, v6;
	v20 =	vmul.f32 v48, v4;
	[tilespmem:v15+s29+$0x0] =	vst.idx.msk $0xffff, v54;
	v15 =	vmul.f32 v5, v55  }
0xf3: {  	[tilespmem:v51+s29+$0x0] =	vst.idx.msk $0xffff, v19;
	v19 =	vadd.s32 $0x15, v6  }
0xf4: {  	v57 =	vmul.f32 v53, v53;
	v58 =	vadd.s32 $0x16, v6;
	[tilespmem:v17+s29+$0x0] =	vst.idx.msk $0xffff, v20;
	v17 =	vmul.f32 v15, v7  }
0xf5: {  	v23 =	vmul.f32 v15, v11;
	[tilespmem:v18+s29+$0x0] =	vst.idx.msk $0xffff, v15;
	v18 =	vadd.s32 $0x17, v6  }
0xf6: {  	v22 =	vmul.f32 $-1.250000000e+01, v57;
	v59 =	vmul.f32 v15, v9;
	[tilespmem:v16+s29+$0x0] =	vst.idx.msk $0xffff, v17;
	v16 =	vadd.s32 $0x18, v6  }
0xf7: {  	v60 =	vadd.s32 $0x19, v6;
	v17 =	vmul.f32 v15, v10;
	[tilespmem:v56+s29+$0x0] =	vst.idx.msk $0xffff, v23  }
0xf8: {  	v22 =	vmul.f32 $1.442695020e+00, v22;
	v61 =	vmul.f32 v15, v8;
	[tilespmem:v19+s29+$0x0] =	vst.idx.msk $0xffff, v59;
	v19 =	vadd.s32 $0x1A, v6  }
0xf9: {  	v62 =	vadd.f32 $-1.636363630e+00, v13;
	v63 =	vmul.f32 v15, v12;
	[tilespmem:v58+s29+$0x0] =	vst.idx.msk $0xffff, v17;
	v17 =	vadd.s32 $0x1B, v6  }
0xfa: {  	v28 =	vmul.f32 v15, v3;
	[tilespmem:v18+s29+$0x0] =	vst.idx.msk $0xffff, v61;
	v18 =	vadd.s32 $0x1C, v6;
	v29 =	vpop (erf);
	(erf) = vpow2.f32 v22  }
0xfb: {  	v30 =	vadd.s32 $0x1D, v6;
	v15 =	vmul.f32 v15, v4;
	[tilespmem:v16+s29+$0x0] =	vst.idx.msk $0xffff, v63;
	v16 =	vmul.f32 v5, v29  }
0xfc: {  	v31 =	vadd.s32 $0x1E, v6;
	[tilespmem:v60+s29+$0x0] =	vst.idx.msk $0xffff, v28  }
0xfd: {  	v32 =	vmul.f32 v62, v62;
	[tilespmem:v19+s29+$0x0] =	vst.idx.msk $0xffff, v15;
	v15 =	vmul.f32 v16, v7;
	v19 =	vadd.s32 $0x1F, v6  }
0xfe: {  	v23 =	vmul.f32 v16, v11;
	[tilespmem:v17+s29+$0x0] =	vst.idx.msk $0xffff, v16;
	v17 =	vadd.s32 $0x20, v6  }
0xff: {  	v21 =	vmul.f32 $-1.250000000e+01, v32;
	v33 =	vmul.f32 v16, v9;
	[tilespmem:v18+s29+$0x0] =	vst.idx.msk $0xffff, v15;
	v15 =	vadd.s32 $0x21, v6  }
0x100: {  	v34 =	vadd.s32 $0x22, v6;
	v18 =	vmul.f32 v16, v10;
	[tilespmem:v30+s29+$0x0] =	vst.idx.msk $0xffff, v23  }
0x101: {  	v36 =	vadd.s32 $0x23, v6;
	v21 =	vmul.f32 $1.442695020e+00, v21;
	v35 =	vmul.f32 v16, v8;
	[tilespmem:v31+s29+$0x0] =	vst.idx.msk $0xffff, v33  }
0x102: {  	v37 =	vadd.f32 $-1.963636400e+00, v13;
	v38 =	vmul.f32 v16, v12;
	[tilespmem:v19+s29+$0x0] =	vst.idx.msk $0xffff, v18;
	v18 =	vadd.s32 $0x24, v6  }
0x103: {  	v19 =	vmul.f32 v16, v3;
	[tilespmem:v17+s29+$0x0] =	vst.idx.msk $0xffff, v35;
	v17 =	vadd.s32 $0x25, v6;
	v39 =	vpop (erf);
	(erf) = vpow2.f32 v21  }
0x104: {  	v40 =	vadd.s32 $0x26, v6;
	v16 =	vmul.f32 v16, v4;
	[tilespmem:v15+s29+$0x0] =	vst.idx.msk $0xffff, v38;
	v15 =	vmul.f32 v5, v39  }
0x105: {  	[tilespmem:v34+s29+$0x0] =	vst.idx.msk $0xffff, v19;
	v19 =	vadd.s32 $0x27, v6  }
0x106: {  	v41 =	vmul.f32 v37, v37;
	v42 =	vadd.s32 $0x28, v6;
	[tilespmem:v36+s29+$0x0] =	vst.idx.msk $0xffff, v16;
	v16 =	vmul.f32 v15, v7  }
0x107: {  	v23 =	vmul.f32 v15, v11;
	[tilespmem:v18+s29+$0x0] =	vst.idx.msk $0xffff, v15;
	v18 =	vadd.s32 $0x29, v6  }
0x108: {  	v22 =	vmul.f32 $-1.250000000e+01, v41;
	v43 =	vmul.f32 v15, v9;
	[tilespmem:v17+s29+$0x0] =	vst.idx.msk $0xffff, v16;
	v16 =	vadd.s32 $0x2A, v6  }
0x109: {  	v44 =	vadd.s32 $0x2B, v6;
	v17 =	vmul.f32 v15, v10;
	[tilespmem:v40+s29+$0x0] =	vst.idx.msk $0xffff, v23  }
0x10a: {  	v22 =	vmul.f32 $1.442695020e+00, v22;
	v45 =	vmul.f32 v15, v8;
	[tilespmem:v19+s29+$0x0] =	vst.idx.msk $0xffff, v43;
	v19 =	vadd.s32 $0x2C, v6  }
0x10b: {  	v46 =	vadd.f32 $-2.290909050e+00, v13;
	v47 =	vmul.f32 v15, v12;
	[tilespmem:v42+s29+$0x0] =	vst.idx.msk $0xffff, v17;
	v17 =	vadd.s32 $0x2D, v6  }
0x10c: {  	v48 =	vmul.f32 v15, v3;
	[tilespmem:v18+s29+$0x0] =	vst.idx.msk $0xffff, v45;
	v18 =	vadd.s32 $0x2E, v6;
	v49 =	vpop (erf);
	(erf) = vpow2.f32 v22  }
0x10d: {  	v50 =	vadd.s32 $0x2F, v6;
	v15 =	vmul.f32 v15, v4;
	[tilespmem:v16+s29+$0x0] =	vst.idx.msk $0xffff, v47;
	v16 =	vmul.f32 v5, v49  }
0x10e: {  	v51 =	vadd.s32 $0x30, v6;
	[tilespmem:v44+s29+$0x0] =	vst.idx.msk $0xffff, v48  }
0x10f: {  	v52 =	vmul.f32 v46, v46;
	[tilespmem:v19+s29+$0x0] =	vst.idx.msk $0xffff, v15;
	v15 =	vmul.f32 v16, v7;
	v19 =	vadd.s32 $0x31, v6  }
0x110: {  	v23 =	vmul.f32 v16, v11;
	[tilespmem:v17+s29+$0x0] =	vst.idx.msk $0xffff, v16;
	v17 =	vadd.s32 $0x32, v6  }
0x111: {  	v21 =	vmul.f32 $-1.250000000e+01, v52;
	v53 =	vmul.f32 v16, v9;
	[tilespmem:v18+s29+$0x0] =	vst.idx.msk $0xffff, v15;
	v15 =	vadd.s32 $0x33, v6  }
0x112: {  	v54 =	vadd.s32 $0x34, v6;
	v18 =	vmul.f32 v16, v10;
	[tilespmem:v50+s29+$0x0] =	vst.idx.msk $0xffff, v23  }
0x113: {  	v56 =	vadd.s32 $0x35, v6;
	v21 =	vmul.f32 $1.442695020e+00, v21;
	v55 =	vmul.f32 v16, v8;
	[tilespmem:v51+s29+$0x0] =	vst.idx.msk $0xffff, v53  }
0x114: {  	v57 =	vadd.f32 $-2.618181710e+00, v13;
	v58 =	vmul.f32 v16, v12;
	[tilespmem:v19+s29+$0x0] =	vst.idx.msk $0xffff, v18;
	v18 =	vadd.s32 $0x36, v6  }
0x115: {  	v19 =	vmul.f32 v16, v3;
	[tilespmem:v17+s29+$0x0] =	vst.idx.msk $0xffff, v55;
	v17 =	vadd.s32 $0x37, v6;
	v59 =	vpop (erf);
	(erf) = vpow2.f32 v21  }
0x116: {  	v60 =	vadd.s32 $0x38, v6;
	v16 =	vmul.f32 v16, v4;
	[tilespmem:v15+s29+$0x0] =	vst.idx.msk $0xffff, v58;
	v15 =	vmul.f32 v5, v59  }
0x117: {  	[tilespmem:v54+s29+$0x0] =	vst.idx.msk $0xffff, v19;
	v19 =	vadd.s32 $0x39, v6  }
0x118: {  	v62 =	vadd.s32 $0x3A, v6;
	v61 =	vmul.f32 v57, v57;
	[tilespmem:v56+s29+$0x0] =	vst.idx.msk $0xffff, v16;
	v16 =	vmul.f32 v15, v7  }
0x119: {  	v23 =	vmul.f32 v15, v11;
	[tilespmem:v18+s29+$0x0] =	vst.idx.msk $0xffff, v15;
	v18 =	vadd.s32 $0x3B, v6  }
0x11a: {  	v22 =	vmul.f32 $-1.250000000e+01, v61;
	v63 =	vmul.f32 v15, v9;
	[tilespmem:v17+s29+$0x0] =	vst.idx.msk $0xffff, v16;
	v16 =	vadd.s32 $0x3C, v6  }
0x11b: {  	v28 =	vadd.s32 $0x3D, v6;
	v17 =	vmul.f32 v15, v10;
	[tilespmem:v60+s29+$0x0] =	vst.idx.msk $0xffff, v23  }
0x11c: {  	v22 =	vmul.f32 $1.442695020e+00, v22;
	v29 =	vmul.f32 v15, v8;
	[tilespmem:v19+s29+$0x0] =	vst.idx.msk $0xffff, v63;
	v19 =	vadd.s32 $0x3E, v6  }
0x11d: {  	v30 =	vadd.f32 $-2.945454600e+00, v13;
	v31 =	vmul.f32 v15, v12;
	[tilespmem:v62+s29+$0x0] =	vst.idx.msk $0xffff, v17;
	v17 =	vadd.s32 $0x3F, v6  }
0x11e: {  	v32 =	vmul.f32 v15, v3;
	[tilespmem:v18+s29+$0x0] =	vst.idx.msk $0xffff, v29;
	v18 =	vadd.s32 $0x40, v6;
	v33 =	vpop (erf);
	(erf) = vpow2.f32 v22  }
0x11f: {  	v34 =	vadd.s32 $0x41, v6;
	v15 =	vmul.f32 v15, v4;
	[tilespmem:v16+s29+$0x0] =	vst.idx.msk $0xffff, v31;
	v16 =	vmul.f32 v5, v33  }
0x120: {  	v35 =	vadd.s32 $0x42, v6;
	[tilespmem:v28+s29+$0x0] =	vst.idx.msk $0xffff, v32  }
0x121: {  	v36 =	vmul.f32 v30, v30;
	[tilespmem:v19+s29+$0x0] =	vst.idx.msk $0xffff, v15;
	v15 =	vmul.f32 v16, v7;
	v19 =	vadd.s32 $0x43, v6  }
0x122: {  	v23 =	vmul.f32 v16, v11;
	[tilespmem:v17+s29+$0x0] =	vst.idx.msk $0xffff, v16;
	v17 =	vadd.s32 $0x44, v6  }
0x123: {  	v21 =	vmul.f32 $-1.250000000e+01, v36;
	v37 =	vmul.f32 v16, v9;
	[tilespmem:v18+s29+$0x0] =	vst.idx.msk $0xffff, v15;
	v15 =	vadd.s32 $0x45, v6  }
0x124: {  	v38 =	vadd.s32 $0x46, v6;
	v18 =	vmul.f32 v16, v10;
	[tilespmem:v34+s29+$0x0] =	vst.idx.msk $0xffff, v23  }
0x125: {  	v40 =	vadd.s32 $0x47, v6;
	v21 =	vmul.f32 $1.442695020e+00, v21;
	v39 =	vmul.f32 v16, v8;
	[tilespmem:v35+s29+$0x0] =	vst.idx.msk $0xffff, v37  }
0x126: {  	v13 =	vadd.f32 $-3.272727250e+00, v13;
	v41 =	vmul.f32 v16, v12;
	[tilespmem:v19+s29+$0x0] =	vst.idx.msk $0xffff, v18;
	v18 =	vadd.s32 $0x48, v6  }
0x127: {  	v19 =	vmul.f32 v16, v3;
	[tilespmem:v17+s29+$0x0] =	vst.idx.msk $0xffff, v39;
	v17 =	vadd.s32 $0x49, v6;
	v42 =	vpop (erf);
	(erf) = vpow2.f32 v21  }
0x128: {  	v43 =	vadd.s32 $0x4A, v6;
	v16 =	vmul.f32 v16, v4;
	[tilespmem:v15+s29+$0x0] =	vst.idx.msk $0xffff, v41;
	v15 =	vmul.f32 v5, v42  }
0x129: {  	[tilespmem:v38+s29+$0x0] =	vst.idx.msk $0xffff, v19;
	v19 =	vadd.s32 $0x4B, v6  }
0x12a: {  	v13 =	vmul.f32 v13, v13;
	v44 =	vadd.s32 $0x4C, v6;
	[tilespmem:v40+s29+$0x0] =	vst.idx.msk $0xffff, v16;
	v16 =	vmul.f32 v15, v7  }
0x12b: {  	v45 =	vmul.f32 v15, v11;
	[tilespmem:v18+s29+$0x0] =	vst.idx.msk $0xffff, v15;
	v18 =	vadd.s32 $0x4D, v6  }
0x12c: {  	v13 =	vmul.f32 $-1.250000000e+01, v13;
	v23 =	vmul.f32 v15, v9;
	[tilespmem:v17+s29+$0x0] =	vst.idx.msk $0xffff, v16;
	v16 =	vadd.s32 $0x4E, v6  }
0x12d: {  	v46 =	vadd.s32 $0x4F, v6;
	v17 =	vmul.f32 v15, v10;
	[tilespmem:v43+s29+$0x0] =	vst.idx.msk $0xffff, v45  }
0x12e: {  	v13 =	vmul.f32 $1.442695020e+00, v13;
	v47 =	vmul.f32 v15, v8;
	[tilespmem:v19+s29+$0x0] =	vst.idx.msk $0xffff, v23;
	v19 =	vadd.s32 $0x50, v6  }
0x12f: {  	v48 =	vmul.f32 v15, v12;
	[tilespmem:v44+s29+$0x0] =	vst.idx.msk $0xffff, v17;
	v17 =	vadd.s32 $0x51, v6  }
0x130: {  	v49 =	vmul.f32 v15, v3;
	[tilespmem:v18+s29+$0x0] =	vst.idx.msk $0xffff, v47;
	v18 =	vadd.s32 $0x52, v6;
	v50 =	vpop (erf);
	(erf) = vpow2.f32 v13  }
0x131: {  	v13 =	vmul.f32 v15, v4;
	[tilespmem:v16+s29+$0x0] =	vst.idx.msk $0xffff, v48;
	v15 =	vmul.f32 v5, v50;
	v16 =	vadd.s32 $0x53, v6  }
0x132: {  	v51 =	vadd.s32 $0x54, v6;
	[tilespmem:v46+s29+$0x0] =	vst.idx.msk $0xffff, v49  }
0x133: {  	[tilespmem:v19+s29+$0x0] =	vst.idx.msk $0xffff, v13;
	v13 =	vmul.f32 v15, v7;
	v19 =	vadd.s32 $0x55, v6  }
0x134: {  	v52 =	vmul.f32 v15, v11;
	[tilespmem:v17+s29+$0x0] =	vst.idx.msk $0xffff, v15;
	v17 =	vadd.s32 $0x56, v6  }
0x135: {  	v22 =	vmul.f32 v15, v9;
	[tilespmem:v18+s29+$0x0] =	vst.idx.msk $0xffff, v13;
	v13 =	vadd.s32 $0x57, v6  }
0x136: {  	v18 =	vmul.f32 v15, v10;
	[tilespmem:v16+s29+$0x0] =	vst.idx.msk $0xffff, v52;
	v16 =	vadd.s32 $0x58, v6  }
0x137: {  	v54 =	vadd.s32 $0x59, v6;
	v53 =	vmul.f32 v15, v8;
	[tilespmem:v51+s29+$0x0] =	vst.idx.msk $0xffff, v22  }
0x138: {  	v55 =	vmul.f32 v15, v12;
	[tilespmem:v19+s29+$0x0] =	vst.idx.msk $0xffff, v18;
	v18 =	vadd.s32 $0x5A, v6  }
0x139: {  	v19 =	vmul.f32 v15, v3;
	[tilespmem:v17+s29+$0x0] =	vst.idx.msk $0xffff, v53;
	v17 =	vadd.s32 $0x5B, v6;
	v56 =	vpop (erf)  }
0x13a: {  	v57 =	vadd.s32 $0x5C, v6;
	v15 =	vmul.f32 v15, v4;
	[tilespmem:v13+s29+$0x0] =	vst.idx.msk $0xffff, v55;
	v13 =	vmul.f32 v5, v56  }
0x13b: {  	[tilespmem:v16+s29+$0x0] =	vst.idx.msk $0xffff, v19;
	v16 =	vadd.s32 $0x5D, v6  }
0x13c: {  	v19 =	vadd.s32 $0x5E, v6;
	[tilespmem:v54+s29+$0x0] =	vst.idx.msk $0xffff, v15;
	v15 =	vmul.f32 v13, v7  }
0x13d: {  	v58 =	vmul.f32 v13, v11;
	[tilespmem:v18+s29+$0x0] =	vst.idx.msk $0xffff, v13;
	v18 =	vadd.s32 $0x5F, v6  }
0x13e: {  	v59 =	vmul.f32 v13, v9;
	[tilespmem:v17+s29+$0x0] =	vst.idx.msk $0xffff, v15;
	v15 =	vadd.s32 $0x60, v6  }
0x13f: {  	v60 =	vadd.s32 $0x61, v6;
	v17 =	vmul.f32 v13, v10;
	[tilespmem:v57+s29+$0x0] =	vst.idx.msk $0xffff, v58  }
0x140: {  	v61 =	vmul.f32 v13, v8;
	[tilespmem:v16+s29+$0x0] =	vst.idx.msk $0xffff, v59;
	v16 =	vadd.s32 $0x62, v6  }
0x141: {  	v62 =	vmul.f32 v13, v12;
	[tilespmem:v19+s29+$0x0] =	vst.idx.msk $0xffff, v17;
	v17 =	vadd.s32 $0x63, v6  }
0x142: {  	v19 =	vmul.f32 v13, v3;
	[tilespmem:v18+s29+$0x0] =	vst.idx.msk $0xffff, v61;
	v18 =	vadd.s32 $0x64, v6  }
0x143: {  	v63 =	vadd.s32 $0x65, v6;
	v5 =	vmul.f32 v5, v14;
	v13 =	vmul.f32 v13, v4;
	[tilespmem:v15+s29+$0x0] =	vst.idx.msk $0xffff, v62  }
0x144: {  	[tilespmem:v60+s29+$0x0] =	vst.idx.msk $0xffff, v19;
	v19 =	vadd.s32 $0x66, v6  }
0x145: {  	v14 =	vmul.f32 v5, v7;
	[tilespmem:v16+s29+$0x0] =	vst.idx.msk $0xffff, v13  }
0x146: {  	s25 =	simm.s32 $0x10;
	v7 =	vmul.f32 v5, v12;
	v11 =	vmul.f32 v5, v11;
	v15 =	vadd.s32 $0x67, v6;
	[tilespmem:v17+s29+$0x0] =	vst.idx.msk $0xffff, v5  }
0x147: {  	v12 =	vmul.f32 v5, v9;
	v9 =	vor.u32 s25, v2;
	v13 =	vadd.s32 $0x68, v6;
	[tilespmem:v18+s29+$0x0] =	vst.idx.msk $0xffff, v14  }
0x148: {  	v8 =	vmul.f32 v5, v8;
	v16 =	vmul.f32 v5, v10;
	v14 =	vadd.s32 $0x69, v6;
	[tilespmem:v63+s29+$0x0] =	vst.idx.msk $0xffff, v11  }
0x149: {  	s17 =	simm.s32 $0x20;
	s25 =	sshll.u32 s24, $0x7;
	v10 =	vshll.u32 v9, $0x4;
	v11 =	vadd.s32 $0x6A, v6;
	v6 =	vadd.s32 $0x6B, v6;
	[tilespmem:v19+s29+$0x0] =	vst.idx.msk $0xffff, v12  }
.LBB2_7:
0x14a: {  	s26 =	sadd.s32 $0x10, s26  }
0x14b: {  	v12 =	vor.u32 $0x1, v10;
	[tilespmem:v15+s29+$0x0] =	vst.idx.msk $0xffff, v16;
	s28 =	sadd.s32 $0x10, s28;
	s18 =	smov.u32 s17;
	s23 =	sadd.s32 $0x10, s17  }
0x14c: {  	p2 =	sne.s32 s17, $0x30;
	v3 =	vmul.f32 v5, v3;
	[tilespmem:v13+s29+$0x0] =	vst.idx.msk $0xffff, v8  }
0x14d: {  	v4 =	vmul.f32 v5, v4;
	[tilespmem:v14+s29+$0x0] =	vst.idx.msk $0xffff, v7  }
0x14e: {  	v5 =	vor.u32 $0x2, v10;
	[tilespmem:v11+s29+$0x0] =	vst.idx.msk $0xffff, v3  }
0x14f: {  	[tilespmem:v6+s29+$0x0] =	vst.idx.msk $0xffff, v4  }
0x150: {  	v3 =	vld.idx.msk [tilespmem:v10+s1+$0x0], $0xffff  }
0x151: {  	v4 =	vld.idx.msk [tilespmem:v10+s0+$0x0], $0xffff  }
0x152: {  	v6 =	vld.idx.msk [tilespmem:v12+s1+$0x0], $0xffff  }
0x153: {  	v7 =	vld.idx.msk [tilespmem:v12+s0+$0x0], $0xffff  }
0x154: {  	v8 =	vld.idx.msk [tilespmem:v5+s0+$0x0], $0xffff  }
0x155: {  	v5 =	vld.idx.msk [tilespmem:v5+s1+$0x0], $0xffff;
	_ =	sdelay $0x1  }
0x156: {  	v11 =	vsub.f32 v3, v4;
	_ =	sdelay $0x1  }
0x157: {  	v4 =	vsub.f32 v6, v7;
	_ =	sdelay $0x1  }
0x158: {  	v3 =	vmul.f32 v11, v11;
	v5 =	vsub.f32 v5, v8;
	v6 =	vmul.f32 v4, v4;
	_ =	sdelay $0x1  }
0x159: {  	v3 =	vadd.f32 v6, v3;
	v6 =	vmul.f32 v5, v5;
	_ =	sdelay $0x1  }
0x15a: {  	v3 =	vadd.f32 v6, v3;
	_ =	sdelay $0x1  }
0x15b: {  	v3 =	vadd.f32 $9.999999960e-13, v3;
	_ =	sdelay $0x1  }
0x15c: {  	v6 =	vshrl.u32 v3, $0x1  }
0x15d: {  	v6 =	vadd.s32 $0x1FBD1DF5, v6  }
0x15e: {  	(erf) = vrcp.f32 v6;
	_ =	sdelay $0x8  }
0x15f: {  	v7 =	vpop (erf)  }
0x160: {  	v7 =	vmul.f32 v7, v3;
	_ =	sdelay $0x1  }
0x161: {  	v6 =	vadd.f32 v6, v7;
	_ =	sdelay $0x1  }
0x162: {  	v6 =	vmul.f32 $5.000000000e-01, v6;
	_ =	sdelay $0x1  }
0x163: {  	(erf) = vrcp.f32 v6;
	_ =	sdelay $0x8  }
0x164: {  	v7 =	vpop (erf)  }
0x165: {  	v7 =	vmul.f32 v7, v3;
	_ =	sdelay $0x1  }
0x166: {  	v6 =	vadd.f32 v7, v6;
	_ =	sdelay $0x1  }
0x167: {  	v6 =	vmul.f32 $5.000000000e-01, v6;
	_ =	sdelay $0x1  }
0x168: {  	(erf) = vrcp.f32 v6;
	_ =	sdelay $0x8  }
0x169: {  	v7 =	vpop (erf)  }
0x16a: {  	v3 =	vmul.f32 v7, v3;
	_ =	sdelay $0x1  }
0x16b: {  	v3 =	vadd.f32 v3, v6;
	_ =	sdelay $0x1  }
0x16c: {  	v3 =	vmul.f32 $5.000000000e-01, v3;
	_ =	sdelay $0x1  }
0x16d: {  	v6 =	vadd.f32 $-3.299999950e+00, v3;
	v7 =	vmul.f32 v3, v3;
	(erf) = vrcp.f32 v3  }
0x16e: {  	v8 =	vadd.f32 $-3.272727130e-01, v3;
	v12 =	vadd.f32 $-6.545454260e-01, v3  }
0x16f: {  	v13 =	vadd.f32 $-9.818181990e-01, v3;
	v6 =	vmul.f32 $1.047197530e+01, v6;
	v7 =	vmul.f32 $-1.250000000e+01, v7  }
0x170: {  	v14 =	vadd.f32 $-1.309090850e+00, v3;
	v8 =	vmul.f32 v8, v8;
	v12 =	vmul.f32 v12, v12  }
0x171: {  	v15 =	vsub.f32 $3.141592740e+00, v6;
	v16 =	vmul.f32 $1.442695020e+00, v7;
	v7 =	vmul.f32 v13, v13  }
0x172: {  	v8 =	vmul.f32 $-1.250000000e+01, v8;
	v12 =	vmul.f32 $-1.250000000e+01, v12;
	v13 =	vadd.f32 $-1.636363630e+00, v3  }
0x173: {  	v14 =	vmul.f32 v14, v14;
	v15 =	vmin.f32 v6, v15;
	v17 =	vmul.f32 $-1.250000000e+01, v7  }
0x174: {  	v18 =	vadd.f32 $-1.963636400e+00, v3;
	v8 =	vmul.f32 $1.442695020e+00, v8;
	v15 =	vmul.f32 v15, v15  }
0x175: {  	v7 =	vmul.f32 $1.442695020e+00, v12;
	v12 =	vadd.f32 $-2.290909050e+00, v3;
	v22 =	vmul.f32 $1.442695020e+00, v17  }
0x176: {  	v19 =	vadd.f32 $-2.618181710e+00, v3;
	v14 =	vmul.f32 $-1.250000000e+01, v14;
	v17 =	vmul.f32 $-2.755732000e-07, v15;
	v20 =	vpop (erf)  }
0x177: {  	v11 =	vmul.f32 v20, v11;
	v23 =	vmul.f32 v20, v5;
	v5 =	vadd.f32 $-3.599999900e+00, v3  }
0x178: {  	v21 =	vmul.f32 $1.442695020e+00, v14;
	v4 =	vmul.f32 v20, v4;
	v17 =	vadd.f32 $2.480158760e-05, v17  }
0x179: {  	v24 =	vadd.f32 $-2.945454600e+00, v3;
	v14 =	vmul.f32 v23, v23;
	v20 =	vmul.f32 v11, v11  }
0x17a: {  	v26 =	vadd.f32 $-3.272727250e+00, v3;
	v25 =	vmul.f32 v4, v11;
	v17 =	vmul.f32 v17, v15  }
0x17b: {  	v27 =	vmul.f32 v4, v4;
	v14 =	vmul.f32 $3.000000000e+00, v14  }
0x17c: {  	v28 =	vmul.f32 v23, v4;
	v29 =	vmul.f32 v23, v11;
	v17 =	vadd.f32 $-1.388888920e-03, v17  }
0x17d: {  	v13 =	vmul.f32 v13, v13;
	v20 =	vsub.f32 v20, v27;
	v14 =	vadd.f32 $-1.000000000e+00, v14  }
0x17e: {  	v18 =	vmul.f32 v18, v18;
	v17 =	vmul.f32 v17, v15  }
0x17f: {  	v27 =	vmul.f32 $5.000000000e-01, v20;
	v14 =	vmul.f32 $5.000000000e-01, v14  }
0x180: {  	v18 =	vmul.f32 $-1.250000000e+01, v18;
	v13 =	vmul.f32 $-1.250000000e+01, v13;
	v17 =	vadd.f32 $4.166666790e-02, v17  }
0x181: {  	v30 =	vmul.f32 v19, v19;
	v12 =	vmul.f32 v12, v12  }
0x182: {  	v20 =	vmul.f32 $1.442695020e+00, v13;
	v17 =	vmul.f32 v17, v15  }
0x183: {  	v19 =	vmul.f32 $1.442695020e+00, v18;
	v12 =	vmul.f32 $-1.250000000e+01, v12  }
0x184: {  	v10 =	vor.u32 $0x3, v10;
	v13 =	vadd.f32 $-5.000000000e-01, v17;
	v17 =	vmul.f32 $-1.250000000e+01, v30  }
0x185: {  	v18 =	vmul.f32 $1.442695020e+00, v12;
	v5 =	vmul.f32 v5, v5  }
0x186: {  	v12 =	vmul.f32 v13, v15;
	v17 =	vmul.f32 $1.442695020e+00, v17  }
0x187: {  	v5 =	vmul.f32 $-1.250000000e+01, v5;
	v13 =	vmul.f32 v24, v24  }
0x188: {  	v15 =	vmul.f32 v26, v26;
	v12 =	vadd.f32 $1.000000000e+00, v12  }
0x189: {  	v5 =	vmul.f32 $1.442695020e+00, v5;
	v10 =	vld.idx.msk [tilespmem:v10+s0+$0x0], $0xffff;
	(erf) = vpow2.f32 v16  }
0x18a: {  	v13 =	vmul.f32 $-1.250000000e+01, v13;
	v15 =	vmul.f32 $-1.250000000e+01, v15;
	v24 =	vld [tilespmem:s26+$0x0];
	v16 =	vsub.f32 $0.0e+00, v12  }
0x18b: {  	vm0 =	vgt.f32 v6, $1.570796370e+00;
	(erf) = vpow2.f32 v5  }
0x18c: {  	v15 =	vmul.f32 $1.442695020e+00, v15;
	v5 =	vsel vm0, v16, v12;
	v16 =	vmul.f32 $1.442695020e+00, v13  }
0x18d: {  	v5 =	vadd.f32 $1.000000000e+00, v5  }
0x18e: {  	v6 =	vmul.u32 $0x70, v9  }
0x18f: {  	v9 =	vtrunc.f32 v10;
	v12 =	vmul.f32 $5.000000000e-01, v5;
	v10 =	vmul.u32 $0x3, v24  }
0x190: {  	vm0 =	vlt.f32 v3, $3.599999900e+00;
	v9 =	vcvt.f32.s32 v9  }
0x191: {  	vm1 =	vlt.f32 v3, $3.299999950e+00;
	v3 =	vnsel vm0, $0x0, v12;
	v10 =	vadd.s32 v0, v10  }
0x192: {  	v13 =	vsel vm1, $0x3F800000, v3;
	v3 =	vadd.s32 v9, v10;
	v5 =	vpop (erf);
	(erf) = vpow2.f32 v8  }
0x193: {  	v26 =	vor.u32 $0x1, v6;
	v3 =	vmin.u32 v3, $0x3A98;
	v24 =	vmul.f32 v13, v5  }
0x194: {  	v30 =	vor.u32 $0x2, v6;
	v8 =	vmul.f32 $1.732050780e+00, v11;
	v5 =	vpop (erf)  }
0x195: {  	v9 =	vmul.f32 $1.732050780e+00, v4;
	v4 =	vor.u32 $0x3, v6;
	v5 =	vmul.f32 v13, v5  }
0x196: {  	v10 =	vmul.f32 $1.732050780e+00, v23;
	v23 =	vor.u32 $0x4, v6;
	[tilespmem:s28+$0x0] =	vst v3;
	v3 =	vmul.f32 v24, v8  }
0x197: {  	v31 =	vor.u32 $0x5, v6;
	v11 =	vmul.f32 $2.236068010e+00, v25;
	v25 =	vmul.f32 v24, v9;
	[tilespmem:v6+s29+$0x0] =	vst.idx.msk $0xffff, v24  }
0x198: {  	v12 =	vmul.f32 $2.236068010e+00, v28;
	v28 =	vmul.f32 v24, v10;
	[tilespmem:v26+s29+$0x0] =	vst.idx.msk $0xffff, v3;
	v26 =	vor.u32 $0x6, v6  }
0x199: {  	v14 =	vmul.f32 $2.236068010e+00, v14;
	v32 =	vmul.f32 v24, v11;
	[tilespmem:v30+s29+$0x0] =	vst.idx.msk $0xffff, v25;
	v25 =	vor.u32 $0x7, v6  }
0x19a: {  	v3 =	vmul.f32 $2.236068010e+00, v29;
	v29 =	vmul.f32 v24, v12;
	[tilespmem:v4+s29+$0x0] =	vst.idx.msk $0xffff, v28;
	v28 =	vor.u32 $0x8, v6  }
0x19b: {  	v4 =	vmul.f32 $2.236068010e+00, v27;
	v27 =	vmul.f32 v24, v14;
	[tilespmem:v23+s29+$0x0] =	vst.idx.msk $0xffff, v32;
	v23 =	vor.u32 $0x9, v6;
	v30 =	vpop (erf)  }
0x19c: {  	v32 =	vmul.f32 v24, v3;
	[tilespmem:v31+s29+$0x0] =	vst.idx.msk $0xffff, v29;
	v29 =	vor.u32 $0xA, v6;
	(erf) = vpow2.f32 v7  }
0x19d: {  	v24 =	vmul.f32 v24, v4;
	[tilespmem:v26+s29+$0x0] =	vst.idx.msk $0xffff, v27;
	v26 =	vmul.f32 v13, v30;
	v27 =	vor.u32 $0xB, v6  }
0x19e: {  	v7 =	vmul.f32 v5, v14;
	[tilespmem:v25+s29+$0x0] =	vst.idx.msk $0xffff, v32;
	v25 =	vor.u32 $0xC, v6  }
0x19f: {  	[tilespmem:v28+s29+$0x0] =	vst.idx.msk $0xffff, v24;
	v24 =	vmul.f32 v26, v8;
	v28 =	vor.u32 $0xD, v6  }
0x1a0: {  	v30 =	vmul.f32 v26, v9;
	[tilespmem:v23+s29+$0x0] =	vst.idx.msk $0xffff, v26;
	v23 =	vor.u32 $0xE, v6  }
0x1a1: {  	v31 =	vmul.f32 v26, v10;
	[tilespmem:v29+s29+$0x0] =	vst.idx.msk $0xffff, v24;
	v24 =	vor.u32 $0xF, v6  }
0x1a2: {  	v29 =	vmul.f32 v26, v11;
	[tilespmem:v27+s29+$0x0] =	vst.idx.msk $0xffff, v30;
	v27 =	vadd.s32 $0x10, v6  }
0x1a3: {  	v32 =	vmul.f32 v26, v12;
	[tilespmem:v25+s29+$0x0] =	vst.idx.msk $0xffff, v31;
	v25 =	vadd.s32 $0x11, v6  }
0x1a4: {  	v31 =	vmul.f32 v26, v14;
	[tilespmem:v28+s29+$0x0] =	vst.idx.msk $0xffff, v29;
	v28 =	vadd.s32 $0x12, v6  }
0x1a5: {  	v29 =	vmul.f32 v26, v3;
	[tilespmem:v23+s29+$0x0] =	vst.idx.msk $0xffff, v32;
	v23 =	vadd.s32 $0x13, v6;
	v30 =	vpop (erf);
	(erf) = vpow2.f32 v22  }
0x1a6: {  	v22 =	vmul.f32 v26, v4;
	v26 =	vadd.s32 $0x14, v6;
	[tilespmem:v24+s29+$0x0] =	vst.idx.msk $0xffff, v31;
	v24 =	vmul.f32 v13, v30  }
0x1a7: {  	[tilespmem:v27+s29+$0x0] =	vst.idx.msk $0xffff, v29;
	v27 =	vadd.s32 $0x15, v6  }
0x1a8: {  	[tilespmem:v25+s29+$0x0] =	vst.idx.msk $0xffff, v22;
	v22 =	vmul.f32 v24, v8;
	v25 =	vadd.s32 $0x16, v6  }
0x1a9: {  	v29 =	vmul.f32 v24, v9;
	[tilespmem:v28+s29+$0x0] =	vst.idx.msk $0xffff, v24;
	v28 =	vadd.s32 $0x17, v6  }
0x1aa: {  	v30 =	vmul.f32 v24, v10;
	[tilespmem:v23+s29+$0x0] =	vst.idx.msk $0xffff, v22;
	v22 =	vadd.s32 $0x18, v6  }
0x1ab: {  	v23 =	vmul.f32 v24, v11;
	[tilespmem:v26+s29+$0x0] =	vst.idx.msk $0xffff, v29;
	v26 =	vadd.s32 $0x19, v6  }
0x1ac: {  	v31 =	vmul.f32 v24, v12;
	[tilespmem:v27+s29+$0x0] =	vst.idx.msk $0xffff, v30;
	v27 =	vadd.s32 $0x1A, v6  }
0x1ad: {  	v30 =	vmul.f32 v24, v14;
	[tilespmem:v25+s29+$0x0] =	vst.idx.msk $0xffff, v23;
	v23 =	vadd.s32 $0x1B, v6  }
0x1ae: {  	v25 =	vmul.f32 v24, v3;
	[tilespmem:v28+s29+$0x0] =	vst.idx.msk $0xffff, v31;
	v28 =	vadd.s32 $0x1C, v6;
	v29 =	vpop (erf);
	(erf) = vpow2.f32 v21  }
0x1af: {  	v21 =	vmul.f32 v24, v4;
	v24 =	vadd.s32 $0x1D, v6;
	[tilespmem:v22+s29+$0x0] =	vst.idx.msk $0xffff, v30;
	v22 =	vmul.f32 v13, v29  }
0x1b0: {  	[tilespmem:v26+s29+$0x0] =	vst.idx.msk $0xffff, v25;
	v25 =	vadd.s32 $0x1E, v6  }
0x1b1: {  	[tilespmem:v27+s29+$0x0] =	vst.idx.msk $0xffff, v21;
	v21 =	vmul.f32 v22, v8;
	v26 =	vmul.f32 v22, v9;
	v27 =	vadd.s32 $0x1F, v6  }
0x1b2: {  	v29 =	vmul.f32 v22, v10;
	v30 =	vmul.f32 v22, v11;
	[tilespmem:v23+s29+$0x0] =	vst.idx.msk $0xffff, v22;
	v23 =	vadd.s32 $0x20, v6  }
0x1b3: {  	v31 =	vmul.f32 v22, v12;
	v32 =	vmul.f32 v22, v14;
	[tilespmem:v28+s29+$0x0] =	vst.idx.msk $0xffff, v21;
	v21 =	vadd.s32 $0x21, v6  }
0x1b4: {  	v28 =	vmul.f32 v22, v4;
	[tilespmem:v24+s29+$0x0] =	vst.idx.msk $0xffff, v26;
	v24 =	vadd.s32 $0x22, v6  }
0x1b5: {  	[tilespmem:v25+s29+$0x0] =	vst.idx.msk $0xffff, v29;
	v25 =	vadd.s32 $0x23, v6  }
0x1b6: {  	v26 =	vadd.s32 $0x24, v6;
	[tilespmem:v27+s29+$0x0] =	vst.idx.msk $0xffff, v30  }
0x1b7: {  	v22 =	vmul.f32 v22, v3;
	[tilespmem:v23+s29+$0x0] =	vst.idx.msk $0xffff, v31;
	v23 =	vadd.s32 $0x25, v6;
	v27 =	vpop (erf);
	(erf) = vpow2.f32 v20  }
0x1b8: {  	[tilespmem:v21+s29+$0x0] =	vst.idx.msk $0xffff, v32;
	v20 =	vmul.f32 v13, v27;
	v21 =	vadd.s32 $0x26, v6  }
0x1b9: {  	[tilespmem:v24+s29+$0x0] =	vst.idx.msk $0xffff, v22;
	v22 =	vadd.s32 $0x27, v6  }
0x1ba: {  	v27 =	vadd.s32 $0x28, v6;
	[tilespmem:v25+s29+$0x0] =	vst.idx.msk $0xffff, v28;
	v24 =	vmul.f32 v20, v8;
	v25 =	vmul.f32 v20, v9  }
0x1bb: {  	v28 =	vmul.f32 v20, v3;
	v29 =	vmul.f32 v20, v4;
	[tilespmem:v26+s29+$0x0] =	vst.idx.msk $0xffff, v20;
	v26 =	vadd.s32 $0x29, v6  }
0x1bc: {  	v30 =	vmul.f32 v20, v10;
	v31 =	vmul.f32 v20, v11;
	[tilespmem:v23+s29+$0x0] =	vst.idx.msk $0xffff, v24;
	v23 =	vadd.s32 $0x2A, v6  }
0x1bd: {  	[tilespmem:v21+s29+$0x0] =	vst.idx.msk $0xffff, v25;
	v21 =	vadd.s32 $0x2B, v6  }
0x1be: {  	v24 =	vmul.f32 v20, v12;
	[tilespmem:v22+s29+$0x0] =	vst.idx.msk $0xffff, v30;
	v22 =	vadd.s32 $0x2C, v6  }
0x1bf: {  	v20 =	vmul.f32 v20, v14;
	v25 =	vadd.s32 $0x2D, v6;
	[tilespmem:v27+s29+$0x0] =	vst.idx.msk $0xffff, v31  }
0x1c0: {  	[tilespmem:v26+s29+$0x0] =	vst.idx.msk $0xffff, v24;
	v24 =	vadd.s32 $0x2E, v6;
	v26 =	vpop (erf);
	(erf) = vpow2.f32 v19  }
0x1c1: {  	[tilespmem:v23+s29+$0x0] =	vst.idx.msk $0xffff, v20;
	v19 =	vmul.f32 v13, v26;
	v20 =	vadd.s32 $0x2F, v6  }
0x1c2: {  	[tilespmem:v21+s29+$0x0] =	vst.idx.msk $0xffff, v28;
	v21 =	vadd.s32 $0x30, v6  }
0x1c3: {  	v26 =	vadd.s32 $0x31, v6;
	[tilespmem:v22+s29+$0x0] =	vst.idx.msk $0xffff, v29;
	v22 =	vmul.f32 v19, v8;
	v23 =	vmul.f32 v19, v10  }
0x1c4: {  	v27 =	vmul.f32 v19, v9;
	v28 =	vmul.f32 v19, v11;
	[tilespmem:v25+s29+$0x0] =	vst.idx.msk $0xffff, v19;
	v25 =	vadd.s32 $0x32, v6  }
0x1c5: {  	v29 =	vmul.f32 v19, v12;
	v30 =	vmul.f32 v19, v3;
	[tilespmem:v24+s29+$0x0] =	vst.idx.msk $0xffff, v22;
	v22 =	vadd.s32 $0x33, v6  }
0x1c6: {  	[tilespmem:v20+s29+$0x0] =	vst.idx.msk $0xffff, v27;
	v20 =	vadd.s32 $0x34, v6  }
0x1c7: {  	[tilespmem:v21+s29+$0x0] =	vst.idx.msk $0xffff, v23;
	v21 =	vadd.s32 $0x35, v6  }
0x1c8: {  	v24 =	vadd.s32 $0x36, v6;
	v23 =	vmul.f32 v19, v14;
	[tilespmem:v26+s29+$0x0] =	vst.idx.msk $0xffff, v28  }
0x1c9: {  	[tilespmem:v25+s29+$0x0] =	vst.idx.msk $0xffff, v29;
	v25 =	vadd.s32 $0x37, v6;
	v26 =	vpop (erf);
	(erf) = vpow2.f32 v18  }
0x1ca: {  	v18 =	vmul.f32 v19, v4;
	[tilespmem:v22+s29+$0x0] =	vst.idx.msk $0xffff, v23;
	v19 =	vmul.f32 v13, v26;
	v22 =	vadd.s32 $0x38, v6  }
0x1cb: {  	[tilespmem:v20+s29+$0x0] =	vst.idx.msk $0xffff, v30;
	v20 =	vadd.s32 $0x39, v6  }
0x1cc: {  	v23 =	vadd.s32 $0x3A, v6;
	[tilespmem:v21+s29+$0x0] =	vst.idx.msk $0xffff, v18;
	v18 =	vmul.f32 v19, v8;
	v21 =	vmul.f32 v19, v4  }
0x1cd: {  	v26 =	vmul.f32 v19, v9;
	[tilespmem:v24+s29+$0x0] =	vst.idx.msk $0xffff, v19;
	v24 =	vadd.s32 $0x3B, v6  }
0x1ce: {  	v27 =	vmul.f32 v19, v10;
	[tilespmem:v25+s29+$0x0] =	vst.idx.msk $0xffff, v18;
	v18 =	vadd.s32 $0x3C, v6  }
0x1cf: {  	v28 =	vmul.f32 v19, v11;
	[tilespmem:v22+s29+$0x0] =	vst.idx.msk $0xffff, v26;
	v22 =	vadd.s32 $0x3D, v6  }
0x1d0: {  	v26 =	vmul.f32 v19, v12;
	[tilespmem:v20+s29+$0x0] =	vst.idx.msk $0xffff, v27;
	v20 =	vadd.s32 $0x3E, v6  }
0x1d1: {  	v27 =	vmul.f32 v19, v14;
	[tilespmem:v23+s29+$0x0] =	vst.idx.msk $0xffff, v28;
	v23 =	vadd.s32 $0x3F, v6  }
0x1d2: {  	v19 =	vmul.f32 v19, v3;
	[tilespmem:v24+s29+$0x0] =	vst.idx.msk $0xffff, v26;
	v24 =	vadd.s32 $0x40, v6;
	v25 =	vpop (erf);
	(erf) = vpow2.f32 v17  }
0x1d3: {  	[tilespmem:v18+s29+$0x0] =	vst.idx.msk $0xffff, v27;
	v17 =	vmul.f32 v13, v25;
	v18 =	vadd.s32 $0x41, v6  }
0x1d4: {  	[tilespmem:v22+s29+$0x0] =	vst.idx.msk $0xffff, v19;
	v19 =	vadd.s32 $0x42, v6  }
0x1d5: {  	v22 =	vadd.s32 $0x43, v6;
	[tilespmem:v20+s29+$0x0] =	vst.idx.msk $0xffff, v21;
	v20 =	vmul.f32 v17, v8;
	v21 =	vmul.f32 v17, v10  }
0x1d6: {  	v25 =	vmul.f32 v17, v9;
	[tilespmem:v23+s29+$0x0] =	vst.idx.msk $0xffff, v17;
	v23 =	vadd.s32 $0x44, v6  }
0x1d7: {  	[tilespmem:v24+s29+$0x0] =	vst.idx.msk $0xffff, v20;
	v20 =	vadd.s32 $0x45, v6  }
0x1d8: {  	v24 =	vmul.f32 v17, v11;
	[tilespmem:v18+s29+$0x0] =	vst.idx.msk $0xffff, v25;
	v18 =	vadd.s32 $0x46, v6  }
0x1d9: {  	v26 =	vmul.f32 v17, v12;
	[tilespmem:v19+s29+$0x0] =	vst.idx.msk $0xffff, v21;
	v19 =	vadd.s32 $0x47, v6  }
0x1da: {  	v21 =	vmul.f32 v17, v14;
	[tilespmem:v22+s29+$0x0] =	vst.idx.msk $0xffff, v24;
	v22 =	vadd.s32 $0x48, v6  }
0x1db: {  	v24 =	vmul.f32 v17, v3;
	[tilespmem:v23+s29+$0x0] =	vst.idx.msk $0xffff, v26;
	v23 =	vadd.s32 $0x49, v6;
	v25 =	vpop (erf);
	(erf) = vpow2.f32 v16  }
0x1dc: {  	v16 =	vmul.f32 v17, v4;
	[tilespmem:v20+s29+$0x0] =	vst.idx.msk $0xffff, v21;
	v17 =	vmul.f32 v13, v25;
	v20 =	vadd.s32 $0x4A, v6  }
0x1dd: {  	[tilespmem:v18+s29+$0x0] =	vst.idx.msk $0xffff, v24;
	v18 =	vadd.s32 $0x4B, v6  }
0x1de: {  	[tilespmem:v19+s29+$0x0] =	vst.idx.msk $0xffff, v16;
	v16 =	vmul.f32 v17, v8;
	v19 =	vadd.s32 $0x4C, v6  }
0x1df: {  	v21 =	vmul.f32 v17, v9;
	[tilespmem:v22+s29+$0x0] =	vst.idx.msk $0xffff, v17;
	v22 =	vadd.s32 $0x4D, v6  }
0x1e0: {  	v24 =	vmul.f32 v17, v10;
	[tilespmem:v23+s29+$0x0] =	vst.idx.msk $0xffff, v16;
	v16 =	vadd.s32 $0x4E, v6  }
0x1e1: {  	v23 =	vmul.f32 v17, v11;
	[tilespmem:v20+s29+$0x0] =	vst.idx.msk $0xffff, v21;
	v20 =	vadd.s32 $0x4F, v6  }
0x1e2: {  	v21 =	vmul.f32 v17, v12;
	[tilespmem:v18+s29+$0x0] =	vst.idx.msk $0xffff, v24;
	v18 =	vadd.s32 $0x50, v6  }
0x1e3: {  	v24 =	vmul.f32 v17, v14;
	[tilespmem:v19+s29+$0x0] =	vst.idx.msk $0xffff, v23;
	v19 =	vadd.s32 $0x51, v6  }
0x1e4: {  	v23 =	vmul.f32 v17, v3;
	[tilespmem:v22+s29+$0x0] =	vst.idx.msk $0xffff, v21;
	v21 =	vadd.s32 $0x52, v6;
	v22 =	vpop (erf);
	(erf) = vpow2.f32 v15  }
0x1e5: {  	v15 =	vmul.f32 v17, v4;
	v17 =	vadd.s32 $0x53, v6;
	[tilespmem:v16+s29+$0x0] =	vst.idx.msk $0xffff, v24;
	v16 =	vmul.f32 v13, v22  }
0x1e6: {  	[tilespmem:v20+s29+$0x0] =	vst.idx.msk $0xffff, v23;
	v20 =	vadd.s32 $0x54, v6  }
0x1e7: {  	[tilespmem:v18+s29+$0x0] =	vst.idx.msk $0xffff, v15;
	v15 =	vmul.f32 v16, v8;
	v18 =	vadd.s32 $0x55, v6  }
0x1e8: {  	v22 =	vmul.f32 v16, v9;
	[tilespmem:v19+s29+$0x0] =	vst.idx.msk $0xffff, v16;
	v19 =	vadd.s32 $0x56, v6  }
0x1e9: {  	v23 =	vmul.f32 v16, v10;
	[tilespmem:v21+s29+$0x0] =	vst.idx.msk $0xffff, v15;
	v15 =	vadd.s32 $0x57, v6  }
0x1ea: {  	v21 =	vmul.f32 v16, v11;
	[tilespmem:v17+s29+$0x0] =	vst.idx.msk $0xffff, v22;
	v17 =	vadd.s32 $0x58, v6  }
0x1eb: {  	v24 =	vmul.f32 v16, v12;
	[tilespmem:v20+s29+$0x0] =	vst.idx.msk $0xffff, v23;
	v20 =	vadd.s32 $0x59, v6  }
0x1ec: {  	v23 =	vmul.f32 v16, v14;
	[tilespmem:v18+s29+$0x0] =	vst.idx.msk $0xffff, v21;
	v18 =	vadd.s32 $0x5A, v6  }
0x1ed: {  	v21 =	vmul.f32 v16, v3;
	[tilespmem:v19+s29+$0x0] =	vst.idx.msk $0xffff, v24;
	v19 =	vadd.s32 $0x5B, v6;
	v22 =	vpop (erf)  }
0x1ee: {  	v16 =	vmul.f32 v16, v4;
	[tilespmem:v15+s29+$0x0] =	vst.idx.msk $0xffff, v23;
	v13 =	vmul.f32 v13, v22;
	v15 =	vadd.s32 $0x5C, v6  }
0x1ef: {  	[tilespmem:v17+s29+$0x0] =	vst.idx.msk $0xffff, v21;
	v17 =	vadd.s32 $0x5D, v6  }
0x1f0: {  	[tilespmem:v20+s29+$0x0] =	vst.idx.msk $0xffff, v16;
	v16 =	vmul.f32 v13, v8;
	v20 =	vadd.s32 $0x5E, v6  }
0x1f1: {  	v21 =	vmul.f32 v13, v9;
	[tilespmem:v18+s29+$0x0] =	vst.idx.msk $0xffff, v13;
	v18 =	vadd.s32 $0x5F, v6  }
0x1f2: {  	v22 =	vmul.f32 v13, v10;
	[tilespmem:v19+s29+$0x0] =	vst.idx.msk $0xffff, v16;
	v16 =	vadd.s32 $0x60, v6  }
0x1f3: {  	v19 =	vmul.f32 v13, v11;
	[tilespmem:v15+s29+$0x0] =	vst.idx.msk $0xffff, v21;
	v15 =	vadd.s32 $0x61, v6  }
0x1f4: {  	v21 =	vmul.f32 v13, v12;
	[tilespmem:v17+s29+$0x0] =	vst.idx.msk $0xffff, v22;
	v17 =	vadd.s32 $0x62, v6  }
0x1f5: {  	v14 =	vmul.f32 v13, v14;
	[tilespmem:v20+s29+$0x0] =	vst.idx.msk $0xffff, v19;
	v19 =	vadd.s32 $0x63, v6  }
0x1f6: {  	v20 =	vmul.f32 v13, v3;
	[tilespmem:v18+s29+$0x0] =	vst.idx.msk $0xffff, v21;
	v18 =	vadd.s32 $0x64, v6  }
0x1f7: {  	v13 =	vmul.f32 v13, v4;
	v21 =	vadd.s32 $0x65, v6;
	[tilespmem:v16+s29+$0x0] =	vst.idx.msk $0xffff, v14  }
0x1f8: {  	[tilespmem:v15+s29+$0x0] =	vst.idx.msk $0xffff, v20;
	v20 =	vadd.s32 $0x66, v6  }
.Ltmp4:
0x1f9: {  	v8 =	vmul.f32 v5, v8;
	v15 =	vadd.s32 $0x67, v6;
	[tilespmem:v17+s29+$0x0] =	vst.idx.msk $0xffff, v13;
	(pc) =	sbr.rel @p2 .LBB2_7-.Ltmp4, $4  }
0x1fa: {  	v17 =	vmul.f32 v5, v9;
	v13 =	vadd.s32 $0x68, v6;
	[tilespmem:v19+s29+$0x0] =	vst.idx.msk $0xffff, v5  }
0x1fb: {  	v14 =	vadd.s32 $0x69, v6;
	v19 =	vmul.f32 v5, v10;
	[tilespmem:v18+s29+$0x0] =	vst.idx.msk $0xffff, v8  }
0x1fc: {  	v16 =	vmul.f32 v5, v11;
	v11 =	vadd.s32 $0x6A, v6;
	v9 =	vor.u32 s18, v2;
	[tilespmem:v21+s29+$0x0] =	vst.idx.msk $0xffff, v17  }
0x1fd: {  	s17 =	smov.u32 s23;
	v6 =	vadd.s32 $0x6B, v6;
	v10 =	vshll.u32 v9, $0x4;
	v8 =	vmul.f32 v5, v12;
	[tilespmem:v20+s29+$0x0] =	vst.idx.msk $0xffff, v19  }
0x1fe: {  	_ =	sdelay $0x3  }
0x1ff: {  	[tilespmem:v15+s29+$0x0] =	vst.idx.msk $0xffff, v16  }
0x200: {  	v3 =	vmul.f32 v5, v3;
	[tilespmem:v13+s29+$0x0] =	vst.idx.msk $0xffff, v8  }
0x201: {  	v4 =	vmul.f32 v5, v4;
	v8 =	vor.u32 $0x1, v10;
	[tilespmem:v14+s29+$0x0] =	vst.idx.msk $0xffff, v7  }
0x202: {  	[tilespmem:v11+s29+$0x0] =	vst.idx.msk $0xffff, v3  }
0x203: {  	v3 =	vor.u32 $0x2, v10;
	[tilespmem:v6+s29+$0x0] =	vst.idx.msk $0xffff, v4  }
0x204: {  	v4 =	vld.idx.msk [tilespmem:v10+s1+$0x0], $0xffff  }
0x205: {  	v5 =	vld.idx.msk [tilespmem:v10+s0+$0x0], $0xffff  }
0x206: {  	v6 =	vld.idx.msk [tilespmem:v8+s1+$0x0], $0xffff  }
0x207: {  	v7 =	vld.idx.msk [tilespmem:v8+s0+$0x0], $0xffff  }
0x208: {  	v8 =	vld.idx.msk [tilespmem:v3+s0+$0x0], $0xffff  }
0x209: {  	v3 =	vld.idx.msk [tilespmem:v3+s1+$0x0], $0xffff;
	_ =	sdelay $0x2  }
0x20a: {  	v4 =	vsub.f32 v4, v5;
	v5 =	vsub.f32 v6, v7;
	_ =	sdelay $0x1  }
0x20b: {  	v6 =	vmul.f32 v4, v4;
	v3 =	vsub.f32 v3, v8;
	v7 =	vmul.f32 v5, v5;
	_ =	sdelay $0x1  }
0x20c: {  	v6 =	vadd.f32 v7, v6;
	v7 =	vmul.f32 v3, v3;
	_ =	sdelay $0x1  }
0x20d: {  	v6 =	vadd.f32 v7, v6;
	_ =	sdelay $0x1  }
0x20e: {  	v6 =	vadd.f32 $9.999999960e-13, v6;
	_ =	sdelay $0x1  }
0x20f: {  	v7 =	vshrl.u32 v6, $0x1  }
0x210: {  	v7 =	vadd.s32 $0x1FBD1DF5, v7  }
0x211: {  	(erf) = vrcp.f32 v7;
	_ =	sdelay $0x8  }
0x212: {  	v8 =	vpop (erf)  }
0x213: {  	v8 =	vmul.f32 v8, v6;
	_ =	sdelay $0x1  }
0x214: {  	v7 =	vadd.f32 v7, v8;
	_ =	sdelay $0x1  }
0x215: {  	v7 =	vmul.f32 $5.000000000e-01, v7;
	_ =	sdelay $0x1  }
0x216: {  	(erf) = vrcp.f32 v7;
	_ =	sdelay $0x8  }
0x217: {  	v8 =	vpop (erf)  }
0x218: {  	v8 =	vmul.f32 v8, v6;
	_ =	sdelay $0x1  }
0x219: {  	v7 =	vadd.f32 v8, v7;
	_ =	sdelay $0x1  }
0x21a: {  	v7 =	vmul.f32 $5.000000000e-01, v7;
	_ =	sdelay $0x1  }
0x21b: {  	(erf) = vrcp.f32 v7;
	_ =	sdelay $0x8  }
0x21c: {  	v8 =	vpop (erf)  }
0x21d: {  	v6 =	vmul.f32 v8, v6;
	_ =	sdelay $0x1  }
0x21e: {  	v6 =	vadd.f32 v6, v7;
	_ =	sdelay $0x1  }
0x21f: {  	v13 =	vmul.f32 $5.000000000e-01, v6;
	_ =	sdelay $0x1  }
0x220: {  	v6 =	vadd.f32 $-3.299999950e+00, v13;
	_ =	sdelay $0x1  }
0x221: {  	v6 =	vmul.f32 $1.047197530e+01, v6;
	_ =	sdelay $0x1  }
0x222: {  	v7 =	vsub.f32 $3.141592740e+00, v6;
	_ =	sdelay $0x1  }
0x223: {  	v7 =	vmin.f32 v6, v7  }
0x224: {  	v7 =	vmul.f32 v7, v7;
	_ =	sdelay $0x1  }
0x225: {  	v8 =	vmul.f32 $-2.755732000e-07, v7;
	_ =	sdelay $0x1  }
0x226: {  	v8 =	vadd.f32 $2.480158760e-05, v8;
	_ =	sdelay $0x1  }
0x227: {  	(erf) = vrcp.f32 v13;
	v8 =	vmul.f32 v8, v7;
	_ =	sdelay $0x1  }
0x228: {  	v8 =	vadd.f32 $-1.388888920e-03, v8;
	_ =	sdelay $0x1  }
0x229: {  	v8 =	vmul.f32 v8, v7;
	_ =	sdelay $0x1  }
0x22a: {  	v11 =	vmul.f32 v13, v13;
	v8 =	vadd.f32 $4.166666790e-02, v8  }
0x22b: {  	v12 =	vadd.f32 $-3.272727130e-01, v13;
	v14 =	vadd.f32 $-6.545454260e-01, v13  }
0x22c: {  	v11 =	vmul.f32 $-1.250000000e+01, v11;
	v8 =	vmul.f32 v8, v7  }
0x22d: {  	v12 =	vmul.f32 v12, v12;
	v14 =	vmul.f32 v14, v14;
	v15 =	vpop (erf)  }
0x22e: {  	v16 =	vmul.f32 v15, v3;
	v3 =	vor.u32 $0x3, v10;
	v8 =	vadd.f32 $-5.000000000e-01, v8  }
0x22f: {  	v11 =	vmul.f32 $1.442695020e+00, v11;
	v14 =	vmul.f32 $-1.250000000e+01, v14  }
0x230: {  	v21 =	vadd.f32 $-9.818181990e-01, v13;
	v4 =	vmul.f32 v15, v4;
	v7 =	vmul.f32 v8, v7  }
0x231: {  	vm12 =	vlt.f32 v13, $3.599999900e+00;
	v8 =	vmul.f32 v15, v5;
	v5 =	vmul.f32 v16, v16  }
0x232: {  	v15 =	vmul.f32 $1.442695020e+00, v14;
	v14 =	vadd.f32 $-3.599999900e+00, v13;
	v7 =	vadd.f32 $1.000000000e+00, v7  }
0x233: {  	s17 =	sadd.s32 $0x10, s26;
	v12 =	vmul.f32 $-1.250000000e+01, v12;
	vm0 =	vgt.f32 v6, $1.570796370e+00;
	v19 =	vld.idx.msk [tilespmem:v3+s0+$0x0], $0xffff;
	v5 =	vmul.f32 $3.000000000e+00, v5  }
0x234: {  	v20 =	vld [tilespmem:s17+$0x0];
	(erf) = vpow2.f32 v11;
	v14 =	vmul.f32 v14, v14;
	v3 =	vsub.f32 $0.0e+00, v7  }
0x235: {  	v10 =	vmul.f32 v4, v4;
	v18 =	vmul.f32 v8, v8;
	v5 =	vadd.f32 $-1.000000000e+00, v5  }
0x236: {  	v12 =	vmul.f32 $1.442695020e+00, v12;
	v3 =	vsel vm0, v3, v7;
	v7 =	vmul.f32 $-1.250000000e+01, v14  }
0x237: {  	v17 =	vmul.f32 v8, v4;
	v6 =	vsub.f32 v10, v18;
	v14 =	vmul.f32 $5.000000000e-01, v5  }
0x238: {  	v10 =	vadd.f32 $1.000000000e+00, v3;
	v5 =	vmul.f32 $1.442695020e+00, v7;
	v7 =	vtrunc.f32 v19  }
0x239: {  	v3 =	vmul.u32 $0x70, v9;
	v9 =	vmul.u32 $0x3, v20;
	v7 =	vcvt.f32.s32 v7  }
0x23a: {  	vm1 =	vlt.f32 v13, $3.299999950e+00;
	v22 =	vmul.f32 $5.000000000e-01, v6;
	v6 =	vmul.f32 $5.000000000e-01, v10  }
0x23b: {  	v11 =	vmul.f32 v16, v8;
	v18 =	vmul.f32 v16, v4;
	v9 =	vadd.s32 v0, v9  }
0x23c: {  	v10 =	vor.u32 $0x1, v3;
	(erf) = vpow2.f32 v5;
	v6 =	vnsel vm12, $0x0, v6  }
0x23d: {  	v5 =	vsel vm1, $0x3F800000, v6;
	v6 =	vadd.s32 v7, v9;
	v7 =	vpop (erf);
	(erf) = vpow2.f32 v12  }
0x23e: {  	v4 =	vmul.f32 $1.732050780e+00, v4;
	v12 =	vor.u32 $0x2, v3;
	v19 =	vmul.f32 v5, v7  }
0x23f: {  	s23 =	sadd.s32 $0x10, s28;
	v57 =	vor.u32 $0x3, v3;
	v9 =	vmin.u32 v6, $0x3A98;
	v7 =	vmul.f32 $1.732050780e+00, v8  }
0x240: {  	v23 =	vor.u32 $0x4, v3;
	v6 =	vmul.f32 $1.732050780e+00, v16;
	[tilespmem:s23+$0x0] =	vst v9;
	v16 =	vmul.f32 v19, v4  }
0x241: {  	v24 =	vor.u32 $0x5, v3;
	v8 =	vmul.f32 $2.236068010e+00, v17;
	v17 =	vmul.f32 v19, v7;
	[tilespmem:v3+s29+$0x0] =	vst.idx.msk $0xffff, v19  }
0x242: {  	v9 =	vmul.f32 $2.236068010e+00, v11;
	v25 =	vmul.f32 v19, v6;
	[tilespmem:v10+s29+$0x0] =	vst.idx.msk $0xffff, v16;
	v16 =	vor.u32 $0x6, v3  }
0x243: {  	v26 =	vmul.f32 v19, v8;
	v10 =	vmul.f32 $2.236068010e+00, v14;
	[tilespmem:v12+s29+$0x0] =	vst.idx.msk $0xffff, v17;
	v17 =	vor.u32 $0x7, v3  }
0x244: {  	v58 =	vor.u32 $0x8, v3;
	v11 =	vmul.f32 $2.236068010e+00, v18;
	v18 =	vmul.f32 v19, v9;
	[tilespmem:v57+s29+$0x0] =	vst.idx.msk $0xffff, v25  }
0x245: {  	v60 =	vor.u32 $0x9, v3;
	v14 =	vpop (erf);
	v12 =	vmul.f32 $2.236068010e+00, v22;
	v59 =	vmul.f32 v19, v10;
	[tilespmem:v23+s29+$0x0] =	vst.idx.msk $0xffff, v26  }
0x246: {  	v62 =	vmul.f32 v19, v11;
	(erf) = vpow2.f32 v15;
	v61 =	vpop (erf);
	[tilespmem:v24+s29+$0x0] =	vst.idx.msk $0xffff, v18;
	v18 =	vor.u32 $0xA, v3  }
0x247: {  	v15 =	vmul.f32 v19, v12;
	v19 =	vor.u32 $0xB, v3;
	[tilespmem:v16+s29+$0x0] =	vst.idx.msk $0xffff, v59;
	v16 =	vmul.f32 v5, v61  }
0x248: {  	[tilespmem:v17+s29+$0x0] =	vst.idx.msk $0xffff, v62;
	v17 =	vor.u32 $0xC, v3  }
0x249: {  	v21 =	vmul.f32 v21, v21;
	v63 =	vor.u32 $0xD, v3;
	[tilespmem:v58+s29+$0x0] =	vst.idx.msk $0xffff, v15;
	v15 =	vmul.f32 v16, v4  }
0x24a: {  	v29 =	vor.u32 $0xE, v3;
	v28 =	vmul.f32 v16, v7;
	[tilespmem:v60+s29+$0x0] =	vst.idx.msk $0xffff, v16  }
0x24b: {  	v21 =	vmul.f32 $-1.250000000e+01, v21;
	v30 =	vmul.f32 v16, v6;
	[tilespmem:v18+s29+$0x0] =	vst.idx.msk $0xffff, v15;
	v15 =	vor.u32 $0xF, v3  }
0x24c: {  	v18 =	vmul.f32 v16, v8;
	[tilespmem:v19+s29+$0x0] =	vst.idx.msk $0xffff, v28;
	v19 =	vadd.s32 $0x10, v3  }
0x24d: {  	v21 =	vmul.f32 $1.442695020e+00, v21;
	v31 =	vmul.f32 v16, v9;
	[tilespmem:v17+s29+$0x0] =	vst.idx.msk $0xffff, v30;
	v17 =	vadd.s32 $0x11, v3  }
0x24e: {  	v32 =	vadd.f32 $-1.309090850e+00, v13;
	v25 =	vmul.f32 v16, v10;
	[tilespmem:v63+s29+$0x0] =	vst.idx.msk $0xffff, v18;
	v18 =	vadd.s32 $0x12, v3  }
0x24f: {  	v34 =	vadd.s32 $0x13, v3;
	v33 =	vmul.f32 v16, v11;
	v35 =	vpop (erf);
	(erf) = vpow2.f32 v21;
	[tilespmem:v29+s29+$0x0] =	vst.idx.msk $0xffff, v31  }
0x250: {  	v36 =	vadd.s32 $0x14, v3;
	v16 =	vmul.f32 v16, v12;
	[tilespmem:v15+s29+$0x0] =	vst.idx.msk $0xffff, v25;
	v15 =	vmul.f32 v5, v35  }
0x251: {  	[tilespmem:v19+s29+$0x0] =	vst.idx.msk $0xffff, v33;
	v19 =	vadd.s32 $0x15, v3  }
0x252: {  	v37 =	vmul.f32 v32, v32;
	[tilespmem:v17+s29+$0x0] =	vst.idx.msk $0xffff, v16;
	v16 =	vmul.f32 v15, v4;
	v17 =	vadd.s32 $0x16, v3  }
0x253: {  	v23 =	vmul.f32 v15, v7;
	[tilespmem:v18+s29+$0x0] =	vst.idx.msk $0xffff, v15;
	v18 =	vadd.s32 $0x17, v3  }
0x254: {  	v20 =	vmul.f32 $-1.250000000e+01, v37;
	v38 =	vmul.f32 v15, v6;
	[tilespmem:v34+s29+$0x0] =	vst.idx.msk $0xffff, v16;
	v16 =	vadd.s32 $0x18, v3  }
0x255: {  	v40 =	vadd.s32 $0x19, v3;
	v39 =	vmul.f32 v15, v8;
	[tilespmem:v36+s29+$0x0] =	vst.idx.msk $0xffff, v23  }
0x256: {  	v20 =	vmul.f32 $1.442695020e+00, v20;
	v41 =	vmul.f32 v15, v9;
	[tilespmem:v19+s29+$0x0] =	vst.idx.msk $0xffff, v38;
	v19 =	vadd.s32 $0x1A, v3  }
0x257: {  	v42 =	vadd.f32 $-1.636363630e+00, v13;
	v43 =	vmul.f32 v15, v10;
	[tilespmem:v17+s29+$0x0] =	vst.idx.msk $0xffff, v39;
	v17 =	vadd.s32 $0x1B, v3  }
0x258: {  	v44 =	vmul.f32 v15, v11;
	v45 =	vpop (erf);
	(erf) = vpow2.f32 v20;
	[tilespmem:v18+s29+$0x0] =	vst.idx.msk $0xffff, v41;
	v18 =	vadd.s32 $0x1C, v3  }
0x259: {  	v46 =	vadd.s32 $0x1D, v3;
	v15 =	vmul.f32 v15, v12;
	[tilespmem:v16+s29+$0x0] =	vst.idx.msk $0xffff, v43;
	v16 =	vmul.f32 v5, v45  }
0x25a: {  	v47 =	vadd.s32 $0x1E, v3;
	[tilespmem:v40+s29+$0x0] =	vst.idx.msk $0xffff, v44  }
0x25b: {  	v48 =	vmul.f32 v42, v42;
	[tilespmem:v19+s29+$0x0] =	vst.idx.msk $0xffff, v15;
	v15 =	vmul.f32 v16, v4;
	v19 =	vadd.s32 $0x1F, v3  }
0x25c: {  	v23 =	vmul.f32 v16, v7;
	[tilespmem:v17+s29+$0x0] =	vst.idx.msk $0xffff, v16;
	v17 =	vadd.s32 $0x20, v3  }
0x25d: {  	v22 =	vmul.f32 $-1.250000000e+01, v48;
	v49 =	vmul.f32 v16, v6;
	[tilespmem:v18+s29+$0x0] =	vst.idx.msk $0xffff, v15;
	v15 =	vadd.s32 $0x21, v3  }
0x25e: {  	v50 =	vadd.s32 $0x22, v3;
	v18 =	vmul.f32 v16, v8;
	[tilespmem:v46+s29+$0x0] =	vst.idx.msk $0xffff, v23  }
0x25f: {  	v52 =	vadd.s32 $0x23, v3;
	v22 =	vmul.f32 $1.442695020e+00, v22;
	v51 =	vmul.f32 v16, v9;
	[tilespmem:v47+s29+$0x0] =	vst.idx.msk $0xffff, v49  }
0x260: {  	v53 =	vadd.f32 $-1.963636400e+00, v13;
	v54 =	vmul.f32 v16, v10;
	[tilespmem:v19+s29+$0x0] =	vst.idx.msk $0xffff, v18;
	v18 =	vadd.s32 $0x24, v3  }
0x261: {  	v55 =	vpop (erf);
	(erf) = vpow2.f32 v22;
	v19 =	vmul.f32 v16, v11;
	[tilespmem:v17+s29+$0x0] =	vst.idx.msk $0xffff, v51;
	v17 =	vadd.s32 $0x25, v3  }
0x262: {  	v56 =	vadd.s32 $0x26, v3;
	v16 =	vmul.f32 v16, v12;
	[tilespmem:v15+s29+$0x0] =	vst.idx.msk $0xffff, v54;
	v15 =	vmul.f32 v5, v55  }
0x263: {  	[tilespmem:v50+s29+$0x0] =	vst.idx.msk $0xffff, v19;
	v19 =	vadd.s32 $0x27, v3  }
0x264: {  	v57 =	vmul.f32 v53, v53;
	v58 =	vadd.s32 $0x28, v3;
	[tilespmem:v52+s29+$0x0] =	vst.idx.msk $0xffff, v16;
	v16 =	vmul.f32 v15, v4  }
0x265: {  	v23 =	vmul.f32 v15, v7;
	[tilespmem:v18+s29+$0x0] =	vst.idx.msk $0xffff, v15;
	v18 =	vadd.s32 $0x29, v3  }
0x266: {  	v20 =	vmul.f32 $-1.250000000e+01, v57;
	v59 =	vmul.f32 v15, v6;
	[tilespmem:v17+s29+$0x0] =	vst.idx.msk $0xffff, v16;
	v16 =	vadd.s32 $0x2A, v3  }
0x267: {  	v60 =	vadd.s32 $0x2B, v3;
	v17 =	vmul.f32 v15, v8;
	[tilespmem:v56+s29+$0x0] =	vst.idx.msk $0xffff, v23  }
0x268: {  	v20 =	vmul.f32 $1.442695020e+00, v20;
	v61 =	vmul.f32 v15, v9;
	[tilespmem:v19+s29+$0x0] =	vst.idx.msk $0xffff, v59;
	v19 =	vadd.s32 $0x2C, v3  }
0x269: {  	v62 =	vadd.f32 $-2.290909050e+00, v13;
	v63 =	vmul.f32 v15, v10;
	[tilespmem:v58+s29+$0x0] =	vst.idx.msk $0xffff, v17;
	v17 =	vadd.s32 $0x2D, v3  }
0x26a: {  	v26 =	vmul.f32 v15, v11;
	v27 =	vpop (erf);
	(erf) = vpow2.f32 v20;
	[tilespmem:v18+s29+$0x0] =	vst.idx.msk $0xffff, v61;
	v18 =	vadd.s32 $0x2E, v3  }
0x26b: {  	v28 =	vadd.s32 $0x2F, v3;
	v15 =	vmul.f32 v15, v12;
	[tilespmem:v16+s29+$0x0] =	vst.idx.msk $0xffff, v63;
	v16 =	vmul.f32 v5, v27  }
0x26c: {  	v29 =	vadd.s32 $0x30, v3;
	[tilespmem:v60+s29+$0x0] =	vst.idx.msk $0xffff, v26  }
0x26d: {  	v30 =	vmul.f32 v62, v62;
	[tilespmem:v19+s29+$0x0] =	vst.idx.msk $0xffff, v15;
	v15 =	vmul.f32 v16, v4;
	v19 =	vadd.s32 $0x31, v3  }
0x26e: {  	v23 =	vmul.f32 v16, v7;
	[tilespmem:v17+s29+$0x0] =	vst.idx.msk $0xffff, v16;
	v17 =	vadd.s32 $0x32, v3  }
0x26f: {  	v22 =	vmul.f32 $-1.250000000e+01, v30;
	v31 =	vmul.f32 v16, v6;
	[tilespmem:v18+s29+$0x0] =	vst.idx.msk $0xffff, v15;
	v15 =	vadd.s32 $0x33, v3  }
0x270: {  	v32 =	vadd.s32 $0x34, v3;
	v18 =	vmul.f32 v16, v8;
	[tilespmem:v28+s29+$0x0] =	vst.idx.msk $0xffff, v23  }
0x271: {  	v34 =	vadd.s32 $0x35, v3;
	v22 =	vmul.f32 $1.442695020e+00, v22;
	v33 =	vmul.f32 v16, v9;
	[tilespmem:v29+s29+$0x0] =	vst.idx.msk $0xffff, v31  }
0x272: {  	v35 =	vadd.f32 $-2.618181710e+00, v13;
	v36 =	vmul.f32 v16, v10;
	[tilespmem:v19+s29+$0x0] =	vst.idx.msk $0xffff, v18;
	v18 =	vadd.s32 $0x36, v3  }
0x273: {  	v37 =	vpop (erf);
	(erf) = vpow2.f32 v22;
	v19 =	vmul.f32 v16, v11;
	[tilespmem:v17+s29+$0x0] =	vst.idx.msk $0xffff, v33;
	v17 =	vadd.s32 $0x37, v3  }
0x274: {  	v38 =	vadd.s32 $0x38, v3;
	v16 =	vmul.f32 v16, v12;
	[tilespmem:v15+s29+$0x0] =	vst.idx.msk $0xffff, v36;
	v15 =	vmul.f32 v5, v37  }
0x275: {  	[tilespmem:v32+s29+$0x0] =	vst.idx.msk $0xffff, v19;
	v19 =	vadd.s32 $0x39, v3  }
0x276: {  	v39 =	vmul.f32 v35, v35;
	v40 =	vadd.s32 $0x3A, v3;
	[tilespmem:v34+s29+$0x0] =	vst.idx.msk $0xffff, v16;
	v16 =	vmul.f32 v15, v4  }
0x277: {  	v23 =	vmul.f32 v15, v7;
	[tilespmem:v18+s29+$0x0] =	vst.idx.msk $0xffff, v15;
	v18 =	vadd.s32 $0x3B, v3  }
0x278: {  	v20 =	vmul.f32 $-1.250000000e+01, v39;
	v41 =	vmul.f32 v15, v6;
	[tilespmem:v17+s29+$0x0] =	vst.idx.msk $0xffff, v16;
	v16 =	vadd.s32 $0x3C, v3  }
0x279: {  	v42 =	vadd.s32 $0x3D, v3;
	v17 =	vmul.f32 v15, v8;
	[tilespmem:v38+s29+$0x0] =	vst.idx.msk $0xffff, v23  }
0x27a: {  	v20 =	vmul.f32 $1.442695020e+00, v20;
	v43 =	vmul.f32 v15, v9;
	[tilespmem:v19+s29+$0x0] =	vst.idx.msk $0xffff, v41;
	v19 =	vadd.s32 $0x3E, v3  }
0x27b: {  	v48 =	vadd.s32 $0x41, v3;
	v45 =	vmul.f32 v15, v10;
	[tilespmem:v40+s29+$0x0] =	vst.idx.msk $0xffff, v17;
	v17 =	vadd.s32 $0x3F, v3  }
0x27c: {  	v46 =	vmul.f32 v15, v11;
	v47 =	vpop (erf);
	(erf) = vpow2.f32 v20;
	[tilespmem:v18+s29+$0x0] =	vst.idx.msk $0xffff, v43;
	v18 =	vadd.s32 $0x40, v3  }
0x27d: {  	v44 =	vadd.f32 $-2.945454600e+00, v13;
	v15 =	vmul.f32 v15, v12;
	[tilespmem:v16+s29+$0x0] =	vst.idx.msk $0xffff, v45;
	v16 =	vmul.f32 v5, v47  }
0x27e: {  	v49 =	vadd.s32 $0x42, v3;
	[tilespmem:v42+s29+$0x0] =	vst.idx.msk $0xffff, v46  }
0x27f: {  	v50 =	vmul.f32 v44, v44;
	[tilespmem:v19+s29+$0x0] =	vst.idx.msk $0xffff, v15;
	v15 =	vmul.f32 v16, v4;
	v19 =	vadd.s32 $0x43, v3  }
0x280: {  	v23 =	vmul.f32 v16, v7;
	[tilespmem:v17+s29+$0x0] =	vst.idx.msk $0xffff, v16;
	v17 =	vadd.s32 $0x44, v3  }
0x281: {  	v22 =	vmul.f32 $-1.250000000e+01, v50;
	v51 =	vmul.f32 v16, v6;
	[tilespmem:v18+s29+$0x0] =	vst.idx.msk $0xffff, v15;
	v15 =	vadd.s32 $0x45, v3  }
0x282: {  	v52 =	vadd.s32 $0x46, v3;
	v18 =	vmul.f32 v16, v8;
	[tilespmem:v48+s29+$0x0] =	vst.idx.msk $0xffff, v23  }
0x283: {  	v54 =	vadd.s32 $0x47, v3;
	v22 =	vmul.f32 $1.442695020e+00, v22;
	v53 =	vmul.f32 v16, v9;
	[tilespmem:v49+s29+$0x0] =	vst.idx.msk $0xffff, v51  }
0x284: {  	v57 =	vadd.s32 $0x4A, v3;
	v55 =	vmul.f32 v16, v10;
	[tilespmem:v19+s29+$0x0] =	vst.idx.msk $0xffff, v18;
	v18 =	vadd.s32 $0x48, v3  }
0x285: {  	v56 =	vpop (erf);
	(erf) = vpow2.f32 v22;
	v19 =	vmul.f32 v16, v11;
	[tilespmem:v17+s29+$0x0] =	vst.idx.msk $0xffff, v53;
	v17 =	vadd.s32 $0x49, v3  }
0x286: {  	v13 =	vadd.f32 $-3.272727250e+00, v13;
	v16 =	vmul.f32 v16, v12;
	[tilespmem:v15+s29+$0x0] =	vst.idx.msk $0xffff, v55;
	v15 =	vmul.f32 v5, v56  }
0x287: {  	[tilespmem:v52+s29+$0x0] =	vst.idx.msk $0xffff, v19;
	v19 =	vadd.s32 $0x4B, v3  }
0x288: {  	v13 =	vmul.f32 v13, v13;
	v58 =	vadd.s32 $0x4C, v3;
	[tilespmem:v54+s29+$0x0] =	vst.idx.msk $0xffff, v16;
	v16 =	vmul.f32 v15, v4  }
0x289: {  	v59 =	vmul.f32 v15, v7;
	[tilespmem:v18+s29+$0x0] =	vst.idx.msk $0xffff, v15;
	v18 =	vadd.s32 $0x4D, v3  }
0x28a: {  	v13 =	vmul.f32 $-1.250000000e+01, v13;
	v23 =	vmul.f32 v15, v6;
	[tilespmem:v17+s29+$0x0] =	vst.idx.msk $0xffff, v16;
	v16 =	vadd.s32 $0x4E, v3  }
0x28b: {  	v60 =	vadd.s32 $0x4F, v3;
	v17 =	vmul.f32 v15, v8;
	[tilespmem:v57+s29+$0x0] =	vst.idx.msk $0xffff, v59  }
0x28c: {  	v13 =	vmul.f32 $1.442695020e+00, v13;
	v61 =	vmul.f32 v15, v9;
	[tilespmem:v19+s29+$0x0] =	vst.idx.msk $0xffff, v23;
	v19 =	vadd.s32 $0x50, v3  }
0x28d: {  	v62 =	vmul.f32 v15, v10;
	[tilespmem:v58+s29+$0x0] =	vst.idx.msk $0xffff, v17;
	v17 =	vadd.s32 $0x51, v3  }
0x28e: {  	v63 =	vmul.f32 v15, v11;
	v24 =	vpop (erf);
	(erf) = vpow2.f32 v13;
	[tilespmem:v18+s29+$0x0] =	vst.idx.msk $0xffff, v61;
	v18 =	vadd.s32 $0x52, v3  }
0x28f: {  	v13 =	vmul.f32 v15, v12;
	v15 =	vmul.f32 v5, v24;
	[tilespmem:v16+s29+$0x0] =	vst.idx.msk $0xffff, v62;
	v16 =	vadd.s32 $0x53, v3  }
0x290: {  	v25 =	vadd.s32 $0x54, v3;
	[tilespmem:v60+s29+$0x0] =	vst.idx.msk $0xffff, v63  }
0x291: {  	[tilespmem:v19+s29+$0x0] =	vst.idx.msk $0xffff, v13;
	v13 =	vmul.f32 v15, v4;
	v19 =	vadd.s32 $0x55, v3  }
0x292: {  	v26 =	vmul.f32 v15, v7;
	[tilespmem:v17+s29+$0x0] =	vst.idx.msk $0xffff, v15;
	v17 =	vadd.s32 $0x56, v3  }
0x293: {  	v22 =	vmul.f32 v15, v6;
	[tilespmem:v18+s29+$0x0] =	vst.idx.msk $0xffff, v13;
	v13 =	vadd.s32 $0x57, v3  }
0x294: {  	v18 =	vmul.f32 v15, v8;
	[tilespmem:v16+s29+$0x0] =	vst.idx.msk $0xffff, v26;
	v16 =	vadd.s32 $0x58, v3  }
0x295: {  	v28 =	vadd.s32 $0x59, v3;
	v27 =	vmul.f32 v15, v9;
	[tilespmem:v25+s29+$0x0] =	vst.idx.msk $0xffff, v22  }
0x296: {  	v29 =	vmul.f32 v15, v10;
	[tilespmem:v19+s29+$0x0] =	vst.idx.msk $0xffff, v18;
	v18 =	vadd.s32 $0x5A, v3  }
0x297: {  	v30 =	vpop (erf);
	v19 =	vmul.f32 v15, v11;
	[tilespmem:v17+s29+$0x0] =	vst.idx.msk $0xffff, v27;
	v17 =	vadd.s32 $0x5B, v3  }
0x298: {  	v31 =	vadd.s32 $0x5C, v3;
	v15 =	vmul.f32 v15, v12;
	[tilespmem:v13+s29+$0x0] =	vst.idx.msk $0xffff, v29;
	v13 =	vmul.f32 v5, v30  }
0x299: {  	[tilespmem:v16+s29+$0x0] =	vst.idx.msk $0xffff, v19;
	v16 =	vadd.s32 $0x5D, v3  }
0x29a: {  	v19 =	vadd.s32 $0x5E, v3;
	[tilespmem:v28+s29+$0x0] =	vst.idx.msk $0xffff, v15;
	v15 =	vmul.f32 v13, v4  }
0x29b: {  	v32 =	vmul.f32 v13, v7;
	[tilespmem:v18+s29+$0x0] =	vst.idx.msk $0xffff, v13;
	v18 =	vadd.s32 $0x5F, v3  }
0x29c: {  	v33 =	vmul.f32 v13, v6;
	[tilespmem:v17+s29+$0x0] =	vst.idx.msk $0xffff, v15;
	v15 =	vadd.s32 $0x60, v3  }
0x29d: {  	v34 =	vadd.s32 $0x61, v3;
	v17 =	vmul.f32 v13, v8;
	[tilespmem:v31+s29+$0x0] =	vst.idx.msk $0xffff, v32  }
0x29e: {  	v35 =	vmul.f32 v13, v9;
	[tilespmem:v16+s29+$0x0] =	vst.idx.msk $0xffff, v33;
	v16 =	vadd.s32 $0x62, v3  }
0x29f: {  	v36 =	vmul.f32 v13, v10;
	[tilespmem:v19+s29+$0x0] =	vst.idx.msk $0xffff, v17;
	v17 =	vadd.s32 $0x63, v3  }
0x2a0: {  	v19 =	vmul.f32 v13, v11;
	[tilespmem:v18+s29+$0x0] =	vst.idx.msk $0xffff, v35;
	v18 =	vadd.s32 $0x64, v3  }
0x2a1: {  	v5 =	vmul.f32 v5, v14;
	v14 =	vadd.s32 $0x65, v3;
	v13 =	vmul.f32 v13, v12;
	[tilespmem:v15+s29+$0x0] =	vst.idx.msk $0xffff, v36  }
0x2a2: {  	v15 =	vadd.s32 $0x66, v3;
	[tilespmem:v34+s29+$0x0] =	vst.idx.msk $0xffff, v19  }
0x2a3: {  	v4 =	vmul.f32 v5, v4;
	[tilespmem:v16+s29+$0x0] =	vst.idx.msk $0xffff, v13;
	v13 =	vadd.s32 $0x67, v3  }
0x2a4: {  	v7 =	vmul.f32 v5, v7;
	v16 =	vadd.s32 $0x68, v3;
	[tilespmem:v17+s29+$0x0] =	vst.idx.msk $0xffff, v5  }
0x2a5: {  	v6 =	vmul.f32 v5, v6;
	[tilespmem:v18+s29+$0x0] =	vst.idx.msk $0xffff, v4;
	v4 =	vadd.s32 $0x69, v3  }
0x2a6: {  	v8 =	vmul.f32 v5, v8;
	[tilespmem:v14+s29+$0x0] =	vst.idx.msk $0xffff, v7;
	v7 =	vadd.s32 $0x6A, v3  }
0x2a7: {  	v9 =	vmul.f32 v5, v9;
	v3 =	vadd.s32 $0x6B, v3;
	[tilespmem:v15+s29+$0x0] =	vst.idx.msk $0xffff, v6  }
0x2a8: {  	v6 =	vmul.f32 v5, v10;
	[tilespmem:v13+s29+$0x0] =	vst.idx.msk $0xffff, v8  }
0x2a9: {  	v8 =	vmul.f32 v5, v11;
	[tilespmem:v16+s29+$0x0] =	vst.idx.msk $0xffff, v9  }
0x2aa: {  	s26 =	sadd.s32 s25, s21;
	v5 =	vmul.f32 v5, v12;
	[tilespmem:v4+s29+$0x0] =	vst.idx.msk $0xffff, v6  }
0x2ab: {  	s17 =	sshrl.u32 s26, $0x3;
	[tilespmem:v7+s29+$0x0] =	vst.idx.msk $0xffff, v8  }
0x2ac: {  	s18 =	sadd.s32 s5, s17;
	[tilespmem:v3+s29+$0x0] =	vst.idx.msk $0xffff, v5  }
0x2ad: {  	[tilespmem:s9], [sflag:$0x5] =	stream.linear.gather [hbm4b:s18+s4], $0x40, $0x38;
	[tilespmem:$0x1E680] =	vst v63  }
0x2ae: {  	_ =	swait.ge [sflag:s30], $0x40  }
0x2af: {  	[sflag:s30] =	ssyncset.done $0x0  }
0x2b0: {  	s17 =	sadd.s32 s6, s17;
	[sflag:s30] =	ssyncadd.s32 $0xFFFFFFC0  }
0x2b1: {  	[tilespmem:s10], [sflag:$0x5] =	stream.linear.gather [hbm4b:s17+s4], $0x40, $0x38;
	[tilespmem:$0x1E680] =	vst v63  }
0x2b2: {  	_ =	swait.ge [sflag:s30], $0x40  }
0x2b3: {  	[sflag:s30] =	ssyncset.done $0x0  }
0x2b4: {  	[sflag:s30] =	ssyncadd.s32 $0xFFFFFFC0  }
0x2b5: {  	[tilespmem:s11], [sflag:$0x2] =	stream.indirect.gather [hbm4b:s2+s31], $0x10, s9, s31, $0xb8;
	[tilespmem:$0x1E680] =	vst v63  }
0x2b6: {  	_ = 	snop  }
0x2b7: {  	[tilespmem:s12], [sflag:$0x2] =	stream.indirect.gather [hbm4b:s2+s31], $0x10, s10, s31, $0xb8;
	[tilespmem:$0x1E680] =	vst v63  }
0x2b8: {  	s17 =	simm.s32 @!p1 $0x4  }
0x2b9: {  	[spmem:s3] =	stream.indirect.scatter.add.f32 [tilespmem:s29], [sflag:$0x3], $0x70, s13, s31, $0xb8;
	[tilespmem:$0x1E680] =	vst v63  }
0x2ba: {  	_ =	swait.ge @!p1 [sflag:s17], $0x1C00  }
0x2bb: {  	[sflag:s17] =	ssyncset.done @!p1 $0x0  }
0x2bc: {  	s18 =	simm.s32 $0x0;
	[sflag:s17] =	ssyncadd.s32 @!p1 $0xFFFFE400  }
0x2bd: {  	v3 =	vor.u32 s18, v2;
	_ =	swait.ge [sflag:s14], $0x400  }
0x2be: {  	v4 =	vshll.u32 v3, $0x4;
	[sflag:s14] =	ssyncset.done $0x0  }
0x2bf: {  	[sflag:s14] =	ssyncadd.s32 $0xFFFFFC00  }
0x2c0: {  	v5 =	vor.u32 $0x1, v4;
	_ =	swait.ge [sflag:s14], $0x400  }
0x2c1: {  	[sflag:s14] =	ssyncset.done $0x0  }
0x2c2: {  	v6 =	vor.u32 $0x2, v4;
	[sflag:s14] =	ssyncadd.s32 $0xFFFFFC00  }
0x2c3: {  	v7 =	vld.idx.msk [tilespmem:v4+s12+$0x0], $0xffff  }
0x2c4: {  	v8 =	vld.idx.msk [tilespmem:v4+s11+$0x0], $0xffff  }
0x2c5: {  	v9 =	vld.idx.msk [tilespmem:v5+s12+$0x0], $0xffff  }
0x2c6: {  	v5 =	vld.idx.msk [tilespmem:v5+s11+$0x0], $0xffff  }
0x2c7: {  	v10 =	vld.idx.msk [tilespmem:v6+s11+$0x0], $0xffff  }
0x2c8: {  	v6 =	vld.idx.msk [tilespmem:v6+s12+$0x0], $0xffff;
	_ =	sdelay $0x2  }
0x2c9: {  	v7 =	vsub.f32 v7, v8;
	v5 =	vsub.f32 v9, v5;
	_ =	sdelay $0x1  }
0x2ca: {  	v6 =	vsub.f32 v6, v10;
	v8 =	vmul.f32 v7, v7;
	v9 =	vmul.f32 v5, v5;
	_ =	sdelay $0x1  }
0x2cb: {  	v8 =	vadd.f32 v9, v8;
	v9 =	vmul.f32 v6, v6;
	_ =	sdelay $0x1  }
0x2cc: {  	v8 =	vadd.f32 v9, v8;
	_ =	sdelay $0x1  }
0x2cd: {  	v8 =	vadd.f32 $9.999999960e-13, v8;
	_ =	sdelay $0x1  }
0x2ce: {  	v9 =	vshrl.u32 v8, $0x1  }
0x2cf: {  	v9 =	vadd.s32 $0x1FBD1DF5, v9  }
0x2d0: {  	(erf) = vrcp.f32 v9;
	_ =	sdelay $0x8  }
0x2d1: {  	v10 =	vpop (erf)  }
0x2d2: {  	v10 =	vmul.f32 v10, v8;
	_ =	sdelay $0x1  }
0x2d3: {  	v9 =	vadd.f32 v9, v10;
	_ =	sdelay $0x1  }
0x2d4: {  	v9 =	vmul.f32 $5.000000000e-01, v9;
	_ =	sdelay $0x1  }
0x2d5: {  	(erf) = vrcp.f32 v9;
	_ =	sdelay $0x8  }
0x2d6: {  	v10 =	vpop (erf)  }
0x2d7: {  	v10 =	vmul.f32 v10, v8;
	_ =	sdelay $0x1  }
0x2d8: {  	v9 =	vadd.f32 v10, v9;
	_ =	sdelay $0x1  }
0x2d9: {  	v9 =	vmul.f32 $5.000000000e-01, v9;
	_ =	sdelay $0x1  }
0x2da: {  	(erf) = vrcp.f32 v9;
	_ =	sdelay $0x8  }
0x2db: {  	v10 =	vpop (erf)  }
0x2dc: {  	v8 =	vmul.f32 v10, v8;
	_ =	sdelay $0x1  }
0x2dd: {  	v8 =	vadd.f32 v8, v9;
	_ =	sdelay $0x1  }
0x2de: {  	v13 =	vmul.f32 $5.000000000e-01, v8;
	_ =	sdelay $0x1  }
0x2df: {  	v8 =	vadd.f32 $-3.299999950e+00, v13;
	_ =	sdelay $0x1  }
0x2e0: {  	v8 =	vmul.f32 $1.047197530e+01, v8;
	_ =	sdelay $0x1  }
0x2e1: {  	v9 =	vsub.f32 $3.141592740e+00, v8;
	_ =	sdelay $0x1  }
0x2e2: {  	v9 =	vmin.f32 v8, v9  }
0x2e3: {  	v9 =	vmul.f32 v9, v9;
	_ =	sdelay $0x1  }
0x2e4: {  	v10 =	vmul.f32 $-2.755732000e-07, v9;
	_ =	sdelay $0x1  }
0x2e5: {  	v10 =	vadd.f32 $2.480158760e-05, v10  }
0x2e6: {  	v4 =	vor.u32 $0x3, v4  }
0x2e7: {  	v10 =	vmul.f32 v10, v9;
	_ =	sdelay $0x1  }
0x2e8: {  	(erf) = vrcp.f32 v13;
	v10 =	vadd.f32 $-1.388888920e-03, v10;
	_ =	sdelay $0x1  }
0x2e9: {  	v4 =	vld.idx.msk [tilespmem:v4+s11+$0x0], $0xffff;
	v10 =	vmul.f32 v10, v9;
	_ =	sdelay $0x1  }
0x2ea: {  	v10 =	vadd.f32 $4.166666790e-02, v10  }
0x2eb: {  	v11 =	vmul.f32 v13, v13  }
0x2ec: {  	v12 =	vadd.f32 $-3.272727130e-01, v13;
	v10 =	vmul.f32 v10, v9  }
0x2ed: {  	v4 =	vtrunc.f32 v4;
	v14 =	vadd.f32 $-6.545454260e-01, v13;
	v11 =	vmul.f32 $-1.250000000e+01, v11  }
0x2ee: {  	v4 =	vcvt.f32.s32 v4;
	v12 =	vmul.f32 v12, v12;
	v10 =	vadd.f32 $-5.000000000e-01, v10  }
0x2ef: {  	v14 =	vmul.f32 v14, v14;
	v11 =	vmul.f32 $1.442695020e+00, v11;
	v15 =	vpop (erf)  }
0x2f0: {  	v38 =	vadd.f32 $-9.818181990e-01, v13;
	v16 =	vmul.f32 v15, v6;
	v6 =	vmul.f32 v10, v9  }
0x2f1: {  	vm14 =	vlt.f32 v13, $3.599999900e+00;
	v12 =	vmul.f32 $-1.250000000e+01, v12;
	v14 =	vmul.f32 $-1.250000000e+01, v14  }
0x2f2: {  	(erf) = vpow2.f32 v11;
	v7 =	vmul.f32 v15, v7;
	v6 =	vadd.f32 $1.000000000e+00, v6  }
0x2f3: {  	vm15 =	vlt.f32 v13, $3.299999950e+00;
	v9 =	vmul.f32 v15, v5;
	v5 =	vmul.f32 v16, v16  }
0x2f4: {  	s26 =	simm.s32 $0x2500;
	v15 =	vmul.f32 $1.442695020e+00, v14;
	v14 =	vadd.f32 $-3.599999900e+00, v13;
	v11 =	vsub.f32 $0.0e+00, v6  }
0x2f5: {  	v37 =	vld [tilespmem:s26+$0x0];
	vm13 =	vgt.f32 v8, $1.570796370e+00;
	v10 =	vmul.f32 v7, v7;
	v5 =	vmul.f32 $3.000000000e+00, v5  }
0x2f6: {  	v18 =	vmul.f32 v9, v9;
	v14 =	vmul.f32 v14, v14;
	v6 =	vsel vm13, v11, v6  }
0x2f7: {  	v12 =	vmul.f32 $1.442695020e+00, v12;
	v5 =	vadd.f32 $-1.000000000e+00, v5;
	v11 =	vadd.f32 $1.000000000e+00, v6  }
0x2f8: {  	v17 =	vmul.f32 v9, v7;
	v8 =	vsub.f32 v10, v18;
	v10 =	vmul.f32 $-1.250000000e+01, v14  }
0x2f9: {  	v14 =	vmul.f32 $5.000000000e-01, v5;
	v6 =	vmul.u32 $0x70, v3;
	v3 =	vmul.f32 $5.000000000e-01, v11  }
0x2fa: {  	v39 =	vmul.f32 $5.000000000e-01, v8;
	v5 =	vmul.f32 $1.442695020e+00, v10;
	v8 =	vmul.u32 $0x3, v37  }
0x2fb: {  	v19 =	vmul.f32 v16, v9;
	v18 =	vmul.f32 v16, v7;
	v3 =	vnsel vm14, $0x0, v3  }
0x2fc: {  	(erf) = vpow2.f32 v5;
	v8 =	vadd.s32 v0, v8;
	v5 =	vsel vm15, $0x3F800000, v3  }
0x2fd: {  	v3 =	vadd.s32 v4, v8;
	v4 =	vpop (erf);
	(erf) = vpow2.f32 v12;
	v12 =	vor.u32 $0x1, v6  }
0x2fe: {  	v7 =	vmul.f32 $1.732050780e+00, v7;
	v40 =	vmul.f32 v5, v4;
	v4 =	vor.u32 $0x2, v6  }
0x2ff: {  	s28 =	simm.s32 $0x4940;
	v11 =	vmul.f32 $1.732050780e+00, v9;
	v41 =	vor.u32 $0x3, v6;
	v3 =	vmin.u32 v3, $0x3A98  }
0x300: {  	v9 =	vmul.f32 $1.732050780e+00, v16;
	v16 =	vor.u32 $0x4, v6;
	[tilespmem:s28+$0x0] =	vst v3;
	v3 =	vmul.f32 v40, v7  }
0x301: {  	v10 =	vmul.f32 $2.236068010e+00, v17;
	v42 =	vor.u32 $0x5, v6;
	v17 =	vmul.f32 v40, v11;
	[tilespmem:v6+s15+$0x0] =	vst.idx.msk $0xffff, v40  }
0x302: {  	v43 =	vor.u32 $0x6, v6;
	v8 =	vmul.f32 $2.236068010e+00, v19;
	v19 =	vmul.f32 v40, v9;
	[tilespmem:v12+s15+$0x0] =	vst.idx.msk $0xffff, v3  }
0x303: {  	v44 =	vmul.f32 v40, v10;
	v12 =	vmul.f32 $2.236068010e+00, v14;
	[tilespmem:v4+s15+$0x0] =	vst.idx.msk $0xffff, v17;
	v17 =	vor.u32 $0x7, v6  }
0x304: {  	v3 =	vmul.f32 $2.236068010e+00, v18;
	v18 =	vmul.f32 v40, v8;
	[tilespmem:v41+s15+$0x0] =	vst.idx.msk $0xffff, v19;
	v19 =	vor.u32 $0x8, v6  }
0x305: {  	v14 =	vpop (erf);
	v4 =	vmul.f32 $2.236068010e+00, v39;
	v45 =	vmul.f32 v40, v12;
	[tilespmem:v16+s15+$0x0] =	vst.idx.msk $0xffff, v44;
	v16 =	vor.u32 $0x9, v6  }
0x306: {  	v47 =	vmul.f32 v40, v3;
	v46 =	vpop (erf);
	[tilespmem:v42+s15+$0x0] =	vst.idx.msk $0xffff, v18;
	v18 =	vor.u32 $0xA, v6;
	(erf) = vpow2.f32 v15  }
0x307: {  	v49 =	vor.u32 $0xB, v6;
	v15 =	vmul.f32 v40, v4;
	[tilespmem:v43+s15+$0x0] =	vst.idx.msk $0xffff, v45;
	v48 =	vmul.f32 v5, v46  }
0x308: {  	[tilespmem:v17+s15+$0x0] =	vst.idx.msk $0xffff, v47;
	v17 =	vor.u32 $0xC, v6  }
0x309: {  	v21 =	vmul.f32 v38, v38;
	[tilespmem:v19+s15+$0x0] =	vst.idx.msk $0xffff, v15;
	v15 =	vmul.f32 v48, v7;
	v19 =	vor.u32 $0xD, v6  }
0x30a: {  	v23 =	vmul.f32 v48, v11;
	[tilespmem:v16+s15+$0x0] =	vst.idx.msk $0xffff, v48;
	v16 =	vor.u32 $0xE, v6  }
0x30b: {  	v21 =	vmul.f32 $-1.250000000e+01, v21;
	v50 =	vmul.f32 v48, v9;
	[tilespmem:v18+s15+$0x0] =	vst.idx.msk $0xffff, v15;
	v15 =	vor.u32 $0xF, v6  }
0x30c: {  	v51 =	vadd.s32 $0x10, v6;
	v18 =	vmul.f32 v48, v10;
	[tilespmem:v49+s15+$0x0] =	vst.idx.msk $0xffff, v23  }
0x30d: {  	v21 =	vmul.f32 $1.442695020e+00, v21;
	v52 =	vmul.f32 v48, v8;
	[tilespmem:v17+s15+$0x0] =	vst.idx.msk $0xffff, v50;
	v17 =	vadd.s32 $0x11, v6  }
0x30e: {  	v53 =	vadd.f32 $-1.309090850e+00, v13;
	v54 =	vmul.f32 v48, v12;
	[tilespmem:v19+s15+$0x0] =	vst.idx.msk $0xffff, v18;
	v18 =	vadd.s32 $0x12, v6  }
0x30f: {  	v19 =	vmul.f32 v48, v3;
	[tilespmem:v16+s15+$0x0] =	vst.idx.msk $0xffff, v52;
	v16 =	vadd.s32 $0x13, v6;
	v55 =	vpop (erf);
	(erf) = vpow2.f32 v21  }
0x310: {  	v56 =	vadd.s32 $0x14, v6;
	v20 =	vmul.f32 v48, v4;
	[tilespmem:v15+s15+$0x0] =	vst.idx.msk $0xffff, v54;
	v15 =	vmul.f32 v5, v55  }
0x311: {  	[tilespmem:v51+s15+$0x0] =	vst.idx.msk $0xffff, v19;
	v19 =	vadd.s32 $0x15, v6  }
0x312: {  	v57 =	vmul.f32 v53, v53;
	v58 =	vadd.s32 $0x16, v6;
	[tilespmem:v17+s15+$0x0] =	vst.idx.msk $0xffff, v20;
	v17 =	vmul.f32 v15, v7  }
0x313: {  	v23 =	vmul.f32 v15, v11;
	[tilespmem:v18+s15+$0x0] =	vst.idx.msk $0xffff, v15;
	v18 =	vadd.s32 $0x17, v6  }
0x314: {  	v22 =	vmul.f32 $-1.250000000e+01, v57;
	v59 =	vmul.f32 v15, v9;
	[tilespmem:v16+s15+$0x0] =	vst.idx.msk $0xffff, v17;
	v16 =	vadd.s32 $0x18, v6  }
0x315: {  	v60 =	vadd.s32 $0x19, v6;
	v17 =	vmul.f32 v15, v10;
	[tilespmem:v56+s15+$0x0] =	vst.idx.msk $0xffff, v23  }
0x316: {  	v22 =	vmul.f32 $1.442695020e+00, v22;
	v61 =	vmul.f32 v15, v8;
	[tilespmem:v19+s15+$0x0] =	vst.idx.msk $0xffff, v59;
	v19 =	vadd.s32 $0x1A, v6  }
0x317: {  	v62 =	vadd.f32 $-1.636363630e+00, v13;
	v63 =	vmul.f32 v15, v12;
	[tilespmem:v58+s15+$0x0] =	vst.idx.msk $0xffff, v17;
	v17 =	vadd.s32 $0x1B, v6  }
0x318: {  	v28 =	vmul.f32 v15, v3;
	[tilespmem:v18+s15+$0x0] =	vst.idx.msk $0xffff, v61;
	v18 =	vadd.s32 $0x1C, v6;
	v29 =	vpop (erf);
	(erf) = vpow2.f32 v22  }
0x319: {  	v30 =	vadd.s32 $0x1D, v6;
	v15 =	vmul.f32 v15, v4;
	[tilespmem:v16+s15+$0x0] =	vst.idx.msk $0xffff, v63;
	v16 =	vmul.f32 v5, v29  }
0x31a: {  	v31 =	vadd.s32 $0x1E, v6;
	[tilespmem:v60+s15+$0x0] =	vst.idx.msk $0xffff, v28  }
0x31b: {  	v32 =	vmul.f32 v62, v62;
	[tilespmem:v19+s15+$0x0] =	vst.idx.msk $0xffff, v15;
	v15 =	vmul.f32 v16, v7;
	v19 =	vadd.s32 $0x1F, v6  }
0x31c: {  	v23 =	vmul.f32 v16, v11;
	[tilespmem:v17+s15+$0x0] =	vst.idx.msk $0xffff, v16;
	v17 =	vadd.s32 $0x20, v6  }
0x31d: {  	v21 =	vmul.f32 $-1.250000000e+01, v32;
	v33 =	vmul.f32 v16, v9;
	[tilespmem:v18+s15+$0x0] =	vst.idx.msk $0xffff, v15;
	v15 =	vadd.s32 $0x21, v6  }
0x31e: {  	v34 =	vadd.s32 $0x22, v6;
	v18 =	vmul.f32 v16, v10;
	[tilespmem:v30+s15+$0x0] =	vst.idx.msk $0xffff, v23  }
0x31f: {  	v36 =	vadd.s32 $0x23, v6;
	v21 =	vmul.f32 $1.442695020e+00, v21;
	v35 =	vmul.f32 v16, v8;
	[tilespmem:v31+s15+$0x0] =	vst.idx.msk $0xffff, v33  }
0x320: {  	v37 =	vadd.f32 $-1.963636400e+00, v13;
	v38 =	vmul.f32 v16, v12;
	[tilespmem:v19+s15+$0x0] =	vst.idx.msk $0xffff, v18;
	v18 =	vadd.s32 $0x24, v6  }
0x321: {  	v19 =	vmul.f32 v16, v3;
	[tilespmem:v17+s15+$0x0] =	vst.idx.msk $0xffff, v35;
	v17 =	vadd.s32 $0x25, v6;
	v39 =	vpop (erf);
	(erf) = vpow2.f32 v21  }
0x322: {  	v40 =	vadd.s32 $0x26, v6;
	v16 =	vmul.f32 v16, v4;
	[tilespmem:v15+s15+$0x0] =	vst.idx.msk $0xffff, v38;
	v15 =	vmul.f32 v5, v39  }
0x323: {  	[tilespmem:v34+s15+$0x0] =	vst.idx.msk $0xffff, v19;
	v19 =	vadd.s32 $0x27, v6  }
0x324: {  	v41 =	vmul.f32 v37, v37;
	v42 =	vadd.s32 $0x28, v6;
	[tilespmem:v36+s15+$0x0] =	vst.idx.msk $0xffff, v16;
	v16 =	vmul.f32 v15, v7  }
0x325: {  	v23 =	vmul.f32 v15, v11;
	[tilespmem:v18+s15+$0x0] =	vst.idx.msk $0xffff, v15;
	v18 =	vadd.s32 $0x29, v6  }
0x326: {  	v22 =	vmul.f32 $-1.250000000e+01, v41;
	v43 =	vmul.f32 v15, v9;
	[tilespmem:v17+s15+$0x0] =	vst.idx.msk $0xffff, v16;
	v16 =	vadd.s32 $0x2A, v6  }
0x327: {  	v44 =	vadd.s32 $0x2B, v6;
	v17 =	vmul.f32 v15, v10;
	[tilespmem:v40+s15+$0x0] =	vst.idx.msk $0xffff, v23  }
0x328: {  	v22 =	vmul.f32 $1.442695020e+00, v22;
	v45 =	vmul.f32 v15, v8;
	[tilespmem:v19+s15+$0x0] =	vst.idx.msk $0xffff, v43;
	v19 =	vadd.s32 $0x2C, v6  }
0x329: {  	v46 =	vadd.f32 $-2.290909050e+00, v13;
	v47 =	vmul.f32 v15, v12;
	[tilespmem:v42+s15+$0x0] =	vst.idx.msk $0xffff, v17;
	v17 =	vadd.s32 $0x2D, v6  }
0x32a: {  	v48 =	vmul.f32 v15, v3;
	[tilespmem:v18+s15+$0x0] =	vst.idx.msk $0xffff, v45;
	v18 =	vadd.s32 $0x2E, v6;
	v49 =	vpop (erf);
	(erf) = vpow2.f32 v22  }
0x32b: {  	v50 =	vadd.s32 $0x2F, v6;
	v15 =	vmul.f32 v15, v4;
	[tilespmem:v16+s15+$0x0] =	vst.idx.msk $0xffff, v47;
	v16 =	vmul.f32 v5, v49  }
0x32c: {  	v51 =	vadd.s32 $0x30, v6;
	[tilespmem:v44+s15+$0x0] =	vst.idx.msk $0xffff, v48  }
0x32d: {  	v52 =	vmul.f32 v46, v46;
	[tilespmem:v19+s15+$0x0] =	vst.idx.msk $0xffff, v15;
	v15 =	vmul.f32 v16, v7;
	v19 =	vadd.s32 $0x31, v6  }
0x32e: {  	v23 =	vmul.f32 v16, v11;
	[tilespmem:v17+s15+$0x0] =	vst.idx.msk $0xffff, v16;
	v17 =	vadd.s32 $0x32, v6  }
0x32f: {  	v21 =	vmul.f32 $-1.250000000e+01, v52;
	v53 =	vmul.f32 v16, v9;
	[tilespmem:v18+s15+$0x0] =	vst.idx.msk $0xffff, v15;
	v15 =	vadd.s32 $0x33, v6  }
0x330: {  	v54 =	vadd.s32 $0x34, v6;
	v18 =	vmul.f32 v16, v10;
	[tilespmem:v50+s15+$0x0] =	vst.idx.msk $0xffff, v23  }
0x331: {  	v56 =	vadd.s32 $0x35, v6;
	v21 =	vmul.f32 $1.442695020e+00, v21;
	v55 =	vmul.f32 v16, v8;
	[tilespmem:v51+s15+$0x0] =	vst.idx.msk $0xffff, v53  }
0x332: {  	v57 =	vadd.f32 $-2.618181710e+00, v13;
	v58 =	vmul.f32 v16, v12;
	[tilespmem:v19+s15+$0x0] =	vst.idx.msk $0xffff, v18;
	v18 =	vadd.s32 $0x36, v6  }
0x333: {  	v19 =	vmul.f32 v16, v3;
	[tilespmem:v17+s15+$0x0] =	vst.idx.msk $0xffff, v55;
	v17 =	vadd.s32 $0x37, v6;
	v59 =	vpop (erf);
	(erf) = vpow2.f32 v21  }
0x334: {  	v60 =	vadd.s32 $0x38, v6;
	v16 =	vmul.f32 v16, v4;
	[tilespmem:v15+s15+$0x0] =	vst.idx.msk $0xffff, v58;
	v15 =	vmul.f32 v5, v59  }
0x335: {  	[tilespmem:v54+s15+$0x0] =	vst.idx.msk $0xffff, v19;
	v19 =	vadd.s32 $0x39, v6  }
0x336: {  	v62 =	vadd.s32 $0x3A, v6;
	v61 =	vmul.f32 v57, v57;
	[tilespmem:v56+s15+$0x0] =	vst.idx.msk $0xffff, v16;
	v16 =	vmul.f32 v15, v7  }
0x337: {  	v23 =	vmul.f32 v15, v11;
	[tilespmem:v18+s15+$0x0] =	vst.idx.msk $0xffff, v15;
	v18 =	vadd.s32 $0x3B, v6  }
0x338: {  	v22 =	vmul.f32 $-1.250000000e+01, v61;
	v63 =	vmul.f32 v15, v9;
	[tilespmem:v17+s15+$0x0] =	vst.idx.msk $0xffff, v16;
	v16 =	vadd.s32 $0x3C, v6  }
0x339: {  	v28 =	vadd.s32 $0x3D, v6;
	v17 =	vmul.f32 v15, v10;
	[tilespmem:v60+s15+$0x0] =	vst.idx.msk $0xffff, v23  }
0x33a: {  	v22 =	vmul.f32 $1.442695020e+00, v22;
	v29 =	vmul.f32 v15, v8;
	[tilespmem:v19+s15+$0x0] =	vst.idx.msk $0xffff, v63;
	v19 =	vadd.s32 $0x3E, v6  }
0x33b: {  	v30 =	vadd.f32 $-2.945454600e+00, v13;
	v31 =	vmul.f32 v15, v12;
	[tilespmem:v62+s15+$0x0] =	vst.idx.msk $0xffff, v17;
	v17 =	vadd.s32 $0x3F, v6  }
0x33c: {  	v32 =	vmul.f32 v15, v3;
	[tilespmem:v18+s15+$0x0] =	vst.idx.msk $0xffff, v29;
	v18 =	vadd.s32 $0x40, v6;
	v33 =	vpop (erf);
	(erf) = vpow2.f32 v22  }
0x33d: {  	v34 =	vadd.s32 $0x41, v6;
	v15 =	vmul.f32 v15, v4;
	[tilespmem:v16+s15+$0x0] =	vst.idx.msk $0xffff, v31;
	v16 =	vmul.f32 v5, v33  }
0x33e: {  	v35 =	vadd.s32 $0x42, v6;
	[tilespmem:v28+s15+$0x0] =	vst.idx.msk $0xffff, v32  }
0x33f: {  	v36 =	vmul.f32 v30, v30;
	[tilespmem:v19+s15+$0x0] =	vst.idx.msk $0xffff, v15;
	v15 =	vmul.f32 v16, v7;
	v19 =	vadd.s32 $0x43, v6  }
0x340: {  	v23 =	vmul.f32 v16, v11;
	[tilespmem:v17+s15+$0x0] =	vst.idx.msk $0xffff, v16;
	v17 =	vadd.s32 $0x44, v6  }
0x341: {  	v21 =	vmul.f32 $-1.250000000e+01, v36;
	v37 =	vmul.f32 v16, v9;
	[tilespmem:v18+s15+$0x0] =	vst.idx.msk $0xffff, v15;
	v15 =	vadd.s32 $0x45, v6  }
0x342: {  	v38 =	vadd.s32 $0x46, v6;
	v18 =	vmul.f32 v16, v10;
	[tilespmem:v34+s15+$0x0] =	vst.idx.msk $0xffff, v23  }
0x343: {  	v40 =	vadd.s32 $0x47, v6;
	v21 =	vmul.f32 $1.442695020e+00, v21;
	v39 =	vmul.f32 v16, v8;
	[tilespmem:v35+s15+$0x0] =	vst.idx.msk $0xffff, v37  }
0x344: {  	v13 =	vadd.f32 $-3.272727250e+00, v13;
	v41 =	vmul.f32 v16, v12;
	[tilespmem:v19+s15+$0x0] =	vst.idx.msk $0xffff, v18;
	v18 =	vadd.s32 $0x48, v6  }
0x345: {  	v19 =	vmul.f32 v16, v3;
	[tilespmem:v17+s15+$0x0] =	vst.idx.msk $0xffff, v39;
	v17 =	vadd.s32 $0x49, v6;
	v42 =	vpop (erf);
	(erf) = vpow2.f32 v21  }
0x346: {  	v43 =	vadd.s32 $0x4A, v6;
	v16 =	vmul.f32 v16, v4;
	[tilespmem:v15+s15+$0x0] =	vst.idx.msk $0xffff, v41;
	v15 =	vmul.f32 v5, v42  }
0x347: {  	[tilespmem:v38+s15+$0x0] =	vst.idx.msk $0xffff, v19;
	v19 =	vadd.s32 $0x4B, v6  }
0x348: {  	v13 =	vmul.f32 v13, v13;
	v44 =	vadd.s32 $0x4C, v6;
	[tilespmem:v40+s15+$0x0] =	vst.idx.msk $0xffff, v16;
	v16 =	vmul.f32 v15, v7  }
0x349: {  	v45 =	vmul.f32 v15, v11;
	[tilespmem:v18+s15+$0x0] =	vst.idx.msk $0xffff, v15;
	v18 =	vadd.s32 $0x4D, v6  }
0x34a: {  	v13 =	vmul.f32 $-1.250000000e+01, v13;
	v23 =	vmul.f32 v15, v9;
	[tilespmem:v17+s15+$0x0] =	vst.idx.msk $0xffff, v16;
	v16 =	vadd.s32 $0x4E, v6  }
0x34b: {  	v46 =	vadd.s32 $0x4F, v6;
	v17 =	vmul.f32 v15, v10;
	[tilespmem:v43+s15+$0x0] =	vst.idx.msk $0xffff, v45  }
0x34c: {  	v13 =	vmul.f32 $1.442695020e+00, v13;
	v47 =	vmul.f32 v15, v8;
	[tilespmem:v19+s15+$0x0] =	vst.idx.msk $0xffff, v23;
	v19 =	vadd.s32 $0x50, v6  }
0x34d: {  	v48 =	vmul.f32 v15, v12;
	[tilespmem:v44+s15+$0x0] =	vst.idx.msk $0xffff, v17;
	v17 =	vadd.s32 $0x51, v6  }
0x34e: {  	v49 =	vmul.f32 v15, v3;
	[tilespmem:v18+s15+$0x0] =	vst.idx.msk $0xffff, v47;
	v18 =	vadd.s32 $0x52, v6;
	v50 =	vpop (erf);
	(erf) = vpow2.f32 v13  }
0x34f: {  	v13 =	vmul.f32 v15, v4;
	[tilespmem:v16+s15+$0x0] =	vst.idx.msk $0xffff, v48;
	v15 =	vmul.f32 v5, v50;
	v16 =	vadd.s32 $0x53, v6  }
0x350: {  	v51 =	vadd.s32 $0x54, v6;
	[tilespmem:v46+s15+$0x0] =	vst.idx.msk $0xffff, v49  }
0x351: {  	[tilespmem:v19+s15+$0x0] =	vst.idx.msk $0xffff, v13;
	v13 =	vmul.f32 v15, v7;
	v19 =	vadd.s32 $0x55, v6  }
0x352: {  	v52 =	vmul.f32 v15, v11;
	[tilespmem:v17+s15+$0x0] =	vst.idx.msk $0xffff, v15;
	v17 =	vadd.s32 $0x56, v6  }
0x353: {  	v22 =	vmul.f32 v15, v9;
	[tilespmem:v18+s15+$0x0] =	vst.idx.msk $0xffff, v13;
	v13 =	vadd.s32 $0x57, v6  }
0x354: {  	v18 =	vmul.f32 v15, v10;
	[tilespmem:v16+s15+$0x0] =	vst.idx.msk $0xffff, v52;
	v16 =	vadd.s32 $0x58, v6  }
0x355: {  	v54 =	vadd.s32 $0x59, v6;
	v53 =	vmul.f32 v15, v8;
	[tilespmem:v51+s15+$0x0] =	vst.idx.msk $0xffff, v22  }
0x356: {  	v55 =	vmul.f32 v15, v12;
	[tilespmem:v19+s15+$0x0] =	vst.idx.msk $0xffff, v18;
	v18 =	vadd.s32 $0x5A, v6  }
0x357: {  	v19 =	vmul.f32 v15, v3;
	[tilespmem:v17+s15+$0x0] =	vst.idx.msk $0xffff, v53;
	v17 =	vadd.s32 $0x5B, v6;
	v56 =	vpop (erf)  }
0x358: {  	v57 =	vadd.s32 $0x5C, v6;
	v15 =	vmul.f32 v15, v4;
	[tilespmem:v13+s15+$0x0] =	vst.idx.msk $0xffff, v55;
	v13 =	vmul.f32 v5, v56  }
0x359: {  	[tilespmem:v16+s15+$0x0] =	vst.idx.msk $0xffff, v19;
	v16 =	vadd.s32 $0x5D, v6  }
0x35a: {  	v19 =	vadd.s32 $0x5E, v6;
	[tilespmem:v54+s15+$0x0] =	vst.idx.msk $0xffff, v15;
	v15 =	vmul.f32 v13, v7  }
0x35b: {  	v58 =	vmul.f32 v13, v11;
	[tilespmem:v18+s15+$0x0] =	vst.idx.msk $0xffff, v13;
	v18 =	vadd.s32 $0x5F, v6  }
0x35c: {  	v59 =	vmul.f32 v13, v9;
	[tilespmem:v17+s15+$0x0] =	vst.idx.msk $0xffff, v15;
	v15 =	vadd.s32 $0x60, v6  }
0x35d: {  	v60 =	vadd.s32 $0x61, v6;
	v17 =	vmul.f32 v13, v10;
	[tilespmem:v57+s15+$0x0] =	vst.idx.msk $0xffff, v58  }
0x35e: {  	v61 =	vmul.f32 v13, v8;
	[tilespmem:v16+s15+$0x0] =	vst.idx.msk $0xffff, v59;
	v16 =	vadd.s32 $0x62, v6  }
0x35f: {  	v62 =	vmul.f32 v13, v12;
	[tilespmem:v19+s15+$0x0] =	vst.idx.msk $0xffff, v17;
	v17 =	vadd.s32 $0x63, v6  }
0x360: {  	v19 =	vmul.f32 v13, v3;
	[tilespmem:v18+s15+$0x0] =	vst.idx.msk $0xffff, v61;
	v18 =	vadd.s32 $0x64, v6  }
0x361: {  	v63 =	vadd.s32 $0x65, v6;
	v5 =	vmul.f32 v5, v14;
	v13 =	vmul.f32 v13, v4;
	[tilespmem:v15+s15+$0x0] =	vst.idx.msk $0xffff, v62  }
0x362: {  	[tilespmem:v60+s15+$0x0] =	vst.idx.msk $0xffff, v19;
	v19 =	vadd.s32 $0x66, v6  }
0x363: {  	v14 =	vmul.f32 v5, v7;
	[tilespmem:v16+s15+$0x0] =	vst.idx.msk $0xffff, v13  }
0x364: {  	s23 =	simm.s32 $0x10;
	v7 =	vmul.f32 v5, v12;
	v11 =	vmul.f32 v5, v11;
	v15 =	vadd.s32 $0x67, v6;
	[tilespmem:v17+s15+$0x0] =	vst.idx.msk $0xffff, v5  }
0x365: {  	v12 =	vmul.f32 v5, v9;
	v9 =	vor.u32 s23, v2;
	v13 =	vadd.s32 $0x68, v6;
	[tilespmem:v18+s15+$0x0] =	vst.idx.msk $0xffff, v14  }
0x366: {  	v8 =	vmul.f32 v5, v8;
	v16 =	vmul.f32 v5, v10;
	v14 =	vadd.s32 $0x69, v6;
	[tilespmem:v63+s15+$0x0] =	vst.idx.msk $0xffff, v11  }
0x367: {  	s23 =	simm.s32 $0x20;
	v10 =	vshll.u32 v9, $0x4;
	v11 =	vadd.s32 $0x6A, v6;
	v6 =	vadd.s32 $0x6B, v6;
	[tilespmem:v19+s15+$0x0] =	vst.idx.msk $0xffff, v12  }
.LBB2_9:
0x368: {  	s26 =	sadd.s32 $0x10, s26  }
0x369: {  	v12 =	vor.u32 $0x1, v10;
	[tilespmem:v15+s15+$0x0] =	vst.idx.msk $0xffff, v16;
	s28 =	sadd.s32 $0x10, s28;
	s18 =	smov.u32 s23;
	s17 =	sadd.s32 $0x10, s23  }
0x36a: {  	p1 =	sne.s32 s23, $0x30;
	v3 =	vmul.f32 v5, v3;
	[tilespmem:v13+s15+$0x0] =	vst.idx.msk $0xffff, v8  }
0x36b: {  	v4 =	vmul.f32 v5, v4;
	[tilespmem:v14+s15+$0x0] =	vst.idx.msk $0xffff, v7  }
0x36c: {  	v5 =	vor.u32 $0x2, v10;
	[tilespmem:v11+s15+$0x0] =	vst.idx.msk $0xffff, v3  }
0x36d: {  	[tilespmem:v6+s15+$0x0] =	vst.idx.msk $0xffff, v4  }
0x36e: {  	v3 =	vld.idx.msk [tilespmem:v10+s12+$0x0], $0xffff  }
0x36f: {  	v4 =	vld.idx.msk [tilespmem:v10+s11+$0x0], $0xffff  }
0x370: {  	v6 =	vld.idx.msk [tilespmem:v12+s12+$0x0], $0xffff  }
0x371: {  	v7 =	vld.idx.msk [tilespmem:v12+s11+$0x0], $0xffff  }
0x372: {  	v8 =	vld.idx.msk [tilespmem:v5+s11+$0x0], $0xffff  }
0x373: {  	v5 =	vld.idx.msk [tilespmem:v5+s12+$0x0], $0xffff;
	_ =	sdelay $0x1  }
0x374: {  	v11 =	vsub.f32 v3, v4;
	_ =	sdelay $0x1  }
0x375: {  	v4 =	vsub.f32 v6, v7;
	_ =	sdelay $0x1  }
0x376: {  	v3 =	vmul.f32 v11, v11;
	v5 =	vsub.f32 v5, v8;
	v6 =	vmul.f32 v4, v4;
	_ =	sdelay $0x1  }
0x377: {  	v3 =	vadd.f32 v6, v3;
	v6 =	vmul.f32 v5, v5;
	_ =	sdelay $0x1  }
0x378: {  	v3 =	vadd.f32 v6, v3;
	_ =	sdelay $0x1  }
0x379: {  	v3 =	vadd.f32 $9.999999960e-13, v3;
	_ =	sdelay $0x1  }
0x37a: {  	v6 =	vshrl.u32 v3, $0x1  }
0x37b: {  	v6 =	vadd.s32 $0x1FBD1DF5, v6  }
0x37c: {  	(erf) = vrcp.f32 v6;
	_ =	sdelay $0x8  }
0x37d: {  	v7 =	vpop (erf)  }
0x37e: {  	v7 =	vmul.f32 v7, v3;
	_ =	sdelay $0x1  }
0x37f: {  	v6 =	vadd.f32 v6, v7;
	_ =	sdelay $0x1  }
0x380: {  	v6 =	vmul.f32 $5.000000000e-01, v6;
	_ =	sdelay $0x1  }
0x381: {  	(erf) = vrcp.f32 v6;
	_ =	sdelay $0x8  }
0x382: {  	v7 =	vpop (erf)  }
0x383: {  	v7 =	vmul.f32 v7, v3;
	_ =	sdelay $0x1  }
0x384: {  	v6 =	vadd.f32 v7, v6;
	_ =	sdelay $0x1  }
0x385: {  	v6 =	vmul.f32 $5.000000000e-01, v6;
	_ =	sdelay $0x1  }
0x386: {  	(erf) = vrcp.f32 v6;
	_ =	sdelay $0x8  }
0x387: {  	v7 =	vpop (erf)  }
0x388: {  	v3 =	vmul.f32 v7, v3;
	_ =	sdelay $0x1  }
0x389: {  	v3 =	vadd.f32 v3, v6;
	_ =	sdelay $0x1  }
0x38a: {  	v3 =	vmul.f32 $5.000000000e-01, v3;
	_ =	sdelay $0x1  }
0x38b: {  	v6 =	vadd.f32 $-3.299999950e+00, v3;
	v7 =	vmul.f32 v3, v3;
	(erf) = vrcp.f32 v3  }
0x38c: {  	v8 =	vadd.f32 $-3.272727130e-01, v3;
	v12 =	vadd.f32 $-6.545454260e-01, v3  }
0x38d: {  	v13 =	vadd.f32 $-9.818181990e-01, v3;
	v6 =	vmul.f32 $1.047197530e+01, v6;
	v7 =	vmul.f32 $-1.250000000e+01, v7  }
0x38e: {  	v14 =	vadd.f32 $-1.309090850e+00, v3;
	v8 =	vmul.f32 v8, v8;
	v12 =	vmul.f32 v12, v12  }
0x38f: {  	v15 =	vsub.f32 $3.141592740e+00, v6;
	v16 =	vmul.f32 $1.442695020e+00, v7;
	v7 =	vmul.f32 v13, v13  }
0x390: {  	v8 =	vmul.f32 $-1.250000000e+01, v8;
	v12 =	vmul.f32 $-1.250000000e+01, v12;
	v13 =	vadd.f32 $-1.636363630e+00, v3  }
0x391: {  	v14 =	vmul.f32 v14, v14;
	v15 =	vmin.f32 v6, v15;
	v17 =	vmul.f32 $-1.250000000e+01, v7  }
0x392: {  	v18 =	vadd.f32 $-1.963636400e+00, v3;
	v8 =	vmul.f32 $1.442695020e+00, v8;
	v15 =	vmul.f32 v15, v15  }
0x393: {  	v7 =	vmul.f32 $1.442695020e+00, v12;
	v12 =	vadd.f32 $-2.290909050e+00, v3;
	v22 =	vmul.f32 $1.442695020e+00, v17  }
0x394: {  	v19 =	vadd.f32 $-2.618181710e+00, v3;
	v14 =	vmul.f32 $-1.250000000e+01, v14;
	v17 =	vmul.f32 $-2.755732000e-07, v15;
	v20 =	vpop (erf)  }
0x395: {  	v11 =	vmul.f32 v20, v11;
	v23 =	vmul.f32 v20, v5;
	v5 =	vadd.f32 $-3.599999900e+00, v3  }
0x396: {  	v21 =	vmul.f32 $1.442695020e+00, v14;
	v4 =	vmul.f32 v20, v4;
	v17 =	vadd.f32 $2.480158760e-05, v17  }
0x397: {  	v24 =	vadd.f32 $-2.945454600e+00, v3;
	v14 =	vmul.f32 v23, v23;
	v20 =	vmul.f32 v11, v11  }
0x398: {  	v26 =	vadd.f32 $-3.272727250e+00, v3;
	v25 =	vmul.f32 v4, v11;
	v17 =	vmul.f32 v17, v15  }
0x399: {  	v27 =	vmul.f32 v4, v4;
	v14 =	vmul.f32 $3.000000000e+00, v14  }
0x39a: {  	v28 =	vmul.f32 v23, v4;
	v29 =	vmul.f32 v23, v11;
	v17 =	vadd.f32 $-1.388888920e-03, v17  }
0x39b: {  	v13 =	vmul.f32 v13, v13;
	v20 =	vsub.f32 v20, v27;
	v14 =	vadd.f32 $-1.000000000e+00, v14  }
0x39c: {  	v18 =	vmul.f32 v18, v18;
	v17 =	vmul.f32 v17, v15  }
0x39d: {  	v27 =	vmul.f32 $5.000000000e-01, v20;
	v14 =	vmul.f32 $5.000000000e-01, v14  }
0x39e: {  	v18 =	vmul.f32 $-1.250000000e+01, v18;
	v13 =	vmul.f32 $-1.250000000e+01, v13;
	v17 =	vadd.f32 $4.166666790e-02, v17  }
0x39f: {  	v30 =	vmul.f32 v19, v19;
	v12 =	vmul.f32 v12, v12  }
0x3a0: {  	v20 =	vmul.f32 $1.442695020e+00, v13;
	v17 =	vmul.f32 v17, v15  }
0x3a1: {  	v19 =	vmul.f32 $1.442695020e+00, v18;
	v12 =	vmul.f32 $-1.250000000e+01, v12  }
0x3a2: {  	v10 =	vor.u32 $0x3, v10;
	v13 =	vadd.f32 $-5.000000000e-01, v17;
	v17 =	vmul.f32 $-1.250000000e+01, v30  }
0x3a3: {  	v18 =	vmul.f32 $1.442695020e+00, v12;
	v5 =	vmul.f32 v5, v5  }
0x3a4: {  	v12 =	vmul.f32 v13, v15;
	v17 =	vmul.f32 $1.442695020e+00, v17  }
0x3a5: {  	v5 =	vmul.f32 $-1.250000000e+01, v5;
	v13 =	vmul.f32 v24, v24  }
0x3a6: {  	v15 =	vmul.f32 v26, v26;
	v12 =	vadd.f32 $1.000000000e+00, v12  }
0x3a7: {  	v5 =	vmul.f32 $1.442695020e+00, v5;
	v10 =	vld.idx.msk [tilespmem:v10+s11+$0x0], $0xffff;
	(erf) = vpow2.f32 v16  }
0x3a8: {  	v13 =	vmul.f32 $-1.250000000e+01, v13;
	v15 =	vmul.f32 $-1.250000000e+01, v15;
	v24 =	vld [tilespmem:s26+$0x0];
	v16 =	vsub.f32 $0.0e+00, v12  }
0x3a9: {  	vm0 =	vgt.f32 v6, $1.570796370e+00;
	(erf) = vpow2.f32 v5  }
0x3aa: {  	v15 =	vmul.f32 $1.442695020e+00, v15;
	v5 =	vsel vm0, v16, v12;
	v16 =	vmul.f32 $1.442695020e+00, v13  }
0x3ab: {  	v5 =	vadd.f32 $1.000000000e+00, v5  }
0x3ac: {  	v6 =	vmul.u32 $0x70, v9  }
0x3ad: {  	v9 =	vtrunc.f32 v10;
	v12 =	vmul.f32 $5.000000000e-01, v5;
	v10 =	vmul.u32 $0x3, v24  }
0x3ae: {  	vm0 =	vlt.f32 v3, $3.599999900e+00;
	v9 =	vcvt.f32.s32 v9  }
0x3af: {  	vm1 =	vlt.f32 v3, $3.299999950e+00;
	v3 =	vnsel vm0, $0x0, v12;
	v10 =	vadd.s32 v0, v10  }
0x3b0: {  	v13 =	vsel vm1, $0x3F800000, v3;
	v3 =	vadd.s32 v9, v10;
	v5 =	vpop (erf);
	(erf) = vpow2.f32 v8  }
0x3b1: {  	v26 =	vor.u32 $0x1, v6;
	v3 =	vmin.u32 v3, $0x3A98;
	v24 =	vmul.f32 v13, v5  }
0x3b2: {  	v30 =	vor.u32 $0x2, v6;
	v8 =	vmul.f32 $1.732050780e+00, v11;
	v5 =	vpop (erf)  }
0x3b3: {  	v9 =	vmul.f32 $1.732050780e+00, v4;
	v4 =	vor.u32 $0x3, v6;
	v5 =	vmul.f32 v13, v5  }
0x3b4: {  	v10 =	vmul.f32 $1.732050780e+00, v23;
	v23 =	vor.u32 $0x4, v6;
	[tilespmem:s28+$0x0] =	vst v3;
	v3 =	vmul.f32 v24, v8  }
0x3b5: {  	v31 =	vor.u32 $0x5, v6;
	v11 =	vmul.f32 $2.236068010e+00, v25;
	v25 =	vmul.f32 v24, v9;
	[tilespmem:v6+s15+$0x0] =	vst.idx.msk $0xffff, v24  }
0x3b6: {  	v12 =	vmul.f32 $2.236068010e+00, v28;
	v28 =	vmul.f32 v24, v10;
	[tilespmem:v26+s15+$0x0] =	vst.idx.msk $0xffff, v3;
	v26 =	vor.u32 $0x6, v6  }
0x3b7: {  	v14 =	vmul.f32 $2.236068010e+00, v14;
	v32 =	vmul.f32 v24, v11;
	[tilespmem:v30+s15+$0x0] =	vst.idx.msk $0xffff, v25;
	v25 =	vor.u32 $0x7, v6  }
0x3b8: {  	v3 =	vmul.f32 $2.236068010e+00, v29;
	v29 =	vmul.f32 v24, v12;
	[tilespmem:v4+s15+$0x0] =	vst.idx.msk $0xffff, v28;
	v28 =	vor.u32 $0x8, v6  }
0x3b9: {  	v4 =	vmul.f32 $2.236068010e+00, v27;
	v27 =	vmul.f32 v24, v14;
	[tilespmem:v23+s15+$0x0] =	vst.idx.msk $0xffff, v32;
	v23 =	vor.u32 $0x9, v6;
	v30 =	vpop (erf)  }
0x3ba: {  	v32 =	vmul.f32 v24, v3;
	[tilespmem:v31+s15+$0x0] =	vst.idx.msk $0xffff, v29;
	v29 =	vor.u32 $0xA, v6;
	(erf) = vpow2.f32 v7  }
0x3bb: {  	v24 =	vmul.f32 v24, v4;
	[tilespmem:v26+s15+$0x0] =	vst.idx.msk $0xffff, v27;
	v26 =	vmul.f32 v13, v30;
	v27 =	vor.u32 $0xB, v6  }
0x3bc: {  	v7 =	vmul.f32 v5, v14;
	[tilespmem:v25+s15+$0x0] =	vst.idx.msk $0xffff, v32;
	v25 =	vor.u32 $0xC, v6  }
0x3bd: {  	[tilespmem:v28+s15+$0x0] =	vst.idx.msk $0xffff, v24;
	v24 =	vmul.f32 v26, v8;
	v28 =	vor.u32 $0xD, v6  }
0x3be: {  	v30 =	vmul.f32 v26, v9;
	[tilespmem:v23+s15+$0x0] =	vst.idx.msk $0xffff, v26;
	v23 =	vor.u32 $0xE, v6  }
0x3bf: {  	v31 =	vmul.f32 v26, v10;
	[tilespmem:v29+s15+$0x0] =	vst.idx.msk $0xffff, v24;
	v24 =	vor.u32 $0xF, v6  }
0x3c0: {  	v29 =	vmul.f32 v26, v11;
	[tilespmem:v27+s15+$0x0] =	vst.idx.msk $0xffff, v30;
	v27 =	vadd.s32 $0x10, v6  }
0x3c1: {  	v32 =	vmul.f32 v26, v12;
	[tilespmem:v25+s15+$0x0] =	vst.idx.msk $0xffff, v31;
	v25 =	vadd.s32 $0x11, v6  }
0x3c2: {  	v31 =	vmul.f32 v26, v14;
	[tilespmem:v28+s15+$0x0] =	vst.idx.msk $0xffff, v29;
	v28 =	vadd.s32 $0x12, v6  }
0x3c3: {  	v29 =	vmul.f32 v26, v3;
	[tilespmem:v23+s15+$0x0] =	vst.idx.msk $0xffff, v32;
	v23 =	vadd.s32 $0x13, v6;
	v30 =	vpop (erf);
	(erf) = vpow2.f32 v22  }
0x3c4: {  	v22 =	vmul.f32 v26, v4;
	v26 =	vadd.s32 $0x14, v6;
	[tilespmem:v24+s15+$0x0] =	vst.idx.msk $0xffff, v31;
	v24 =	vmul.f32 v13, v30  }
0x3c5: {  	[tilespmem:v27+s15+$0x0] =	vst.idx.msk $0xffff, v29;
	v27 =	vadd.s32 $0x15, v6  }
0x3c6: {  	[tilespmem:v25+s15+$0x0] =	vst.idx.msk $0xffff, v22;
	v22 =	vmul.f32 v24, v8;
	v25 =	vadd.s32 $0x16, v6  }
0x3c7: {  	v29 =	vmul.f32 v24, v9;
	[tilespmem:v28+s15+$0x0] =	vst.idx.msk $0xffff, v24;
	v28 =	vadd.s32 $0x17, v6  }
0x3c8: {  	v30 =	vmul.f32 v24, v10;
	[tilespmem:v23+s15+$0x0] =	vst.idx.msk $0xffff, v22;
	v22 =	vadd.s32 $0x18, v6  }
0x3c9: {  	v23 =	vmul.f32 v24, v11;
	[tilespmem:v26+s15+$0x0] =	vst.idx.msk $0xffff, v29;
	v26 =	vadd.s32 $0x19, v6  }
0x3ca: {  	v31 =	vmul.f32 v24, v12;
	[tilespmem:v27+s15+$0x0] =	vst.idx.msk $0xffff, v30;
	v27 =	vadd.s32 $0x1A, v6  }
0x3cb: {  	v30 =	vmul.f32 v24, v14;
	[tilespmem:v25+s15+$0x0] =	vst.idx.msk $0xffff, v23;
	v23 =	vadd.s32 $0x1B, v6  }
0x3cc: {  	v25 =	vmul.f32 v24, v3;
	[tilespmem:v28+s15+$0x0] =	vst.idx.msk $0xffff, v31;
	v28 =	vadd.s32 $0x1C, v6;
	v29 =	vpop (erf);
	(erf) = vpow2.f32 v21  }
0x3cd: {  	v21 =	vmul.f32 v24, v4;
	v24 =	vadd.s32 $0x1D, v6;
	[tilespmem:v22+s15+$0x0] =	vst.idx.msk $0xffff, v30;
	v22 =	vmul.f32 v13, v29  }
0x3ce: {  	[tilespmem:v26+s15+$0x0] =	vst.idx.msk $0xffff, v25;
	v25 =	vadd.s32 $0x1E, v6  }
0x3cf: {  	[tilespmem:v27+s15+$0x0] =	vst.idx.msk $0xffff, v21;
	v21 =	vmul.f32 v22, v8;
	v26 =	vmul.f32 v22, v9;
	v27 =	vadd.s32 $0x1F, v6  }
0x3d0: {  	v29 =	vmul.f32 v22, v10;
	v30 =	vmul.f32 v22, v11;
	[tilespmem:v23+s15+$0x0] =	vst.idx.msk $0xffff, v22;
	v23 =	vadd.s32 $0x20, v6  }
0x3d1: {  	v31 =	vmul.f32 v22, v12;
	v32 =	vmul.f32 v22, v14;
	[tilespmem:v28+s15+$0x0] =	vst.idx.msk $0xffff, v21;
	v21 =	vadd.s32 $0x21, v6  }
0x3d2: {  	v28 =	vmul.f32 v22, v4;
	[tilespmem:v24+s15+$0x0] =	vst.idx.msk $0xffff, v26;
	v24 =	vadd.s32 $0x22, v6  }
0x3d3: {  	[tilespmem:v25+s15+$0x0] =	vst.idx.msk $0xffff, v29;
	v25 =	vadd.s32 $0x23, v6  }
0x3d4: {  	v26 =	vadd.s32 $0x24, v6;
	[tilespmem:v27+s15+$0x0] =	vst.idx.msk $0xffff, v30  }
0x3d5: {  	v22 =	vmul.f32 v22, v3;
	[tilespmem:v23+s15+$0x0] =	vst.idx.msk $0xffff, v31;
	v23 =	vadd.s32 $0x25, v6;
	v27 =	vpop (erf);
	(erf) = vpow2.f32 v20  }
0x3d6: {  	[tilespmem:v21+s15+$0x0] =	vst.idx.msk $0xffff, v32;
	v20 =	vmul.f32 v13, v27;
	v21 =	vadd.s32 $0x26, v6  }
0x3d7: {  	[tilespmem:v24+s15+$0x0] =	vst.idx.msk $0xffff, v22;
	v22 =	vadd.s32 $0x27, v6  }
0x3d8: {  	v27 =	vadd.s32 $0x28, v6;
	[tilespmem:v25+s15+$0x0] =	vst.idx.msk $0xffff, v28;
	v24 =	vmul.f32 v20, v8;
	v25 =	vmul.f32 v20, v9  }
0x3d9: {  	v28 =	vmul.f32 v20, v3;
	v29 =	vmul.f32 v20, v4;
	[tilespmem:v26+s15+$0x0] =	vst.idx.msk $0xffff, v20;
	v26 =	vadd.s32 $0x29, v6  }
0x3da: {  	v30 =	vmul.f32 v20, v10;
	v31 =	vmul.f32 v20, v11;
	[tilespmem:v23+s15+$0x0] =	vst.idx.msk $0xffff, v24;
	v23 =	vadd.s32 $0x2A, v6  }
0x3db: {  	[tilespmem:v21+s15+$0x0] =	vst.idx.msk $0xffff, v25;
	v21 =	vadd.s32 $0x2B, v6  }
0x3dc: {  	v24 =	vmul.f32 v20, v12;
	[tilespmem:v22+s15+$0x0] =	vst.idx.msk $0xffff, v30;
	v22 =	vadd.s32 $0x2C, v6  }
0x3dd: {  	v20 =	vmul.f32 v20, v14;
	v25 =	vadd.s32 $0x2D, v6;
	[tilespmem:v27+s15+$0x0] =	vst.idx.msk $0xffff, v31  }
0x3de: {  	[tilespmem:v26+s15+$0x0] =	vst.idx.msk $0xffff, v24;
	v24 =	vadd.s32 $0x2E, v6;
	v26 =	vpop (erf);
	(erf) = vpow2.f32 v19  }
0x3df: {  	[tilespmem:v23+s15+$0x0] =	vst.idx.msk $0xffff, v20;
	v19 =	vmul.f32 v13, v26;
	v20 =	vadd.s32 $0x2F, v6  }
0x3e0: {  	[tilespmem:v21+s15+$0x0] =	vst.idx.msk $0xffff, v28;
	v21 =	vadd.s32 $0x30, v6  }
0x3e1: {  	v26 =	vadd.s32 $0x31, v6;
	[tilespmem:v22+s15+$0x0] =	vst.idx.msk $0xffff, v29;
	v22 =	vmul.f32 v19, v8;
	v23 =	vmul.f32 v19, v10  }
0x3e2: {  	v27 =	vmul.f32 v19, v9;
	v28 =	vmul.f32 v19, v11;
	[tilespmem:v25+s15+$0x0] =	vst.idx.msk $0xffff, v19;
	v25 =	vadd.s32 $0x32, v6  }
0x3e3: {  	v29 =	vmul.f32 v19, v12;
	v30 =	vmul.f32 v19, v3;
	[tilespmem:v24+s15+$0x0] =	vst.idx.msk $0xffff, v22;
	v22 =	vadd.s32 $0x33, v6  }
0x3e4: {  	[tilespmem:v20+s15+$0x0] =	vst.idx.msk $0xffff, v27;
	v20 =	vadd.s32 $0x34, v6  }
0x3e5: {  	[tilespmem:v21+s15+$0x0] =	vst.idx.msk $0xffff, v23;
	v21 =	vadd.s32 $0x35, v6  }
0x3e6: {  	v24 =	vadd.s32 $0x36, v6;
	v23 =	vmul.f32 v19, v14;
	[tilespmem:v26+s15+$0x0] =	vst.idx.msk $0xffff, v28  }
0x3e7: {  	[tilespmem:v25+s15+$0x0] =	vst.idx.msk $0xffff, v29;
	v25 =	vadd.s32 $0x37, v6;
	v26 =	vpop (erf);
	(erf) = vpow2.f32 v18  }
0x3e8: {  	v18 =	vmul.f32 v19, v4;
	[tilespmem:v22+s15+$0x0] =	vst.idx.msk $0xffff, v23;
	v19 =	vmul.f32 v13, v26;
	v22 =	vadd.s32 $0x38, v6  }
0x3e9: {  	[tilespmem:v20+s15+$0x0] =	vst.idx.msk $0xffff, v30;
	v20 =	vadd.s32 $0x39, v6  }
0x3ea: {  	v23 =	vadd.s32 $0x3A, v6;
	[tilespmem:v21+s15+$0x0] =	vst.idx.msk $0xffff, v18;
	v18 =	vmul.f32 v19, v8;
	v21 =	vmul.f32 v19, v4  }
0x3eb: {  	v26 =	vmul.f32 v19, v9;
	[tilespmem:v24+s15+$0x0] =	vst.idx.msk $0xffff, v19;
	v24 =	vadd.s32 $0x3B, v6  }
0x3ec: {  	v27 =	vmul.f32 v19, v10;
	[tilespmem:v25+s15+$0x0] =	vst.idx.msk $0xffff, v18;
	v18 =	vadd.s32 $0x3C, v6  }
0x3ed: {  	v28 =	vmul.f32 v19, v11;
	[tilespmem:v22+s15+$0x0] =	vst.idx.msk $0xffff, v26;
	v22 =	vadd.s32 $0x3D, v6  }
0x3ee: {  	v26 =	vmul.f32 v19, v12;
	[tilespmem:v20+s15+$0x0] =	vst.idx.msk $0xffff, v27;
	v20 =	vadd.s32 $0x3E, v6  }
0x3ef: {  	v27 =	vmul.f32 v19, v14;
	[tilespmem:v23+s15+$0x0] =	vst.idx.msk $0xffff, v28;
	v23 =	vadd.s32 $0x3F, v6  }
0x3f0: {  	v19 =	vmul.f32 v19, v3;
	[tilespmem:v24+s15+$0x0] =	vst.idx.msk $0xffff, v26;
	v24 =	vadd.s32 $0x40, v6;
	v25 =	vpop (erf);
	(erf) = vpow2.f32 v17  }
0x3f1: {  	[tilespmem:v18+s15+$0x0] =	vst.idx.msk $0xffff, v27;
	v17 =	vmul.f32 v13, v25;
	v18 =	vadd.s32 $0x41, v6  }
0x3f2: {  	[tilespmem:v22+s15+$0x0] =	vst.idx.msk $0xffff, v19;
	v19 =	vadd.s32 $0x42, v6  }
0x3f3: {  	v22 =	vadd.s32 $0x43, v6;
	[tilespmem:v20+s15+$0x0] =	vst.idx.msk $0xffff, v21;
	v20 =	vmul.f32 v17, v8;
	v21 =	vmul.f32 v17, v10  }
0x3f4: {  	v25 =	vmul.f32 v17, v9;
	[tilespmem:v23+s15+$0x0] =	vst.idx.msk $0xffff, v17;
	v23 =	vadd.s32 $0x44, v6  }
0x3f5: {  	[tilespmem:v24+s15+$0x0] =	vst.idx.msk $0xffff, v20;
	v20 =	vadd.s32 $0x45, v6  }
0x3f6: {  	v24 =	vmul.f32 v17, v11;
	[tilespmem:v18+s15+$0x0] =	vst.idx.msk $0xffff, v25;
	v18 =	vadd.s32 $0x46, v6  }
0x3f7: {  	v26 =	vmul.f32 v17, v12;
	[tilespmem:v19+s15+$0x0] =	vst.idx.msk $0xffff, v21;
	v19 =	vadd.s32 $0x47, v6  }
0x3f8: {  	v21 =	vmul.f32 v17, v14;
	[tilespmem:v22+s15+$0x0] =	vst.idx.msk $0xffff, v24;
	v22 =	vadd.s32 $0x48, v6  }
0x3f9: {  	v24 =	vmul.f32 v17, v3;
	[tilespmem:v23+s15+$0x0] =	vst.idx.msk $0xffff, v26;
	v23 =	vadd.s32 $0x49, v6;
	v25 =	vpop (erf);
	(erf) = vpow2.f32 v16  }
0x3fa: {  	v16 =	vmul.f32 v17, v4;
	[tilespmem:v20+s15+$0x0] =	vst.idx.msk $0xffff, v21;
	v17 =	vmul.f32 v13, v25;
	v20 =	vadd.s32 $0x4A, v6  }
0x3fb: {  	[tilespmem:v18+s15+$0x0] =	vst.idx.msk $0xffff, v24;
	v18 =	vadd.s32 $0x4B, v6  }
0x3fc: {  	[tilespmem:v19+s15+$0x0] =	vst.idx.msk $0xffff, v16;
	v16 =	vmul.f32 v17, v8;
	v19 =	vadd.s32 $0x4C, v6  }
0x3fd: {  	v21 =	vmul.f32 v17, v9;
	[tilespmem:v22+s15+$0x0] =	vst.idx.msk $0xffff, v17;
	v22 =	vadd.s32 $0x4D, v6  }
0x3fe: {  	v24 =	vmul.f32 v17, v10;
	[tilespmem:v23+s15+$0x0] =	vst.idx.msk $0xffff, v16;
	v16 =	vadd.s32 $0x4E, v6  }
0x3ff: {  	v23 =	vmul.f32 v17, v11;
	[tilespmem:v20+s15+$0x0] =	vst.idx.msk $0xffff, v21;
	v20 =	vadd.s32 $0x4F, v6  }
0x400: {  	v21 =	vmul.f32 v17, v12;
	[tilespmem:v18+s15+$0x0] =	vst.idx.msk $0xffff, v24;
	v18 =	vadd.s32 $0x50, v6  }
0x401: {  	v24 =	vmul.f32 v17, v14;
	[tilespmem:v19+s15+$0x0] =	vst.idx.msk $0xffff, v23;
	v19 =	vadd.s32 $0x51, v6  }
0x402: {  	v23 =	vmul.f32 v17, v3;
	[tilespmem:v22+s15+$0x0] =	vst.idx.msk $0xffff, v21;
	v21 =	vadd.s32 $0x52, v6;
	v22 =	vpop (erf);
	(erf) = vpow2.f32 v15  }
0x403: {  	v15 =	vmul.f32 v17, v4;
	v17 =	vadd.s32 $0x53, v6;
	[tilespmem:v16+s15+$0x0] =	vst.idx.msk $0xffff, v24;
	v16 =	vmul.f32 v13, v22  }
0x404: {  	[tilespmem:v20+s15+$0x0] =	vst.idx.msk $0xffff, v23;
	v20 =	vadd.s32 $0x54, v6  }
0x405: {  	[tilespmem:v18+s15+$0x0] =	vst.idx.msk $0xffff, v15;
	v15 =	vmul.f32 v16, v8;
	v18 =	vadd.s32 $0x55, v6  }
0x406: {  	v22 =	vmul.f32 v16, v9;
	[tilespmem:v19+s15+$0x0] =	vst.idx.msk $0xffff, v16;
	v19 =	vadd.s32 $0x56, v6  }
0x407: {  	v23 =	vmul.f32 v16, v10;
	[tilespmem:v21+s15+$0x0] =	vst.idx.msk $0xffff, v15;
	v15 =	vadd.s32 $0x57, v6  }
0x408: {  	v21 =	vmul.f32 v16, v11;
	[tilespmem:v17+s15+$0x0] =	vst.idx.msk $0xffff, v22;
	v17 =	vadd.s32 $0x58, v6  }
0x409: {  	v24 =	vmul.f32 v16, v12;
	[tilespmem:v20+s15+$0x0] =	vst.idx.msk $0xffff, v23;
	v20 =	vadd.s32 $0x59, v6  }
0x40a: {  	v23 =	vmul.f32 v16, v14;
	[tilespmem:v18+s15+$0x0] =	vst.idx.msk $0xffff, v21;
	v18 =	vadd.s32 $0x5A, v6  }
0x40b: {  	v21 =	vmul.f32 v16, v3;
	[tilespmem:v19+s15+$0x0] =	vst.idx.msk $0xffff, v24;
	v19 =	vadd.s32 $0x5B, v6;
	v22 =	vpop (erf)  }
0x40c: {  	v16 =	vmul.f32 v16, v4;
	[tilespmem:v15+s15+$0x0] =	vst.idx.msk $0xffff, v23;
	v13 =	vmul.f32 v13, v22;
	v15 =	vadd.s32 $0x5C, v6  }
0x40d: {  	[tilespmem:v17+s15+$0x0] =	vst.idx.msk $0xffff, v21;
	v17 =	vadd.s32 $0x5D, v6  }
0x40e: {  	[tilespmem:v20+s15+$0x0] =	vst.idx.msk $0xffff, v16;
	v16 =	vmul.f32 v13, v8;
	v20 =	vadd.s32 $0x5E, v6  }
0x40f: {  	v21 =	vmul.f32 v13, v9;
	[tilespmem:v18+s15+$0x0] =	vst.idx.msk $0xffff, v13;
	v18 =	vadd.s32 $0x5F, v6  }
0x410: {  	v22 =	vmul.f32 v13, v10;
	[tilespmem:v19+s15+$0x0] =	vst.idx.msk $0xffff, v16;
	v16 =	vadd.s32 $0x60, v6  }
0x411: {  	v19 =	vmul.f32 v13, v11;
	[tilespmem:v15+s15+$0x0] =	vst.idx.msk $0xffff, v21;
	v15 =	vadd.s32 $0x61, v6  }
0x412: {  	v21 =	vmul.f32 v13, v12;
	[tilespmem:v17+s15+$0x0] =	vst.idx.msk $0xffff, v22;
	v17 =	vadd.s32 $0x62, v6  }
0x413: {  	v14 =	vmul.f32 v13, v14;
	[tilespmem:v20+s15+$0x0] =	vst.idx.msk $0xffff, v19;
	v19 =	vadd.s32 $0x63, v6  }
0x414: {  	v20 =	vmul.f32 v13, v3;
	[tilespmem:v18+s15+$0x0] =	vst.idx.msk $0xffff, v21;
	v18 =	vadd.s32 $0x64, v6  }
0x415: {  	v13 =	vmul.f32 v13, v4;
	v21 =	vadd.s32 $0x65, v6;
	[tilespmem:v16+s15+$0x0] =	vst.idx.msk $0xffff, v14  }
0x416: {  	[tilespmem:v15+s15+$0x0] =	vst.idx.msk $0xffff, v20;
	v20 =	vadd.s32 $0x66, v6  }
.Ltmp5:
0x417: {  	v8 =	vmul.f32 v5, v8;
	v15 =	vadd.s32 $0x67, v6;
	[tilespmem:v17+s15+$0x0] =	vst.idx.msk $0xffff, v13;
	(pc) =	sbr.rel @p1 .LBB2_9-.Ltmp5, $4  }
0x418: {  	v17 =	vmul.f32 v5, v9;
	v13 =	vadd.s32 $0x68, v6;
	[tilespmem:v19+s15+$0x0] =	vst.idx.msk $0xffff, v5  }
0x419: {  	v14 =	vadd.s32 $0x69, v6;
	v19 =	vmul.f32 v5, v10;
	[tilespmem:v18+s15+$0x0] =	vst.idx.msk $0xffff, v8  }
0x41a: {  	v16 =	vmul.f32 v5, v11;
	v11 =	vadd.s32 $0x6A, v6;
	v9 =	vor.u32 s18, v2;
	[tilespmem:v21+s15+$0x0] =	vst.idx.msk $0xffff, v17  }
0x41b: {  	s23 =	smov.u32 s17;
	v6 =	vadd.s32 $0x6B, v6;
	v10 =	vshll.u32 v9, $0x4;
	v8 =	vmul.f32 v5, v12;
	[tilespmem:v20+s15+$0x0] =	vst.idx.msk $0xffff, v19  }
0x41c: {  	_ =	sdelay $0x3  }
0x41d: {  	[tilespmem:v15+s15+$0x0] =	vst.idx.msk $0xffff, v16  }
0x41e: {  	v3 =	vmul.f32 v5, v3;
	[tilespmem:v13+s15+$0x0] =	vst.idx.msk $0xffff, v8  }
0x41f: {  	v45 =	vor.u32 $0x1, v10;
	v4 =	vmul.f32 v5, v4;
	[tilespmem:v14+s15+$0x0] =	vst.idx.msk $0xffff, v7  }
0x420: {  	[tilespmem:v11+s15+$0x0] =	vst.idx.msk $0xffff, v3  }
0x421: {  	v3 =	vor.u32 $0x2, v10;
	[tilespmem:v6+s15+$0x0] =	vst.idx.msk $0xffff, v4  }
0x422: {  	v4 =	vld.idx.msk [tilespmem:v10+s12+$0x0], $0xffff  }
0x423: {  	v46 =	vld.idx.msk [tilespmem:v10+s11+$0x0], $0xffff  }
0x424: {  	v6 =	vld.idx.msk [tilespmem:v45+s12+$0x0], $0xffff  }
0x425: {  	v7 =	vld.idx.msk [tilespmem:v45+s11+$0x0], $0xffff  }
0x426: {  	v47 =	vld.idx.msk [tilespmem:v3+s11+$0x0], $0xffff  }
0x427: {  	v3 =	vld.idx.msk [tilespmem:v3+s12+$0x0], $0xffff;
	_ =	sdelay $0x2  }
0x428: {  	v4 =	vsub.f32 v4, v46;
	v48 =	vsub.f32 v6, v7;
	_ =	sdelay $0x1  }
0x429: {  	v49 =	vmul.f32 v4, v4;
	v7 =	vmul.f32 v48, v48;
	v3 =	vsub.f32 v3, v47;
	_ =	sdelay $0x1  }
0x42a: {  	v6 =	vadd.f32 v7, v49;
	v50 =	vmul.f32 v3, v3;
	_ =	sdelay $0x1  }
0x42b: {  	v6 =	vadd.f32 v50, v6;
	_ =	sdelay $0x1  }
0x42c: {  	v6 =	vadd.f32 $9.999999960e-13, v6;
	_ =	sdelay $0x1  }
0x42d: {  	v51 =	vshrl.u32 v6, $0x1  }
0x42e: {  	v7 =	vadd.s32 $0x1FBD1DF5, v51  }
0x42f: {  	(erf) = vrcp.f32 v7;
	_ =	sdelay $0x8  }
0x430: {  	v52 =	vpop (erf)  }
0x431: {  	v8 =	vmul.f32 v52, v6;
	_ =	sdelay $0x1  }
0x432: {  	v7 =	vadd.f32 v7, v8;
	_ =	sdelay $0x1  }
0x433: {  	v7 =	vmul.f32 $5.000000000e-01, v7;
	_ =	sdelay $0x1  }
0x434: {  	(erf) = vrcp.f32 v7;
	_ =	sdelay $0x8  }
0x435: {  	v53 =	vpop (erf)  }
0x436: {  	v8 =	vmul.f32 v53, v6;
	_ =	sdelay $0x1  }
0x437: {  	v7 =	vadd.f32 v8, v7;
	_ =	sdelay $0x1  }
0x438: {  	v7 =	vmul.f32 $5.000000000e-01, v7;
	_ =	sdelay $0x1  }
0x439: {  	(erf) = vrcp.f32 v7;
	_ =	sdelay $0x8  }
0x43a: {  	v54 =	vpop (erf)  }
0x43b: {  	v6 =	vmul.f32 v54, v6;
	_ =	sdelay $0x1  }
0x43c: {  	v6 =	vadd.f32 v6, v7;
	_ =	sdelay $0x1  }
0x43d: {  	v13 =	vmul.f32 $5.000000000e-01, v6;
	_ =	sdelay $0x1  }
0x43e: {  	v6 =	vadd.f32 $-3.299999950e+00, v13;
	_ =	sdelay $0x1  }
0x43f: {  	v6 =	vmul.f32 $1.047197530e+01, v6;
	_ =	sdelay $0x1  }
0x440: {  	v55 =	vsub.f32 $3.141592740e+00, v6;
	_ =	sdelay $0x1  }
0x441: {  	v7 =	vmin.f32 v6, v55  }
0x442: {  	v7 =	vmul.f32 v7, v7;
	_ =	sdelay $0x1  }
0x443: {  	v56 =	vmul.f32 $-2.755732000e-07, v7;
	_ =	sdelay $0x1  }
0x444: {  	v8 =	vadd.f32 $2.480158760e-05, v56;
	_ =	sdelay $0x1  }
0x445: {  	v8 =	vmul.f32 v8, v7  }
0x446: {  	(erf) = vrcp.f32 v13  }
0x447: {  	v8 =	vadd.f32 $-1.388888920e-03, v8;
	_ =	sdelay $0x1  }
0x448: {  	v58 =	vadd.f32 $-6.545454260e-01, v13;
	v8 =	vmul.f32 v8, v7  }
0x449: {  	v57 =	vmul.f32 v13, v13;
	v12 =	vadd.f32 $-3.272727130e-01, v13  }
0x44a: {  	v14 =	vmul.f32 v58, v58;
	v8 =	vadd.f32 $4.166666790e-02, v8  }
0x44b: {  	s17 =	sadd.s32 $0x10, s26;
	v11 =	vmul.f32 $-1.250000000e+01, v57;
	v12 =	vmul.f32 v12, v12  }
0x44c: {  	v20 =	vld [tilespmem:s17+$0x0];
	v14 =	vmul.f32 $-1.250000000e+01, v14;
	v8 =	vmul.f32 v8, v7  }
0x44d: {  	v29 =	vadd.f32 $-3.599999900e+00, v13;
	v11 =	vmul.f32 $1.442695020e+00, v11  }
0x44e: {  	v12 =	vmul.f32 $-1.250000000e+01, v12;
	v63 =	vmul.f32 $1.442695020e+00, v14;
	v59 =	vpop (erf);
	v8 =	vadd.f32 $-5.000000000e-01, v8  }
0x44f: {  	(erf) = vpow2.f32 v11;
	v60 =	vmul.f32 v59, v3;
	v3 =	vor.u32 $0x3, v10  }
0x450: {  	v14 =	vmul.f32 v29, v29;
	v7 =	vmul.f32 v8, v7  }
0x451: {  	v39 =	vmul.u32 $0x3, v20;
	v21 =	vadd.f32 $-9.818181990e-01, v13;
	vm15 =	vlt.f32 v13, $3.599999900e+00  }
0x452: {  	v12 =	vmul.f32 $1.442695020e+00, v12;
	v33 =	vmul.f32 $-1.250000000e+01, v14;
	v7 =	vadd.f32 $1.000000000e+00, v7  }
0x453: {  	vm1 =	vlt.f32 v13, $3.299999950e+00;
	v4 =	vmul.f32 v59, v4;
	v61 =	vmul.f32 v59, v48  }
0x454: {  	v36 =	vmul.f32 $1.442695020e+00, v33;
	v62 =	vmul.f32 v60, v60;
	v19 =	vld.idx.msk [tilespmem:v3+s11+$0x0], $0xffff;
	v3 =	vsub.f32 $0.0e+00, v7  }
0x455: {  	vm0 =	vgt.f32 v6, $1.570796370e+00;
	v28 =	vmul.f32 v4, v4;
	v17 =	vmul.f32 v61, v4  }
0x456: {  	v18 =	vmul.f32 v61, v61;
	v30 =	vmul.f32 v60, v61;
	v3 =	vsel vm0, v3, v7  }
0x457: {  	v32 =	vmul.f32 v60, v4;
	v5 =	vmul.f32 $3.000000000e+00, v62;
	v34 =	vadd.f32 $1.000000000e+00, v3  }
0x458: {  	(erf) = vpow2.f32 v36;
	v4 =	vmul.f32 $1.732050780e+00, v4;
	v31 =	vsub.f32 v28, v18  }
0x459: {  	v41 =	vpop (erf);
	(erf) = vpow2.f32 v12;
	v5 =	vadd.f32 $-1.000000000e+00, v5;
	v37 =	vmul.f32 $5.000000000e-01, v34  }
0x45a: {  	v22 =	vmul.f32 $5.000000000e-01, v31;
	v38 =	vtrunc.f32 v19;
	v3 =	vmul.u32 $0x70, v9  }
0x45b: {  	v35 =	vmul.f32 $5.000000000e-01, v5;
	v7 =	vcvt.f32.s32 v38;
	v6 =	vnsel vm15, $0x0, v37  }
0x45c: {  	v9 =	vadd.s32 v0, v39;
	v42 =	vor.u32 $0x1, v3;
	v5 =	vsel vm1, $0x3F800000, v6  }
0x45d: {  	v40 =	vadd.s32 v7, v9;
	v44 =	vor.u32 $0x2, v3;
	v43 =	vmul.f32 v5, v41  }
0x45e: {  	s28 =	sadd.s32 $0x10, s28;
	v7 =	vmul.f32 $1.732050780e+00, v61;
	v9 =	vmin.u32 v40, $0x3A98;
	v45 =	vor.u32 $0x3, v3  }
0x45f: {  	v23 =	vor.u32 $0x4, v3;
	[tilespmem:s28+$0x0] =	vst v9;
	v6 =	vmul.f32 $1.732050780e+00, v60;
	v46 =	vmul.f32 v43, v4  }
0x460: {  	v8 =	vmul.f32 $2.236068010e+00, v17;
	v24 =	vor.u32 $0x5, v3;
	v47 =	vmul.f32 v43, v7;
	[tilespmem:v3+s15+$0x0] =	vst.idx.msk $0xffff, v43  }
0x461: {  	v48 =	vor.u32 $0x6, v3;
	v9 =	vmul.f32 $2.236068010e+00, v30;
	v25 =	vmul.f32 v43, v6;
	[tilespmem:v42+s15+$0x0] =	vst.idx.msk $0xffff, v46  }
0x462: {  	v10 =	vmul.f32 $2.236068010e+00, v35;
	v49 =	vor.u32 $0x7, v3;
	v26 =	vmul.f32 v43, v8;
	[tilespmem:v44+s15+$0x0] =	vst.idx.msk $0xffff, v47  }
0x463: {  	v11 =	vmul.f32 $2.236068010e+00, v32;
	v51 =	vor.u32 $0x8, v3;
	v50 =	vmul.f32 v43, v9;
	[tilespmem:v45+s15+$0x0] =	vst.idx.msk $0xffff, v25  }
0x464: {  	v12 =	vmul.f32 $2.236068010e+00, v22;
	v14 =	vpop (erf);
	v53 =	vor.u32 $0x9, v3;
	v52 =	vmul.f32 v43, v10;
	[tilespmem:v23+s15+$0x0] =	vst.idx.msk $0xffff, v26  }
0x465: {  	v54 =	vpop (erf);
	(erf) = vpow2.f32 v63;
	v56 =	vor.u32 $0xA, v3;
	v55 =	vmul.f32 v43, v11;
	[tilespmem:v24+s15+$0x0] =	vst.idx.msk $0xffff, v50  }
0x466: {  	v59 =	vor.u32 $0xB, v3;
	v58 =	vmul.f32 v5, v54;
	v57 =	vmul.f32 v43, v12;
	[tilespmem:v48+s15+$0x0] =	vst.idx.msk $0xffff, v52  }
0x467: {  	v60 =	vor.u32 $0xC, v3;
	[tilespmem:v49+s15+$0x0] =	vst.idx.msk $0xffff, v55  }
0x468: {  	v21 =	vmul.f32 v21, v21;
	v62 =	vor.u32 $0xD, v3;
	v61 =	vmul.f32 v58, v4;
	[tilespmem:v51+s15+$0x0] =	vst.idx.msk $0xffff, v57  }
0x469: {  	v28 =	vor.u32 $0xE, v3;
	v63 =	vmul.f32 v58, v7;
	[tilespmem:v53+s15+$0x0] =	vst.idx.msk $0xffff, v58  }
0x46a: {  	v21 =	vmul.f32 $-1.250000000e+01, v21;
	v30 =	vor.u32 $0xF, v3;
	v29 =	vmul.f32 v58, v6;
	[tilespmem:v56+s15+$0x0] =	vst.idx.msk $0xffff, v61  }
0x46b: {  	v32 =	vadd.s32 $0x10, v3;
	v31 =	vmul.f32 v58, v8;
	[tilespmem:v59+s15+$0x0] =	vst.idx.msk $0xffff, v63  }
0x46c: {  	v21 =	vmul.f32 $1.442695020e+00, v21;
	v34 =	vadd.s32 $0x11, v3;
	v33 =	vmul.f32 v58, v9;
	[tilespmem:v60+s15+$0x0] =	vst.idx.msk $0xffff, v29  }
0x46d: {  	v35 =	vadd.f32 $-1.309090850e+00, v13;
	v36 =	vadd.s32 $0x12, v3;
	v25 =	vmul.f32 v58, v10;
	[tilespmem:v62+s15+$0x0] =	vst.idx.msk $0xffff, v31  }
0x46e: {  	v39 =	vpop (erf);
	(erf) = vpow2.f32 v21;
	v38 =	vadd.s32 $0x13, v3;
	v37 =	vmul.f32 v58, v11;
	[tilespmem:v28+s15+$0x0] =	vst.idx.msk $0xffff, v33  }
0x46f: {  	v40 =	vmul.f32 v5, v39;
	v41 =	vadd.s32 $0x14, v3;
	v16 =	vmul.f32 v58, v12;
	[tilespmem:v30+s15+$0x0] =	vst.idx.msk $0xffff, v25  }
0x470: {  	v42 =	vadd.s32 $0x15, v3;
	[tilespmem:v32+s15+$0x0] =	vst.idx.msk $0xffff, v37  }
0x471: {  	v43 =	vmul.f32 v35, v35;
	v44 =	vmul.f32 v40, v4;
	v45 =	vadd.s32 $0x16, v3;
	[tilespmem:v34+s15+$0x0] =	vst.idx.msk $0xffff, v16  }
0x472: {  	v46 =	vadd.s32 $0x17, v3;
	v23 =	vmul.f32 v40, v7;
	[tilespmem:v36+s15+$0x0] =	vst.idx.msk $0xffff, v40  }
0x473: {  	v20 =	vmul.f32 $-1.250000000e+01, v43;
	v47 =	vmul.f32 v40, v6;
	v48 =	vadd.s32 $0x18, v3;
	[tilespmem:v38+s15+$0x0] =	vst.idx.msk $0xffff, v44  }
0x474: {  	v50 =	vadd.s32 $0x19, v3;
	v49 =	vmul.f32 v40, v8;
	[tilespmem:v41+s15+$0x0] =	vst.idx.msk $0xffff, v23  }
0x475: {  	v20 =	vmul.f32 $1.442695020e+00, v20;
	v52 =	vadd.s32 $0x1A, v3;
	v51 =	vmul.f32 v40, v9;
	[tilespmem:v42+s15+$0x0] =	vst.idx.msk $0xffff, v47  }
0x476: {  	v54 =	vmul.f32 v40, v10;
	v15 =	vmul.f32 v40, v12;
	v55 =	vadd.s32 $0x1B, v3;
	[tilespmem:v45+s15+$0x0] =	vst.idx.msk $0xffff, v49  }
0x477: {  	v57 =	vadd.s32 $0x1C, v3;
	v58 =	vpop (erf);
	(erf) = vpow2.f32 v20;
	v56 =	vmul.f32 v40, v11;
	[tilespmem:v46+s15+$0x0] =	vst.idx.msk $0xffff, v51  }
0x478: {  	v53 =	vadd.f32 $-1.636363630e+00, v13;
	v59 =	vmul.f32 v5, v58;
	v60 =	vadd.s32 $0x1D, v3;
	[tilespmem:v48+s15+$0x0] =	vst.idx.msk $0xffff, v54  }
0x479: {  	v61 =	vadd.s32 $0x1E, v3;
	[tilespmem:v50+s15+$0x0] =	vst.idx.msk $0xffff, v56  }
0x47a: {  	v62 =	vmul.f32 v53, v53;
	v63 =	vmul.f32 v59, v4;
	v28 =	vadd.s32 $0x1F, v3;
	[tilespmem:v52+s15+$0x0] =	vst.idx.msk $0xffff, v15  }
0x47b: {  	v29 =	vadd.s32 $0x20, v3;
	v23 =	vmul.f32 v59, v7;
	[tilespmem:v55+s15+$0x0] =	vst.idx.msk $0xffff, v59  }
0x47c: {  	v31 =	vadd.s32 $0x21, v3;
	v22 =	vmul.f32 $-1.250000000e+01, v62;
	v30 =	vmul.f32 v59, v6;
	[tilespmem:v57+s15+$0x0] =	vst.idx.msk $0xffff, v63  }
0x47d: {  	v33 =	vadd.s32 $0x22, v3;
	v32 =	vmul.f32 v59, v8;
	[tilespmem:v60+s15+$0x0] =	vst.idx.msk $0xffff, v23  }
0x47e: {  	v35 =	vadd.s32 $0x23, v3;
	v22 =	vmul.f32 $1.442695020e+00, v22;
	v34 =	vmul.f32 v59, v9;
	[tilespmem:v61+s15+$0x0] =	vst.idx.msk $0xffff, v30  }
0x47f: {  	v43 =	vadd.s32 $0x26, v3;
	v37 =	vmul.f32 v59, v10;
	v38 =	vadd.s32 $0x24, v3;
	[tilespmem:v28+s15+$0x0] =	vst.idx.msk $0xffff, v32  }
0x480: {  	v39 =	vmul.f32 v59, v11;
	v40 =	vadd.s32 $0x25, v3;
	v41 =	vpop (erf);
	(erf) = vpow2.f32 v22;
	[tilespmem:v29+s15+$0x0] =	vst.idx.msk $0xffff, v34  }
0x481: {  	v16 =	vmul.f32 v59, v12;
	v36 =	vadd.f32 $-1.963636400e+00, v13;
	v42 =	vmul.f32 v5, v41;
	[tilespmem:v31+s15+$0x0] =	vst.idx.msk $0xffff, v37  }
0x482: {  	v44 =	vadd.s32 $0x27, v3;
	[tilespmem:v33+s15+$0x0] =	vst.idx.msk $0xffff, v39  }
0x483: {  	v47 =	vadd.s32 $0x28, v3;
	v45 =	vmul.f32 v36, v36;
	v46 =	vmul.f32 v42, v4;
	[tilespmem:v35+s15+$0x0] =	vst.idx.msk $0xffff, v16  }
0x484: {  	v48 =	vadd.s32 $0x29, v3;
	v23 =	vmul.f32 v42, v7;
	[tilespmem:v38+s15+$0x0] =	vst.idx.msk $0xffff, v42  }
0x485: {  	v49 =	vmul.f32 v42, v6;
	v20 =	vmul.f32 $-1.250000000e+01, v45;
	v50 =	vadd.s32 $0x2A, v3;
	[tilespmem:v40+s15+$0x0] =	vst.idx.msk $0xffff, v46  }
0x486: {  	v51 =	vmul.f32 v42, v8;
	v52 =	vadd.s32 $0x2B, v3;
	[tilespmem:v43+s15+$0x0] =	vst.idx.msk $0xffff, v23  }
0x487: {  	v53 =	vmul.f32 v42, v9;
	v54 =	vadd.s32 $0x2C, v3;
	v20 =	vmul.f32 $1.442695020e+00, v20;
	[tilespmem:v44+s15+$0x0] =	vst.idx.msk $0xffff, v49  }
0x488: {  	v62 =	vadd.s32 $0x2F, v3;
	v56 =	vmul.f32 v42, v10;
	v57 =	vadd.s32 $0x2D, v3;
	[tilespmem:v47+s15+$0x0] =	vst.idx.msk $0xffff, v51  }
0x489: {  	v58 =	vmul.f32 v42, v11;
	v59 =	vadd.s32 $0x2E, v3;
	v60 =	vpop (erf);
	(erf) = vpow2.f32 v20;
	[tilespmem:v48+s15+$0x0] =	vst.idx.msk $0xffff, v53  }
0x48a: {  	v15 =	vmul.f32 v42, v12;
	v55 =	vadd.f32 $-2.290909050e+00, v13;
	v61 =	vmul.f32 v5, v60;
	[tilespmem:v50+s15+$0x0] =	vst.idx.msk $0xffff, v56  }
0x48b: {  	v63 =	vadd.s32 $0x30, v3;
	[tilespmem:v52+s15+$0x0] =	vst.idx.msk $0xffff, v58  }
0x48c: {  	v27 =	vmul.f32 v55, v55;
	v28 =	vmul.f32 v61, v4;
	v29 =	vadd.s32 $0x31, v3;
	[tilespmem:v54+s15+$0x0] =	vst.idx.msk $0xffff, v15  }
0x48d: {  	v30 =	vadd.s32 $0x32, v3;
	v23 =	vmul.f32 v61, v7;
	[tilespmem:v57+s15+$0x0] =	vst.idx.msk $0xffff, v61  }
0x48e: {  	v22 =	vmul.f32 $-1.250000000e+01, v27;
	v32 =	vadd.s32 $0x33, v3;
	v31 =	vmul.f32 v61, v6;
	[tilespmem:v59+s15+$0x0] =	vst.idx.msk $0xffff, v28  }
0x48f: {  	v34 =	vadd.s32 $0x34, v3;
	v33 =	vmul.f32 v61, v8;
	[tilespmem:v62+s15+$0x0] =	vst.idx.msk $0xffff, v23  }
0x490: {  	v36 =	vadd.s32 $0x35, v3;
	v22 =	vmul.f32 $1.442695020e+00, v22;
	v35 =	vmul.f32 v61, v9;
	[tilespmem:v63+s15+$0x0] =	vst.idx.msk $0xffff, v31  }
0x491: {  	v41 =	vadd.s32 $0x37, v3;
	v39 =	vadd.s32 $0x36, v3;
	v38 =	vmul.f32 v61, v10;
	[tilespmem:v29+s15+$0x0] =	vst.idx.msk $0xffff, v33  }
0x492: {  	v37 =	vadd.f32 $-2.618181710e+00, v13;
	v40 =	vmul.f32 v61, v11;
	v42 =	vpop (erf);
	(erf) = vpow2.f32 v22;
	[tilespmem:v30+s15+$0x0] =	vst.idx.msk $0xffff, v35  }
0x493: {  	v16 =	vmul.f32 v61, v12;
	v43 =	vmul.f32 v5, v42;
	v44 =	vadd.s32 $0x38, v3;
	[tilespmem:v32+s15+$0x0] =	vst.idx.msk $0xffff, v38  }
0x494: {  	v45 =	vadd.s32 $0x39, v3;
	[tilespmem:v34+s15+$0x0] =	vst.idx.msk $0xffff, v40  }
0x495: {  	v46 =	vmul.f32 v37, v37;
	v47 =	vmul.f32 v43, v4;
	v48 =	vadd.s32 $0x3A, v3;
	[tilespmem:v36+s15+$0x0] =	vst.idx.msk $0xffff, v16  }
0x496: {  	v49 =	vadd.s32 $0x3B, v3;
	v23 =	vmul.f32 v43, v7;
	[tilespmem:v39+s15+$0x0] =	vst.idx.msk $0xffff, v43  }
0x497: {  	v20 =	vmul.f32 $-1.250000000e+01, v46;
	v51 =	vadd.s32 $0x3C, v3;
	v50 =	vmul.f32 v43, v6;
	[tilespmem:v41+s15+$0x0] =	vst.idx.msk $0xffff, v47  }
0x498: {  	v53 =	vadd.s32 $0x3D, v3;
	v52 =	vmul.f32 v43, v8;
	[tilespmem:v44+s15+$0x0] =	vst.idx.msk $0xffff, v23  }
0x499: {  	v55 =	vadd.s32 $0x3E, v3;
	v20 =	vmul.f32 $1.442695020e+00, v20;
	v54 =	vmul.f32 v43, v9;
	[tilespmem:v45+s15+$0x0] =	vst.idx.msk $0xffff, v50  }
0x49a: {  	v60 =	vadd.s32 $0x40, v3;
	v58 =	vadd.s32 $0x3F, v3;
	v57 =	vmul.f32 v43, v10;
	[tilespmem:v48+s15+$0x0] =	vst.idx.msk $0xffff, v52  }
0x49b: {  	v56 =	vadd.f32 $-2.945454600e+00, v13;
	v59 =	vmul.f32 v43, v11;
	v61 =	vpop (erf);
	(erf) = vpow2.f32 v20;
	[tilespmem:v49+s15+$0x0] =	vst.idx.msk $0xffff, v54  }
0x49c: {  	v15 =	vmul.f32 v43, v12;
	v62 =	vmul.f32 v5, v61;
	v63 =	vadd.s32 $0x41, v3;
	[tilespmem:v51+s15+$0x0] =	vst.idx.msk $0xffff, v57  }
0x49d: {  	v28 =	vadd.s32 $0x42, v3;
	[tilespmem:v53+s15+$0x0] =	vst.idx.msk $0xffff, v59  }
0x49e: {  	v31 =	vadd.s32 $0x43, v3;
	v29 =	vmul.f32 v56, v56;
	v30 =	vmul.f32 v62, v4;
	[tilespmem:v55+s15+$0x0] =	vst.idx.msk $0xffff, v15  }
0x49f: {  	v32 =	vadd.s32 $0x44, v3;
	v23 =	vmul.f32 v62, v7;
	[tilespmem:v58+s15+$0x0] =	vst.idx.msk $0xffff, v62  }
0x4a0: {  	v33 =	vmul.f32 v62, v6;
	v22 =	vmul.f32 $-1.250000000e+01, v29;
	v34 =	vadd.s32 $0x45, v3;
	[tilespmem:v60+s15+$0x0] =	vst.idx.msk $0xffff, v30  }
0x4a1: {  	v35 =	vmul.f32 v62, v8;
	v36 =	vadd.s32 $0x46, v3;
	[tilespmem:v63+s15+$0x0] =	vst.idx.msk $0xffff, v23  }
0x4a2: {  	v37 =	vmul.f32 v62, v9;
	v38 =	vadd.s32 $0x47, v3;
	v22 =	vmul.f32 $1.442695020e+00, v22;
	[tilespmem:v28+s15+$0x0] =	vst.idx.msk $0xffff, v33  }
0x4a3: {  	v42 =	vadd.s32 $0x49, v3;
	v40 =	vadd.s32 $0x48, v3;
	v39 =	vmul.f32 v62, v10;
	[tilespmem:v31+s15+$0x0] =	vst.idx.msk $0xffff, v35  }
0x4a4: {  	v13 =	vadd.f32 $-3.272727250e+00, v13;
	v41 =	vmul.f32 v62, v11;
	v43 =	vpop (erf);
	(erf) = vpow2.f32 v22;
	[tilespmem:v32+s15+$0x0] =	vst.idx.msk $0xffff, v37  }
0x4a5: {  	v16 =	vmul.f32 v62, v12;
	v44 =	vmul.f32 v5, v43;
	v45 =	vadd.s32 $0x4A, v3;
	[tilespmem:v34+s15+$0x0] =	vst.idx.msk $0xffff, v39  }
0x4a6: {  	v46 =	vadd.s32 $0x4B, v3;
	[tilespmem:v36+s15+$0x0] =	vst.idx.msk $0xffff, v41  }
0x4a7: {  	v13 =	vmul.f32 v13, v13;
	v48 =	vadd.s32 $0x4C, v3;
	v47 =	vmul.f32 v44, v4;
	[tilespmem:v38+s15+$0x0] =	vst.idx.msk $0xffff, v16  }
0x4a8: {  	v50 =	vadd.s32 $0x4D, v3;
	v49 =	vmul.f32 v44, v7;
	[tilespmem:v40+s15+$0x0] =	vst.idx.msk $0xffff, v44  }
0x4a9: {  	v13 =	vmul.f32 $-1.250000000e+01, v13;
	v51 =	vadd.s32 $0x4E, v3;
	v23 =	vmul.f32 v44, v6;
	[tilespmem:v42+s15+$0x0] =	vst.idx.msk $0xffff, v47  }
0x4aa: {  	v52 =	vmul.f32 v44, v8;
	v53 =	vadd.s32 $0x4F, v3;
	[tilespmem:v45+s15+$0x0] =	vst.idx.msk $0xffff, v49  }
0x4ab: {  	v13 =	vmul.f32 $1.442695020e+00, v13;
	v54 =	vmul.f32 v44, v9;
	v55 =	vadd.s32 $0x50, v3;
	[tilespmem:v46+s15+$0x0] =	vst.idx.msk $0xffff, v23  }
0x4ac: {  	v56 =	vmul.f32 v44, v10;
	v57 =	vadd.s32 $0x51, v3;
	[tilespmem:v48+s15+$0x0] =	vst.idx.msk $0xffff, v52  }
0x4ad: {  	v59 =	vadd.s32 $0x52, v3;
	v58 =	vmul.f32 v44, v11;
	v60 =	vpop (erf);
	(erf) = vpow2.f32 v13;
	[tilespmem:v50+s15+$0x0] =	vst.idx.msk $0xffff, v54  }
0x4ae: {  	v61 =	vmul.f32 v44, v12;
	v63 =	vadd.s32 $0x53, v3;
	v62 =	vmul.f32 v5, v60;
	[tilespmem:v51+s15+$0x0] =	vst.idx.msk $0xffff, v56  }
0x4af: {  	v24 =	vadd.s32 $0x54, v3;
	[tilespmem:v53+s15+$0x0] =	vst.idx.msk $0xffff, v58  }
0x4b0: {  	v26 =	vadd.s32 $0x55, v3;
	v25 =	vmul.f32 v62, v4;
	[tilespmem:v55+s15+$0x0] =	vst.idx.msk $0xffff, v61  }
0x4b1: {  	v28 =	vadd.s32 $0x56, v3;
	v27 =	vmul.f32 v62, v7;
	[tilespmem:v57+s15+$0x0] =	vst.idx.msk $0xffff, v62  }
0x4b2: {  	v29 =	vadd.s32 $0x57, v3;
	v22 =	vmul.f32 v62, v6;
	[tilespmem:v59+s15+$0x0] =	vst.idx.msk $0xffff, v25  }
0x4b3: {  	v31 =	vadd.s32 $0x58, v3;
	v30 =	vmul.f32 v62, v8;
	[tilespmem:v63+s15+$0x0] =	vst.idx.msk $0xffff, v27  }
0x4b4: {  	v33 =	vadd.s32 $0x59, v3;
	v32 =	vmul.f32 v62, v9;
	[tilespmem:v24+s15+$0x0] =	vst.idx.msk $0xffff, v22  }
0x4b5: {  	v35 =	vadd.s32 $0x5A, v3;
	v34 =	vmul.f32 v62, v10;
	[tilespmem:v26+s15+$0x0] =	vst.idx.msk $0xffff, v30  }
0x4b6: {  	v37 =	vadd.s32 $0x5B, v3;
	v36 =	vmul.f32 v62, v11;
	v38 =	vpop (erf);
	[tilespmem:v28+s15+$0x0] =	vst.idx.msk $0xffff, v32  }
0x4b7: {  	v15 =	vmul.f32 v62, v12;
	v40 =	vadd.s32 $0x5C, v3;
	v39 =	vmul.f32 v5, v38;
	[tilespmem:v29+s15+$0x0] =	vst.idx.msk $0xffff, v34  }
0x4b8: {  	v41 =	vadd.s32 $0x5D, v3;
	[tilespmem:v31+s15+$0x0] =	vst.idx.msk $0xffff, v36  }
0x4b9: {  	v43 =	vadd.s32 $0x5E, v3;
	v42 =	vmul.f32 v39, v4;
	[tilespmem:v33+s15+$0x0] =	vst.idx.msk $0xffff, v15  }
0x4ba: {  	v45 =	vadd.s32 $0x5F, v3;
	v44 =	vmul.f32 v39, v7;
	[tilespmem:v35+s15+$0x0] =	vst.idx.msk $0xffff, v39  }
0x4bb: {  	v47 =	vadd.s32 $0x60, v3;
	v46 =	vmul.f32 v39, v6;
	[tilespmem:v37+s15+$0x0] =	vst.idx.msk $0xffff, v42  }
0x4bc: {  	v49 =	vadd.s32 $0x61, v3;
	v48 =	vmul.f32 v39, v8;
	[tilespmem:v40+s15+$0x0] =	vst.idx.msk $0xffff, v44  }
0x4bd: {  	v50 =	vmul.f32 v39, v9;
	v51 =	vadd.s32 $0x62, v3;
	[tilespmem:v41+s15+$0x0] =	vst.idx.msk $0xffff, v46  }
0x4be: {  	v52 =	vmul.f32 v39, v10;
	v53 =	vadd.s32 $0x63, v3;
	[tilespmem:v43+s15+$0x0] =	vst.idx.msk $0xffff, v48  }
0x4bf: {  	v54 =	vmul.f32 v39, v11;
	v55 =	vadd.s32 $0x64, v3;
	[tilespmem:v45+s15+$0x0] =	vst.idx.msk $0xffff, v50  }
0x4c0: {  	v5 =	vmul.f32 v5, v14;
	v13 =	vmul.f32 v39, v12;
	v56 =	vadd.s32 $0x65, v3;
	[tilespmem:v47+s15+$0x0] =	vst.idx.msk $0xffff, v52  }
0x4c1: {  	v57 =	vadd.s32 $0x66, v3;
	[tilespmem:v49+s15+$0x0] =	vst.idx.msk $0xffff, v54  }
0x4c2: {  	v4 =	vmul.f32 v5, v4;
	v58 =	vadd.s32 $0x67, v3;
	[tilespmem:v51+s15+$0x0] =	vst.idx.msk $0xffff, v13  }
0x4c3: {  	v7 =	vmul.f32 v5, v7;
	v59 =	vadd.s32 $0x68, v3;
	[tilespmem:v53+s15+$0x0] =	vst.idx.msk $0xffff, v5  }
0x4c4: {  	v60 =	vadd.s32 $0x69, v3;
	v6 =	vmul.f32 v5, v6;
	[tilespmem:v55+s15+$0x0] =	vst.idx.msk $0xffff, v4  }
0x4c5: {  	v8 =	vmul.f32 v5, v8;
	v61 =	vadd.s32 $0x6A, v3;
	[tilespmem:v56+s15+$0x0] =	vst.idx.msk $0xffff, v7  }
0x4c6: {  	p1 =	seq.s32 s24, $0x4F;
	v9 =	vmul.f32 v5, v9;
	v3 =	vadd.s32 $0x6B, v3;
	[tilespmem:v57+s15+$0x0] =	vst.idx.msk $0xffff, v6  }
.Ltmp6:
0x4c7: {  	v62 =	vmul.f32 v5, v10;
	[tilespmem:v58+s15+$0x0] =	vst.idx.msk $0xffff, v8;
	(pc) =	sbr.rel @p1 .LBB2_12-.Ltmp6, $4  }
0x4c8: {  	v63 =	vmul.f32 v5, v11;
	[tilespmem:v59+s15+$0x0] =	vst.idx.msk $0xffff, v9  }
0x4c9: {  	v5 =	vmul.f32 v5, v12;
	[tilespmem:v60+s15+$0x0] =	vst.idx.msk $0xffff, v62  }
0x4ca: {  	[tilespmem:v61+s15+$0x0] =	vst.idx.msk $0xffff, v63  }
0x4cb: {  	[tilespmem:v3+s15+$0x0] =	vst.idx.msk $0xffff, v5  }
0x4cc: {  	s17 =	sadd.s32 s25, s22  }
0x4cd: {  	s17 =	sshrl.u32 s17, $0x3  }
0x4ce: {  	s18 =	sadd.s32 s5, s17  }
0x4cf: {  	[tilespmem:s4], [sflag:$0x5] =	stream.linear.gather [hbm4b:s18+s4], $0x40, $0x38;
	[tilespmem:$0x1E680] =	vst v63  }
0x4d0: {  	_ =	swait.ge [sflag:s30], $0x40  }
0x4d1: {  	[sflag:s30] =	ssyncset.done $0x0  }
0x4d2: {  	s17 =	sadd.s32 s6, s17;
	[sflag:s30] =	ssyncadd.s32 $0xFFFFFFC0  }
0x4d3: {  	[tilespmem:s31], [sflag:$0x5] =	stream.linear.gather [hbm4b:s17+s4], $0x40, $0x38;
	[tilespmem:$0x1E680] =	vst v63  }
0x4d4: {  	_ =	swait.ge [sflag:s30], $0x40  }
0x4d5: {  	[sflag:s30] =	ssyncset.done $0x0  }
0x4d6: {  	[sflag:s30] =	ssyncadd.s32 $0xFFFFFFC0  }
0x4d7: {  	[tilespmem:s0], [sflag:$0x1] =	stream.indirect.gather [hbm4b:s2+s31], $0x10, s4, s31, $0xb8;
	[tilespmem:$0x1E680] =	vst v63  }
.Ltmp7:
0x4d8: {  	_ = 	snop;
	(pc) =	sbr.rel .LBB2_6-.Ltmp7, $4  }
0x4d9: {  	_ = 	snop  }
0x4da: {  	[tilespmem:s1], [sflag:$0x1] =	stream.indirect.gather [hbm4b:s2+s31], $0x10, s31, s31, $0xb8;
	[tilespmem:$0x1E680] =	vst v63  }
0x4db: {  	s24 =	sadd.s32 $0x1, s24  }
0x4dc: {  	[spmem:s3] =	stream.indirect.scatter.add.f32 [tilespmem:s15], [sflag:$0x4], $0x70, s16, s31, $0xb8;
	[tilespmem:$0x1E680] =	vst v63  }
.LBB2_13:
0x4dd: {  	_ =	sfence.sel $0x180000  }
0x4de: {  	[bflag:$0x0] =	sbarrier.arrive $0xFFFF  }
0x4df: {  	_ =	strace $0x90000047  }
0x4e0: {  	s0 =	stileid.u32;
	[bflag:$0x2] =	sbarrier.arrive $0xFFFF  }
0x4e1: {  	p0 =	sne.s32 s0, $0x0;
	s0 =	rddreg [dreg:$0x2]  }
0x4e2: {  	s0 =	sadd.s32 @!p0 $0x100000, s0  }
0x4e3: {  	[sflag:s0] =	ssyncadd.tile.s32 @!p0 $0x1;
	_ =	shalt  }
.Lfunc_end2:
_tile_overlayer_lowered:
.L_overlay_start_2:
0x4e4: {  	(tag) =	ssettag $0x2  }
0x4e5: {  	s0 =	rddreg [dreg:$0x0];
	s2 =	stileid.u32  }
0x4e6: {  	s1 =	rddreg [dreg:$0x1];
	p0 =	sne.s32 s2, $0x0  }
0x4e7: {  	s3 =	rddreg [dreg:$0x2];
	[bflag:$0x3] =	sbarrier.arrive $0xFFFF;
	s2 =	simm.s32 @!p0 $0x1C05  }
0x4e8: {  	[timem:s3], [sflag:s2] =	dma.local @!p0 [hbm:s0], s1  }
0x4e9: {  	s0 =	simm.s32 @!p0 $0x5  }
0x4ea: {  	_ =	swait.ge @!p0 [sflag:s0], s1  }
0x4eb: {  	s1 =	ssub.s32 @!p0 $0x0, s1;
	[sflag:s0] =	ssyncset.done @!p0 $0x0  }
0x4ec: {  	[sflag:s0] =	ssyncadd.s32 @!p0 s1  }
0x4ed: {  	[bflag:$0x3] =	sbarrier.arrive $0xFFFF  }
0x4ee: {  	_ =	shalt  }

</sc_bundles>
